<compile_context>
chip_gen: v7x
topology: tpu7x:2x2x1
jax: 0.10.2.dev20260603
libtpu: 0.0.44.dev20260713+nightly
codegen_flags: <defaults>
</compile_context>

<pallas_src>
import functools

import jax
import jax.numpy as jnp
from jax import lax
from jax.experimental import pallas as pl
from jax.experimental.pallas import tpu as pltpu
from jax.experimental.pallas import tpu_sc as plsc

_D = 1024
_NW = 32
_C = 16
_NB = 6


def _sc_gather(idx2d, wpe):
    b_sz, l_sz = idx2d.shape
    n = b_sz * l_sz
    per_w = n // _NW
    w_per_row = l_sz // per_w
    n_chunks = per_w // _C
    mesh = plsc.VectorSubcoreMesh(core_axis_name="c", subcore_axis_name="s")

    @functools.partial(
        pl.kernel,
        mesh=mesh,
        out_type=jax.ShapeDtypeStruct((n, _D), jnp.float32),
        scratch_types=(
            [pltpu.VMEM((per_w,), jnp.int32)]
            + [pltpu.VMEM((_C, _D), jnp.float32) for _ in range(_NB)]
            + [pltpu.SemaphoreType.DMA for _ in range(2 * _NB)]
        ),
    )
    def k(table_hbm, idx_hbm, out_hbm, idx_v, *scr):
        rows = scr[:_NB]
        gsem = scr[_NB:2 * _NB]
        osem = scr[2 * _NB:]
        wid = lax.axis_index("s") * 2 + lax.axis_index("c")
        base = wid * per_w

        pltpu.sync_copy(
            idx_hbm.at[wid // w_per_row,
                       pl.ds((wid % w_per_row) * per_w, per_w)],
            idx_v)

        gathers = {}
        outs = {}
        for step in range(n_chunks + 1):
            if step < n_chunks:
                b = step % _NB
                if step >= _NB:
                    outs[step - _NB].wait()
                gathers[step] = pltpu.async_copy(
                    table_hbm.at[idx_v.at[pl.ds(step * _C, _C)]],
                    rows[b], gsem[b])
            w = step - 1
            if w >= 0:
                gathers[w].wait()
                outs[w] = pltpu.async_copy(
                    rows[w % _NB],
                    out_hbm.at[pl.ds(base + w * _C, _C)],
                    osem[w % _NB])
        for w in range(max(0, n_chunks - _NB), n_chunks):
            outs[w].wait()

    return k(wpe, idx2d)


def kernel(token_positions, wpe):
    out = _sc_gather(token_positions.astype(jnp.int32), wpe)
    return out.reshape(token_positions.shape + (wpe.shape[-1],))

# --- scband reference (transcript-rebuilt; emitter-appended) ---
"""Pipeline reference for scband-learned-absolute-position-encoding-84928683311795 (READ-ONLY COPY).

The authoritative reference and input builder live on the scoring server;
editing this copy changes nothing except your own understanding.
"""

import jax, jax.numpy as jnp
import numpy as np

MAX_SEQ_LEN = 8192
D_MODEL = 1024
B, L = 4, 8192

def setup_inputs(seed: int = 0) -> dict:
    key = jax.random.key(seed)
    k1, k2 = jax.random.split(key)
    token_positions = jax.random.randint(k1, (B, L), 0, MAX_SEQ_LEN, dtype=jnp.int64 if jax.config.jax_enable_x64 else jnp.int32)
    wpe = jax.random.normal(k2, (MAX_SEQ_LEN, D_MODEL), dtype=jnp.float32)
    return {"token_positions": token_positions, "wpe": wpe}

def reference(token_positions, wpe):
    # Embedding lookup: pos_emb[b, l, :] = wpe[token_positions[b, l], :]
    return jnp.take(wpe, token_positions, axis=0)

if __name__ == "__main__":
    import jax
    _d = setup_inputs()
    print(jax.jit(kernel)(*tuple(_d.values())))

</pallas_src>

<mosaic_0001>
#map = affine_map<(d0, d1) -> (0, 0)>
module attributes {stable_mosaic.version = 14 : i64} {
  func.func @k(%arg0: i32, %arg1: i32, %arg2: memref<8192x1024xf32, #tpu.memory_space<hbm>>, %arg3: memref<4x8192xi32, #tpu.memory_space<hbm>>, %arg4: memref<32768x1024xf32, #tpu.memory_space<hbm>>, %arg5: memref<1024xi32, #tpu.memory_space<vmem>>, %arg6: memref<16x1024xf32, #tpu.memory_space<vmem>>, %arg7: memref<16x1024xf32, #tpu.memory_space<vmem>>, %arg8: memref<16x1024xf32, #tpu.memory_space<vmem>>, %arg9: memref<16x1024xf32, #tpu.memory_space<vmem>>, %arg10: memref<16x1024xf32, #tpu.memory_space<vmem>>, %arg11: memref<16x1024xf32, #tpu.memory_space<vmem>>, %arg12: memref<!tpu.dma_semaphore, #tpu.memory_space<semaphore_mem>>, %arg13: memref<!tpu.dma_semaphore, #tpu.memory_space<semaphore_mem>>, %arg14: memref<!tpu.dma_semaphore, #tpu.memory_space<semaphore_mem>>, %arg15: memref<!tpu.dma_semaphore, #tpu.memory_space<semaphore_mem>>, %arg16: memref<!tpu.dma_semaphore, #tpu.memory_space<semaphore_mem>>, %arg17: memref<!tpu.dma_semaphore, #tpu.memory_space<semaphore_mem>>, %arg18: memref<!tpu.dma_semaphore, #tpu.memory_space<semaphore_mem>>, %arg19: memref<!tpu.dma_semaphore, #tpu.memory_space<semaphore_mem>>, %arg20: memref<!tpu.dma_semaphore, #tpu.memory_space<semaphore_mem>>, %arg21: memref<!tpu.dma_semaphore, #tpu.memory_space<semaphore_mem>>, %arg22: memref<!tpu.dma_semaphore, #tpu.memory_space<semaphore_mem>>, %arg23: memref<!tpu.dma_semaphore, #tpu.memory_space<semaphore_mem>>) attributes {dimension_semantics = [#tpu.dimension_semantics<core_parallel>, #tpu.dimension_semantics<subcore_parallel>], iteration_bounds = array<i64: 2, 16>, scalar_prefetch = 0 : i64, scratch_operands = 19 : i64, tpu.core_type = #tpu.core_type<sc_vector_subcore>, window_params = [{transform_indices = #map}, {transform_indices = #map}, {transform_indices = #map}]} {
    %mul3A = arith.constant 2 : i32
    %mul3A_0 = arith.muli %arg1, %mul3A : i32
    %add3A = arith.addi %mul3A_0, %arg0 : i32
    %mul3A_1 = arith.constant 1024 : i32
    %mul3A_2 = arith.muli %add3A, %mul3A_1 : i32
    %jit3A = arith.constant 8 : i32
    %div3A = arith.divsi %add3A, %jit3A : i32
    %sign3A = arith.constant 0 : i32
    %sign3A_3 = arith.cmpi sgt, %add3A, %sign3A : i32
    %sign3A_4 = arith.extui %sign3A_3 : i1 to i32
    %sign3A_5 = arith.constant 0 : i32
    %sign3A_6 = arith.cmpi slt, %add3A, %sign3A_5 : i32
    %sign3A_7 = arith.extui %sign3A_6 : i1 to i32
    %sign3A_8 = arith.subi %sign3A_4, %sign3A_7 : i32
    %sign3A_9 = arith.constant 0 : i32
    %sign3A_10 = arith.cmpi sgt, %jit3A, %sign3A_9 : i32
    %sign3A_11 = arith.extui %sign3A_10 : i1 to i32
    %sign3A_12 = arith.constant 0 : i32
    %sign3A_13 = arith.cmpi slt, %jit3A, %sign3A_12 : i32
    %sign3A_14 = arith.extui %sign3A_13 : i1 to i32
    %sign3A_15 = arith.subi %sign3A_11, %sign3A_14 : i32
    %ne3A = arith.cmpi ne, %sign3A_8, %sign3A_15 : i32
    %rem3A = arith.remsi %add3A, %jit3A : i32
    %ne3A_16 = arith.constant 0 : i32
    %ne3A_17 = arith.cmpi ne, %rem3A, %ne3A_16 : i32
    %and3A = arith.andi %ne3A, %ne3A_17 : i1
    %sub3A = arith.constant 1 : i32
    %sub3A_18 = arith.subi %div3A, %sub3A : i32
    %select_n3A = arith.select %and3A, %sub3A_18, %div3A : i32
    %jit3A_19 = arith.constant 8 : i32
    %eq3A = arith.constant 0 : i32
    %eq3A_20 = arith.cmpi eq, %jit3A_19, %eq3A : i32
    %jit3A_21 = arith.constant 1 : i32
    %select_n3A_22 = arith.select %eq3A_20, %jit3A_21, %jit3A_19 : i32
    %rem3A_23 = arith.remsi %add3A, %select_n3A_22 : i32
    %ne3A_24 = arith.constant 0 : i32
    %ne3A_25 = arith.cmpi ne, %rem3A_23, %ne3A_24 : i32
    %lt3A = arith.constant 0 : i32
    %lt3A_26 = arith.cmpi slt, %rem3A_23, %lt3A : i32
    %lt3A_27 = arith.constant 0 : i32
    %lt3A_28 = arith.cmpi slt, %select_n3A_22, %lt3A_27 : i32
    %ne3A_29 = arith.xori %lt3A_26, %lt3A_28 : i1
    %and3A_30 = arith.andi %ne3A_29, %ne3A_25 : i1
    %add3A_31 = arith.addi %rem3A_23, %select_n3A_22 : i32
    %select_n3A_32 = arith.select %and3A_30, %add3A_31, %rem3A_23 : i32
    %mul3A_33 = arith.constant 1024 : i32
    %mul3A_34 = arith.muli %select_n3A_32, %mul3A_33 : i32
    "tpu.region"() ({
      %run_scoped3A = tpu.sem_alloc : memref<!tpu.dma_semaphore, #tpu.memory_space<semaphore_mem>>
      %dma_start3A_1313 = tpu.memref_slice %arg3[%select_n3A, %mul3A_34] : memref<4x8192xi32, #tpu.memory_space<hbm>> -> memref<1x1024xi32, #tpu.memory_space<hbm>>
      %dma_start3A_1314 = tpu.memref_squeeze %dma_start3A_1313 : memref<1x1024xi32, #tpu.memory_space<hbm>> -> memref<1024xi32, #tpu.memory_space<hbm>>
      %dma_start3A_1315 = tpu.memref_slice %arg3[%select_n3A, %mul3A_34] : memref<4x8192xi32, #tpu.memory_space<hbm>> -> memref<1x1024xi32, #tpu.memory_space<hbm>>
      %dma_start3A_1316 = tpu.memref_squeeze %dma_start3A_1315 : memref<1x1024xi32, #tpu.memory_space<hbm>> -> memref<1024xi32, #tpu.memory_space<hbm>>
      tpu.enqueue_dma source(%dma_start3A_1316 : memref<1024xi32, #tpu.memory_space<hbm>>) target(%arg5 : memref<1024xi32, #tpu.memory_space<vmem>>) target_semaphore(%run_scoped3A : memref<!tpu.dma_semaphore, #tpu.memory_space<semaphore_mem>>)
      %dma_wait3A_1317 = tpu.memref_slice %arg3[%select_n3A, %mul3A_34] : memref<4x8192xi32, #tpu.memory_space<hbm>> -> memref<1x1024xi32, #tpu.memory_space<hbm>>
      %dma_wait3A_1318 = tpu.memref_squeeze %dma_wait3A_1317 : memref<1x1024xi32, #tpu.memory_space<hbm>> -> memref<1024xi32, #tpu.memory_space<hbm>>
      %dma_wait3A_1319 = tpu.memref_slice %arg3[%select_n3A, %mul3A_34] : memref<4x8192xi32, #tpu.memory_space<hbm>> -> memref<1x1024xi32, #tpu.memory_space<hbm>>
      %dma_wait3A_1320 = tpu.memref_squeeze %dma_wait3A_1319 : memref<1x1024xi32, #tpu.memory_space<hbm>> -> memref<1024xi32, #tpu.memory_space<hbm>>
      tpu.wait_dma2 semaphore(%run_scoped3A : memref<!tpu.dma_semaphore, #tpu.memory_space<semaphore_mem>>) src(%dma_wait3A_1320 : memref<1024xi32, #tpu.memory_space<hbm>>) dst(%arg5 : memref<1024xi32, #tpu.memory_space<vmem>>)
      tpu.yield
    }) : () -> ()
    %dma_start3A = arith.constant 0 : i32
    %dma_start3A_35 = tpu.memref_slice %arg5[%dma_start3A] : memref<1024xi32, #tpu.memory_space<vmem>> -> memref<16xi32, #tpu.memory_space<vmem>>
    %dma_start3A_36 = arith.constant 0 : i32
    %dma_start3A_37 = arith.constant 0 : i32
    %dma_start3A_38 = tpu.memref_slice %arg2[%dma_start3A_36, %dma_start3A_37] : memref<8192x1024xf32, #tpu.memory_space<hbm>> -> memref<8192x1024xf32, #tpu.memory_space<hbm>>
    tpu.enqueue_indirect_dma source(%dma_start3A_38 : memref<8192x1024xf32, #tpu.memory_space<hbm>>) target(%arg6 : memref<16x1024xf32, #tpu.memory_space<vmem>>) offsets(%dma_start3A_35 : memref<16xi32, #tpu.memory_space<vmem>>) semaphore(%arg12 : memref<!tpu.dma_semaphore, #tpu.memory_space<semaphore_mem>>)
    %dma_start3A_39 = arith.constant 16 : i32
    %dma_start3A_40 = tpu.memref_slice %arg5[%dma_start3A_39] : memref<1024xi32, #tpu.memory_space<vmem>> -> memref<16xi32, #tpu.memory_space<vmem>>
    %dma_start3A_41 = arith.constant 0 : i32
    %dma_start3A_42 = arith.constant 0 : i32
    %dma_start3A_43 = tpu.memref_slice %arg2[%dma_start3A_41, %dma_start3A_42] : memref<8192x1024xf32, #tpu.memory_space<hbm>> -> memref<8192x1024xf32, #tpu.memory_space<hbm>>
    tpu.enqueue_indirect_dma source(%dma_start3A_43 : memref<8192x1024xf32, #tpu.memory_space<hbm>>) target(%arg7 : memref<16x1024xf32, #tpu.memory_space<vmem>>) offsets(%dma_start3A_40 : memref<16xi32, #tpu.memory_space<vmem>>) semaphore(%arg13 : memref<!tpu.dma_semaphore, #tpu.memory_space<semaphore_mem>>)
    %dma_wait3A = arith.constant 0 : i32
    %dma_wait3A_44 = tpu.memref_slice %arg5[%dma_wait3A] : memref<1024xi32, #tpu.memory_space<vmem>> -> memref<16xi32, #tpu.memory_space<vmem>>
    %dma_wait3A_45 = arith.constant 0 : i32
    %dma_wait3A_46 = arith.constant 0 : i32
    %dma_wait3A_47 = tpu.memref_slice %arg2[%dma_wait3A_45, %dma_wait3A_46] : memref<8192x1024xf32, #tpu.memory_space<hbm>> -> memref<8192x1024xf32, #tpu.memory_space<hbm>>
    tpu.wait_indirect_dma semaphore(%arg12 : memref<!tpu.dma_semaphore, #tpu.memory_space<semaphore_mem>>) src(%dma_wait3A_47 : memref<8192x1024xf32, #tpu.memory_space<hbm>>) dst(%arg6 : memref<16x1024xf32, #tpu.memory_space<vmem>>)
    %add3A_48 = arith.constant 0 : i32
    %add3A_49 = arith.addi %mul3A_2, %add3A_48 : i32
    %dma_start3A_50 = arith.constant 0 : i32
    %dma_start3A_51 = tpu.memref_slice %arg4[%add3A_49, %dma_start3A_50] : memref<32768x1024xf32, #tpu.memory_space<hbm>> -> memref<16x1024xf32, #tpu.memory_space<hbm>>
    %dma_start3A_52 = arith.constant 0 : i32
    %dma_start3A_53 = tpu.memref_slice %arg4[%add3A_49, %dma_start3A_52] : memref<32768x1024xf32, #tpu.memory_space<hbm>> -> memref<16x1024xf32, #tpu.memory_space<hbm>>
    tpu.enqueue_dma source(%arg6 : memref<16x1024xf32, #tpu.memory_space<vmem>>) target(%dma_start3A_53 : memref<16x1024xf32, #tpu.memory_space<hbm>>) target_semaphore(%arg18 : memref<!tpu.dma_semaphore, #tpu.memory_space<semaphore_mem>>)
    %dma_start3A_54 = arith.constant 32 : i32
    %dma_start3A_55 = tpu.memref_slice %arg5[%dma_start3A_54] : memref<1024xi32, #tpu.memory_space<vmem>> -> memref<16xi32, #tpu.memory_space<vmem>>
    %dma_start3A_56 = arith.constant 0 : i32
    %dma_start3A_57 = arith.constant 0 : i32
    %dma_start3A_58 = tpu.memref_slice %arg2[%dma_start3A_56, %dma_start3A_57] : memref<8192x1024xf32, #tpu.memory_space<hbm>> -> memref<8192x1024xf32, #tpu.memory_space<hbm>>
    tpu.enqueue_indirect_dma source(%dma_start3A_58 : memref<8192x1024xf32, #tpu.memory_space<hbm>>) target(%arg8 : memref<16x1024xf32, #tpu.memory_space<vmem>>) offsets(%dma_start3A_55 : memref<16xi32, #tpu.memory_space<vmem>>) semaphore(%arg14 : memref<!tpu.dma_semaphore, #tpu.memory_space<semaphore_mem>>)
    %dma_wait3A_59 = arith.constant 16 : i32
    %dma_wait3A_60 = tpu.memref_slice %arg5[%dma_wait3A_59] : memref<1024xi32, #tpu.memory_space<vmem>> -> memref<16xi32, #tpu.memory_space<vmem>>
    %dma_wait3A_61 = arith.constant 0 : i32
    %dma_wait3A_62 = arith.constant 0 : i32
    %dma_wait3A_63 = tpu.memref_slice %arg2[%dma_wait3A_61, %dma_wait3A_62] : memref<8192x1024xf32, #tpu.memory_space<hbm>> -> memref<8192x1024xf32, #tpu.memory_space<hbm>>
    tpu.wait_indirect_dma semaphore(%arg13 : memref<!tpu.dma_semaphore, #tpu.memory_space<semaphore_mem>>) src(%dma_wait3A_63 : memref<8192x1024xf32, #tpu.memory_space<hbm>>) dst(%arg7 : memref<16x1024xf32, #tpu.memory_space<vmem>>)
    %add3A_64 = arith.constant 16 : i32
    %add3A_65 = arith.addi %mul3A_2, %add3A_64 : i32
    %dma_start3A_66 = arith.constant 0 : i32
    %dma_start3A_67 = tpu.memref_slice %arg4[%add3A_65, %dma_start3A_66] : memref<32768x1024xf32, #tpu.memory_space<hbm>> -> memref<16x1024xf32, #tpu.memory_space<hbm>>
    %dma_start3A_68 = arith.constant 0 : i32
    %dma_start3A_69 = tpu.memref_slice %arg4[%add3A_65, %dma_start3A_68] : memref<32768x1024xf32, #tpu.memory_space<hbm>> -> memref<16x1024xf32, #tpu.memory_space<hbm>>
    tpu.enqueue_dma source(%arg7 : memref<16x1024xf32, #tpu.memory_space<vmem>>) target(%dma_start3A_69 : memref<16x1024xf32, #tpu.memory_space<hbm>>) target_semaphore(%arg19 : memref<!tpu.dma_semaphore, #tpu.memory_space<semaphore_mem>>)
    %dma_start3A_70 = arith.constant 48 : i32
    %dma_start3A_71 = tpu.memref_slice %arg5[%dma_start3A_70] : memref<1024xi32, #tpu.memory_space<vmem>> -> memref<16xi32, #tpu.memory_space<vmem>>
    %dma_start3A_72 = arith.constant 0 : i32
    %dma_start3A_73 = arith.constant 0 : i32
    %dma_start3A_74 = tpu.memref_slice %arg2[%dma_start3A_72, %dma_start3A_73] : memref<8192x1024xf32, #tpu.memory_space<hbm>> -> memref<8192x1024xf32, #tpu.memory_space<hbm>>
    tpu.enqueue_indirect_dma source(%dma_start3A_74 : memref<8192x1024xf32, #tpu.memory_space<hbm>>) target(%arg9 : memref<16x1024xf32, #tpu.memory_space<vmem>>) offsets(%dma_start3A_71 : memref<16xi32, #tpu.memory_space<vmem>>) semaphore(%arg15 : memref<!tpu.dma_semaphore, #tpu.memory_space<semaphore_mem>>)
    %dma_wait3A_75 = arith.constant 32 : i32
    %dma_wait3A_76 = tpu.memref_slice %arg5[%dma_wait3A_75] : memref<1024xi32, #tpu.memory_space<vmem>> -> memref<16xi32, #tpu.memory_space<vmem>>
    %dma_wait3A_77 = arith.constant 0 : i32
    %dma_wait3A_78 = arith.constant 0 : i32
    %dma_wait3A_79 = tpu.memref_slice %arg2[%dma_wait3A_77, %dma_wait3A_78] : memref<8192x1024xf32, #tpu.memory_space<hbm>> -> memref<8192x1024xf32, #tpu.memory_space<hbm>>
    tpu.wait_indirect_dma semaphore(%arg14 : memref<!tpu.dma_semaphore, #tpu.memory_space<semaphore_mem>>) src(%dma_wait3A_79 : memref<8192x1024xf32, #tpu.memory_space<hbm>>) dst(%arg8 : memref<16x1024xf32, #tpu.memory_space<vmem>>)
    %add3A_80 = arith.constant 32 : i32
    %add3A_81 = arith.addi %mul3A_2, %add3A_80 : i32
    %dma_start3A_82 = arith.constant 0 : i32
    %dma_start3A_83 = tpu.memref_slice %arg4[%add3A_81, %dma_start3A_82] : memref<32768x1024xf32, #tpu.memory_space<hbm>> -> memref<16x1024xf32, #tpu.memory_space<hbm>>
    %dma_start3A_84 = arith.constant 0 : i32
    %dma_start3A_85 = tpu.memref_slice %arg4[%add3A_81, %dma_start3A_84] : memref<32768x1024xf32, #tpu.memory_space<hbm>> -> memref<16x1024xf32, #tpu.memory_space<hbm>>
    tpu.enqueue_dma source(%arg8 : memref<16x1024xf32, #tpu.memory_space<vmem>>) target(%dma_start3A_85 : memref<16x1024xf32, #tpu.memory_space<hbm>>) target_semaphore(%arg20 : memref<!tpu.dma_semaphore, #tpu.memory_space<semaphore_mem>>)
    %dma_start3A_86 = arith.constant 64 : i32
    %dma_start3A_87 = tpu.memref_slice %arg5[%dma_start3A_86] : memref<1024xi32, #tpu.memory_space<vmem>> -> memref<16xi32, #tpu.memory_space<vmem>>
    %dma_start3A_88 = arith.constant 0 : i32
    %dma_start3A_89 = arith.constant 0 : i32
    %dma_start3A_90 = tpu.memref_slice %arg2[%dma_start3A_88, %dma_start3A_89] : memref<8192x1024xf32, #tpu.memory_space<hbm>> -> memref<8192x1024xf32, #tpu.memory_space<hbm>>
    tpu.enqueue_indirect_dma source(%dma_start3A_90 : memref<8192x1024xf32, #tpu.memory_space<hbm>>) target(%arg10 : memref<16x1024xf32, #tpu.memory_space<vmem>>) offsets(%dma_start3A_87 : memref<16xi32, #tpu.memory_space<vmem>>) semaphore(%arg16 : memref<!tpu.dma_semaphore, #tpu.memory_space<semaphore_mem>>)
    %dma_wait3A_91 = arith.constant 48 : i32
    %dma_wait3A_92 = tpu.memref_slice %arg5[%dma_wait3A_91] : memref<1024xi32, #tpu.memory_space<vmem>> -> memref<16xi32, #tpu.memory_space<vmem>>
    %dma_wait3A_93 = arith.constant 0 : i32
    %dma_wait3A_94 = arith.constant 0 : i32
    %dma_wait3A_95 = tpu.memref_slice %arg2[%dma_wait3A_93, %dma_wait3A_94] : memref<8192x1024xf32, #tpu.memory_space<hbm>> -> memref<8192x1024xf32, #tpu.memory_space<hbm>>
    tpu.wait_indirect_dma semaphore(%arg15 : memref<!tpu.dma_semaphore, #tpu.memory_space<semaphore_mem>>) src(%dma_wait3A_95 : memref<8192x1024xf32, #tpu.memory_space<hbm>>) dst(%arg9 : memref<16x1024xf32, #tpu.memory_space<vmem>>)
    %add3A_96 = arith.constant 48 : i32
    %add3A_97 = arith.addi %mul3A_2, %add3A_96 : i32
    %dma_start3A_98 = arith.constant 0 : i32
    %dma_start3A_99 = tpu.memref_slice %arg4[%add3A_97, %dma_start3A_98] : memref<32768x1024xf32, #tpu.memory_space<hbm>> -> memref<16x1024xf32, #tpu.memory_space<hbm>>
    %dma_start3A_100 = arith.constant 0 : i32
    %dma_start3A_101 = tpu.memref_slice %arg4[%add3A_97, %dma_start3A_100] : memref<32768x1024xf32, #tpu.memory_space<hbm>> -> memref<16x1024xf32, #tpu.memory_space<hbm>>
    tpu.enqueue_dma source(%arg9 : memref<16x1024xf32, #tpu.memory_space<vmem>>) target(%dma_start3A_101 : memref<16x1024xf32, #tpu.memory_space<hbm>>) target_semaphore(%arg21 : memref<!tpu.dma_semaphore, #tpu.memory_space<semaphore_mem>>)
    %dma_start3A_102 = arith.constant 80 : i32
    %dma_start3A_103 = tpu.memref_slice %arg5[%dma_start3A_102] : memref<1024xi32, #tpu.memory_space<vmem>> -> memref<16xi32, #tpu.memory_space<vmem>>
    %dma_start3A_104 = arith.constant 0 : i32
    %dma_start3A_105 = arith.constant 0 : i32
    %dma_start3A_106 = tpu.memref_slice %arg2[%dma_start3A_104, %dma_start3A_105] : memref<8192x1024xf32, #tpu.memory_space<hbm>> -> memref<8192x1024xf32, #tpu.memory_space<hbm>>
    tpu.enqueue_indirect_dma source(%dma_start3A_106 : memref<8192x1024xf32, #tpu.memory_space<hbm>>) target(%arg11 : memref<16x1024xf32, #tpu.memory_space<vmem>>) offsets(%dma_start3A_103 : memref<16xi32, #tpu.memory_space<vmem>>) semaphore(%arg17 : memref<!tpu.dma_semaphore, #tpu.memory_space<semaphore_mem>>)
    %dma_wait3A_107 = arith.constant 64 : i32
    %dma_wait3A_108 = tpu.memref_slice %arg5[%dma_wait3A_107] : memref<1024xi32, #tpu.memory_space<vmem>> -> memref<16xi32, #tpu.memory_space<vmem>>
    %dma_wait3A_109 = arith.constant 0 : i32
    %dma_wait3A_110 = arith.constant 0 : i32
    %dma_wait3A_111 = tpu.memref_slice %arg2[%dma_wait3A_109, %dma_wait3A_110] : memref<8192x1024xf32, #tpu.memory_space<hbm>> -> memref<8192x1024xf32, #tpu.memory_space<hbm>>
    tpu.wait_indirect_dma semaphore(%arg16 : memref<!tpu.dma_semaphore, #tpu.memory_space<semaphore_mem>>) src(%dma_wait3A_111 : memref<8192x1024xf32, #tpu.memory_space<hbm>>) dst(%arg10 : memref<16x1024xf32, #tpu.memory_space<vmem>>)
    %add3A_112 = arith.constant 64 : i32
    %add3A_113 = arith.addi %mul3A_2, %add3A_112 : i32
    %dma_start3A_114 = arith.constant 0 : i32
    %dma_start3A_115 = tpu.memref_slice %arg4[%add3A_113, %dma_start3A_114] : memref<32768x1024xf32, #tpu.memory_space<hbm>> -> memref<16x1024xf32, #tpu.memory_space<hbm>>
    %dma_start3A_116 = arith.constant 0 : i32
    %dma_start3A_117 = tpu.memref_slice %arg4[%add3A_113, %dma_start3A_116] : memref<32768x1024xf32, #tpu.memory_space<hbm>> -> memref<16x1024xf32, #tpu.memory_space<hbm>>
    tpu.enqueue_dma source(%arg10 : memref<16x1024xf32, #tpu.memory_space<vmem>>) target(%dma_start3A_117 : memref<16x1024xf32, #tpu.memory_space<hbm>>) target_semaphore(%arg22 : memref<!tpu.dma_semaphore, #tpu.memory_space<semaphore_mem>>)
    %dma_wait3A_118 = arith.constant 0 : i32
    %dma_wait3A_119 = tpu.memref_slice %arg4[%add3A_49, %dma_wait3A_118] : memref<32768x1024xf32, #tpu.memory_space<hbm>> -> memref<16x1024xf32, #tpu.memory_space<hbm>>
    %dma_wait3A_120 = arith.constant 0 : i32
    %dma_wait3A_121 = tpu.memref_slice %arg4[%add3A_49, %dma_wait3A_120] : memref<32768x1024xf32, #tpu.memory_space<hbm>> -> memref<16x1024xf32, #tpu.memory_space<hbm>>
    tpu.wait_dma2 semaphore(%arg18 : memref<!tpu.dma_semaphore, #tpu.memory_space<semaphore_mem>>) src(%arg6 : memref<16x1024xf32, #tpu.memory_space<vmem>>) dst(%dma_wait3A_121 : memref<16x1024xf32, #tpu.memory_space<hbm>>)
    %dma_start3A_122 = arith.constant 96 : i32
    %dma_start3A_123 = tpu.memref_slice %arg5[%dma_start3A_122] : memref<1024xi32, #tpu.memory_space<vmem>> -> memref<16xi32, #tpu.memory_space<vmem>>
    %dma_start3A_124 = arith.constant 0 : i32
    %dma_start3A_125 = arith.constant 0 : i32
    %dma_start3A_126 = tpu.memref_slice %arg2[%dma_start3A_124, %dma_start3A_125] : memref<8192x1024xf32, #tpu.memory_space<hbm>> -> memref<8192x1024xf32, #tpu.memory_space<hbm>>
    tpu.enqueue_indirect_dma source(%dma_start3A_126 : memref<8192x1024xf32, #tpu.memory_space<hbm>>) target(%arg6 : memref<16x1024xf32, #tpu.memory_space<vmem>>) offsets(%dma_start3A_123 : memref<16xi32, #tpu.memory_space<vmem>>) semaphore(%arg12 : memref<!tpu.dma_semaphore, #tpu.memory_space<semaphore_mem>>)
    %dma_wait3A_127 = arith.constant 80 : i32
    %dma_wait3A_128 = tpu.memref_slice %arg5[%dma_wait3A_127] : memref<1024xi32, #tpu.memory_space<vmem>> -> memref<16xi32, #tpu.memory_space<vmem>>
    %dma_wait3A_129 = arith.constant 0 : i32
    %dma_wait3A_130 = arith.constant 0 : i32
    %dma_wait3A_131 = tpu.memref_slice %arg2[%dma_wait3A_129, %dma_wait3A_130] : memref<8192x1024xf32, #tpu.memory_space<hbm>> -> memref<8192x1024xf32, #tpu.memory_space<hbm>>
    tpu.wait_indirect_dma semaphore(%arg17 : memref<!tpu.dma_semaphore, #tpu.memory_space<semaphore_mem>>) src(%dma_wait3A_131 : memref<8192x1024xf32, #tpu.memory_space<hbm>>) dst(%arg11 : memref<16x1024xf32, #tpu.memory_space<vmem>>)
    %add3A_132 = arith.constant 80 : i32
    %add3A_133 = arith.addi %mul3A_2, %add3A_132 : i32
    %dma_start3A_134 = arith.constant 0 : i32
    %dma_start3A_135 = tpu.memref_slice %arg4[%add3A_133, %dma_start3A_134] : memref<32768x1024xf32, #tpu.memory_space<hbm>> -> memref<16x1024xf32, #tpu.memory_space<hbm>>
    %dma_start3A_136 = arith.constant 0 : i32
    %dma_start3A_137 = tpu.memref_slice %arg4[%add3A_133, %dma_start3A_136] : memref<32768x1024xf32, #tpu.memory_space<hbm>> -> memref<16x1024xf32, #tpu.memory_space<hbm>>
    tpu.enqueue_dma source(%arg11 : memref<16x1024xf32, #tpu.memory_space<vmem>>) target(%dma_start3A_137 : memref<16x1024xf32, #tpu.memory_space<hbm>>) target_semaphore(%arg23 : memref<!tpu.dma_semaphore, #tpu.memory_space<semaphore_mem>>)
    %dma_wait3A_138 = arith.constant 0 : i32
    %dma_wait3A_139 = tpu.memref_slice %arg4[%add3A_65, %dma_wait3A_138] : memref<32768x1024xf32, #tpu.memory_space<hbm>> -> memref<16x1024xf32, #tpu.memory_space<hbm>>
    %dma_wait3A_140 = arith.constant 0 : i32
    %dma_wait3A_141 = tpu.memref_slice %arg4[%add3A_65, %dma_wait3A_140] : memref<32768x1024xf32, #tpu.memory_space<hbm>> -> memref<16x1024xf32, #tpu.memory_space<hbm>>
    tpu.wait_dma2 semaphore(%arg19 : memref<!tpu.dma_semaphore, #tpu.memory_space<semaphore_mem>>) src(%arg7 : memref<16x1024xf32, #tpu.memory_space<vmem>>) dst(%dma_wait3A_141 : memref<16x1024xf32, #tpu.memory_space<hbm>>)
    %dma_start3A_142 = arith.constant 112 : i32
    %dma_start3A_143 = tpu.memref_slice %arg5[%dma_start3A_142] : memref<1024xi32, #tpu.memory_space<vmem>> -> memref<16xi32, #tpu.memory_space<vmem>>
    %dma_start3A_144 = arith.constant 0 : i32
    %dma_start3A_145 = arith.constant 0 : i32
    %dma_start3A_146 = tpu.memref_slice %arg2[%dma_start3A_144, %dma_start3A_145] : memref<8192x1024xf32, #tpu.memory_space<hbm>> -> memref<8192x1024xf32, #tpu.memory_space<hbm>>
    tpu.enqueue_indirect_dma source(%dma_start3A_146 : memref<8192x1024xf32, #tpu.memory_space<hbm>>) target(%arg7 : memref<16x1024xf32, #tpu.memory_space<vmem>>) offsets(%dma_start3A_143 : memref<16xi32, #tpu.memory_space<vmem>>) semaphore(%arg13 : memref<!tpu.dma_semaphore, #tpu.memory_space<semaphore_mem>>)
    %dma_wait3A_147 = arith.constant 96 : i32
    %dma_wait3A_148 = tpu.memref_slice %arg5[%dma_wait3A_147] : memref<1024xi32, #tpu.memory_space<vmem>> -> memref<16xi32, #tpu.memory_space<vmem>>
    %dma_wait3A_149 = arith.constant 0 : i32
    %dma_wait3A_150 = arith.constant 0 : i32
    %dma_wait3A_151 = tpu.memref_slice %arg2[%dma_wait3A_149, %dma_wait3A_150] : memref<8192x1024xf32, #tpu.memory_space<hbm>> -> memref<8192x1024xf32, #tpu.memory_space<hbm>>
    tpu.wait_indirect_dma semaphore(%arg12 : memref<!tpu.dma_semaphore, #tpu.memory_space<semaphore_mem>>) src(%dma_wait3A_151 : memref<8192x1024xf32, #tpu.memory_space<hbm>>) dst(%arg6 : memref<16x1024xf32, #tpu.memory_space<vmem>>)
    %add3A_152 = arith.constant 96 : i32
    %add3A_153 = arith.addi %mul3A_2, %add3A_152 : i32
    %dma_start3A_154 = arith.constant 0 : i32
    %dma_start3A_155 = tpu.memref_slice %arg4[%add3A_153, %dma_start3A_154] : memref<32768x1024xf32, #tpu.memory_space<hbm>> -> memref<16x1024xf32, #tpu.memory_space<hbm>>
    %dma_start3A_156 = arith.constant 0 : i32
    %dma_start3A_157 = tpu.memref_slice %arg4[%add3A_153, %dma_start3A_156] : memref<32768x1024xf32, #tpu.memory_space<hbm>> -> memref<16x1024xf32, #tpu.memory_space<hbm>>
    tpu.enqueue_dma source(%arg6 : memref<16x1024xf32, #tpu.memory_space<vmem>>) target(%dma_start3A_157 : memref<16x1024xf32, #tpu.memory_space<hbm>>) target_semaphore(%arg18 : memref<!tpu.dma_semaphore, #tpu.memory_space<semaphore_mem>>)
    %dma_wait3A_158 = arith.constant 0 : i32
    %dma_wait3A_159 = tpu.memref_slice %arg4[%add3A_81, %dma_wait3A_158] : memref<32768x1024xf32, #tpu.memory_space<hbm>> -> memref<16x1024xf32, #tpu.memory_space<hbm>>
    %dma_wait3A_160 = arith.constant 0 : i32
    %dma_wait3A_161 = tpu.memref_slice %arg4[%add3A_81, %dma_wait3A_160] : memref<32768x1024xf32, #tpu.memory_space<hbm>> -> memref<16x1024xf32, #tpu.memory_space<hbm>>
    tpu.wait_dma2 semaphore(%arg20 : memref<!tpu.dma_semaphore, #tpu.memory_space<semaphore_mem>>) src(%arg8 : memref<16x1024xf32, #tpu.memory_space<vmem>>) dst(%dma_wait3A_161 : memref<16x1024xf32, #tpu.memory_space<hbm>>)
    %dma_start3A_162 = arith.constant 128 : i32
    %dma_start3A_163 = tpu.memref_slice %arg5[%dma_start3A_162] : memref<1024xi32, #tpu.memory_space<vmem>> -> memref<16xi32, #tpu.memory_space<vmem>>
    %dma_start3A_164 = arith.constant 0 : i32
    %dma_start3A_165 = arith.constant 0 : i32
    %dma_start3A_166 = tpu.memref_slice %arg2[%dma_start3A_164, %dma_start3A_165] : memref<8192x1024xf32, #tpu.memory_space<hbm>> -> memref<8192x1024xf32, #tpu.memory_space<hbm>>
    tpu.enqueue_indirect_dma source(%dma_start3A_166 : memref<8192x1024xf32, #tpu.memory_space<hbm>>) target(%arg8 : memref<16x1024xf32, #tpu.memory_space<vmem>>) offsets(%dma_start3A_163 : memref<16xi32, #tpu.memory_space<vmem>>) semaphore(%arg14 : memref<!tpu.dma_semaphore, #tpu.memory_space<semaphore_mem>>)
    %dma_wait3A_167 = arith.constant 112 : i32
    %dma_wait3A_168 = tpu.memref_slice %arg5[%dma_wait3A_167] : memref<1024xi32, #tpu.memory_space<vmem>> -> memref<16xi32, #tpu.memory_space<vmem>>
    %dma_wait3A_169 = arith.constant 0 : i32
    %dma_wait3A_170 = arith.constant 0 : i32
    %dma_wait3A_171 = tpu.memref_slice %arg2[%dma_wait3A_169, %dma_wait3A_170] : memref<8192x1024xf32, #tpu.memory_space<hbm>> -> memref<8192x1024xf32, #tpu.memory_space<hbm>>
    tpu.wait_indirect_dma semaphore(%arg13 : memref<!tpu.dma_semaphore, #tpu.memory_space<semaphore_mem>>) src(%dma_wait3A_171 : memref<8192x1024xf32, #tpu.memory_space<hbm>>) dst(%arg7 : memref<16x1024xf32, #tpu.memory_space<vmem>>)
    %add3A_172 = arith.constant 112 : i32
    %add3A_173 = arith.addi %mul3A_2, %add3A_172 : i32
    %dma_start3A_174 = arith.constant 0 : i32
    %dma_start3A_175 = tpu.memref_slice %arg4[%add3A_173, %dma_start3A_174] : memref<32768x1024xf32, #tpu.memory_space<hbm>> -> memref<16x1024xf32, #tpu.memory_space<hbm>>
    %dma_start3A_176 = arith.constant 0 : i32
    %dma_start3A_177 = tpu.memref_slice %arg4[%add3A_173, %dma_start3A_176] : memref<32768x1024xf32, #tpu.memory_space<hbm>> -> memref<16x1024xf32, #tpu.memory_space<hbm>>
    tpu.enqueue_dma source(%arg7 : memref<16x1024xf32, #tpu.memory_space<vmem>>) target(%dma_start3A_177 : memref<16x1024xf32, #tpu.memory_space<hbm>>) target_semaphore(%arg19 : memref<!tpu.dma_semaphore, #tpu.memory_space<semaphore_mem>>)
    %dma_wait3A_178 = arith.constant 0 : i32
    %dma_wait3A_179 = tpu.memref_slice %arg4[%add3A_97, %dma_wait3A_178] : memref<32768x1024xf32, #tpu.memory_space<hbm>> -> memref<16x1024xf32, #tpu.memory_space<hbm>>
    %dma_wait3A_180 = arith.constant 0 : i32
    %dma_wait3A_181 = tpu.memref_slice %arg4[%add3A_97, %dma_wait3A_180] : memref<32768x1024xf32, #tpu.memory_space<hbm>> -> memref<16x1024xf32, #tpu.memory_space<hbm>>
    tpu.wait_dma2 semaphore(%arg21 : memref<!tpu.dma_semaphore, #tpu.memory_space<semaphore_mem>>) src(%arg9 : memref<16x1024xf32, #tpu.memory_space<vmem>>) dst(%dma_wait3A_181 : memref<16x1024xf32, #tpu.memory_space<hbm>>)
    %dma_start3A_182 = arith.constant 144 : i32
    %dma_start3A_183 = tpu.memref_slice %arg5[%dma_start3A_182] : memref<1024xi32, #tpu.memory_space<vmem>> -> memref<16xi32, #tpu.memory_space<vmem>>
    %dma_start3A_184 = arith.constant 0 : i32
    %dma_start3A_185 = arith.constant 0 : i32
    %dma_start3A_186 = tpu.memref_slice %arg2[%dma_start3A_184, %dma_start3A_185] : memref<8192x1024xf32, #tpu.memory_space<hbm>> -> memref<8192x1024xf32, #tpu.memory_space<hbm>>
    tpu.enqueue_indirect_dma source(%dma_start3A_186 : memref<8192x1024xf32, #tpu.memory_space<hbm>>) target(%arg9 : memref<16x1024xf32, #tpu.memory_space<vmem>>) offsets(%dma_start3A_183 : memref<16xi32, #tpu.memory_space<vmem>>) semaphore(%arg15 : memref<!tpu.dma_semaphore, #tpu.memory_space<semaphore_mem>>)
    %dma_wait3A_187 = arith.constant 128 : i32
    %dma_wait3A_188 = tpu.memref_slice %arg5[%dma_wait3A_187] : memref<1024xi32, #tpu.memory_space<vmem>> -> memref<16xi32, #tpu.memory_space<vmem>>
    %dma_wait3A_189 = arith.constant 0 : i32
    %dma_wait3A_190 = arith.constant 0 : i32
    %dma_wait3A_191 = tpu.memref_slice %arg2[%dma_wait3A_189, %dma_wait3A_190] : memref<8192x1024xf32, #tpu.memory_space<hbm>> -> memref<8192x1024xf32, #tpu.memory_space<hbm>>
    tpu.wait_indirect_dma semaphore(%arg14 : memref<!tpu.dma_semaphore, #tpu.memory_space<semaphore_mem>>) src(%dma_wait3A_191 : memref<8192x1024xf32, #tpu.memory_space<hbm>>) dst(%arg8 : memref<16x1024xf32, #tpu.memory_space<vmem>>)
    %add3A_192 = arith.constant 128 : i32
    %add3A_193 = arith.addi %mul3A_2, %add3A_192 : i32
    %dma_start3A_194 = arith.constant 0 : i32
    %dma_start3A_195 = tpu.memref_slice %arg4[%add3A_193, %dma_start3A_194] : memref<32768x1024xf32, #tpu.memory_space<hbm>> -> memref<16x1024xf32, #tpu.memory_space<hbm>>
    %dma_start3A_196 = arith.constant 0 : i32
    %dma_start3A_197 = tpu.memref_slice %arg4[%add3A_193, %dma_start3A_196] : memref<32768x1024xf32, #tpu.memory_space<hbm>> -> memref<16x1024xf32, #tpu.memory_space<hbm>>
    tpu.enqueue_dma source(%arg8 : memref<16x1024xf32, #tpu.memory_space<vmem>>) target(%dma_start3A_197 : memref<16x1024xf32, #tpu.memory_space<hbm>>) target_semaphore(%arg20 : memref<!tpu.dma_semaphore, #tpu.memory_space<semaphore_mem>>)
    %dma_wait3A_198 = arith.constant 0 : i32
    %dma_wait3A_199 = tpu.memref_slice %arg4[%add3A_113, %dma_wait3A_198] : memref<32768x1024xf32, #tpu.memory_space<hbm>> -> memref<16x1024xf32, #tpu.memory_space<hbm>>
    %dma_wait3A_200 = arith.constant 0 : i32
    %dma_wait3A_201 = tpu.memref_slice %arg4[%add3A_113, %dma_wait3A_200] : memref<32768x1024xf32, #tpu.memory_space<hbm>> -> memref<16x1024xf32, #tpu.memory_space<hbm>>
    tpu.wait_dma2 semaphore(%arg22 : memref<!tpu.dma_semaphore, #tpu.memory_space<semaphore_mem>>) src(%arg10 : memref<16x1024xf32, #tpu.memory_space<vmem>>) dst(%dma_wait3A_201 : memref<16x1024xf32, #tpu.memory_space<hbm>>)
    %dma_start3A_202 = arith.constant 160 : i32
    %dma_start3A_203 = tpu.memref_slice %arg5[%dma_start3A_202] : memref<1024xi32, #tpu.memory_space<vmem>> -> memref<16xi32, #tpu.memory_space<vmem>>
    %dma_start3A_204 = arith.constant 0 : i32
    %dma_start3A_205 = arith.constant 0 : i32
    %dma_start3A_206 = tpu.memref_slice %arg2[%dma_start3A_204, %dma_start3A_205] : memref<8192x1024xf32, #tpu.memory_space<hbm>> -> memref<8192x1024xf32, #tpu.memory_space<hbm>>
    tpu.enqueue_indirect_dma source(%dma_start3A_206 : memref<8192x1024xf32, #tpu.memory_space<hbm>>) target(%arg10 : memref<16x1024xf32, #tpu.memory_space<vmem>>) offsets(%dma_start3A_203 : memref<16xi32, #tpu.memory_space<vmem>>) semaphore(%arg16 : memref<!tpu.dma_semaphore, #tpu.memory_space<semaphore_mem>>)
    %dma_wait3A_207 = arith.constant 144 : i32
    %dma_wait3A_208 = tpu.memref_slice %arg5[%dma_wait3A_207] : memref<1024xi32, #tpu.memory_space<vmem>> -> memref<16xi32, #tpu.memory_space<vmem>>
    %dma_wait3A_209 = arith.constant 0 : i32
    %dma_wait3A_210 = arith.constant 0 : i32
    %dma_wait3A_211 = tpu.memref_slice %arg2[%dma_wait3A_209, %dma_wait3A_210] : memref<8192x1024xf32, #tpu.memory_space<hbm>> -> memref<8192x1024xf32, #tpu.memory_space<hbm>>
    tpu.wait_indirect_dma semaphore(%arg15 : memref<!tpu.dma_semaphore, #tpu.memory_space<semaphore_mem>>) src(%dma_wait3A_211 : memref<8192x1024xf32, #tpu.memory_space<hbm>>) dst(%arg9 : memref<16x1024xf32, #tpu.memory_space<vmem>>)
    %add3A_212 = arith.constant 144 : i32
    %add3A_213 = arith.addi %mul3A_2, %add3A_212 : i32
    %dma_start3A_214 = arith.constant 0 : i32
    %dma_start3A_215 = tpu.memref_slice %arg4[%add3A_213, %dma_start3A_214] : memref<32768x1024xf32, #tpu.memory_space<hbm>> -> memref<16x1024xf32, #tpu.memory_space<hbm>>
    %dma_start3A_216 = arith.constant 0 : i32
    %dma_start3A_217 = tpu.memref_slice %arg4[%add3A_213, %dma_start3A_216] : memref<32768x1024xf32, #tpu.memory_space<hbm>> -> memref<16x1024xf32, #tpu.memory_space<hbm>>
    tpu.enqueue_dma source(%arg9 : memref<16x1024xf32, #tpu.memory_space<vmem>>) target(%dma_start3A_217 : memref<16x1024xf32, #tpu.memory_space<hbm>>) target_semaphore(%arg21 : memref<!tpu.dma_semaphore, #tpu.memory_space<semaphore_mem>>)
    %dma_wait3A_218 = arith.constant 0 : i32
    %dma_wait3A_219 = tpu.memref_slice %arg4[%add3A_133, %dma_wait3A_218] : memref<32768x1024xf32, #tpu.memory_space<hbm>> -> memref<16x1024xf32, #tpu.memory_space<hbm>>
    %dma_wait3A_220 = arith.constant 0 : i32
    %dma_wait3A_221 = tpu.memref_slice %arg4[%add3A_133, %dma_wait3A_220] : memref<32768x1024xf32, #tpu.memory_space<hbm>> -> memref<16x1024xf32, #tpu.memory_space<hbm>>
    tpu.wait_dma2 semaphore(%arg23 : memref<!tpu.dma_semaphore, #tpu.memory_space<semaphore_mem>>) src(%arg11 : memref<16x1024xf32, #tpu.memory_space<vmem>>) dst(%dma_wait3A_221 : memref<16x1024xf32, #tpu.memory_space<hbm>>)
    %dma_start3A_222 = arith.constant 176 : i32
    %dma_start3A_223 = tpu.memref_slice %arg5[%dma_start3A_222] : memref<1024xi32, #tpu.memory_space<vmem>> -> memref<16xi32, #tpu.memory_space<vmem>>
    %dma_start3A_224 = arith.constant 0 : i32
    %dma_start3A_225 = arith.constant 0 : i32
    %dma_start3A_226 = tpu.memref_slice %arg2[%dma_start3A_224, %dma_start3A_225] : memref<8192x1024xf32, #tpu.memory_space<hbm>> -> memref<8192x1024xf32, #tpu.memory_space<hbm>>
    tpu.enqueue_indirect_dma source(%dma_start3A_226 : memref<8192x1024xf32, #tpu.memory_space<hbm>>) target(%arg11 : memref<16x1024xf32, #tpu.memory_space<vmem>>) offsets(%dma_start3A_223 : memref<16xi32, #tpu.memory_space<vmem>>) semaphore(%arg17 : memref<!tpu.dma_semaphore, #tpu.memory_space<semaphore_mem>>)
    %dma_wait3A_227 = arith.constant 160 : i32
    %dma_wait3A_228 = tpu.memref_slice %arg5[%dma_wait3A_227] : memref<1024xi32, #tpu.memory_space<vmem>> -> memref<16xi32, #tpu.memory_space<vmem>>
    %dma_wait3A_229 = arith.constant 0 : i32
    %dma_wait3A_230 = arith.constant 0 : i32
    %dma_wait3A_231 = tpu.memref_slice %arg2[%dma_wait3A_229, %dma_wait3A_230] : memref<8192x1024xf32, #tpu.memory_space<hbm>> -> memref<8192x1024xf32, #tpu.memory_space<hbm>>
    tpu.wait_indirect_dma semaphore(%arg16 : memref<!tpu.dma_semaphore, #tpu.memory_space<semaphore_mem>>) src(%dma_wait3A_231 : memref<8192x1024xf32, #tpu.memory_space<hbm>>) dst(%arg10 : memref<16x1024xf32, #tpu.memory_space<vmem>>)
    %add3A_232 = arith.constant 160 : i32
    %add3A_233 = arith.addi %mul3A_2, %add3A_232 : i32
    %dma_start3A_234 = arith.constant 0 : i32
    %dma_start3A_235 = tpu.memref_slice %arg4[%add3A_233, %dma_start3A_234] : memref<32768x1024xf32, #tpu.memory_space<hbm>> -> memref<16x1024xf32, #tpu.memory_space<hbm>>
    %dma_start3A_236 = arith.constant 0 : i32
    %dma_start3A_237 = tpu.memref_slice %arg4[%add3A_233, %dma_start3A_236] : memref<32768x1024xf32, #tpu.memory_space<hbm>> -> memref<16x1024xf32, #tpu.memory_space<hbm>>
    tpu.enqueue_dma source(%arg10 : memref<16x1024xf32, #tpu.memory_space<vmem>>) target(%dma_start3A_237 : memref<16x1024xf32, #tpu.memory_space<hbm>>) target_semaphore(%arg22 : memref<!tpu.dma_semaphore, #tpu.memory_space<semaphore_mem>>)
    %dma_wait3A_238 = arith.constant 0 : i32
    %dma_wait3A_239 = tpu.memref_slice %arg4[%add3A_153, %dma_wait3A_238] : memref<32768x1024xf32, #tpu.memory_space<hbm>> -> memref<16x1024xf32, #tpu.memory_space<hbm>>
    %dma_wait3A_240 = arith.constant 0 : i32
    %dma_wait3A_241 = tpu.memref_slice %arg4[%add3A_153, %dma_wait3A_240] : memref<32768x1024xf32, #tpu.memory_space<hbm>> -> memref<16x1024xf32, #tpu.memory_space<hbm>>
    tpu.wait_dma2 semaphore(%arg18 : memref<!tpu.dma_semaphore, #tpu.memory_space<semaphore_mem>>) src(%arg6 : memref<16x1024xf32, #tpu.memory_space<vmem>>) dst(%dma_wait3A_241 : memref<16x1024xf32, #tpu.memory_space<hbm>>)
    %dma_start3A_242 = arith.constant 192 : i32
    %dma_start3A_243 = tpu.memref_slice %arg5[%dma_start3A_242] : memref<1024xi32, #tpu.memory_space<vmem>> -> memref<16xi32, #tpu.memory_space<vmem>>
    %dma_start3A_244 = arith.constant 0 : i32
    %dma_start3A_245 = arith.constant 0 : i32
    %dma_start3A_246 = tpu.memref_slice %arg2[%dma_start3A_244, %dma_start3A_245] : memref<8192x1024xf32, #tpu.memory_space<hbm>> -> memref<8192x1024xf32, #tpu.memory_space<hbm>>
    tpu.enqueue_indirect_dma source(%dma_start3A_246 : memref<8192x1024xf32, #tpu.memory_space<hbm>>) target(%arg6 : memref<16x1024xf32, #tpu.memory_space<vmem>>) offsets(%dma_start3A_243 : memref<16xi32, #tpu.memory_space<vmem>>) semaphore(%arg12 : memref<!tpu.dma_semaphore, #tpu.memory_space<semaphore_mem>>)
    %dma_wait3A_247 = arith.constant 176 : i32
    %dma_wait3A_248 = tpu.memref_slice %arg5[%dma_wait3A_247] : memref<1024xi32, #tpu.memory_space<vmem>> -> memref<16xi32, #tpu.memory_space<vmem>>
    %dma_wait3A_249 = arith.constant 0 : i32
    %dma_wait3A_250 = arith.constant 0 : i32
    %dma_wait3A_251 = tpu.memref_slice %arg2[%dma_wait3A_249, %dma_wait3A_250] : memref<8192x1024xf32, #tpu.memory_space<hbm>> -> memref<8192x1024xf32, #tpu.memory_space<hbm>>
    tpu.wait_indirect_dma semaphore(%arg17 : memref<!tpu.dma_semaphore, #tpu.memory_space<semaphore_mem>>) src(%dma_wait3A_251 : memref<8192x1024xf32, #tpu.memory_space<hbm>>) dst(%arg11 : memref<16x1024xf32, #tpu.memory_space<vmem>>)
    %add3A_252 = arith.constant 176 : i32
    %add3A_253 = arith.addi %mul3A_2, %add3A_252 : i32
    %dma_start3A_254 = arith.constant 0 : i32
    %dma_start3A_255 = tpu.memref_slice %arg4[%add3A_253, %dma_start3A_254] : memref<32768x1024xf32, #tpu.memory_space<hbm>> -> memref<16x1024xf32, #tpu.memory_space<hbm>>
    %dma_start3A_256 = arith.constant 0 : i32
    %dma_start3A_257 = tpu.memref_slice %arg4[%add3A_253, %dma_start3A_256] : memref<32768x1024xf32, #tpu.memory_space<hbm>> -> memref<16x1024xf32, #tpu.memory_space<hbm>>
    tpu.enqueue_dma source(%arg11 : memref<16x1024xf32, #tpu.memory_space<vmem>>) target(%dma_start3A_257 : memref<16x1024xf32, #tpu.memory_space<hbm>>) target_semaphore(%arg23 : memref<!tpu.dma_semaphore, #tpu.memory_space<semaphore_mem>>)
    %dma_wait3A_258 = arith.constant 0 : i32
    %dma_wait3A_259 = tpu.memref_slice %arg4[%add3A_173, %dma_wait3A_258] : memref<32768x1024xf32, #tpu.memory_space<hbm>> -> memref<16x1024xf32, #tpu.memory_space<hbm>>
    %dma_wait3A_260 = arith.constant 0 : i32
    %dma_wait3A_261 = tpu.memref_slice %arg4[%add3A_173, %dma_wait3A_260] : memref<32768x1024xf32, #tpu.memory_space<hbm>> -> memref<16x1024xf32, #tpu.memory_space<hbm>>
    tpu.wait_dma2 semaphore(%arg19 : memref<!tpu.dma_semaphore, #tpu.memory_space<semaphore_mem>>) src(%arg7 : memref<16x1024xf32, #tpu.memory_space<vmem>>) dst(%dma_wait3A_261 : memref<16x1024xf32, #tpu.memory_space<hbm>>)
    %dma_start3A_262 = arith.constant 208 : i32
    %dma_start3A_263 = tpu.memref_slice %arg5[%dma_start3A_262] : memref<1024xi32, #tpu.memory_space<vmem>> -> memref<16xi32, #tpu.memory_space<vmem>>
    %dma_start3A_264 = arith.constant 0 : i32
    %dma_start3A_265 = arith.constant 0 : i32
    %dma_start3A_266 = tpu.memref_slice %arg2[%dma_start3A_264, %dma_start3A_265] : memref<8192x1024xf32, #tpu.memory_space<hbm>> -> memref<8192x1024xf32, #tpu.memory_space<hbm>>
    tpu.enqueue_indirect_dma source(%dma_start3A_266 : memref<8192x1024xf32, #tpu.memory_space<hbm>>) target(%arg7 : memref<16x1024xf32, #tpu.memory_space<vmem>>) offsets(%dma_start3A_263 : memref<16xi32, #tpu.memory_space<vmem>>) semaphore(%arg13 : memref<!tpu.dma_semaphore, #tpu.memory_space<semaphore_mem>>)
    %dma_wait3A_267 = arith.constant 192 : i32
    %dma_wait3A_268 = tpu.memref_slice %arg5[%dma_wait3A_267] : memref<1024xi32, #tpu.memory_space<vmem>> -> memref<16xi32, #tpu.memory_space<vmem>>
    %dma_wait3A_269 = arith.constant 0 : i32
    %dma_wait3A_270 = arith.constant 0 : i32
    %dma_wait3A_271 = tpu.memref_slice %arg2[%dma_wait3A_269, %dma_wait3A_270] : memref<8192x1024xf32, #tpu.memory_space<hbm>> -> memref<8192x1024xf32, #tpu.memory_space<hbm>>
    tpu.wait_indirect_dma semaphore(%arg12 : memref<!tpu.dma_semaphore, #tpu.memory_space<semaphore_mem>>) src(%dma_wait3A_271 : memref<8192x1024xf32, #tpu.memory_space<hbm>>) dst(%arg6 : memref<16x1024xf32, #tpu.memory_space<vmem>>)
    %add3A_272 = arith.constant 192 : i32
    %add3A_273 = arith.addi %mul3A_2, %add3A_272 : i32
    %dma_start3A_274 = arith.constant 0 : i32
    %dma_start3A_275 = tpu.memref_slice %arg4[%add3A_273, %dma_start3A_274] : memref<32768x1024xf32, #tpu.memory_space<hbm>> -> memref<16x1024xf32, #tpu.memory_space<hbm>>
    %dma_start3A_276 = arith.constant 0 : i32
    %dma_start3A_277 = tpu.memref_slice %arg4[%add3A_273, %dma_start3A_276] : memref<32768x1024xf32, #tpu.memory_space<hbm>> -> memref<16x1024xf32, #tpu.memory_space<hbm>>
    tpu.enqueue_dma source(%arg6 : memref<16x1024xf32, #tpu.memory_space<vmem>>) target(%dma_start3A_277 : memref<16x1024xf32, #tpu.memory_space<hbm>>) target_semaphore(%arg18 : memref<!tpu.dma_semaphore, #tpu.memory_space<semaphore_mem>>)
    %dma_wait3A_278 = arith.constant 0 : i32
    %dma_wait3A_279 = tpu.memref_slice %arg4[%add3A_193, %dma_wait3A_278] : memref<32768x1024xf32, #tpu.memory_space<hbm>> -> memref<16x1024xf32, #tpu.memory_space<hbm>>
    %dma_wait3A_280 = arith.constant 0 : i32
    %dma_wait3A_281 = tpu.memref_slice %arg4[%add3A_193, %dma_wait3A_280] : memref<32768x1024xf32, #tpu.memory_space<hbm>> -> memref<16x1024xf32, #tpu.memory_space<hbm>>
    tpu.wait_dma2 semaphore(%arg20 : memref<!tpu.dma_semaphore, #tpu.memory_space<semaphore_mem>>) src(%arg8 : memref<16x1024xf32, #tpu.memory_space<vmem>>) dst(%dma_wait3A_281 : memref<16x1024xf32, #tpu.memory_space<hbm>>)
    %dma_start3A_282 = arith.constant 224 : i32
    %dma_start3A_283 = tpu.memref_slice %arg5[%dma_start3A_282] : memref<1024xi32, #tpu.memory_space<vmem>> -> memref<16xi32, #tpu.memory_space<vmem>>
    %dma_start3A_284 = arith.constant 0 : i32
    %dma_start3A_285 = arith.constant 0 : i32
    %dma_start3A_286 = tpu.memref_slice %arg2[%dma_start3A_284, %dma_start3A_285] : memref<8192x1024xf32, #tpu.memory_space<hbm>> -> memref<8192x1024xf32, #tpu.memory_space<hbm>>
    tpu.enqueue_indirect_dma source(%dma_start3A_286 : memref<8192x1024xf32, #tpu.memory_space<hbm>>) target(%arg8 : memref<16x1024xf32, #tpu.memory_space<vmem>>) offsets(%dma_start3A_283 : memref<16xi32, #tpu.memory_space<vmem>>) semaphore(%arg14 : memref<!tpu.dma_semaphore, #tpu.memory_space<semaphore_mem>>)
    %dma_wait3A_287 = arith.constant 208 : i32
    %dma_wait3A_288 = tpu.memref_slice %arg5[%dma_wait3A_287] : memref<1024xi32, #tpu.memory_space<vmem>> -> memref<16xi32, #tpu.memory_space<vmem>>
    %dma_wait3A_289 = arith.constant 0 : i32
    %dma_wait3A_290 = arith.constant 0 : i32
    %dma_wait3A_291 = tpu.memref_slice %arg2[%dma_wait3A_289, %dma_wait3A_290] : memref<8192x1024xf32, #tpu.memory_space<hbm>> -> memref<8192x1024xf32, #tpu.memory_space<hbm>>
    tpu.wait_indirect_dma semaphore(%arg13 : memref<!tpu.dma_semaphore, #tpu.memory_space<semaphore_mem>>) src(%dma_wait3A_291 : memref<8192x1024xf32, #tpu.memory_space<hbm>>) dst(%arg7 : memref<16x1024xf32, #tpu.memory_space<vmem>>)
    %add3A_292 = arith.constant 208 : i32
    %add3A_293 = arith.addi %mul3A_2, %add3A_292 : i32
    %dma_start3A_294 = arith.constant 0 : i32
    %dma_start3A_295 = tpu.memref_slice %arg4[%add3A_293, %dma_start3A_294] : memref<32768x1024xf32, #tpu.memory_space<hbm>> -> memref<16x1024xf32, #tpu.memory_space<hbm>>
    %dma_start3A_296 = arith.constant 0 : i32
    %dma_start3A_297 = tpu.memref_slice %arg4[%add3A_293, %dma_start3A_296] : memref<32768x1024xf32, #tpu.memory_space<hbm>> -> memref<16x1024xf32, #tpu.memory_space<hbm>>
    tpu.enqueue_dma source(%arg7 : memref<16x1024xf32, #tpu.memory_space<vmem>>) target(%dma_start3A_297 : memref<16x1024xf32, #tpu.memory_space<hbm>>) target_semaphore(%arg19 : memref<!tpu.dma_semaphore, #tpu.memory_space<semaphore_mem>>)
    %dma_wait3A_298 = arith.constant 0 : i32
    %dma_wait3A_299 = tpu.memref_slice %arg4[%add3A_213, %dma_wait3A_298] : memref<32768x1024xf32, #tpu.memory_space<hbm>> -> memref<16x1024xf32, #tpu.memory_space<hbm>>
    %dma_wait3A_300 = arith.constant 0 : i32
    %dma_wait3A_301 = tpu.memref_slice %arg4[%add3A_213, %dma_wait3A_300] : memref<32768x1024xf32, #tpu.memory_space<hbm>> -> memref<16x1024xf32, #tpu.memory_space<hbm>>
    tpu.wait_dma2 semaphore(%arg21 : memref<!tpu.dma_semaphore, #tpu.memory_space<semaphore_mem>>) src(%arg9 : memref<16x1024xf32, #tpu.memory_space<vmem>>) dst(%dma_wait3A_301 : memref<16x1024xf32, #tpu.memory_space<hbm>>)
    %dma_start3A_302 = arith.constant 240 : i32
    %dma_start3A_303 = tpu.memref_slice %arg5[%dma_start3A_302] : memref<1024xi32, #tpu.memory_space<vmem>> -> memref<16xi32, #tpu.memory_space<vmem>>
    %dma_start3A_304 = arith.constant 0 : i32
    %dma_start3A_305 = arith.constant 0 : i32
    %dma_start3A_306 = tpu.memref_slice %arg2[%dma_start3A_304, %dma_start3A_305] : memref<8192x1024xf32, #tpu.memory_space<hbm>> -> memref<8192x1024xf32, #tpu.memory_space<hbm>>
    tpu.enqueue_indirect_dma source(%dma_start3A_306 : memref<8192x1024xf32, #tpu.memory_space<hbm>>) target(%arg9 : memref<16x1024xf32, #tpu.memory_space<vmem>>) offsets(%dma_start3A_303 : memref<16xi32, #tpu.memory_space<vmem>>) semaphore(%arg15 : memref<!tpu.dma_semaphore, #tpu.memory_space<semaphore_mem>>)
    %dma_wait3A_307 = arith.constant 224 : i32
    %dma_wait3A_308 = tpu.memref_slice %arg5[%dma_wait3A_307] : memref<1024xi32, #tpu.memory_space<vmem>> -> memref<16xi32, #tpu.memory_space<vmem>>
    %dma_wait3A_309 = arith.constant 0 : i32
    %dma_wait3A_310 = arith.constant 0 : i32
    %dma_wait3A_311 = tpu.memref_slice %arg2[%dma_wait3A_309, %dma_wait3A_310] : memref<8192x1024xf32, #tpu.memory_space<hbm>> -> memref<8192x1024xf32, #tpu.memory_space<hbm>>
    tpu.wait_indirect_dma semaphore(%arg14 : memref<!tpu.dma_semaphore, #tpu.memory_space<semaphore_mem>>) src(%dma_wait3A_311 : memref<8192x1024xf32, #tpu.memory_space<hbm>>) dst(%arg8 : memref<16x1024xf32, #tpu.memory_space<vmem>>)
    %add3A_312 = arith.constant 224 : i32
    %add3A_313 = arith.addi %mul3A_2, %add3A_312 : i32
    %dma_start3A_314 = arith.constant 0 : i32
    %dma_start3A_315 = tpu.memref_slice %arg4[%add3A_313, %dma_start3A_314] : memref<32768x1024xf32, #tpu.memory_space<hbm>> -> memref<16x1024xf32, #tpu.memory_space<hbm>>
    %dma_start3A_316 = arith.constant 0 : i32
    %dma_start3A_317 = tpu.memref_slice %arg4[%add3A_313, %dma_start3A_316] : memref<32768x1024xf32, #tpu.memory_space<hbm>> -> memref<16x1024xf32, #tpu.memory_space<hbm>>
    tpu.enqueue_dma source(%arg8 : memref<16x1024xf32, #tpu.memory_space<vmem>>) target(%dma_start3A_317 : memref<16x1024xf32, #tpu.memory_space<hbm>>) target_semaphore(%arg20 : memref<!tpu.dma_semaphore, #tpu.memory_space<semaphore_mem>>)
    %dma_wait3A_318 = arith.constant 0 : i32
    %dma_wait3A_319 = tpu.memref_slice %arg4[%add3A_233, %dma_wait3A_318] : memref<32768x1024xf32, #tpu.memory_space<hbm>> -> memref<16x1024xf32, #tpu.memory_space<hbm>>
    %dma_wait3A_320 = arith.constant 0 : i32
    %dma_wait3A_321 = tpu.memref_slice %arg4[%add3A_233, %dma_wait3A_320] : memref<32768x1024xf32, #tpu.memory_space<hbm>> -> memref<16x1024xf32, #tpu.memory_space<hbm>>
    tpu.wait_dma2 semaphore(%arg22 : memref<!tpu.dma_semaphore, #tpu.memory_space<semaphore_mem>>) src(%arg10 : memref<16x1024xf32, #tpu.memory_space<vmem>>) dst(%dma_wait3A_321 : memref<16x1024xf32, #tpu.memory_space<hbm>>)
    %dma_start3A_322 = arith.constant 256 : i32
    %dma_start3A_323 = tpu.memref_slice %arg5[%dma_start3A_322] : memref<1024xi32, #tpu.memory_space<vmem>> -> memref<16xi32, #tpu.memory_space<vmem>>
    %dma_start3A_324 = arith.constant 0 : i32
    %dma_start3A_325 = arith.constant 0 : i32
    %dma_start3A_326 = tpu.memref_slice %arg2[%dma_start3A_324, %dma_start3A_325] : memref<8192x1024xf32, #tpu.memory_space<hbm>> -> memref<8192x1024xf32, #tpu.memory_space<hbm>>
    tpu.enqueue_indirect_dma source(%dma_start3A_326 : memref<8192x1024xf32, #tpu.memory_space<hbm>>) target(%arg10 : memref<16x1024xf32, #tpu.memory_space<vmem>>) offsets(%dma_start3A_323 : memref<16xi32, #tpu.memory_space<vmem>>) semaphore(%arg16 : memref<!tpu.dma_semaphore, #tpu.memory_space<semaphore_mem>>)
    %dma_wait3A_327 = arith.constant 240 : i32
    %dma_wait3A_328 = tpu.memref_slice %arg5[%dma_wait3A_327] : memref<1024xi32, #tpu.memory_space<vmem>> -> memref<16xi32, #tpu.memory_space<vmem>>
    %dma_wait3A_329 = arith.constant 0 : i32
    %dma_wait3A_330 = arith.constant 0 : i32
    %dma_wait3A_331 = tpu.memref_slice %arg2[%dma_wait3A_329, %dma_wait3A_330] : memref<8192x1024xf32, #tpu.memory_space<hbm>> -> memref<8192x1024xf32, #tpu.memory_space<hbm>>
    tpu.wait_indirect_dma semaphore(%arg15 : memref<!tpu.dma_semaphore, #tpu.memory_space<semaphore_mem>>) src(%dma_wait3A_331 : memref<8192x1024xf32, #tpu.memory_space<hbm>>) dst(%arg9 : memref<16x1024xf32, #tpu.memory_space<vmem>>)
    %add3A_332 = arith.constant 240 : i32
    %add3A_333 = arith.addi %mul3A_2, %add3A_332 : i32
    %dma_start3A_334 = arith.constant 0 : i32
    %dma_start3A_335 = tpu.memref_slice %arg4[%add3A_333, %dma_start3A_334] : memref<32768x1024xf32, #tpu.memory_space<hbm>> -> memref<16x1024xf32, #tpu.memory_space<hbm>>
    %dma_start3A_336 = arith.constant 0 : i32
    %dma_start3A_337 = tpu.memref_slice %arg4[%add3A_333, %dma_start3A_336] : memref<32768x1024xf32, #tpu.memory_space<hbm>> -> memref<16x1024xf32, #tpu.memory_space<hbm>>
    tpu.enqueue_dma source(%arg9 : memref<16x1024xf32, #tpu.memory_space<vmem>>) target(%dma_start3A_337 : memref<16x1024xf32, #tpu.memory_space<hbm>>) target_semaphore(%arg21 : memref<!tpu.dma_semaphore, #tpu.memory_space<semaphore_mem>>)
    %dma_wait3A_338 = arith.constant 0 : i32
    %dma_wait3A_339 = tpu.memref_slice %arg4[%add3A_253, %dma_wait3A_338] : memref<32768x1024xf32, #tpu.memory_space<hbm>> -> memref<16x1024xf32, #tpu.memory_space<hbm>>
    %dma_wait3A_340 = arith.constant 0 : i32
    %dma_wait3A_341 = tpu.memref_slice %arg4[%add3A_253, %dma_wait3A_340] : memref<32768x1024xf32, #tpu.memory_space<hbm>> -> memref<16x1024xf32, #tpu.memory_space<hbm>>
    tpu.wait_dma2 semaphore(%arg23 : memref<!tpu.dma_semaphore, #tpu.memory_space<semaphore_mem>>) src(%arg11 : memref<16x1024xf32, #tpu.memory_space<vmem>>) dst(%dma_wait3A_341 : memref<16x1024xf32, #tpu.memory_space<hbm>>)
    %dma_start3A_342 = arith.constant 272 : i32
    %dma_start3A_343 = tpu.memref_slice %arg5[%dma_start3A_342] : memref<1024xi32, #tpu.memory_space<vmem>> -> memref<16xi32, #tpu.memory_space<vmem>>
    %dma_start3A_344 = arith.constant 0 : i32
    %dma_start3A_345 = arith.constant 0 : i32
    %dma_start3A_346 = tpu.memref_slice %arg2[%dma_start3A_344, %dma_start3A_345] : memref<8192x1024xf32, #tpu.memory_space<hbm>> -> memref<8192x1024xf32, #tpu.memory_space<hbm>>
    tpu.enqueue_indirect_dma source(%dma_start3A_346 : memref<8192x1024xf32, #tpu.memory_space<hbm>>) target(%arg11 : memref<16x1024xf32, #tpu.memory_space<vmem>>) offsets(%dma_start3A_343 : memref<16xi32, #tpu.memory_space<vmem>>) semaphore(%arg17 : memref<!tpu.dma_semaphore, #tpu.memory_space<semaphore_mem>>)
    %dma_wait3A_347 = arith.constant 256 : i32
    %dma_wait3A_348 = tpu.memref_slice %arg5[%dma_wait3A_347] : memref<1024xi32, #tpu.memory_space<vmem>> -> memref<16xi32, #tpu.memory_space<vmem>>
    %dma_wait3A_349 = arith.constant 0 : i32
    %dma_wait3A_350 = arith.constant 0 : i32
    %dma_wait3A_351 = tpu.memref_slice %arg2[%dma_wait3A_349, %dma_wait3A_350] : memref<8192x1024xf32, #tpu.memory_space<hbm>> -> memref<8192x1024xf32, #tpu.memory_space<hbm>>
    tpu.wait_indirect_dma semaphore(%arg16 : memref<!tpu.dma_semaphore, #tpu.memory_space<semaphore_mem>>) src(%dma_wait3A_351 : memref<8192x1024xf32, #tpu.memory_space<hbm>>) dst(%arg10 : memref<16x1024xf32, #tpu.memory_space<vmem>>)
    %add3A_352 = arith.constant 256 : i32
    %add3A_353 = arith.addi %mul3A_2, %add3A_352 : i32
    %dma_start3A_354 = arith.constant 0 : i32
    %dma_start3A_355 = tpu.memref_slice %arg4[%add3A_353, %dma_start3A_354] : memref<32768x1024xf32, #tpu.memory_space<hbm>> -> memref<16x1024xf32, #tpu.memory_space<hbm>>
    %dma_start3A_356 = arith.constant 0 : i32
    %dma_start3A_357 = tpu.memref_slice %arg4[%add3A_353, %dma_start3A_356] : memref<32768x1024xf32, #tpu.memory_space<hbm>> -> memref<16x1024xf32, #tpu.memory_space<hbm>>
    tpu.enqueue_dma source(%arg10 : memref<16x1024xf32, #tpu.memory_space<vmem>>) target(%dma_start3A_357 : memref<16x1024xf32, #tpu.memory_space<hbm>>) target_semaphore(%arg22 : memref<!tpu.dma_semaphore, #tpu.memory_space<semaphore_mem>>)
    %dma_wait3A_358 = arith.constant 0 : i32
    %dma_wait3A_359 = tpu.memref_slice %arg4[%add3A_273, %dma_wait3A_358] : memref<32768x1024xf32, #tpu.memory_space<hbm>> -> memref<16x1024xf32, #tpu.memory_space<hbm>>
    %dma_wait3A_360 = arith.constant 0 : i32
    %dma_wait3A_361 = tpu.memref_slice %arg4[%add3A_273, %dma_wait3A_360] : memref<32768x1024xf32, #tpu.memory_space<hbm>> -> memref<16x1024xf32, #tpu.memory_space<hbm>>
    tpu.wait_dma2 semaphore(%arg18 : memref<!tpu.dma_semaphore, #tpu.memory_space<semaphore_mem>>) src(%arg6 : memref<16x1024xf32, #tpu.memory_space<vmem>>) dst(%dma_wait3A_361 : memref<16x1024xf32, #tpu.memory_space<hbm>>)
    %dma_start3A_362 = arith.constant 288 : i32
    %dma_start3A_363 = tpu.memref_slice %arg5[%dma_start3A_362] : memref<1024xi32, #tpu.memory_space<vmem>> -> memref<16xi32, #tpu.memory_space<vmem>>
    %dma_start3A_364 = arith.constant 0 : i32
    %dma_start3A_365 = arith.constant 0 : i32
    %dma_start3A_366 = tpu.memref_slice %arg2[%dma_start3A_364, %dma_start3A_365] : memref<8192x1024xf32, #tpu.memory_space<hbm>> -> memref<8192x1024xf32, #tpu.memory_space<hbm>>
    tpu.enqueue_indirect_dma source(%dma_start3A_366 : memref<8192x1024xf32, #tpu.memory_space<hbm>>) target(%arg6 : memref<16x1024xf32, #tpu.memory_space<vmem>>) offsets(%dma_start3A_363 : memref<16xi32, #tpu.memory_space<vmem>>) semaphore(%arg12 : memref<!tpu.dma_semaphore, #tpu.memory_space<semaphore_mem>>)
    %dma_wait3A_367 = arith.constant 272 : i32
    %dma_wait3A_368 = tpu.memref_slice %arg5[%dma_wait3A_367] : memref<1024xi32, #tpu.memory_space<vmem>> -> memref<16xi32, #tpu.memory_space<vmem>>
    %dma_wait3A_369 = arith.constant 0 : i32
    %dma_wait3A_370 = arith.constant 0 : i32
    %dma_wait3A_371 = tpu.memref_slice %arg2[%dma_wait3A_369, %dma_wait3A_370] : memref<8192x1024xf32, #tpu.memory_space<hbm>> -> memref<8192x1024xf32, #tpu.memory_space<hbm>>
    tpu.wait_indirect_dma semaphore(%arg17 : memref<!tpu.dma_semaphore, #tpu.memory_space<semaphore_mem>>) src(%dma_wait3A_371 : memref<8192x1024xf32, #tpu.memory_space<hbm>>) dst(%arg11 : memref<16x1024xf32, #tpu.memory_space<vmem>>)
    %add3A_372 = arith.constant 272 : i32
    %add3A_373 = arith.addi %mul3A_2, %add3A_372 : i32
    %dma_start3A_374 = arith.constant 0 : i32
    %dma_start3A_375 = tpu.memref_slice %arg4[%add3A_373, %dma_start3A_374] : memref<32768x1024xf32, #tpu.memory_space<hbm>> -> memref<16x1024xf32, #tpu.memory_space<hbm>>
    %dma_start3A_376 = arith.constant 0 : i32
    %dma_start3A_377 = tpu.memref_slice %arg4[%add3A_373, %dma_start3A_376] : memref<32768x1024xf32, #tpu.memory_space<hbm>> -> memref<16x1024xf32, #tpu.memory_space<hbm>>
    tpu.enqueue_dma source(%arg11 : memref<16x1024xf32, #tpu.memory_space<vmem>>) target(%dma_start3A_377 : memref<16x1024xf32, #tpu.memory_space<hbm>>) target_semaphore(%arg23 : memref<!tpu.dma_semaphore, #tpu.memory_space<semaphore_mem>>)
    %dma_wait3A_378 = arith.constant 0 : i32
    %dma_wait3A_379 = tpu.memref_slice %arg4[%add3A_293, %dma_wait3A_378] : memref<32768x1024xf32, #tpu.memory_space<hbm>> -> memref<16x1024xf32, #tpu.memory_space<hbm>>
    %dma_wait3A_380 = arith.constant 0 : i32
    %dma_wait3A_381 = tpu.memref_slice %arg4[%add3A_293, %dma_wait3A_380] : memref<32768x1024xf32, #tpu.memory_space<hbm>> -> memref<16x1024xf32, #tpu.memory_space<hbm>>
    tpu.wait_dma2 semaphore(%arg19 : memref<!tpu.dma_semaphore, #tpu.memory_space<semaphore_mem>>) src(%arg7 : memref<16x1024xf32, #tpu.memory_space<vmem>>) dst(%dma_wait3A_381 : memref<16x1024xf32, #tpu.memory_space<hbm>>)
    %dma_start3A_382 = arith.constant 304 : i32
    %dma_start3A_383 = tpu.memref_slice %arg5[%dma_start3A_382] : memref<1024xi32, #tpu.memory_space<vmem>> -> memref<16xi32, #tpu.memory_space<vmem>>
    %dma_start3A_384 = arith.constant 0 : i32
    %dma_start3A_385 = arith.constant 0 : i32
    %dma_start3A_386 = tpu.memref_slice %arg2[%dma_start3A_384, %dma_start3A_385] : memref<8192x1024xf32, #tpu.memory_space<hbm>> -> memref<8192x1024xf32, #tpu.memory_space<hbm>>
    tpu.enqueue_indirect_dma source(%dma_start3A_386 : memref<8192x1024xf32, #tpu.memory_space<hbm>>) target(%arg7 : memref<16x1024xf32, #tpu.memory_space<vmem>>) offsets(%dma_start3A_383 : memref<16xi32, #tpu.memory_space<vmem>>) semaphore(%arg13 : memref<!tpu.dma_semaphore, #tpu.memory_space<semaphore_mem>>)
    %dma_wait3A_387 = arith.constant 288 : i32
    %dma_wait3A_388 = tpu.memref_slice %arg5[%dma_wait3A_387] : memref<1024xi32, #tpu.memory_space<vmem>> -> memref<16xi32, #tpu.memory_space<vmem>>
    %dma_wait3A_389 = arith.constant 0 : i32
    %dma_wait3A_390 = arith.constant 0 : i32
    %dma_wait3A_391 = tpu.memref_slice %arg2[%dma_wait3A_389, %dma_wait3A_390] : memref<8192x1024xf32, #tpu.memory_space<hbm>> -> memref<8192x1024xf32, #tpu.memory_space<hbm>>
    tpu.wait_indirect_dma semaphore(%arg12 : memref<!tpu.dma_semaphore, #tpu.memory_space<semaphore_mem>>) src(%dma_wait3A_391 : memref<8192x1024xf32, #tpu.memory_space<hbm>>) dst(%arg6 : memref<16x1024xf32, #tpu.memory_space<vmem>>)
    %add3A_392 = arith.constant 288 : i32
    %add3A_393 = arith.addi %mul3A_2, %add3A_392 : i32
    %dma_start3A_394 = arith.constant 0 : i32
    %dma_start3A_395 = tpu.memref_slice %arg4[%add3A_393, %dma_start3A_394] : memref<32768x1024xf32, #tpu.memory_space<hbm>> -> memref<16x1024xf32, #tpu.memory_space<hbm>>
    %dma_start3A_396 = arith.constant 0 : i32
    %dma_start3A_397 = tpu.memref_slice %arg4[%add3A_393, %dma_start3A_396] : memref<32768x1024xf32, #tpu.memory_space<hbm>> -> memref<16x1024xf32, #tpu.memory_space<hbm>>
    tpu.enqueue_dma source(%arg6 : memref<16x1024xf32, #tpu.memory_space<vmem>>) target(%dma_start3A_397 : memref<16x1024xf32, #tpu.memory_space<hbm>>) target_semaphore(%arg18 : memref<!tpu.dma_semaphore, #tpu.memory_space<semaphore_mem>>)
    %dma_wait3A_398 = arith.constant 0 : i32
    %dma_wait3A_399 = tpu.memref_slice %arg4[%add3A_313, %dma_wait3A_398] : memref<32768x1024xf32, #tpu.memory_space<hbm>> -> memref<16x1024xf32, #tpu.memory_space<hbm>>
    %dma_wait3A_400 = arith.constant 0 : i32
    %dma_wait3A_401 = tpu.memref_slice %arg4[%add3A_313, %dma_wait3A_400] : memref<32768x1024xf32, #tpu.memory_space<hbm>> -> memref<16x1024xf32, #tpu.memory_space<hbm>>
    tpu.wait_dma2 semaphore(%arg20 : memref<!tpu.dma_semaphore, #tpu.memory_space<semaphore_mem>>) src(%arg8 : memref<16x1024xf32, #tpu.memory_space<vmem>>) dst(%dma_wait3A_401 : memref<16x1024xf32, #tpu.memory_space<hbm>>)
    %dma_start3A_402 = arith.constant 320 : i32
    %dma_start3A_403 = tpu.memref_slice %arg5[%dma_start3A_402] : memref<1024xi32, #tpu.memory_space<vmem>> -> memref<16xi32, #tpu.memory_space<vmem>>
    %dma_start3A_404 = arith.constant 0 : i32
    %dma_start3A_405 = arith.constant 0 : i32
    %dma_start3A_406 = tpu.memref_slice %arg2[%dma_start3A_404, %dma_start3A_405] : memref<8192x1024xf32, #tpu.memory_space<hbm>> -> memref<8192x1024xf32, #tpu.memory_space<hbm>>
    tpu.enqueue_indirect_dma source(%dma_start3A_406 : memref<8192x1024xf32, #tpu.memory_space<hbm>>) target(%arg8 : memref<16x1024xf32, #tpu.memory_space<vmem>>) offsets(%dma_start3A_403 : memref<16xi32, #tpu.memory_space<vmem>>) semaphore(%arg14 : memref<!tpu.dma_semaphore, #tpu.memory_space<semaphore_mem>>)
    %dma_wait3A_407 = arith.constant 304 : i32
    %dma_wait3A_408 = tpu.memref_slice %arg5[%dma_wait3A_407] : memref<1024xi32, #tpu.memory_space<vmem>> -> memref<16xi32, #tpu.memory_space<vmem>>
    %dma_wait3A_409 = arith.constant 0 : i32
    %dma_wait3A_410 = arith.constant 0 : i32
    %dma_wait3A_411 = tpu.memref_slice %arg2[%dma_wait3A_409, %dma_wait3A_410] : memref<8192x1024xf32, #tpu.memory_space<hbm>> -> memref<8192x1024xf32, #tpu.memory_space<hbm>>
    tpu.wait_indirect_dma semaphore(%arg13 : memref<!tpu.dma_semaphore, #tpu.memory_space<semaphore_mem>>) src(%dma_wait3A_411 : memref<8192x1024xf32, #tpu.memory_space<hbm>>) dst(%arg7 : memref<16x1024xf32, #tpu.memory_space<vmem>>)
    %add3A_412 = arith.constant 304 : i32
    %add3A_413 = arith.addi %mul3A_2, %add3A_412 : i32
    %dma_start3A_414 = arith.constant 0 : i32
    %dma_start3A_415 = tpu.memref_slice %arg4[%add3A_413, %dma_start3A_414] : memref<32768x1024xf32, #tpu.memory_space<hbm>> -> memref<16x1024xf32, #tpu.memory_space<hbm>>
    %dma_start3A_416 = arith.constant 0 : i32
    %dma_start3A_417 = tpu.memref_slice %arg4[%add3A_413, %dma_start3A_416] : memref<32768x1024xf32, #tpu.memory_space<hbm>> -> memref<16x1024xf32, #tpu.memory_space<hbm>>
    tpu.enqueue_dma source(%arg7 : memref<16x1024xf32, #tpu.memory_space<vmem>>) target(%dma_start3A_417 : memref<16x1024xf32, #tpu.memory_space<hbm>>) target_semaphore(%arg19 : memref<!tpu.dma_semaphore, #tpu.memory_space<semaphore_mem>>)
    %dma_wait3A_418 = arith.constant 0 : i32
    %dma_wait3A_419 = tpu.memref_slice %arg4[%add3A_333, %dma_wait3A_418] : memref<32768x1024xf32, #tpu.memory_space<hbm>> -> memref<16x1024xf32, #tpu.memory_space<hbm>>
    %dma_wait3A_420 = arith.constant 0 : i32
    %dma_wait3A_421 = tpu.memref_slice %arg4[%add3A_333, %dma_wait3A_420] : memref<32768x1024xf32, #tpu.memory_space<hbm>> -> memref<16x1024xf32, #tpu.memory_space<hbm>>
    tpu.wait_dma2 semaphore(%arg21 : memref<!tpu.dma_semaphore, #tpu.memory_space<semaphore_mem>>) src(%arg9 : memref<16x1024xf32, #tpu.memory_space<vmem>>) dst(%dma_wait3A_421 : memref<16x1024xf32, #tpu.memory_space<hbm>>)
    %dma_start3A_422 = arith.constant 336 : i32
    %dma_start3A_423 = tpu.memref_slice %arg5[%dma_start3A_422] : memref<1024xi32, #tpu.memory_space<vmem>> -> memref<16xi32, #tpu.memory_space<vmem>>
    %dma_start3A_424 = arith.constant 0 : i32
    %dma_start3A_425 = arith.constant 0 : i32
    %dma_start3A_426 = tpu.memref_slice %arg2[%dma_start3A_424, %dma_start3A_425] : memref<8192x1024xf32, #tpu.memory_space<hbm>> -> memref<8192x1024xf32, #tpu.memory_space<hbm>>
    tpu.enqueue_indirect_dma source(%dma_start3A_426 : memref<8192x1024xf32, #tpu.memory_space<hbm>>) target(%arg9 : memref<16x1024xf32, #tpu.memory_space<vmem>>) offsets(%dma_start3A_423 : memref<16xi32, #tpu.memory_space<vmem>>) semaphore(%arg15 : memref<!tpu.dma_semaphore, #tpu.memory_space<semaphore_mem>>)
    %dma_wait3A_427 = arith.constant 320 : i32
    %dma_wait3A_428 = tpu.memref_slice %arg5[%dma_wait3A_427] : memref<1024xi32, #tpu.memory_space<vmem>> -> memref<16xi32, #tpu.memory_space<vmem>>
    %dma_wait3A_429 = arith.constant 0 : i32
    %dma_wait3A_430 = arith.constant 0 : i32
    %dma_wait3A_431 = tpu.memref_slice %arg2[%dma_wait3A_429, %dma_wait3A_430] : memref<8192x1024xf32, #tpu.memory_space<hbm>> -> memref<8192x1024xf32, #tpu.memory_space<hbm>>
    tpu.wait_indirect_dma semaphore(%arg14 : memref<!tpu.dma_semaphore, #tpu.memory_space<semaphore_mem>>) src(%dma_wait3A_431 : memref<8192x1024xf32, #tpu.memory_space<hbm>>) dst(%arg8 : memref<16x1024xf32, #tpu.memory_space<vmem>>)
    %add3A_432 = arith.constant 320 : i32
    %add3A_433 = arith.addi %mul3A_2, %add3A_432 : i32
    %dma_start3A_434 = arith.constant 0 : i32
    %dma_start3A_435 = tpu.memref_slice %arg4[%add3A_433, %dma_start3A_434] : memref<32768x1024xf32, #tpu.memory_space<hbm>> -> memref<16x1024xf32, #tpu.memory_space<hbm>>
    %dma_start3A_436 = arith.constant 0 : i32
    %dma_start3A_437 = tpu.memref_slice %arg4[%add3A_433, %dma_start3A_436] : memref<32768x1024xf32, #tpu.memory_space<hbm>> -> memref<16x1024xf32, #tpu.memory_space<hbm>>
    tpu.enqueue_dma source(%arg8 : memref<16x1024xf32, #tpu.memory_space<vmem>>) target(%dma_start3A_437 : memref<16x1024xf32, #tpu.memory_space<hbm>>) target_semaphore(%arg20 : memref<!tpu.dma_semaphore, #tpu.memory_space<semaphore_mem>>)
    %dma_wait3A_438 = arith.constant 0 : i32
    %dma_wait3A_439 = tpu.memref_slice %arg4[%add3A_353, %dma_wait3A_438] : memref<32768x1024xf32, #tpu.memory_space<hbm>> -> memref<16x1024xf32, #tpu.memory_space<hbm>>
    %dma_wait3A_440 = arith.constant 0 : i32
    %dma_wait3A_441 = tpu.memref_slice %arg4[%add3A_353, %dma_wait3A_440] : memref<32768x1024xf32, #tpu.memory_space<hbm>> -> memref<16x1024xf32, #tpu.memory_space<hbm>>
    tpu.wait_dma2 semaphore(%arg22 : memref<!tpu.dma_semaphore, #tpu.memory_space<semaphore_mem>>) src(%arg10 : memref<16x1024xf32, #tpu.memory_space<vmem>>) dst(%dma_wait3A_441 : memref<16x1024xf32, #tpu.memory_space<hbm>>)
    %dma_start3A_442 = arith.constant 352 : i32
    %dma_start3A_443 = tpu.memref_slice %arg5[%dma_start3A_442] : memref<1024xi32, #tpu.memory_space<vmem>> -> memref<16xi32, #tpu.memory_space<vmem>>
    %dma_start3A_444 = arith.constant 0 : i32
    %dma_start3A_445 = arith.constant 0 : i32
    %dma_start3A_446 = tpu.memref_slice %arg2[%dma_start3A_444, %dma_start3A_445] : memref<8192x1024xf32, #tpu.memory_space<hbm>> -> memref<8192x1024xf32, #tpu.memory_space<hbm>>
    tpu.enqueue_indirect_dma source(%dma_start3A_446 : memref<8192x1024xf32, #tpu.memory_space<hbm>>) target(%arg10 : memref<16x1024xf32, #tpu.memory_space<vmem>>) offsets(%dma_start3A_443 : memref<16xi32, #tpu.memory_space<vmem>>) semaphore(%arg16 : memref<!tpu.dma_semaphore, #tpu.memory_space<semaphore_mem>>)
    %dma_wait3A_447 = arith.constant 336 : i32
    %dma_wait3A_448 = tpu.memref_slice %arg5[%dma_wait3A_447] : memref<1024xi32, #tpu.memory_space<vmem>> -> memref<16xi32, #tpu.memory_space<vmem>>
    %dma_wait3A_449 = arith.constant 0 : i32
    %dma_wait3A_450 = arith.constant 0 : i32
    %dma_wait3A_451 = tpu.memref_slice %arg2[%dma_wait3A_449, %dma_wait3A_450] : memref<8192x1024xf32, #tpu.memory_space<hbm>> -> memref<8192x1024xf32, #tpu.memory_space<hbm>>
    tpu.wait_indirect_dma semaphore(%arg15 : memref<!tpu.dma_semaphore, #tpu.memory_space<semaphore_mem>>) src(%dma_wait3A_451 : memref<8192x1024xf32, #tpu.memory_space<hbm>>) dst(%arg9 : memref<16x1024xf32, #tpu.memory_space<vmem>>)
    %add3A_452 = arith.constant 336 : i32
    %add3A_453 = arith.addi %mul3A_2, %add3A_452 : i32
    %dma_start3A_454 = arith.constant 0 : i32
    %dma_start3A_455 = tpu.memref_slice %arg4[%add3A_453, %dma_start3A_454] : memref<32768x1024xf32, #tpu.memory_space<hbm>> -> memref<16x1024xf32, #tpu.memory_space<hbm>>
    %dma_start3A_456 = arith.constant 0 : i32
    %dma_start3A_457 = tpu.memref_slice %arg4[%add3A_453, %dma_start3A_456] : memref<32768x1024xf32, #tpu.memory_space<hbm>> -> memref<16x1024xf32, #tpu.memory_space<hbm>>
    tpu.enqueue_dma source(%arg9 : memref<16x1024xf32, #tpu.memory_space<vmem>>) target(%dma_start3A_457 : memref<16x1024xf32, #tpu.memory_space<hbm>>) target_semaphore(%arg21 : memref<!tpu.dma_semaphore, #tpu.memory_space<semaphore_mem>>)
    %dma_wait3A_458 = arith.constant 0 : i32
    %dma_wait3A_459 = tpu.memref_slice %arg4[%add3A_373, %dma_wait3A_458] : memref<32768x1024xf32, #tpu.memory_space<hbm>> -> memref<16x1024xf32, #tpu.memory_space<hbm>>
    %dma_wait3A_460 = arith.constant 0 : i32
    %dma_wait3A_461 = tpu.memref_slice %arg4[%add3A_373, %dma_wait3A_460] : memref<32768x1024xf32, #tpu.memory_space<hbm>> -> memref<16x1024xf32, #tpu.memory_space<hbm>>
    tpu.wait_dma2 semaphore(%arg23 : memref<!tpu.dma_semaphore, #tpu.memory_space<semaphore_mem>>) src(%arg11 : memref<16x1024xf32, #tpu.memory_space<vmem>>) dst(%dma_wait3A_461 : memref<16x1024xf32, #tpu.memory_space<hbm>>)
    %dma_start3A_462 = arith.constant 368 : i32
    %dma_start3A_463 = tpu.memref_slice %arg5[%dma_start3A_462] : memref<1024xi32, #tpu.memory_space<vmem>> -> memref<16xi32, #tpu.memory_space<vmem>>
    %dma_start3A_464 = arith.constant 0 : i32
    %dma_start3A_465 = arith.constant 0 : i32
    %dma_start3A_466 = tpu.memref_slice %arg2[%dma_start3A_464, %dma_start3A_465] : memref<8192x1024xf32, #tpu.memory_space<hbm>> -> memref<8192x1024xf32, #tpu.memory_space<hbm>>
    tpu.enqueue_indirect_dma source(%dma_start3A_466 : memref<8192x1024xf32, #tpu.memory_space<hbm>>) target(%arg11 : memref<16x1024xf32, #tpu.memory_space<vmem>>) offsets(%dma_start3A_463 : memref<16xi32, #tpu.memory_space<vmem>>) semaphore(%arg17 : memref<!tpu.dma_semaphore, #tpu.memory_space<semaphore_mem>>)
    %dma_wait3A_467 = arith.constant 352 : i32
    %dma_wait3A_468 = tpu.memref_slice %arg5[%dma_wait3A_467] : memref<1024xi32, #tpu.memory_space<vmem>> -> memref<16xi32, #tpu.memory_space<vmem>>
    %dma_wait3A_469 = arith.constant 0 : i32
    %dma_wait3A_470 = arith.constant 0 : i32
    %dma_wait3A_471 = tpu.memref_slice %arg2[%dma_wait3A_469, %dma_wait3A_470] : memref<8192x1024xf32, #tpu.memory_space<hbm>> -> memref<8192x1024xf32, #tpu.memory_space<hbm>>
    tpu.wait_indirect_dma semaphore(%arg16 : memref<!tpu.dma_semaphore, #tpu.memory_space<semaphore_mem>>) src(%dma_wait3A_471 : memref<8192x1024xf32, #tpu.memory_space<hbm>>) dst(%arg10 : memref<16x1024xf32, #tpu.memory_space<vmem>>)
    %add3A_472 = arith.constant 352 : i32
    %add3A_473 = arith.addi %mul3A_2, %add3A_472 : i32
    %dma_start3A_474 = arith.constant 0 : i32
    %dma_start3A_475 = tpu.memref_slice %arg4[%add3A_473, %dma_start3A_474] : memref<32768x1024xf32, #tpu.memory_space<hbm>> -> memref<16x1024xf32, #tpu.memory_space<hbm>>
    %dma_start3A_476 = arith.constant 0 : i32
    %dma_start3A_477 = tpu.memref_slice %arg4[%add3A_473, %dma_start3A_476] : memref<32768x1024xf32, #tpu.memory_space<hbm>> -> memref<16x1024xf32, #tpu.memory_space<hbm>>
    tpu.enqueue_dma source(%arg10 : memref<16x1024xf32, #tpu.memory_space<vmem>>) target(%dma_start3A_477 : memref<16x1024xf32, #tpu.memory_space<hbm>>) target_semaphore(%arg22 : memref<!tpu.dma_semaphore, #tpu.memory_space<semaphore_mem>>)
    %dma_wait3A_478 = arith.constant 0 : i32
    %dma_wait3A_479 = tpu.memref_slice %arg4[%add3A_393, %dma_wait3A_478] : memref<32768x1024xf32, #tpu.memory_space<hbm>> -> memref<16x1024xf32, #tpu.memory_space<hbm>>
    %dma_wait3A_480 = arith.constant 0 : i32
    %dma_wait3A_481 = tpu.memref_slice %arg4[%add3A_393, %dma_wait3A_480] : memref<32768x1024xf32, #tpu.memory_space<hbm>> -> memref<16x1024xf32, #tpu.memory_space<hbm>>
    tpu.wait_dma2 semaphore(%arg18 : memref<!tpu.dma_semaphore, #tpu.memory_space<semaphore_mem>>) src(%arg6 : memref<16x1024xf32, #tpu.memory_space<vmem>>) dst(%dma_wait3A_481 : memref<16x1024xf32, #tpu.memory_space<hbm>>)
    %dma_start3A_482 = arith.constant 384 : i32
    %dma_start3A_483 = tpu.memref_slice %arg5[%dma_start3A_482] : memref<1024xi32, #tpu.memory_space<vmem>> -> memref<16xi32, #tpu.memory_space<vmem>>
    %dma_start3A_484 = arith.constant 0 : i32
    %dma_start3A_485 = arith.constant 0 : i32
    %dma_start3A_486 = tpu.memref_slice %arg2[%dma_start3A_484, %dma_start3A_485] : memref<8192x1024xf32, #tpu.memory_space<hbm>> -> memref<8192x1024xf32, #tpu.memory_space<hbm>>
    tpu.enqueue_indirect_dma source(%dma_start3A_486 : memref<8192x1024xf32, #tpu.memory_space<hbm>>) target(%arg6 : memref<16x1024xf32, #tpu.memory_space<vmem>>) offsets(%dma_start3A_483 : memref<16xi32, #tpu.memory_space<vmem>>) semaphore(%arg12 : memref<!tpu.dma_semaphore, #tpu.memory_space<semaphore_mem>>)
    %dma_wait3A_487 = arith.constant 368 : i32
    %dma_wait3A_488 = tpu.memref_slice %arg5[%dma_wait3A_487] : memref<1024xi32, #tpu.memory_space<vmem>> -> memref<16xi32, #tpu.memory_space<vmem>>
    %dma_wait3A_489 = arith.constant 0 : i32
    %dma_wait3A_490 = arith.constant 0 : i32
    %dma_wait3A_491 = tpu.memref_slice %arg2[%dma_wait3A_489, %dma_wait3A_490] : memref<8192x1024xf32, #tpu.memory_space<hbm>> -> memref<8192x1024xf32, #tpu.memory_space<hbm>>
    tpu.wait_indirect_dma semaphore(%arg17 : memref<!tpu.dma_semaphore, #tpu.memory_space<semaphore_mem>>) src(%dma_wait3A_491 : memref<8192x1024xf32, #tpu.memory_space<hbm>>) dst(%arg11 : memref<16x1024xf32, #tpu.memory_space<vmem>>)
    %add3A_492 = arith.constant 368 : i32
    %add3A_493 = arith.addi %mul3A_2, %add3A_492 : i32
    %dma_start3A_494 = arith.constant 0 : i32
    %dma_start3A_495 = tpu.memref_slice %arg4[%add3A_493, %dma_start3A_494] : memref<32768x1024xf32, #tpu.memory_space<hbm>> -> memref<16x1024xf32, #tpu.memory_space<hbm>>
    %dma_start3A_496 = arith.constant 0 : i32
    %dma_start3A_497 = tpu.memref_slice %arg4[%add3A_493, %dma_start3A_496] : memref<32768x1024xf32, #tpu.memory_space<hbm>> -> memref<16x1024xf32, #tpu.memory_space<hbm>>
    tpu.enqueue_dma source(%arg11 : memref<16x1024xf32, #tpu.memory_space<vmem>>) target(%dma_start3A_497 : memref<16x1024xf32, #tpu.memory_space<hbm>>) target_semaphore(%arg23 : memref<!tpu.dma_semaphore, #tpu.memory_space<semaphore_mem>>)
    %dma_wait3A_498 = arith.constant 0 : i32
    %dma_wait3A_499 = tpu.memref_slice %arg4[%add3A_413, %dma_wait3A_498] : memref<32768x1024xf32, #tpu.memory_space<hbm>> -> memref<16x1024xf32, #tpu.memory_space<hbm>>
    %dma_wait3A_500 = arith.constant 0 : i32
    %dma_wait3A_501 = tpu.memref_slice %arg4[%add3A_413, %dma_wait3A_500] : memref<32768x1024xf32, #tpu.memory_space<hbm>> -> memref<16x1024xf32, #tpu.memory_space<hbm>>
    tpu.wait_dma2 semaphore(%arg19 : memref<!tpu.dma_semaphore, #tpu.memory_space<semaphore_mem>>) src(%arg7 : memref<16x1024xf32, #tpu.memory_space<vmem>>) dst(%dma_wait3A_501 : memref<16x1024xf32, #tpu.memory_space<hbm>>)
    %dma_start3A_502 = arith.constant 400 : i32
    %dma_start3A_503 = tpu.memref_slice %arg5[%dma_start3A_502] : memref<1024xi32, #tpu.memory_space<vmem>> -> memref<16xi32, #tpu.memory_space<vmem>>
    %dma_start3A_504 = arith.constant 0 : i32
    %dma_start3A_505 = arith.constant 0 : i32
    %dma_start3A_506 = tpu.memref_slice %arg2[%dma_start3A_504, %dma_start3A_505] : memref<8192x1024xf32, #tpu.memory_space<hbm>> -> memref<8192x1024xf32, #tpu.memory_space<hbm>>
    tpu.enqueue_indirect_dma source(%dma_start3A_506 : memref<8192x1024xf32, #tpu.memory_space<hbm>>) target(%arg7 : memref<16x1024xf32, #tpu.memory_space<vmem>>) offsets(%dma_start3A_503 : memref<16xi32, #tpu.memory_space<vmem>>) semaphore(%arg13 : memref<!tpu.dma_semaphore, #tpu.memory_space<semaphore_mem>>)
    %dma_wait3A_507 = arith.constant 384 : i32
    %dma_wait3A_508 = tpu.memref_slice %arg5[%dma_wait3A_507] : memref<1024xi32, #tpu.memory_space<vmem>> -> memref<16xi32, #tpu.memory_space<vmem>>
    %dma_wait3A_509 = arith.constant 0 : i32
    %dma_wait3A_510 = arith.constant 0 : i32
    %dma_wait3A_511 = tpu.memref_slice %arg2[%dma_wait3A_509, %dma_wait3A_510] : memref<8192x1024xf32, #tpu.memory_space<hbm>> -> memref<8192x1024xf32, #tpu.memory_space<hbm>>
    tpu.wait_indirect_dma semaphore(%arg12 : memref<!tpu.dma_semaphore, #tpu.memory_space<semaphore_mem>>) src(%dma_wait3A_511 : memref<8192x1024xf32, #tpu.memory_space<hbm>>) dst(%arg6 : memref<16x1024xf32, #tpu.memory_space<vmem>>)
    %add3A_512 = arith.constant 384 : i32
    %add3A_513 = arith.addi %mul3A_2, %add3A_512 : i32
    %dma_start3A_514 = arith.constant 0 : i32
    %dma_start3A_515 = tpu.memref_slice %arg4[%add3A_513, %dma_start3A_514] : memref<32768x1024xf32, #tpu.memory_space<hbm>> -> memref<16x1024xf32, #tpu.memory_space<hbm>>
    %dma_start3A_516 = arith.constant 0 : i32
    %dma_start3A_517 = tpu.memref_slice %arg4[%add3A_513, %dma_start3A_516] : memref<32768x1024xf32, #tpu.memory_space<hbm>> -> memref<16x1024xf32, #tpu.memory_space<hbm>>
    tpu.enqueue_dma source(%arg6 : memref<16x1024xf32, #tpu.memory_space<vmem>>) target(%dma_start3A_517 : memref<16x1024xf32, #tpu.memory_space<hbm>>) target_semaphore(%arg18 : memref<!tpu.dma_semaphore, #tpu.memory_space<semaphore_mem>>)
    %dma_wait3A_518 = arith.constant 0 : i32
    %dma_wait3A_519 = tpu.memref_slice %arg4[%add3A_433, %dma_wait3A_518] : memref<32768x1024xf32, #tpu.memory_space<hbm>> -> memref<16x1024xf32, #tpu.memory_space<hbm>>
    %dma_wait3A_520 = arith.constant 0 : i32
    %dma_wait3A_521 = tpu.memref_slice %arg4[%add3A_433, %dma_wait3A_520] : memref<32768x1024xf32, #tpu.memory_space<hbm>> -> memref<16x1024xf32, #tpu.memory_space<hbm>>
    tpu.wait_dma2 semaphore(%arg20 : memref<!tpu.dma_semaphore, #tpu.memory_space<semaphore_mem>>) src(%arg8 : memref<16x1024xf32, #tpu.memory_space<vmem>>) dst(%dma_wait3A_521 : memref<16x1024xf32, #tpu.memory_space<hbm>>)
    %dma_start3A_522 = arith.constant 416 : i32
    %dma_start3A_523 = tpu.memref_slice %arg5[%dma_start3A_522] : memref<1024xi32, #tpu.memory_space<vmem>> -> memref<16xi32, #tpu.memory_space<vmem>>
    %dma_start3A_524 = arith.constant 0 : i32
    %dma_start3A_525 = arith.constant 0 : i32
    %dma_start3A_526 = tpu.memref_slice %arg2[%dma_start3A_524, %dma_start3A_525] : memref<8192x1024xf32, #tpu.memory_space<hbm>> -> memref<8192x1024xf32, #tpu.memory_space<hbm>>
    tpu.enqueue_indirect_dma source(%dma_start3A_526 : memref<8192x1024xf32, #tpu.memory_space<hbm>>) target(%arg8 : memref<16x1024xf32, #tpu.memory_space<vmem>>) offsets(%dma_start3A_523 : memref<16xi32, #tpu.memory_space<vmem>>) semaphore(%arg14 : memref<!tpu.dma_semaphore, #tpu.memory_space<semaphore_mem>>)
    %dma_wait3A_527 = arith.constant 400 : i32
    %dma_wait3A_528 = tpu.memref_slice %arg5[%dma_wait3A_527] : memref<1024xi32, #tpu.memory_space<vmem>> -> memref<16xi32, #tpu.memory_space<vmem>>
    %dma_wait3A_529 = arith.constant 0 : i32
    %dma_wait3A_530 = arith.constant 0 : i32
    %dma_wait3A_531 = tpu.memref_slice %arg2[%dma_wait3A_529, %dma_wait3A_530] : memref<8192x1024xf32, #tpu.memory_space<hbm>> -> memref<8192x1024xf32, #tpu.memory_space<hbm>>
    tpu.wait_indirect_dma semaphore(%arg13 : memref<!tpu.dma_semaphore, #tpu.memory_space<semaphore_mem>>) src(%dma_wait3A_531 : memref<8192x1024xf32, #tpu.memory_space<hbm>>) dst(%arg7 : memref<16x1024xf32, #tpu.memory_space<vmem>>)
    %add3A_532 = arith.constant 400 : i32
    %add3A_533 = arith.addi %mul3A_2, %add3A_532 : i32
    %dma_start3A_534 = arith.constant 0 : i32
    %dma_start3A_535 = tpu.memref_slice %arg4[%add3A_533, %dma_start3A_534] : memref<32768x1024xf32, #tpu.memory_space<hbm>> -> memref<16x1024xf32, #tpu.memory_space<hbm>>
    %dma_start3A_536 = arith.constant 0 : i32
    %dma_start3A_537 = tpu.memref_slice %arg4[%add3A_533, %dma_start3A_536] : memref<32768x1024xf32, #tpu.memory_space<hbm>> -> memref<16x1024xf32, #tpu.memory_space<hbm>>
    tpu.enqueue_dma source(%arg7 : memref<16x1024xf32, #tpu.memory_space<vmem>>) target(%dma_start3A_537 : memref<16x1024xf32, #tpu.memory_space<hbm>>) target_semaphore(%arg19 : memref<!tpu.dma_semaphore, #tpu.memory_space<semaphore_mem>>)
    %dma_wait3A_538 = arith.constant 0 : i32
    %dma_wait3A_539 = tpu.memref_slice %arg4[%add3A_453, %dma_wait3A_538] : memref<32768x1024xf32, #tpu.memory_space<hbm>> -> memref<16x1024xf32, #tpu.memory_space<hbm>>
    %dma_wait3A_540 = arith.constant 0 : i32
    %dma_wait3A_541 = tpu.memref_slice %arg4[%add3A_453, %dma_wait3A_540] : memref<32768x1024xf32, #tpu.memory_space<hbm>> -> memref<16x1024xf32, #tpu.memory_space<hbm>>
    tpu.wait_dma2 semaphore(%arg21 : memref<!tpu.dma_semaphore, #tpu.memory_space<semaphore_mem>>) src(%arg9 : memref<16x1024xf32, #tpu.memory_space<vmem>>) dst(%dma_wait3A_541 : memref<16x1024xf32, #tpu.memory_space<hbm>>)
    %dma_start3A_542 = arith.constant 432 : i32
    %dma_start3A_543 = tpu.memref_slice %arg5[%dma_start3A_542] : memref<1024xi32, #tpu.memory_space<vmem>> -> memref<16xi32, #tpu.memory_space<vmem>>
    %dma_start3A_544 = arith.constant 0 : i32
    %dma_start3A_545 = arith.constant 0 : i32
    %dma_start3A_546 = tpu.memref_slice %arg2[%dma_start3A_544, %dma_start3A_545] : memref<8192x1024xf32, #tpu.memory_space<hbm>> -> memref<8192x1024xf32, #tpu.memory_space<hbm>>
    tpu.enqueue_indirect_dma source(%dma_start3A_546 : memref<8192x1024xf32, #tpu.memory_space<hbm>>) target(%arg9 : memref<16x1024xf32, #tpu.memory_space<vmem>>) offsets(%dma_start3A_543 : memref<16xi32, #tpu.memory_space<vmem>>) semaphore(%arg15 : memref<!tpu.dma_semaphore, #tpu.memory_space<semaphore_mem>>)
    %dma_wait3A_547 = arith.constant 416 : i32
    %dma_wait3A_548 = tpu.memref_slice %arg5[%dma_wait3A_547] : memref<1024xi32, #tpu.memory_space<vmem>> -> memref<16xi32, #tpu.memory_space<vmem>>
    %dma_wait3A_549 = arith.constant 0 : i32
    %dma_wait3A_550 = arith.constant 0 : i32
    %dma_wait3A_551 = tpu.memref_slice %arg2[%dma_wait3A_549, %dma_wait3A_550] : memref<8192x1024xf32, #tpu.memory_space<hbm>> -> memref<8192x1024xf32, #tpu.memory_space<hbm>>
    tpu.wait_indirect_dma semaphore(%arg14 : memref<!tpu.dma_semaphore, #tpu.memory_space<semaphore_mem>>) src(%dma_wait3A_551 : memref<8192x1024xf32, #tpu.memory_space<hbm>>) dst(%arg8 : memref<16x1024xf32, #tpu.memory_space<vmem>>)
    %add3A_552 = arith.constant 416 : i32
    %add3A_553 = arith.addi %mul3A_2, %add3A_552 : i32
    %dma_start3A_554 = arith.constant 0 : i32
    %dma_start3A_555 = tpu.memref_slice %arg4[%add3A_553, %dma_start3A_554] : memref<32768x1024xf32, #tpu.memory_space<hbm>> -> memref<16x1024xf32, #tpu.memory_space<hbm>>
    %dma_start3A_556 = arith.constant 0 : i32
    %dma_start3A_557 = tpu.memref_slice %arg4[%add3A_553, %dma_start3A_556] : memref<32768x1024xf32, #tpu.memory_space<hbm>> -> memref<16x1024xf32, #tpu.memory_space<hbm>>
    tpu.enqueue_dma source(%arg8 : memref<16x1024xf32, #tpu.memory_space<vmem>>) target(%dma_start3A_557 : memref<16x1024xf32, #tpu.memory_space<hbm>>) target_semaphore(%arg20 : memref<!tpu.dma_semaphore, #tpu.memory_space<semaphore_mem>>)
    %dma_wait3A_558 = arith.constant 0 : i32
    %dma_wait3A_559 = tpu.memref_slice %arg4[%add3A_473, %dma_wait3A_558] : memref<32768x1024xf32, #tpu.memory_space<hbm>> -> memref<16x1024xf32, #tpu.memory_space<hbm>>
    %dma_wait3A_560 = arith.constant 0 : i32
    %dma_wait3A_561 = tpu.memref_slice %arg4[%add3A_473, %dma_wait3A_560] : memref<32768x1024xf32, #tpu.memory_space<hbm>> -> memref<16x1024xf32, #tpu.memory_space<hbm>>
    tpu.wait_dma2 semaphore(%arg22 : memref<!tpu.dma_semaphore, #tpu.memory_space<semaphore_mem>>) src(%arg10 : memref<16x1024xf32, #tpu.memory_space<vmem>>) dst(%dma_wait3A_561 : memref<16x1024xf32, #tpu.memory_space<hbm>>)
    %dma_start3A_562 = arith.constant 448 : i32
    %dma_start3A_563 = tpu.memref_slice %arg5[%dma_start3A_562] : memref<1024xi32, #tpu.memory_space<vmem>> -> memref<16xi32, #tpu.memory_space<vmem>>
    %dma_start3A_564 = arith.constant 0 : i32
    %dma_start3A_565 = arith.constant 0 : i32
    %dma_start3A_566 = tpu.memref_slice %arg2[%dma_start3A_564, %dma_start3A_565] : memref<8192x1024xf32, #tpu.memory_space<hbm>> -> memref<8192x1024xf32, #tpu.memory_space<hbm>>
    tpu.enqueue_indirect_dma source(%dma_start3A_566 : memref<8192x1024xf32, #tpu.memory_space<hbm>>) target(%arg10 : memref<16x1024xf32, #tpu.memory_space<vmem>>) offsets(%dma_start3A_563 : memref<16xi32, #tpu.memory_space<vmem>>) semaphore(%arg16 : memref<!tpu.dma_semaphore, #tpu.memory_space<semaphore_mem>>)
    %dma_wait3A_567 = arith.constant 432 : i32
    %dma_wait3A_568 = tpu.memref_slice %arg5[%dma_wait3A_567] : memref<1024xi32, #tpu.memory_space<vmem>> -> memref<16xi32, #tpu.memory_space<vmem>>
    %dma_wait3A_569 = arith.constant 0 : i32
    %dma_wait3A_570 = arith.constant 0 : i32
    %dma_wait3A_571 = tpu.memref_slice %arg2[%dma_wait3A_569, %dma_wait3A_570] : memref<8192x1024xf32, #tpu.memory_space<hbm>> -> memref<8192x1024xf32, #tpu.memory_space<hbm>>
    tpu.wait_indirect_dma semaphore(%arg15 : memref<!tpu.dma_semaphore, #tpu.memory_space<semaphore_mem>>) src(%dma_wait3A_571 : memref<8192x1024xf32, #tpu.memory_space<hbm>>) dst(%arg9 : memref<16x1024xf32, #tpu.memory_space<vmem>>)
    %add3A_572 = arith.constant 432 : i32
    %add3A_573 = arith.addi %mul3A_2, %add3A_572 : i32
    %dma_start3A_574 = arith.constant 0 : i32
    %dma_start3A_575 = tpu.memref_slice %arg4[%add3A_573, %dma_start3A_574] : memref<32768x1024xf32, #tpu.memory_space<hbm>> -> memref<16x1024xf32, #tpu.memory_space<hbm>>
    %dma_start3A_576 = arith.constant 0 : i32
    %dma_start3A_577 = tpu.memref_slice %arg4[%add3A_573, %dma_start3A_576] : memref<32768x1024xf32, #tpu.memory_space<hbm>> -> memref<16x1024xf32, #tpu.memory_space<hbm>>
    tpu.enqueue_dma source(%arg9 : memref<16x1024xf32, #tpu.memory_space<vmem>>) target(%dma_start3A_577 : memref<16x1024xf32, #tpu.memory_space<hbm>>) target_semaphore(%arg21 : memref<!tpu.dma_semaphore, #tpu.memory_space<semaphore_mem>>)
    %dma_wait3A_578 = arith.constant 0 : i32
    %dma_wait3A_579 = tpu.memref_slice %arg4[%add3A_493, %dma_wait3A_578] : memref<32768x1024xf32, #tpu.memory_space<hbm>> -> memref<16x1024xf32, #tpu.memory_space<hbm>>
    %dma_wait3A_580 = arith.constant 0 : i32
    %dma_wait3A_581 = tpu.memref_slice %arg4[%add3A_493, %dma_wait3A_580] : memref<32768x1024xf32, #tpu.memory_space<hbm>> -> memref<16x1024xf32, #tpu.memory_space<hbm>>
    tpu.wait_dma2 semaphore(%arg23 : memref<!tpu.dma_semaphore, #tpu.memory_space<semaphore_mem>>) src(%arg11 : memref<16x1024xf32, #tpu.memory_space<vmem>>) dst(%dma_wait3A_581 : memref<16x1024xf32, #tpu.memory_space<hbm>>)
    %dma_start3A_582 = arith.constant 464 : i32
    %dma_start3A_583 = tpu.memref_slice %arg5[%dma_start3A_582] : memref<1024xi32, #tpu.memory_space<vmem>> -> memref<16xi32, #tpu.memory_space<vmem>>
    %dma_start3A_584 = arith.constant 0 : i32
    %dma_start3A_585 = arith.constant 0 : i32
    %dma_start3A_586 = tpu.memref_slice %arg2[%dma_start3A_584, %dma_start3A_585] : memref<8192x1024xf32, #tpu.memory_space<hbm>> -> memref<8192x1024xf32, #tpu.memory_space<hbm>>
    tpu.enqueue_indirect_dma source(%dma_start3A_586 : memref<8192x1024xf32, #tpu.memory_space<hbm>>) target(%arg11 : memref<16x1024xf32, #tpu.memory_space<vmem>>) offsets(%dma_start3A_583 : memref<16xi32, #tpu.memory_space<vmem>>) semaphore(%arg17 : memref<!tpu.dma_semaphore, #tpu.memory_space<semaphore_mem>>)
    %dma_wait3A_587 = arith.constant 448 : i32
    %dma_wait3A_588 = tpu.memref_slice %arg5[%dma_wait3A_587] : memref<1024xi32, #tpu.memory_space<vmem>> -> memref<16xi32, #tpu.memory_space<vmem>>
    %dma_wait3A_589 = arith.constant 0 : i32
    %dma_wait3A_590 = arith.constant 0 : i32
    %dma_wait3A_591 = tpu.memref_slice %arg2[%dma_wait3A_589, %dma_wait3A_590] : memref<8192x1024xf32, #tpu.memory_space<hbm>> -> memref<8192x1024xf32, #tpu.memory_space<hbm>>
    tpu.wait_indirect_dma semaphore(%arg16 : memref<!tpu.dma_semaphore, #tpu.memory_space<semaphore_mem>>) src(%dma_wait3A_591 : memref<8192x1024xf32, #tpu.memory_space<hbm>>) dst(%arg10 : memref<16x1024xf32, #tpu.memory_space<vmem>>)
    %add3A_592 = arith.constant 448 : i32
    %add3A_593 = arith.addi %mul3A_2, %add3A_592 : i32
    %dma_start3A_594 = arith.constant 0 : i32
    %dma_start3A_595 = tpu.memref_slice %arg4[%add3A_593, %dma_start3A_594] : memref<32768x1024xf32, #tpu.memory_space<hbm>> -> memref<16x1024xf32, #tpu.memory_space<hbm>>
    %dma_start3A_596 = arith.constant 0 : i32
    %dma_start3A_597 = tpu.memref_slice %arg4[%add3A_593, %dma_start3A_596] : memref<32768x1024xf32, #tpu.memory_space<hbm>> -> memref<16x1024xf32, #tpu.memory_space<hbm>>
    tpu.enqueue_dma source(%arg10 : memref<16x1024xf32, #tpu.memory_space<vmem>>) target(%dma_start3A_597 : memref<16x1024xf32, #tpu.memory_space<hbm>>) target_semaphore(%arg22 : memref<!tpu.dma_semaphore, #tpu.memory_space<semaphore_mem>>)
    %dma_wait3A_598 = arith.constant 0 : i32
    %dma_wait3A_599 = tpu.memref_slice %arg4[%add3A_513, %dma_wait3A_598] : memref<32768x1024xf32, #tpu.memory_space<hbm>> -> memref<16x1024xf32, #tpu.memory_space<hbm>>
    %dma_wait3A_600 = arith.constant 0 : i32
    %dma_wait3A_601 = tpu.memref_slice %arg4[%add3A_513, %dma_wait3A_600] : memref<32768x1024xf32, #tpu.memory_space<hbm>> -> memref<16x1024xf32, #tpu.memory_space<hbm>>
    tpu.wait_dma2 semaphore(%arg18 : memref<!tpu.dma_semaphore, #tpu.memory_space<semaphore_mem>>) src(%arg6 : memref<16x1024xf32, #tpu.memory_space<vmem>>) dst(%dma_wait3A_601 : memref<16x1024xf32, #tpu.memory_space<hbm>>)
    %dma_start3A_602 = arith.constant 480 : i32
    %dma_start3A_603 = tpu.memref_slice %arg5[%dma_start3A_602] : memref<1024xi32, #tpu.memory_space<vmem>> -> memref<16xi32, #tpu.memory_space<vmem>>
    %dma_start3A_604 = arith.constant 0 : i32
    %dma_start3A_605 = arith.constant 0 : i32
    %dma_start3A_606 = tpu.memref_slice %arg2[%dma_start3A_604, %dma_start3A_605] : memref<8192x1024xf32, #tpu.memory_space<hbm>> -> memref<8192x1024xf32, #tpu.memory_space<hbm>>
    tpu.enqueue_indirect_dma source(%dma_start3A_606 : memref<8192x1024xf32, #tpu.memory_space<hbm>>) target(%arg6 : memref<16x1024xf32, #tpu.memory_space<vmem>>) offsets(%dma_start3A_603 : memref<16xi32, #tpu.memory_space<vmem>>) semaphore(%arg12 : memref<!tpu.dma_semaphore, #tpu.memory_space<semaphore_mem>>)
    %dma_wait3A_607 = arith.constant 464 : i32
    %dma_wait3A_608 = tpu.memref_slice %arg5[%dma_wait3A_607] : memref<1024xi32, #tpu.memory_space<vmem>> -> memref<16xi32, #tpu.memory_space<vmem>>
    %dma_wait3A_609 = arith.constant 0 : i32
    %dma_wait3A_610 = arith.constant 0 : i32
    %dma_wait3A_611 = tpu.memref_slice %arg2[%dma_wait3A_609, %dma_wait3A_610] : memref<8192x1024xf32, #tpu.memory_space<hbm>> -> memref<8192x1024xf32, #tpu.memory_space<hbm>>
    tpu.wait_indirect_dma semaphore(%arg17 : memref<!tpu.dma_semaphore, #tpu.memory_space<semaphore_mem>>) src(%dma_wait3A_611 : memref<8192x1024xf32, #tpu.memory_space<hbm>>) dst(%arg11 : memref<16x1024xf32, #tpu.memory_space<vmem>>)
    %add3A_612 = arith.constant 464 : i32
    %add3A_613 = arith.addi %mul3A_2, %add3A_612 : i32
    %dma_start3A_614 = arith.constant 0 : i32
    %dma_start3A_615 = tpu.memref_slice %arg4[%add3A_613, %dma_start3A_614] : memref<32768x1024xf32, #tpu.memory_space<hbm>> -> memref<16x1024xf32, #tpu.memory_space<hbm>>
    %dma_start3A_616 = arith.constant 0 : i32
    %dma_start3A_617 = tpu.memref_slice %arg4[%add3A_613, %dma_start3A_616] : memref<32768x1024xf32, #tpu.memory_space<hbm>> -> memref<16x1024xf32, #tpu.memory_space<hbm>>
    tpu.enqueue_dma source(%arg11 : memref<16x1024xf32, #tpu.memory_space<vmem>>) target(%dma_start3A_617 : memref<16x1024xf32, #tpu.memory_space<hbm>>) target_semaphore(%arg23 : memref<!tpu.dma_semaphore, #tpu.memory_space<semaphore_mem>>)
    %dma_wait3A_618 = arith.constant 0 : i32
    %dma_wait3A_619 = tpu.memref_slice %arg4[%add3A_533, %dma_wait3A_618] : memref<32768x1024xf32, #tpu.memory_space<hbm>> -> memref<16x1024xf32, #tpu.memory_space<hbm>>
    %dma_wait3A_620 = arith.constant 0 : i32
    %dma_wait3A_621 = tpu.memref_slice %arg4[%add3A_533, %dma_wait3A_620] : memref<32768x1024xf32, #tpu.memory_space<hbm>> -> memref<16x1024xf32, #tpu.memory_space<hbm>>
    tpu.wait_dma2 semaphore(%arg19 : memref<!tpu.dma_semaphore, #tpu.memory_space<semaphore_mem>>) src(%arg7 : memref<16x1024xf32, #tpu.memory_space<vmem>>) dst(%dma_wait3A_621 : memref<16x1024xf32, #tpu.memory_space<hbm>>)
    %dma_start3A_622 = arith.constant 496 : i32
    %dma_start3A_623 = tpu.memref_slice %arg5[%dma_start3A_622] : memref<1024xi32, #tpu.memory_space<vmem>> -> memref<16xi32, #tpu.memory_space<vmem>>
    %dma_start3A_624 = arith.constant 0 : i32
    %dma_start3A_625 = arith.constant 0 : i32
    %dma_start3A_626 = tpu.memref_slice %arg2[%dma_start3A_624, %dma_start3A_625] : memref<8192x1024xf32, #tpu.memory_space<hbm>> -> memref<8192x1024xf32, #tpu.memory_space<hbm>>
    tpu.enqueue_indirect_dma source(%dma_start3A_626 : memref<8192x1024xf32, #tpu.memory_space<hbm>>) target(%arg7 : memref<16x1024xf32, #tpu.memory_space<vmem>>) offsets(%dma_start3A_623 : memref<16xi32, #tpu.memory_space<vmem>>) semaphore(%arg13 : memref<!tpu.dma_semaphore, #tpu.memory_space<semaphore_mem>>)
    %dma_wait3A_627 = arith.constant 480 : i32
    %dma_wait3A_628 = tpu.memref_slice %arg5[%dma_wait3A_627] : memref<1024xi32, #tpu.memory_space<vmem>> -> memref<16xi32, #tpu.memory_space<vmem>>
    %dma_wait3A_629 = arith.constant 0 : i32
    %dma_wait3A_630 = arith.constant 0 : i32
    %dma_wait3A_631 = tpu.memref_slice %arg2[%dma_wait3A_629, %dma_wait3A_630] : memref<8192x1024xf32, #tpu.memory_space<hbm>> -> memref<8192x1024xf32, #tpu.memory_space<hbm>>
    tpu.wait_indirect_dma semaphore(%arg12 : memref<!tpu.dma_semaphore, #tpu.memory_space<semaphore_mem>>) src(%dma_wait3A_631 : memref<8192x1024xf32, #tpu.memory_space<hbm>>) dst(%arg6 : memref<16x1024xf32, #tpu.memory_space<vmem>>)
    %add3A_632 = arith.constant 480 : i32
    %add3A_633 = arith.addi %mul3A_2, %add3A_632 : i32
    %dma_start3A_634 = arith.constant 0 : i32
    %dma_start3A_635 = tpu.memref_slice %arg4[%add3A_633, %dma_start3A_634] : memref<32768x1024xf32, #tpu.memory_space<hbm>> -> memref<16x1024xf32, #tpu.memory_space<hbm>>
    %dma_start3A_636 = arith.constant 0 : i32
    %dma_start3A_637 = tpu.memref_slice %arg4[%add3A_633, %dma_start3A_636] : memref<32768x1024xf32, #tpu.memory_space<hbm>> -> memref<16x1024xf32, #tpu.memory_space<hbm>>
    tpu.enqueue_dma source(%arg6 : memref<16x1024xf32, #tpu.memory_space<vmem>>) target(%dma_start3A_637 : memref<16x1024xf32, #tpu.memory_space<hbm>>) target_semaphore(%arg18 : memref<!tpu.dma_semaphore, #tpu.memory_space<semaphore_mem>>)
    %dma_wait3A_638 = arith.constant 0 : i32
    %dma_wait3A_639 = tpu.memref_slice %arg4[%add3A_553, %dma_wait3A_638] : memref<32768x1024xf32, #tpu.memory_space<hbm>> -> memref<16x1024xf32, #tpu.memory_space<hbm>>
    %dma_wait3A_640 = arith.constant 0 : i32
    %dma_wait3A_641 = tpu.memref_slice %arg4[%add3A_553, %dma_wait3A_640] : memref<32768x1024xf32, #tpu.memory_space<hbm>> -> memref<16x1024xf32, #tpu.memory_space<hbm>>
    tpu.wait_dma2 semaphore(%arg20 : memref<!tpu.dma_semaphore, #tpu.memory_space<semaphore_mem>>) src(%arg8 : memref<16x1024xf32, #tpu.memory_space<vmem>>) dst(%dma_wait3A_641 : memref<16x1024xf32, #tpu.memory_space<hbm>>)
    %dma_start3A_642 = arith.constant 512 : i32
    %dma_start3A_643 = tpu.memref_slice %arg5[%dma_start3A_642] : memref<1024xi32, #tpu.memory_space<vmem>> -> memref<16xi32, #tpu.memory_space<vmem>>
    %dma_start3A_644 = arith.constant 0 : i32
    %dma_start3A_645 = arith.constant 0 : i32
    %dma_start3A_646 = tpu.memref_slice %arg2[%dma_start3A_644, %dma_start3A_645] : memref<8192x1024xf32, #tpu.memory_space<hbm>> -> memref<8192x1024xf32, #tpu.memory_space<hbm>>
    tpu.enqueue_indirect_dma source(%dma_start3A_646 : memref<8192x1024xf32, #tpu.memory_space<hbm>>) target(%arg8 : memref<16x1024xf32, #tpu.memory_space<vmem>>) offsets(%dma_start3A_643 : memref<16xi32, #tpu.memory_space<vmem>>) semaphore(%arg14 : memref<!tpu.dma_semaphore, #tpu.memory_space<semaphore_mem>>)
    %dma_wait3A_647 = arith.constant 496 : i32
    %dma_wait3A_648 = tpu.memref_slice %arg5[%dma_wait3A_647] : memref<1024xi32, #tpu.memory_space<vmem>> -> memref<16xi32, #tpu.memory_space<vmem>>
    %dma_wait3A_649 = arith.constant 0 : i32
    %dma_wait3A_650 = arith.constant 0 : i32
    %dma_wait3A_651 = tpu.memref_slice %arg2[%dma_wait3A_649, %dma_wait3A_650] : memref<8192x1024xf32, #tpu.memory_space<hbm>> -> memref<8192x1024xf32, #tpu.memory_space<hbm>>
    tpu.wait_indirect_dma semaphore(%arg13 : memref<!tpu.dma_semaphore, #tpu.memory_space<semaphore_mem>>) src(%dma_wait3A_651 : memref<8192x1024xf32, #tpu.memory_space<hbm>>) dst(%arg7 : memref<16x1024xf32, #tpu.memory_space<vmem>>)
    %add3A_652 = arith.constant 496 : i32
    %add3A_653 = arith.addi %mul3A_2, %add3A_652 : i32
    %dma_start3A_654 = arith.constant 0 : i32
    %dma_start3A_655 = tpu.memref_slice %arg4[%add3A_653, %dma_start3A_654] : memref<32768x1024xf32, #tpu.memory_space<hbm>> -> memref<16x1024xf32, #tpu.memory_space<hbm>>
    %dma_start3A_656 = arith.constant 0 : i32
    %dma_start3A_657 = tpu.memref_slice %arg4[%add3A_653, %dma_start3A_656] : memref<32768x1024xf32, #tpu.memory_space<hbm>> -> memref<16x1024xf32, #tpu.memory_space<hbm>>
    tpu.enqueue_dma source(%arg7 : memref<16x1024xf32, #tpu.memory_space<vmem>>) target(%dma_start3A_657 : memref<16x1024xf32, #tpu.memory_space<hbm>>) target_semaphore(%arg19 : memref<!tpu.dma_semaphore, #tpu.memory_space<semaphore_mem>>)
    %dma_wait3A_658 = arith.constant 0 : i32
    %dma_wait3A_659 = tpu.memref_slice %arg4[%add3A_573, %dma_wait3A_658] : memref<32768x1024xf32, #tpu.memory_space<hbm>> -> memref<16x1024xf32, #tpu.memory_space<hbm>>
    %dma_wait3A_660 = arith.constant 0 : i32
    %dma_wait3A_661 = tpu.memref_slice %arg4[%add3A_573, %dma_wait3A_660] : memref<32768x1024xf32, #tpu.memory_space<hbm>> -> memref<16x1024xf32, #tpu.memory_space<hbm>>
    tpu.wait_dma2 semaphore(%arg21 : memref<!tpu.dma_semaphore, #tpu.memory_space<semaphore_mem>>) src(%arg9 : memref<16x1024xf32, #tpu.memory_space<vmem>>) dst(%dma_wait3A_661 : memref<16x1024xf32, #tpu.memory_space<hbm>>)
    %dma_start3A_662 = arith.constant 528 : i32
    %dma_start3A_663 = tpu.memref_slice %arg5[%dma_start3A_662] : memref<1024xi32, #tpu.memory_space<vmem>> -> memref<16xi32, #tpu.memory_space<vmem>>
    %dma_start3A_664 = arith.constant 0 : i32
    %dma_start3A_665 = arith.constant 0 : i32
    %dma_start3A_666 = tpu.memref_slice %arg2[%dma_start3A_664, %dma_start3A_665] : memref<8192x1024xf32, #tpu.memory_space<hbm>> -> memref<8192x1024xf32, #tpu.memory_space<hbm>>
    tpu.enqueue_indirect_dma source(%dma_start3A_666 : memref<8192x1024xf32, #tpu.memory_space<hbm>>) target(%arg9 : memref<16x1024xf32, #tpu.memory_space<vmem>>) offsets(%dma_start3A_663 : memref<16xi32, #tpu.memory_space<vmem>>) semaphore(%arg15 : memref<!tpu.dma_semaphore, #tpu.memory_space<semaphore_mem>>)
    %dma_wait3A_667 = arith.constant 512 : i32
    %dma_wait3A_668 = tpu.memref_slice %arg5[%dma_wait3A_667] : memref<1024xi32, #tpu.memory_space<vmem>> -> memref<16xi32, #tpu.memory_space<vmem>>
    %dma_wait3A_669 = arith.constant 0 : i32
    %dma_wait3A_670 = arith.constant 0 : i32
    %dma_wait3A_671 = tpu.memref_slice %arg2[%dma_wait3A_669, %dma_wait3A_670] : memref<8192x1024xf32, #tpu.memory_space<hbm>> -> memref<8192x1024xf32, #tpu.memory_space<hbm>>
    tpu.wait_indirect_dma semaphore(%arg14 : memref<!tpu.dma_semaphore, #tpu.memory_space<semaphore_mem>>) src(%dma_wait3A_671 : memref<8192x1024xf32, #tpu.memory_space<hbm>>) dst(%arg8 : memref<16x1024xf32, #tpu.memory_space<vmem>>)
    %add3A_672 = arith.constant 512 : i32
    %add3A_673 = arith.addi %mul3A_2, %add3A_672 : i32
    %dma_start3A_674 = arith.constant 0 : i32
    %dma_start3A_675 = tpu.memref_slice %arg4[%add3A_673, %dma_start3A_674] : memref<32768x1024xf32, #tpu.memory_space<hbm>> -> memref<16x1024xf32, #tpu.memory_space<hbm>>
    %dma_start3A_676 = arith.constant 0 : i32
    %dma_start3A_677 = tpu.memref_slice %arg4[%add3A_673, %dma_start3A_676] : memref<32768x1024xf32, #tpu.memory_space<hbm>> -> memref<16x1024xf32, #tpu.memory_space<hbm>>
    tpu.enqueue_dma source(%arg8 : memref<16x1024xf32, #tpu.memory_space<vmem>>) target(%dma_start3A_677 : memref<16x1024xf32, #tpu.memory_space<hbm>>) target_semaphore(%arg20 : memref<!tpu.dma_semaphore, #tpu.memory_space<semaphore_mem>>)
    %dma_wait3A_678 = arith.constant 0 : i32
    %dma_wait3A_679 = tpu.memref_slice %arg4[%add3A_593, %dma_wait3A_678] : memref<32768x1024xf32, #tpu.memory_space<hbm>> -> memref<16x1024xf32, #tpu.memory_space<hbm>>
    %dma_wait3A_680 = arith.constant 0 : i32
    %dma_wait3A_681 = tpu.memref_slice %arg4[%add3A_593, %dma_wait3A_680] : memref<32768x1024xf32, #tpu.memory_space<hbm>> -> memref<16x1024xf32, #tpu.memory_space<hbm>>
    tpu.wait_dma2 semaphore(%arg22 : memref<!tpu.dma_semaphore, #tpu.memory_space<semaphore_mem>>) src(%arg10 : memref<16x1024xf32, #tpu.memory_space<vmem>>) dst(%dma_wait3A_681 : memref<16x1024xf32, #tpu.memory_space<hbm>>)
    %dma_start3A_682 = arith.constant 544 : i32
    %dma_start3A_683 = tpu.memref_slice %arg5[%dma_start3A_682] : memref<1024xi32, #tpu.memory_space<vmem>> -> memref<16xi32, #tpu.memory_space<vmem>>
    %dma_start3A_684 = arith.constant 0 : i32
    %dma_start3A_685 = arith.constant 0 : i32
    %dma_start3A_686 = tpu.memref_slice %arg2[%dma_start3A_684, %dma_start3A_685] : memref<8192x1024xf32, #tpu.memory_space<hbm>> -> memref<8192x1024xf32, #tpu.memory_space<hbm>>
    tpu.enqueue_indirect_dma source(%dma_start3A_686 : memref<8192x1024xf32, #tpu.memory_space<hbm>>) target(%arg10 : memref<16x1024xf32, #tpu.memory_space<vmem>>) offsets(%dma_start3A_683 : memref<16xi32, #tpu.memory_space<vmem>>) semaphore(%arg16 : memref<!tpu.dma_semaphore, #tpu.memory_space<semaphore_mem>>)
    %dma_wait3A_687 = arith.constant 528 : i32
    %dma_wait3A_688 = tpu.memref_slice %arg5[%dma_wait3A_687] : memref<1024xi32, #tpu.memory_space<vmem>> -> memref<16xi32, #tpu.memory_space<vmem>>
    %dma_wait3A_689 = arith.constant 0 : i32
    %dma_wait3A_690 = arith.constant 0 : i32
    %dma_wait3A_691 = tpu.memref_slice %arg2[%dma_wait3A_689, %dma_wait3A_690] : memref<8192x1024xf32, #tpu.memory_space<hbm>> -> memref<8192x1024xf32, #tpu.memory_space<hbm>>
    tpu.wait_indirect_dma semaphore(%arg15 : memref<!tpu.dma_semaphore, #tpu.memory_space<semaphore_mem>>) src(%dma_wait3A_691 : memref<8192x1024xf32, #tpu.memory_space<hbm>>) dst(%arg9 : memref<16x1024xf32, #tpu.memory_space<vmem>>)
    %add3A_692 = arith.constant 528 : i32
    %add3A_693 = arith.addi %mul3A_2, %add3A_692 : i32
    %dma_start3A_694 = arith.constant 0 : i32
    %dma_start3A_695 = tpu.memref_slice %arg4[%add3A_693, %dma_start3A_694] : memref<32768x1024xf32, #tpu.memory_space<hbm>> -> memref<16x1024xf32, #tpu.memory_space<hbm>>
    %dma_start3A_696 = arith.constant 0 : i32
    %dma_start3A_697 = tpu.memref_slice %arg4[%add3A_693, %dma_start3A_696] : memref<32768x1024xf32, #tpu.memory_space<hbm>> -> memref<16x1024xf32, #tpu.memory_space<hbm>>
    tpu.enqueue_dma source(%arg9 : memref<16x1024xf32, #tpu.memory_space<vmem>>) target(%dma_start3A_697 : memref<16x1024xf32, #tpu.memory_space<hbm>>) target_semaphore(%arg21 : memref<!tpu.dma_semaphore, #tpu.memory_space<semaphore_mem>>)
    %dma_wait3A_698 = arith.constant 0 : i32
    %dma_wait3A_699 = tpu.memref_slice %arg4[%add3A_613, %dma_wait3A_698] : memref<32768x1024xf32, #tpu.memory_space<hbm>> -> memref<16x1024xf32, #tpu.memory_space<hbm>>
    %dma_wait3A_700 = arith.constant 0 : i32
    %dma_wait3A_701 = tpu.memref_slice %arg4[%add3A_613, %dma_wait3A_700] : memref<32768x1024xf32, #tpu.memory_space<hbm>> -> memref<16x1024xf32, #tpu.memory_space<hbm>>
    tpu.wait_dma2 semaphore(%arg23 : memref<!tpu.dma_semaphore, #tpu.memory_space<semaphore_mem>>) src(%arg11 : memref<16x1024xf32, #tpu.memory_space<vmem>>) dst(%dma_wait3A_701 : memref<16x1024xf32, #tpu.memory_space<hbm>>)
    %dma_start3A_702 = arith.constant 560 : i32
    %dma_start3A_703 = tpu.memref_slice %arg5[%dma_start3A_702] : memref<1024xi32, #tpu.memory_space<vmem>> -> memref<16xi32, #tpu.memory_space<vmem>>
    %dma_start3A_704 = arith.constant 0 : i32
    %dma_start3A_705 = arith.constant 0 : i32
    %dma_start3A_706 = tpu.memref_slice %arg2[%dma_start3A_704, %dma_start3A_705] : memref<8192x1024xf32, #tpu.memory_space<hbm>> -> memref<8192x1024xf32, #tpu.memory_space<hbm>>
    tpu.enqueue_indirect_dma source(%dma_start3A_706 : memref<8192x1024xf32, #tpu.memory_space<hbm>>) target(%arg11 : memref<16x1024xf32, #tpu.memory_space<vmem>>) offsets(%dma_start3A_703 : memref<16xi32, #tpu.memory_space<vmem>>) semaphore(%arg17 : memref<!tpu.dma_semaphore, #tpu.memory_space<semaphore_mem>>)
    %dma_wait3A_707 = arith.constant 544 : i32
    %dma_wait3A_708 = tpu.memref_slice %arg5[%dma_wait3A_707] : memref<1024xi32, #tpu.memory_space<vmem>> -> memref<16xi32, #tpu.memory_space<vmem>>
    %dma_wait3A_709 = arith.constant 0 : i32
    %dma_wait3A_710 = arith.constant 0 : i32
    %dma_wait3A_711 = tpu.memref_slice %arg2[%dma_wait3A_709, %dma_wait3A_710] : memref<8192x1024xf32, #tpu.memory_space<hbm>> -> memref<8192x1024xf32, #tpu.memory_space<hbm>>
    tpu.wait_indirect_dma semaphore(%arg16 : memref<!tpu.dma_semaphore, #tpu.memory_space<semaphore_mem>>) src(%dma_wait3A_711 : memref<8192x1024xf32, #tpu.memory_space<hbm>>) dst(%arg10 : memref<16x1024xf32, #tpu.memory_space<vmem>>)
    %add3A_712 = arith.constant 544 : i32
    %add3A_713 = arith.addi %mul3A_2, %add3A_712 : i32
    %dma_start3A_714 = arith.constant 0 : i32
    %dma_start3A_715 = tpu.memref_slice %arg4[%add3A_713, %dma_start3A_714] : memref<32768x1024xf32, #tpu.memory_space<hbm>> -> memref<16x1024xf32, #tpu.memory_space<hbm>>
    %dma_start3A_716 = arith.constant 0 : i32
    %dma_start3A_717 = tpu.memref_slice %arg4[%add3A_713, %dma_start3A_716] : memref<32768x1024xf32, #tpu.memory_space<hbm>> -> memref<16x1024xf32, #tpu.memory_space<hbm>>
    tpu.enqueue_dma source(%arg10 : memref<16x1024xf32, #tpu.memory_space<vmem>>) target(%dma_start3A_717 : memref<16x1024xf32, #tpu.memory_space<hbm>>) target_semaphore(%arg22 : memref<!tpu.dma_semaphore, #tpu.memory_space<semaphore_mem>>)
    %dma_wait3A_718 = arith.constant 0 : i32
    %dma_wait3A_719 = tpu.memref_slice %arg4[%add3A_633, %dma_wait3A_718] : memref<32768x1024xf32, #tpu.memory_space<hbm>> -> memref<16x1024xf32, #tpu.memory_space<hbm>>
    %dma_wait3A_720 = arith.constant 0 : i32
    %dma_wait3A_721 = tpu.memref_slice %arg4[%add3A_633, %dma_wait3A_720] : memref<32768x1024xf32, #tpu.memory_space<hbm>> -> memref<16x1024xf32, #tpu.memory_space<hbm>>
    tpu.wait_dma2 semaphore(%arg18 : memref<!tpu.dma_semaphore, #tpu.memory_space<semaphore_mem>>) src(%arg6 : memref<16x1024xf32, #tpu.memory_space<vmem>>) dst(%dma_wait3A_721 : memref<16x1024xf32, #tpu.memory_space<hbm>>)
    %dma_start3A_722 = arith.constant 576 : i32
    %dma_start3A_723 = tpu.memref_slice %arg5[%dma_start3A_722] : memref<1024xi32, #tpu.memory_space<vmem>> -> memref<16xi32, #tpu.memory_space<vmem>>
    %dma_start3A_724 = arith.constant 0 : i32
    %dma_start3A_725 = arith.constant 0 : i32
    %dma_start3A_726 = tpu.memref_slice %arg2[%dma_start3A_724, %dma_start3A_725] : memref<8192x1024xf32, #tpu.memory_space<hbm>> -> memref<8192x1024xf32, #tpu.memory_space<hbm>>
    tpu.enqueue_indirect_dma source(%dma_start3A_726 : memref<8192x1024xf32, #tpu.memory_space<hbm>>) target(%arg6 : memref<16x1024xf32, #tpu.memory_space<vmem>>) offsets(%dma_start3A_723 : memref<16xi32, #tpu.memory_space<vmem>>) semaphore(%arg12 : memref<!tpu.dma_semaphore, #tpu.memory_space<semaphore_mem>>)
    %dma_wait3A_727 = arith.constant 560 : i32
    %dma_wait3A_728 = tpu.memref_slice %arg5[%dma_wait3A_727] : memref<1024xi32, #tpu.memory_space<vmem>> -> memref<16xi32, #tpu.memory_space<vmem>>
    %dma_wait3A_729 = arith.constant 0 : i32
    %dma_wait3A_730 = arith.constant 0 : i32
    %dma_wait3A_731 = tpu.memref_slice %arg2[%dma_wait3A_729, %dma_wait3A_730] : memref<8192x1024xf32, #tpu.memory_space<hbm>> -> memref<8192x1024xf32, #tpu.memory_space<hbm>>
    tpu.wait_indirect_dma semaphore(%arg17 : memref<!tpu.dma_semaphore, #tpu.memory_space<semaphore_mem>>) src(%dma_wait3A_731 : memref<8192x1024xf32, #tpu.memory_space<hbm>>) dst(%arg11 : memref<16x1024xf32, #tpu.memory_space<vmem>>)
    %add3A_732 = arith.constant 560 : i32
    %add3A_733 = arith.addi %mul3A_2, %add3A_732 : i32
    %dma_start3A_734 = arith.constant 0 : i32
    %dma_start3A_735 = tpu.memref_slice %arg4[%add3A_733, %dma_start3A_734] : memref<32768x1024xf32, #tpu.memory_space<hbm>> -> memref<16x1024xf32, #tpu.memory_space<hbm>>
    %dma_start3A_736 = arith.constant 0 : i32
    %dma_start3A_737 = tpu.memref_slice %arg4[%add3A_733, %dma_start3A_736] : memref<32768x1024xf32, #tpu.memory_space<hbm>> -> memref<16x1024xf32, #tpu.memory_space<hbm>>
    tpu.enqueue_dma source(%arg11 : memref<16x1024xf32, #tpu.memory_space<vmem>>) target(%dma_start3A_737 : memref<16x1024xf32, #tpu.memory_space<hbm>>) target_semaphore(%arg23 : memref<!tpu.dma_semaphore, #tpu.memory_space<semaphore_mem>>)
    %dma_wait3A_738 = arith.constant 0 : i32
    %dma_wait3A_739 = tpu.memref_slice %arg4[%add3A_653, %dma_wait3A_738] : memref<32768x1024xf32, #tpu.memory_space<hbm>> -> memref<16x1024xf32, #tpu.memory_space<hbm>>
    %dma_wait3A_740 = arith.constant 0 : i32
    %dma_wait3A_741 = tpu.memref_slice %arg4[%add3A_653, %dma_wait3A_740] : memref<32768x1024xf32, #tpu.memory_space<hbm>> -> memref<16x1024xf32, #tpu.memory_space<hbm>>
    tpu.wait_dma2 semaphore(%arg19 : memref<!tpu.dma_semaphore, #tpu.memory_space<semaphore_mem>>) src(%arg7 : memref<16x1024xf32, #tpu.memory_space<vmem>>) dst(%dma_wait3A_741 : memref<16x1024xf32, #tpu.memory_space<hbm>>)
    %dma_start3A_742 = arith.constant 592 : i32
    %dma_start3A_743 = tpu.memref_slice %arg5[%dma_start3A_742] : memref<1024xi32, #tpu.memory_space<vmem>> -> memref<16xi32, #tpu.memory_space<vmem>>
    %dma_start3A_744 = arith.constant 0 : i32
    %dma_start3A_745 = arith.constant 0 : i32
    %dma_start3A_746 = tpu.memref_slice %arg2[%dma_start3A_744, %dma_start3A_745] : memref<8192x1024xf32, #tpu.memory_space<hbm>> -> memref<8192x1024xf32, #tpu.memory_space<hbm>>
    tpu.enqueue_indirect_dma source(%dma_start3A_746 : memref<8192x1024xf32, #tpu.memory_space<hbm>>) target(%arg7 : memref<16x1024xf32, #tpu.memory_space<vmem>>) offsets(%dma_start3A_743 : memref<16xi32, #tpu.memory_space<vmem>>) semaphore(%arg13 : memref<!tpu.dma_semaphore, #tpu.memory_space<semaphore_mem>>)
    %dma_wait3A_747 = arith.constant 576 : i32
    %dma_wait3A_748 = tpu.memref_slice %arg5[%dma_wait3A_747] : memref<1024xi32, #tpu.memory_space<vmem>> -> memref<16xi32, #tpu.memory_space<vmem>>
    %dma_wait3A_749 = arith.constant 0 : i32
    %dma_wait3A_750 = arith.constant 0 : i32
    %dma_wait3A_751 = tpu.memref_slice %arg2[%dma_wait3A_749, %dma_wait3A_750] : memref<8192x1024xf32, #tpu.memory_space<hbm>> -> memref<8192x1024xf32, #tpu.memory_space<hbm>>
    tpu.wait_indirect_dma semaphore(%arg12 : memref<!tpu.dma_semaphore, #tpu.memory_space<semaphore_mem>>) src(%dma_wait3A_751 : memref<8192x1024xf32, #tpu.memory_space<hbm>>) dst(%arg6 : memref<16x1024xf32, #tpu.memory_space<vmem>>)
    %add3A_752 = arith.constant 576 : i32
    %add3A_753 = arith.addi %mul3A_2, %add3A_752 : i32
    %dma_start3A_754 = arith.constant 0 : i32
    %dma_start3A_755 = tpu.memref_slice %arg4[%add3A_753, %dma_start3A_754] : memref<32768x1024xf32, #tpu.memory_space<hbm>> -> memref<16x1024xf32, #tpu.memory_space<hbm>>
    %dma_start3A_756 = arith.constant 0 : i32
    %dma_start3A_757 = tpu.memref_slice %arg4[%add3A_753, %dma_start3A_756] : memref<32768x1024xf32, #tpu.memory_space<hbm>> -> memref<16x1024xf32, #tpu.memory_space<hbm>>
    tpu.enqueue_dma source(%arg6 : memref<16x1024xf32, #tpu.memory_space<vmem>>) target(%dma_start3A_757 : memref<16x1024xf32, #tpu.memory_space<hbm>>) target_semaphore(%arg18 : memref<!tpu.dma_semaphore, #tpu.memory_space<semaphore_mem>>)
    %dma_wait3A_758 = arith.constant 0 : i32
    %dma_wait3A_759 = tpu.memref_slice %arg4[%add3A_673, %dma_wait3A_758] : memref<32768x1024xf32, #tpu.memory_space<hbm>> -> memref<16x1024xf32, #tpu.memory_space<hbm>>
    %dma_wait3A_760 = arith.constant 0 : i32
    %dma_wait3A_761 = tpu.memref_slice %arg4[%add3A_673, %dma_wait3A_760] : memref<32768x1024xf32, #tpu.memory_space<hbm>> -> memref<16x1024xf32, #tpu.memory_space<hbm>>
    tpu.wait_dma2 semaphore(%arg20 : memref<!tpu.dma_semaphore, #tpu.memory_space<semaphore_mem>>) src(%arg8 : memref<16x1024xf32, #tpu.memory_space<vmem>>) dst(%dma_wait3A_761 : memref<16x1024xf32, #tpu.memory_space<hbm>>)
    %dma_start3A_762 = arith.constant 608 : i32
    %dma_start3A_763 = tpu.memref_slice %arg5[%dma_start3A_762] : memref<1024xi32, #tpu.memory_space<vmem>> -> memref<16xi32, #tpu.memory_space<vmem>>
    %dma_start3A_764 = arith.constant 0 : i32
    %dma_start3A_765 = arith.constant 0 : i32
    %dma_start3A_766 = tpu.memref_slice %arg2[%dma_start3A_764, %dma_start3A_765] : memref<8192x1024xf32, #tpu.memory_space<hbm>> -> memref<8192x1024xf32, #tpu.memory_space<hbm>>
    tpu.enqueue_indirect_dma source(%dma_start3A_766 : memref<8192x1024xf32, #tpu.memory_space<hbm>>) target(%arg8 : memref<16x1024xf32, #tpu.memory_space<vmem>>) offsets(%dma_start3A_763 : memref<16xi32, #tpu.memory_space<vmem>>) semaphore(%arg14 : memref<!tpu.dma_semaphore, #tpu.memory_space<semaphore_mem>>)
    %dma_wait3A_767 = arith.constant 592 : i32
    %dma_wait3A_768 = tpu.memref_slice %arg5[%dma_wait3A_767] : memref<1024xi32, #tpu.memory_space<vmem>> -> memref<16xi32, #tpu.memory_space<vmem>>
    %dma_wait3A_769 = arith.constant 0 : i32
    %dma_wait3A_770 = arith.constant 0 : i32
    %dma_wait3A_771 = tpu.memref_slice %arg2[%dma_wait3A_769, %dma_wait3A_770] : memref<8192x1024xf32, #tpu.memory_space<hbm>> -> memref<8192x1024xf32, #tpu.memory_space<hbm>>
    tpu.wait_indirect_dma semaphore(%arg13 : memref<!tpu.dma_semaphore, #tpu.memory_space<semaphore_mem>>) src(%dma_wait3A_771 : memref<8192x1024xf32, #tpu.memory_space<hbm>>) dst(%arg7 : memref<16x1024xf32, #tpu.memory_space<vmem>>)
    %add3A_772 = arith.constant 592 : i32
    %add3A_773 = arith.addi %mul3A_2, %add3A_772 : i32
    %dma_start3A_774 = arith.constant 0 : i32
    %dma_start3A_775 = tpu.memref_slice %arg4[%add3A_773, %dma_start3A_774] : memref<32768x1024xf32, #tpu.memory_space<hbm>> -> memref<16x1024xf32, #tpu.memory_space<hbm>>
    %dma_start3A_776 = arith.constant 0 : i32
    %dma_start3A_777 = tpu.memref_slice %arg4[%add3A_773, %dma_start3A_776] : memref<32768x1024xf32, #tpu.memory_space<hbm>> -> memref<16x1024xf32, #tpu.memory_space<hbm>>
    tpu.enqueue_dma source(%arg7 : memref<16x1024xf32, #tpu.memory_space<vmem>>) target(%dma_start3A_777 : memref<16x1024xf32, #tpu.memory_space<hbm>>) target_semaphore(%arg19 : memref<!tpu.dma_semaphore, #tpu.memory_space<semaphore_mem>>)
    %dma_wait3A_778 = arith.constant 0 : i32
    %dma_wait3A_779 = tpu.memref_slice %arg4[%add3A_693, %dma_wait3A_778] : memref<32768x1024xf32, #tpu.memory_space<hbm>> -> memref<16x1024xf32, #tpu.memory_space<hbm>>
    %dma_wait3A_780 = arith.constant 0 : i32
    %dma_wait3A_781 = tpu.memref_slice %arg4[%add3A_693, %dma_wait3A_780] : memref<32768x1024xf32, #tpu.memory_space<hbm>> -> memref<16x1024xf32, #tpu.memory_space<hbm>>
    tpu.wait_dma2 semaphore(%arg21 : memref<!tpu.dma_semaphore, #tpu.memory_space<semaphore_mem>>) src(%arg9 : memref<16x1024xf32, #tpu.memory_space<vmem>>) dst(%dma_wait3A_781 : memref<16x1024xf32, #tpu.memory_space<hbm>>)
    %dma_start3A_782 = arith.constant 624 : i32
    %dma_start3A_783 = tpu.memref_slice %arg5[%dma_start3A_782] : memref<1024xi32, #tpu.memory_space<vmem>> -> memref<16xi32, #tpu.memory_space<vmem>>
    %dma_start3A_784 = arith.constant 0 : i32
    %dma_start3A_785 = arith.constant 0 : i32
    %dma_start3A_786 = tpu.memref_slice %arg2[%dma_start3A_784, %dma_start3A_785] : memref<8192x1024xf32, #tpu.memory_space<hbm>> -> memref<8192x1024xf32, #tpu.memory_space<hbm>>
    tpu.enqueue_indirect_dma source(%dma_start3A_786 : memref<8192x1024xf32, #tpu.memory_space<hbm>>) target(%arg9 : memref<16x1024xf32, #tpu.memory_space<vmem>>) offsets(%dma_start3A_783 : memref<16xi32, #tpu.memory_space<vmem>>) semaphore(%arg15 : memref<!tpu.dma_semaphore, #tpu.memory_space<semaphore_mem>>)
    %dma_wait3A_787 = arith.constant 608 : i32
    %dma_wait3A_788 = tpu.memref_slice %arg5[%dma_wait3A_787] : memref<1024xi32, #tpu.memory_space<vmem>> -> memref<16xi32, #tpu.memory_space<vmem>>
    %dma_wait3A_789 = arith.constant 0 : i32
    %dma_wait3A_790 = arith.constant 0 : i32
    %dma_wait3A_791 = tpu.memref_slice %arg2[%dma_wait3A_789, %dma_wait3A_790] : memref<8192x1024xf32, #tpu.memory_space<hbm>> -> memref<8192x1024xf32, #tpu.memory_space<hbm>>
    tpu.wait_indirect_dma semaphore(%arg14 : memref<!tpu.dma_semaphore, #tpu.memory_space<semaphore_mem>>) src(%dma_wait3A_791 : memref<8192x1024xf32, #tpu.memory_space<hbm>>) dst(%arg8 : memref<16x1024xf32, #tpu.memory_space<vmem>>)
    %add3A_792 = arith.constant 608 : i32
    %add3A_793 = arith.addi %mul3A_2, %add3A_792 : i32
    %dma_start3A_794 = arith.constant 0 : i32
    %dma_start3A_795 = tpu.memref_slice %arg4[%add3A_793, %dma_start3A_794] : memref<32768x1024xf32, #tpu.memory_space<hbm>> -> memref<16x1024xf32, #tpu.memory_space<hbm>>
    %dma_start3A_796 = arith.constant 0 : i32
    %dma_start3A_797 = tpu.memref_slice %arg4[%add3A_793, %dma_start3A_796] : memref<32768x1024xf32, #tpu.memory_space<hbm>> -> memref<16x1024xf32, #tpu.memory_space<hbm>>
    tpu.enqueue_dma source(%arg8 : memref<16x1024xf32, #tpu.memory_space<vmem>>) target(%dma_start3A_797 : memref<16x1024xf32, #tpu.memory_space<hbm>>) target_semaphore(%arg20 : memref<!tpu.dma_semaphore, #tpu.memory_space<semaphore_mem>>)
    %dma_wait3A_798 = arith.constant 0 : i32
    %dma_wait3A_799 = tpu.memref_slice %arg4[%add3A_713, %dma_wait3A_798] : memref<32768x1024xf32, #tpu.memory_space<hbm>> -> memref<16x1024xf32, #tpu.memory_space<hbm>>
    %dma_wait3A_800 = arith.constant 0 : i32
    %dma_wait3A_801 = tpu.memref_slice %arg4[%add3A_713, %dma_wait3A_800] : memref<32768x1024xf32, #tpu.memory_space<hbm>> -> memref<16x1024xf32, #tpu.memory_space<hbm>>
    tpu.wait_dma2 semaphore(%arg22 : memref<!tpu.dma_semaphore, #tpu.memory_space<semaphore_mem>>) src(%arg10 : memref<16x1024xf32, #tpu.memory_space<vmem>>) dst(%dma_wait3A_801 : memref<16x1024xf32, #tpu.memory_space<hbm>>)
    %dma_start3A_802 = arith.constant 640 : i32
    %dma_start3A_803 = tpu.memref_slice %arg5[%dma_start3A_802] : memref<1024xi32, #tpu.memory_space<vmem>> -> memref<16xi32, #tpu.memory_space<vmem>>
    %dma_start3A_804 = arith.constant 0 : i32
    %dma_start3A_805 = arith.constant 0 : i32
    %dma_start3A_806 = tpu.memref_slice %arg2[%dma_start3A_804, %dma_start3A_805] : memref<8192x1024xf32, #tpu.memory_space<hbm>> -> memref<8192x1024xf32, #tpu.memory_space<hbm>>
    tpu.enqueue_indirect_dma source(%dma_start3A_806 : memref<8192x1024xf32, #tpu.memory_space<hbm>>) target(%arg10 : memref<16x1024xf32, #tpu.memory_space<vmem>>) offsets(%dma_start3A_803 : memref<16xi32, #tpu.memory_space<vmem>>) semaphore(%arg16 : memref<!tpu.dma_semaphore, #tpu.memory_space<semaphore_mem>>)
    %dma_wait3A_807 = arith.constant 624 : i32
    %dma_wait3A_808 = tpu.memref_slice %arg5[%dma_wait3A_807] : memref<1024xi32, #tpu.memory_space<vmem>> -> memref<16xi32, #tpu.memory_space<vmem>>
    %dma_wait3A_809 = arith.constant 0 : i32
    %dma_wait3A_810 = arith.constant 0 : i32
    %dma_wait3A_811 = tpu.memref_slice %arg2[%dma_wait3A_809, %dma_wait3A_810] : memref<8192x1024xf32, #tpu.memory_space<hbm>> -> memref<8192x1024xf32, #tpu.memory_space<hbm>>
    tpu.wait_indirect_dma semaphore(%arg15 : memref<!tpu.dma_semaphore, #tpu.memory_space<semaphore_mem>>) src(%dma_wait3A_811 : memref<8192x1024xf32, #tpu.memory_space<hbm>>) dst(%arg9 : memref<16x1024xf32, #tpu.memory_space<vmem>>)
    %add3A_812 = arith.constant 624 : i32
    %add3A_813 = arith.addi %mul3A_2, %add3A_812 : i32
    %dma_start3A_814 = arith.constant 0 : i32
    %dma_start3A_815 = tpu.memref_slice %arg4[%add3A_813, %dma_start3A_814] : memref<32768x1024xf32, #tpu.memory_space<hbm>> -> memref<16x1024xf32, #tpu.memory_space<hbm>>
    %dma_start3A_816 = arith.constant 0 : i32
    %dma_start3A_817 = tpu.memref_slice %arg4[%add3A_813, %dma_start3A_816] : memref<32768x1024xf32, #tpu.memory_space<hbm>> -> memref<16x1024xf32, #tpu.memory_space<hbm>>
    tpu.enqueue_dma source(%arg9 : memref<16x1024xf32, #tpu.memory_space<vmem>>) target(%dma_start3A_817 : memref<16x1024xf32, #tpu.memory_space<hbm>>) target_semaphore(%arg21 : memref<!tpu.dma_semaphore, #tpu.memory_space<semaphore_mem>>)
    %dma_wait3A_818 = arith.constant 0 : i32
    %dma_wait3A_819 = tpu.memref_slice %arg4[%add3A_733, %dma_wait3A_818] : memref<32768x1024xf32, #tpu.memory_space<hbm>> -> memref<16x1024xf32, #tpu.memory_space<hbm>>
    %dma_wait3A_820 = arith.constant 0 : i32
    %dma_wait3A_821 = tpu.memref_slice %arg4[%add3A_733, %dma_wait3A_820] : memref<32768x1024xf32, #tpu.memory_space<hbm>> -> memref<16x1024xf32, #tpu.memory_space<hbm>>
    tpu.wait_dma2 semaphore(%arg23 : memref<!tpu.dma_semaphore, #tpu.memory_space<semaphore_mem>>) src(%arg11 : memref<16x1024xf32, #tpu.memory_space<vmem>>) dst(%dma_wait3A_821 : memref<16x1024xf32, #tpu.memory_space<hbm>>)
    %dma_start3A_822 = arith.constant 656 : i32
    %dma_start3A_823 = tpu.memref_slice %arg5[%dma_start3A_822] : memref<1024xi32, #tpu.memory_space<vmem>> -> memref<16xi32, #tpu.memory_space<vmem>>
    %dma_start3A_824 = arith.constant 0 : i32
    %dma_start3A_825 = arith.constant 0 : i32
    %dma_start3A_826 = tpu.memref_slice %arg2[%dma_start3A_824, %dma_start3A_825] : memref<8192x1024xf32, #tpu.memory_space<hbm>> -> memref<8192x1024xf32, #tpu.memory_space<hbm>>
    tpu.enqueue_indirect_dma source(%dma_start3A_826 : memref<8192x1024xf32, #tpu.memory_space<hbm>>) target(%arg11 : memref<16x1024xf32, #tpu.memory_space<vmem>>) offsets(%dma_start3A_823 : memref<16xi32, #tpu.memory_space<vmem>>) semaphore(%arg17 : memref<!tpu.dma_semaphore, #tpu.memory_space<semaphore_mem>>)
    %dma_wait3A_827 = arith.constant 640 : i32
    %dma_wait3A_828 = tpu.memref_slice %arg5[%dma_wait3A_827] : memref<1024xi32, #tpu.memory_space<vmem>> -> memref<16xi32, #tpu.memory_space<vmem>>
    %dma_wait3A_829 = arith.constant 0 : i32
    %dma_wait3A_830 = arith.constant 0 : i32
    %dma_wait3A_831 = tpu.memref_slice %arg2[%dma_wait3A_829, %dma_wait3A_830] : memref<8192x1024xf32, #tpu.memory_space<hbm>> -> memref<8192x1024xf32, #tpu.memory_space<hbm>>
    tpu.wait_indirect_dma semaphore(%arg16 : memref<!tpu.dma_semaphore, #tpu.memory_space<semaphore_mem>>) src(%dma_wait3A_831 : memref<8192x1024xf32, #tpu.memory_space<hbm>>) dst(%arg10 : memref<16x1024xf32, #tpu.memory_space<vmem>>)
    %add3A_832 = arith.constant 640 : i32
    %add3A_833 = arith.addi %mul3A_2, %add3A_832 : i32
    %dma_start3A_834 = arith.constant 0 : i32
    %dma_start3A_835 = tpu.memref_slice %arg4[%add3A_833, %dma_start3A_834] : memref<32768x1024xf32, #tpu.memory_space<hbm>> -> memref<16x1024xf32, #tpu.memory_space<hbm>>
    %dma_start3A_836 = arith.constant 0 : i32
    %dma_start3A_837 = tpu.memref_slice %arg4[%add3A_833, %dma_start3A_836] : memref<32768x1024xf32, #tpu.memory_space<hbm>> -> memref<16x1024xf32, #tpu.memory_space<hbm>>
    tpu.enqueue_dma source(%arg10 : memref<16x1024xf32, #tpu.memory_space<vmem>>) target(%dma_start3A_837 : memref<16x1024xf32, #tpu.memory_space<hbm>>) target_semaphore(%arg22 : memref<!tpu.dma_semaphore, #tpu.memory_space<semaphore_mem>>)
    %dma_wait3A_838 = arith.constant 0 : i32
    %dma_wait3A_839 = tpu.memref_slice %arg4[%add3A_753, %dma_wait3A_838] : memref<32768x1024xf32, #tpu.memory_space<hbm>> -> memref<16x1024xf32, #tpu.memory_space<hbm>>
    %dma_wait3A_840 = arith.constant 0 : i32
    %dma_wait3A_841 = tpu.memref_slice %arg4[%add3A_753, %dma_wait3A_840] : memref<32768x1024xf32, #tpu.memory_space<hbm>> -> memref<16x1024xf32, #tpu.memory_space<hbm>>
    tpu.wait_dma2 semaphore(%arg18 : memref<!tpu.dma_semaphore, #tpu.memory_space<semaphore_mem>>) src(%arg6 : memref<16x1024xf32, #tpu.memory_space<vmem>>) dst(%dma_wait3A_841 : memref<16x1024xf32, #tpu.memory_space<hbm>>)
    %dma_start3A_842 = arith.constant 672 : i32
    %dma_start3A_843 = tpu.memref_slice %arg5[%dma_start3A_842] : memref<1024xi32, #tpu.memory_space<vmem>> -> memref<16xi32, #tpu.memory_space<vmem>>
    %dma_start3A_844 = arith.constant 0 : i32
    %dma_start3A_845 = arith.constant 0 : i32
    %dma_start3A_846 = tpu.memref_slice %arg2[%dma_start3A_844, %dma_start3A_845] : memref<8192x1024xf32, #tpu.memory_space<hbm>> -> memref<8192x1024xf32, #tpu.memory_space<hbm>>
    tpu.enqueue_indirect_dma source(%dma_start3A_846 : memref<8192x1024xf32, #tpu.memory_space<hbm>>) target(%arg6 : memref<16x1024xf32, #tpu.memory_space<vmem>>) offsets(%dma_start3A_843 : memref<16xi32, #tpu.memory_space<vmem>>) semaphore(%arg12 : memref<!tpu.dma_semaphore, #tpu.memory_space<semaphore_mem>>)
    %dma_wait3A_847 = arith.constant 656 : i32
    %dma_wait3A_848 = tpu.memref_slice %arg5[%dma_wait3A_847] : memref<1024xi32, #tpu.memory_space<vmem>> -> memref<16xi32, #tpu.memory_space<vmem>>
    %dma_wait3A_849 = arith.constant 0 : i32
    %dma_wait3A_850 = arith.constant 0 : i32
    %dma_wait3A_851 = tpu.memref_slice %arg2[%dma_wait3A_849, %dma_wait3A_850] : memref<8192x1024xf32, #tpu.memory_space<hbm>> -> memref<8192x1024xf32, #tpu.memory_space<hbm>>
    tpu.wait_indirect_dma semaphore(%arg17 : memref<!tpu.dma_semaphore, #tpu.memory_space<semaphore_mem>>) src(%dma_wait3A_851 : memref<8192x1024xf32, #tpu.memory_space<hbm>>) dst(%arg11 : memref<16x1024xf32, #tpu.memory_space<vmem>>)
    %add3A_852 = arith.constant 656 : i32
    %add3A_853 = arith.addi %mul3A_2, %add3A_852 : i32
    %dma_start3A_854 = arith.constant 0 : i32
    %dma_start3A_855 = tpu.memref_slice %arg4[%add3A_853, %dma_start3A_854] : memref<32768x1024xf32, #tpu.memory_space<hbm>> -> memref<16x1024xf32, #tpu.memory_space<hbm>>
    %dma_start3A_856 = arith.constant 0 : i32
    %dma_start3A_857 = tpu.memref_slice %arg4[%add3A_853, %dma_start3A_856] : memref<32768x1024xf32, #tpu.memory_space<hbm>> -> memref<16x1024xf32, #tpu.memory_space<hbm>>
    tpu.enqueue_dma source(%arg11 : memref<16x1024xf32, #tpu.memory_space<vmem>>) target(%dma_start3A_857 : memref<16x1024xf32, #tpu.memory_space<hbm>>) target_semaphore(%arg23 : memref<!tpu.dma_semaphore, #tpu.memory_space<semaphore_mem>>)
    %dma_wait3A_858 = arith.constant 0 : i32
    %dma_wait3A_859 = tpu.memref_slice %arg4[%add3A_773, %dma_wait3A_858] : memref<32768x1024xf32, #tpu.memory_space<hbm>> -> memref<16x1024xf32, #tpu.memory_space<hbm>>
    %dma_wait3A_860 = arith.constant 0 : i32
    %dma_wait3A_861 = tpu.memref_slice %arg4[%add3A_773, %dma_wait3A_860] : memref<32768x1024xf32, #tpu.memory_space<hbm>> -> memref<16x1024xf32, #tpu.memory_space<hbm>>
    tpu.wait_dma2 semaphore(%arg19 : memref<!tpu.dma_semaphore, #tpu.memory_space<semaphore_mem>>) src(%arg7 : memref<16x1024xf32, #tpu.memory_space<vmem>>) dst(%dma_wait3A_861 : memref<16x1024xf32, #tpu.memory_space<hbm>>)
    %dma_start3A_862 = arith.constant 688 : i32
    %dma_start3A_863 = tpu.memref_slice %arg5[%dma_start3A_862] : memref<1024xi32, #tpu.memory_space<vmem>> -> memref<16xi32, #tpu.memory_space<vmem>>
    %dma_start3A_864 = arith.constant 0 : i32
    %dma_start3A_865 = arith.constant 0 : i32
    %dma_start3A_866 = tpu.memref_slice %arg2[%dma_start3A_864, %dma_start3A_865] : memref<8192x1024xf32, #tpu.memory_space<hbm>> -> memref<8192x1024xf32, #tpu.memory_space<hbm>>
    tpu.enqueue_indirect_dma source(%dma_start3A_866 : memref<8192x1024xf32, #tpu.memory_space<hbm>>) target(%arg7 : memref<16x1024xf32, #tpu.memory_space<vmem>>) offsets(%dma_start3A_863 : memref<16xi32, #tpu.memory_space<vmem>>) semaphore(%arg13 : memref<!tpu.dma_semaphore, #tpu.memory_space<semaphore_mem>>)
    %dma_wait3A_867 = arith.constant 672 : i32
    %dma_wait3A_868 = tpu.memref_slice %arg5[%dma_wait3A_867] : memref<1024xi32, #tpu.memory_space<vmem>> -> memref<16xi32, #tpu.memory_space<vmem>>
    %dma_wait3A_869 = arith.constant 0 : i32
    %dma_wait3A_870 = arith.constant 0 : i32
    %dma_wait3A_871 = tpu.memref_slice %arg2[%dma_wait3A_869, %dma_wait3A_870] : memref<8192x1024xf32, #tpu.memory_space<hbm>> -> memref<8192x1024xf32, #tpu.memory_space<hbm>>
    tpu.wait_indirect_dma semaphore(%arg12 : memref<!tpu.dma_semaphore, #tpu.memory_space<semaphore_mem>>) src(%dma_wait3A_871 : memref<8192x1024xf32, #tpu.memory_space<hbm>>) dst(%arg6 : memref<16x1024xf32, #tpu.memory_space<vmem>>)
    %add3A_872 = arith.constant 672 : i32
    %add3A_873 = arith.addi %mul3A_2, %add3A_872 : i32
    %dma_start3A_874 = arith.constant 0 : i32
    %dma_start3A_875 = tpu.memref_slice %arg4[%add3A_873, %dma_start3A_874] : memref<32768x1024xf32, #tpu.memory_space<hbm>> -> memref<16x1024xf32, #tpu.memory_space<hbm>>
    %dma_start3A_876 = arith.constant 0 : i32
    %dma_start3A_877 = tpu.memref_slice %arg4[%add3A_873, %dma_start3A_876] : memref<32768x1024xf32, #tpu.memory_space<hbm>> -> memref<16x1024xf32, #tpu.memory_space<hbm>>
    tpu.enqueue_dma source(%arg6 : memref<16x1024xf32, #tpu.memory_space<vmem>>) target(%dma_start3A_877 : memref<16x1024xf32, #tpu.memory_space<hbm>>) target_semaphore(%arg18 : memref<!tpu.dma_semaphore, #tpu.memory_space<semaphore_mem>>)
    %dma_wait3A_878 = arith.constant 0 : i32
    %dma_wait3A_879 = tpu.memref_slice %arg4[%add3A_793, %dma_wait3A_878] : memref<32768x1024xf32, #tpu.memory_space<hbm>> -> memref<16x1024xf32, #tpu.memory_space<hbm>>
    %dma_wait3A_880 = arith.constant 0 : i32
    %dma_wait3A_881 = tpu.memref_slice %arg4[%add3A_793, %dma_wait3A_880] : memref<32768x1024xf32, #tpu.memory_space<hbm>> -> memref<16x1024xf32, #tpu.memory_space<hbm>>
    tpu.wait_dma2 semaphore(%arg20 : memref<!tpu.dma_semaphore, #tpu.memory_space<semaphore_mem>>) src(%arg8 : memref<16x1024xf32, #tpu.memory_space<vmem>>) dst(%dma_wait3A_881 : memref<16x1024xf32, #tpu.memory_space<hbm>>)
    %dma_start3A_882 = arith.constant 704 : i32
    %dma_start3A_883 = tpu.memref_slice %arg5[%dma_start3A_882] : memref<1024xi32, #tpu.memory_space<vmem>> -> memref<16xi32, #tpu.memory_space<vmem>>
    %dma_start3A_884 = arith.constant 0 : i32
    %dma_start3A_885 = arith.constant 0 : i32
    %dma_start3A_886 = tpu.memref_slice %arg2[%dma_start3A_884, %dma_start3A_885] : memref<8192x1024xf32, #tpu.memory_space<hbm>> -> memref<8192x1024xf32, #tpu.memory_space<hbm>>
    tpu.enqueue_indirect_dma source(%dma_start3A_886 : memref<8192x1024xf32, #tpu.memory_space<hbm>>) target(%arg8 : memref<16x1024xf32, #tpu.memory_space<vmem>>) offsets(%dma_start3A_883 : memref<16xi32, #tpu.memory_space<vmem>>) semaphore(%arg14 : memref<!tpu.dma_semaphore, #tpu.memory_space<semaphore_mem>>)
    %dma_wait3A_887 = arith.constant 688 : i32
    %dma_wait3A_888 = tpu.memref_slice %arg5[%dma_wait3A_887] : memref<1024xi32, #tpu.memory_space<vmem>> -> memref<16xi32, #tpu.memory_space<vmem>>
    %dma_wait3A_889 = arith.constant 0 : i32
    %dma_wait3A_890 = arith.constant 0 : i32
    %dma_wait3A_891 = tpu.memref_slice %arg2[%dma_wait3A_889, %dma_wait3A_890] : memref<8192x1024xf32, #tpu.memory_space<hbm>> -> memref<8192x1024xf32, #tpu.memory_space<hbm>>
    tpu.wait_indirect_dma semaphore(%arg13 : memref<!tpu.dma_semaphore, #tpu.memory_space<semaphore_mem>>) src(%dma_wait3A_891 : memref<8192x1024xf32, #tpu.memory_space<hbm>>) dst(%arg7 : memref<16x1024xf32, #tpu.memory_space<vmem>>)
    %add3A_892 = arith.constant 688 : i32
    %add3A_893 = arith.addi %mul3A_2, %add3A_892 : i32
    %dma_start3A_894 = arith.constant 0 : i32
    %dma_start3A_895 = tpu.memref_slice %arg4[%add3A_893, %dma_start3A_894] : memref<32768x1024xf32, #tpu.memory_space<hbm>> -> memref<16x1024xf32, #tpu.memory_space<hbm>>
    %dma_start3A_896 = arith.constant 0 : i32
    %dma_start3A_897 = tpu.memref_slice %arg4[%add3A_893, %dma_start3A_896] : memref<32768x1024xf32, #tpu.memory_space<hbm>> -> memref<16x1024xf32, #tpu.memory_space<hbm>>
    tpu.enqueue_dma source(%arg7 : memref<16x1024xf32, #tpu.memory_space<vmem>>) target(%dma_start3A_897 : memref<16x1024xf32, #tpu.memory_space<hbm>>) target_semaphore(%arg19 : memref<!tpu.dma_semaphore, #tpu.memory_space<semaphore_mem>>)
    %dma_wait3A_898 = arith.constant 0 : i32
    %dma_wait3A_899 = tpu.memref_slice %arg4[%add3A_813, %dma_wait3A_898] : memref<32768x1024xf32, #tpu.memory_space<hbm>> -> memref<16x1024xf32, #tpu.memory_space<hbm>>
    %dma_wait3A_900 = arith.constant 0 : i32
    %dma_wait3A_901 = tpu.memref_slice %arg4[%add3A_813, %dma_wait3A_900] : memref<32768x1024xf32, #tpu.memory_space<hbm>> -> memref<16x1024xf32, #tpu.memory_space<hbm>>
    tpu.wait_dma2 semaphore(%arg21 : memref<!tpu.dma_semaphore, #tpu.memory_space<semaphore_mem>>) src(%arg9 : memref<16x1024xf32, #tpu.memory_space<vmem>>) dst(%dma_wait3A_901 : memref<16x1024xf32, #tpu.memory_space<hbm>>)
    %dma_start3A_902 = arith.constant 720 : i32
    %dma_start3A_903 = tpu.memref_slice %arg5[%dma_start3A_902] : memref<1024xi32, #tpu.memory_space<vmem>> -> memref<16xi32, #tpu.memory_space<vmem>>
    %dma_start3A_904 = arith.constant 0 : i32
    %dma_start3A_905 = arith.constant 0 : i32
    %dma_start3A_906 = tpu.memref_slice %arg2[%dma_start3A_904, %dma_start3A_905] : memref<8192x1024xf32, #tpu.memory_space<hbm>> -> memref<8192x1024xf32, #tpu.memory_space<hbm>>
    tpu.enqueue_indirect_dma source(%dma_start3A_906 : memref<8192x1024xf32, #tpu.memory_space<hbm>>) target(%arg9 : memref<16x1024xf32, #tpu.memory_space<vmem>>) offsets(%dma_start3A_903 : memref<16xi32, #tpu.memory_space<vmem>>) semaphore(%arg15 : memref<!tpu.dma_semaphore, #tpu.memory_space<semaphore_mem>>)
    %dma_wait3A_907 = arith.constant 704 : i32
    %dma_wait3A_908 = tpu.memref_slice %arg5[%dma_wait3A_907] : memref<1024xi32, #tpu.memory_space<vmem>> -> memref<16xi32, #tpu.memory_space<vmem>>
    %dma_wait3A_909 = arith.constant 0 : i32
    %dma_wait3A_910 = arith.constant 0 : i32
    %dma_wait3A_911 = tpu.memref_slice %arg2[%dma_wait3A_909, %dma_wait3A_910] : memref<8192x1024xf32, #tpu.memory_space<hbm>> -> memref<8192x1024xf32, #tpu.memory_space<hbm>>
    tpu.wait_indirect_dma semaphore(%arg14 : memref<!tpu.dma_semaphore, #tpu.memory_space<semaphore_mem>>) src(%dma_wait3A_911 : memref<8192x1024xf32, #tpu.memory_space<hbm>>) dst(%arg8 : memref<16x1024xf32, #tpu.memory_space<vmem>>)
    %add3A_912 = arith.constant 704 : i32
    %add3A_913 = arith.addi %mul3A_2, %add3A_912 : i32
    %dma_start3A_914 = arith.constant 0 : i32
    %dma_start3A_915 = tpu.memref_slice %arg4[%add3A_913, %dma_start3A_914] : memref<32768x1024xf32, #tpu.memory_space<hbm>> -> memref<16x1024xf32, #tpu.memory_space<hbm>>
    %dma_start3A_916 = arith.constant 0 : i32
    %dma_start3A_917 = tpu.memref_slice %arg4[%add3A_913, %dma_start3A_916] : memref<32768x1024xf32, #tpu.memory_space<hbm>> -> memref<16x1024xf32, #tpu.memory_space<hbm>>
    tpu.enqueue_dma source(%arg8 : memref<16x1024xf32, #tpu.memory_space<vmem>>) target(%dma_start3A_917 : memref<16x1024xf32, #tpu.memory_space<hbm>>) target_semaphore(%arg20 : memref<!tpu.dma_semaphore, #tpu.memory_space<semaphore_mem>>)
    %dma_wait3A_918 = arith.constant 0 : i32
    %dma_wait3A_919 = tpu.memref_slice %arg4[%add3A_833, %dma_wait3A_918] : memref<32768x1024xf32, #tpu.memory_space<hbm>> -> memref<16x1024xf32, #tpu.memory_space<hbm>>
    %dma_wait3A_920 = arith.constant 0 : i32
    %dma_wait3A_921 = tpu.memref_slice %arg4[%add3A_833, %dma_wait3A_920] : memref<32768x1024xf32, #tpu.memory_space<hbm>> -> memref<16x1024xf32, #tpu.memory_space<hbm>>
    tpu.wait_dma2 semaphore(%arg22 : memref<!tpu.dma_semaphore, #tpu.memory_space<semaphore_mem>>) src(%arg10 : memref<16x1024xf32, #tpu.memory_space<vmem>>) dst(%dma_wait3A_921 : memref<16x1024xf32, #tpu.memory_space<hbm>>)
    %dma_start3A_922 = arith.constant 736 : i32
    %dma_start3A_923 = tpu.memref_slice %arg5[%dma_start3A_922] : memref<1024xi32, #tpu.memory_space<vmem>> -> memref<16xi32, #tpu.memory_space<vmem>>
    %dma_start3A_924 = arith.constant 0 : i32
    %dma_start3A_925 = arith.constant 0 : i32
    %dma_start3A_926 = tpu.memref_slice %arg2[%dma_start3A_924, %dma_start3A_925] : memref<8192x1024xf32, #tpu.memory_space<hbm>> -> memref<8192x1024xf32, #tpu.memory_space<hbm>>
    tpu.enqueue_indirect_dma source(%dma_start3A_926 : memref<8192x1024xf32, #tpu.memory_space<hbm>>) target(%arg10 : memref<16x1024xf32, #tpu.memory_space<vmem>>) offsets(%dma_start3A_923 : memref<16xi32, #tpu.memory_space<vmem>>) semaphore(%arg16 : memref<!tpu.dma_semaphore, #tpu.memory_space<semaphore_mem>>)
    %dma_wait3A_927 = arith.constant 720 : i32
    %dma_wait3A_928 = tpu.memref_slice %arg5[%dma_wait3A_927] : memref<1024xi32, #tpu.memory_space<vmem>> -> memref<16xi32, #tpu.memory_space<vmem>>
    %dma_wait3A_929 = arith.constant 0 : i32
    %dma_wait3A_930 = arith.constant 0 : i32
    %dma_wait3A_931 = tpu.memref_slice %arg2[%dma_wait3A_929, %dma_wait3A_930] : memref<8192x1024xf32, #tpu.memory_space<hbm>> -> memref<8192x1024xf32, #tpu.memory_space<hbm>>
    tpu.wait_indirect_dma semaphore(%arg15 : memref<!tpu.dma_semaphore, #tpu.memory_space<semaphore_mem>>) src(%dma_wait3A_931 : memref<8192x1024xf32, #tpu.memory_space<hbm>>) dst(%arg9 : memref<16x1024xf32, #tpu.memory_space<vmem>>)
    %add3A_932 = arith.constant 720 : i32
    %add3A_933 = arith.addi %mul3A_2, %add3A_932 : i32
    %dma_start3A_934 = arith.constant 0 : i32
    %dma_start3A_935 = tpu.memref_slice %arg4[%add3A_933, %dma_start3A_934] : memref<32768x1024xf32, #tpu.memory_space<hbm>> -> memref<16x1024xf32, #tpu.memory_space<hbm>>
    %dma_start3A_936 = arith.constant 0 : i32
    %dma_start3A_937 = tpu.memref_slice %arg4[%add3A_933, %dma_start3A_936] : memref<32768x1024xf32, #tpu.memory_space<hbm>> -> memref<16x1024xf32, #tpu.memory_space<hbm>>
    tpu.enqueue_dma source(%arg9 : memref<16x1024xf32, #tpu.memory_space<vmem>>) target(%dma_start3A_937 : memref<16x1024xf32, #tpu.memory_space<hbm>>) target_semaphore(%arg21 : memref<!tpu.dma_semaphore, #tpu.memory_space<semaphore_mem>>)
    %dma_wait3A_938 = arith.constant 0 : i32
    %dma_wait3A_939 = tpu.memref_slice %arg4[%add3A_853, %dma_wait3A_938] : memref<32768x1024xf32, #tpu.memory_space<hbm>> -> memref<16x1024xf32, #tpu.memory_space<hbm>>
    %dma_wait3A_940 = arith.constant 0 : i32
    %dma_wait3A_941 = tpu.memref_slice %arg4[%add3A_853, %dma_wait3A_940] : memref<32768x1024xf32, #tpu.memory_space<hbm>> -> memref<16x1024xf32, #tpu.memory_space<hbm>>
    tpu.wait_dma2 semaphore(%arg23 : memref<!tpu.dma_semaphore, #tpu.memory_space<semaphore_mem>>) src(%arg11 : memref<16x1024xf32, #tpu.memory_space<vmem>>) dst(%dma_wait3A_941 : memref<16x1024xf32, #tpu.memory_space<hbm>>)
    %dma_start3A_942 = arith.constant 752 : i32
    %dma_start3A_943 = tpu.memref_slice %arg5[%dma_start3A_942] : memref<1024xi32, #tpu.memory_space<vmem>> -> memref<16xi32, #tpu.memory_space<vmem>>
    %dma_start3A_944 = arith.constant 0 : i32
    %dma_start3A_945 = arith.constant 0 : i32
    %dma_start3A_946 = tpu.memref_slice %arg2[%dma_start3A_944, %dma_start3A_945] : memref<8192x1024xf32, #tpu.memory_space<hbm>> -> memref<8192x1024xf32, #tpu.memory_space<hbm>>
    tpu.enqueue_indirect_dma source(%dma_start3A_946 : memref<8192x1024xf32, #tpu.memory_space<hbm>>) target(%arg11 : memref<16x1024xf32, #tpu.memory_space<vmem>>) offsets(%dma_start3A_943 : memref<16xi32, #tpu.memory_space<vmem>>) semaphore(%arg17 : memref<!tpu.dma_semaphore, #tpu.memory_space<semaphore_mem>>)
    %dma_wait3A_947 = arith.constant 736 : i32
    %dma_wait3A_948 = tpu.memref_slice %arg5[%dma_wait3A_947] : memref<1024xi32, #tpu.memory_space<vmem>> -> memref<16xi32, #tpu.memory_space<vmem>>
    %dma_wait3A_949 = arith.constant 0 : i32
    %dma_wait3A_950 = arith.constant 0 : i32
    %dma_wait3A_951 = tpu.memref_slice %arg2[%dma_wait3A_949, %dma_wait3A_950] : memref<8192x1024xf32, #tpu.memory_space<hbm>> -> memref<8192x1024xf32, #tpu.memory_space<hbm>>
    tpu.wait_indirect_dma semaphore(%arg16 : memref<!tpu.dma_semaphore, #tpu.memory_space<semaphore_mem>>) src(%dma_wait3A_951 : memref<8192x1024xf32, #tpu.memory_space<hbm>>) dst(%arg10 : memref<16x1024xf32, #tpu.memory_space<vmem>>)
    %add3A_952 = arith.constant 736 : i32
    %add3A_953 = arith.addi %mul3A_2, %add3A_952 : i32
    %dma_start3A_954 = arith.constant 0 : i32
    %dma_start3A_955 = tpu.memref_slice %arg4[%add3A_953, %dma_start3A_954] : memref<32768x1024xf32, #tpu.memory_space<hbm>> -> memref<16x1024xf32, #tpu.memory_space<hbm>>
    %dma_start3A_956 = arith.constant 0 : i32
    %dma_start3A_957 = tpu.memref_slice %arg4[%add3A_953, %dma_start3A_956] : memref<32768x1024xf32, #tpu.memory_space<hbm>> -> memref<16x1024xf32, #tpu.memory_space<hbm>>
    tpu.enqueue_dma source(%arg10 : memref<16x1024xf32, #tpu.memory_space<vmem>>) target(%dma_start3A_957 : memref<16x1024xf32, #tpu.memory_space<hbm>>) target_semaphore(%arg22 : memref<!tpu.dma_semaphore, #tpu.memory_space<semaphore_mem>>)
    %dma_wait3A_958 = arith.constant 0 : i32
    %dma_wait3A_959 = tpu.memref_slice %arg4[%add3A_873, %dma_wait3A_958] : memref<32768x1024xf32, #tpu.memory_space<hbm>> -> memref<16x1024xf32, #tpu.memory_space<hbm>>
    %dma_wait3A_960 = arith.constant 0 : i32
    %dma_wait3A_961 = tpu.memref_slice %arg4[%add3A_873, %dma_wait3A_960] : memref<32768x1024xf32, #tpu.memory_space<hbm>> -> memref<16x1024xf32, #tpu.memory_space<hbm>>
    tpu.wait_dma2 semaphore(%arg18 : memref<!tpu.dma_semaphore, #tpu.memory_space<semaphore_mem>>) src(%arg6 : memref<16x1024xf32, #tpu.memory_space<vmem>>) dst(%dma_wait3A_961 : memref<16x1024xf32, #tpu.memory_space<hbm>>)
    %dma_start3A_962 = arith.constant 768 : i32
    %dma_start3A_963 = tpu.memref_slice %arg5[%dma_start3A_962] : memref<1024xi32, #tpu.memory_space<vmem>> -> memref<16xi32, #tpu.memory_space<vmem>>
    %dma_start3A_964 = arith.constant 0 : i32
    %dma_start3A_965 = arith.constant 0 : i32
    %dma_start3A_966 = tpu.memref_slice %arg2[%dma_start3A_964, %dma_start3A_965] : memref<8192x1024xf32, #tpu.memory_space<hbm>> -> memref<8192x1024xf32, #tpu.memory_space<hbm>>
    tpu.enqueue_indirect_dma source(%dma_start3A_966 : memref<8192x1024xf32, #tpu.memory_space<hbm>>) target(%arg6 : memref<16x1024xf32, #tpu.memory_space<vmem>>) offsets(%dma_start3A_963 : memref<16xi32, #tpu.memory_space<vmem>>) semaphore(%arg12 : memref<!tpu.dma_semaphore, #tpu.memory_space<semaphore_mem>>)
    %dma_wait3A_967 = arith.constant 752 : i32
    %dma_wait3A_968 = tpu.memref_slice %arg5[%dma_wait3A_967] : memref<1024xi32, #tpu.memory_space<vmem>> -> memref<16xi32, #tpu.memory_space<vmem>>
    %dma_wait3A_969 = arith.constant 0 : i32
    %dma_wait3A_970 = arith.constant 0 : i32
    %dma_wait3A_971 = tpu.memref_slice %arg2[%dma_wait3A_969, %dma_wait3A_970] : memref<8192x1024xf32, #tpu.memory_space<hbm>> -> memref<8192x1024xf32, #tpu.memory_space<hbm>>
    tpu.wait_indirect_dma semaphore(%arg17 : memref<!tpu.dma_semaphore, #tpu.memory_space<semaphore_mem>>) src(%dma_wait3A_971 : memref<8192x1024xf32, #tpu.memory_space<hbm>>) dst(%arg11 : memref<16x1024xf32, #tpu.memory_space<vmem>>)
    %add3A_972 = arith.constant 752 : i32
    %add3A_973 = arith.addi %mul3A_2, %add3A_972 : i32
    %dma_start3A_974 = arith.constant 0 : i32
    %dma_start3A_975 = tpu.memref_slice %arg4[%add3A_973, %dma_start3A_974] : memref<32768x1024xf32, #tpu.memory_space<hbm>> -> memref<16x1024xf32, #tpu.memory_space<hbm>>
    %dma_start3A_976 = arith.constant 0 : i32
    %dma_start3A_977 = tpu.memref_slice %arg4[%add3A_973, %dma_start3A_976] : memref<32768x1024xf32, #tpu.memory_space<hbm>> -> memref<16x1024xf32, #tpu.memory_space<hbm>>
    tpu.enqueue_dma source(%arg11 : memref<16x1024xf32, #tpu.memory_space<vmem>>) target(%dma_start3A_977 : memref<16x1024xf32, #tpu.memory_space<hbm>>) target_semaphore(%arg23 : memref<!tpu.dma_semaphore, #tpu.memory_space<semaphore_mem>>)
    %dma_wait3A_978 = arith.constant 0 : i32
    %dma_wait3A_979 = tpu.memref_slice %arg4[%add3A_893, %dma_wait3A_978] : memref<32768x1024xf32, #tpu.memory_space<hbm>> -> memref<16x1024xf32, #tpu.memory_space<hbm>>
    %dma_wait3A_980 = arith.constant 0 : i32
    %dma_wait3A_981 = tpu.memref_slice %arg4[%add3A_893, %dma_wait3A_980] : memref<32768x1024xf32, #tpu.memory_space<hbm>> -> memref<16x1024xf32, #tpu.memory_space<hbm>>
    tpu.wait_dma2 semaphore(%arg19 : memref<!tpu.dma_semaphore, #tpu.memory_space<semaphore_mem>>) src(%arg7 : memref<16x1024xf32, #tpu.memory_space<vmem>>) dst(%dma_wait3A_981 : memref<16x1024xf32, #tpu.memory_space<hbm>>)
    %dma_start3A_982 = arith.constant 784 : i32
    %dma_start3A_983 = tpu.memref_slice %arg5[%dma_start3A_982] : memref<1024xi32, #tpu.memory_space<vmem>> -> memref<16xi32, #tpu.memory_space<vmem>>
    %dma_start3A_984 = arith.constant 0 : i32
    %dma_start3A_985 = arith.constant 0 : i32
    %dma_start3A_986 = tpu.memref_slice %arg2[%dma_start3A_984, %dma_start3A_985] : memref<8192x1024xf32, #tpu.memory_space<hbm>> -> memref<8192x1024xf32, #tpu.memory_space<hbm>>
    tpu.enqueue_indirect_dma source(%dma_start3A_986 : memref<8192x1024xf32, #tpu.memory_space<hbm>>) target(%arg7 : memref<16x1024xf32, #tpu.memory_space<vmem>>) offsets(%dma_start3A_983 : memref<16xi32, #tpu.memory_space<vmem>>) semaphore(%arg13 : memref<!tpu.dma_semaphore, #tpu.memory_space<semaphore_mem>>)
    %dma_wait3A_987 = arith.constant 768 : i32
    %dma_wait3A_988 = tpu.memref_slice %arg5[%dma_wait3A_987] : memref<1024xi32, #tpu.memory_space<vmem>> -> memref<16xi32, #tpu.memory_space<vmem>>
    %dma_wait3A_989 = arith.constant 0 : i32
    %dma_wait3A_990 = arith.constant 0 : i32
    %dma_wait3A_991 = tpu.memref_slice %arg2[%dma_wait3A_989, %dma_wait3A_990] : memref<8192x1024xf32, #tpu.memory_space<hbm>> -> memref<8192x1024xf32, #tpu.memory_space<hbm>>
    tpu.wait_indirect_dma semaphore(%arg12 : memref<!tpu.dma_semaphore, #tpu.memory_space<semaphore_mem>>) src(%dma_wait3A_991 : memref<8192x1024xf32, #tpu.memory_space<hbm>>) dst(%arg6 : memref<16x1024xf32, #tpu.memory_space<vmem>>)
    %add3A_992 = arith.constant 768 : i32
    %add3A_993 = arith.addi %mul3A_2, %add3A_992 : i32
    %dma_start3A_994 = arith.constant 0 : i32
    %dma_start3A_995 = tpu.memref_slice %arg4[%add3A_993, %dma_start3A_994] : memref<32768x1024xf32, #tpu.memory_space<hbm>> -> memref<16x1024xf32, #tpu.memory_space<hbm>>
    %dma_start3A_996 = arith.constant 0 : i32
    %dma_start3A_997 = tpu.memref_slice %arg4[%add3A_993, %dma_start3A_996] : memref<32768x1024xf32, #tpu.memory_space<hbm>> -> memref<16x1024xf32, #tpu.memory_space<hbm>>
    tpu.enqueue_dma source(%arg6 : memref<16x1024xf32, #tpu.memory_space<vmem>>) target(%dma_start3A_997 : memref<16x1024xf32, #tpu.memory_space<hbm>>) target_semaphore(%arg18 : memref<!tpu.dma_semaphore, #tpu.memory_space<semaphore_mem>>)
    %dma_wait3A_998 = arith.constant 0 : i32
    %dma_wait3A_999 = tpu.memref_slice %arg4[%add3A_913, %dma_wait3A_998] : memref<32768x1024xf32, #tpu.memory_space<hbm>> -> memref<16x1024xf32, #tpu.memory_space<hbm>>
    %dma_wait3A_1000 = arith.constant 0 : i32
    %dma_wait3A_1001 = tpu.memref_slice %arg4[%add3A_913, %dma_wait3A_1000] : memref<32768x1024xf32, #tpu.memory_space<hbm>> -> memref<16x1024xf32, #tpu.memory_space<hbm>>
    tpu.wait_dma2 semaphore(%arg20 : memref<!tpu.dma_semaphore, #tpu.memory_space<semaphore_mem>>) src(%arg8 : memref<16x1024xf32, #tpu.memory_space<vmem>>) dst(%dma_wait3A_1001 : memref<16x1024xf32, #tpu.memory_space<hbm>>)
    %dma_start3A_1002 = arith.constant 800 : i32
    %dma_start3A_1003 = tpu.memref_slice %arg5[%dma_start3A_1002] : memref<1024xi32, #tpu.memory_space<vmem>> -> memref<16xi32, #tpu.memory_space<vmem>>
    %dma_start3A_1004 = arith.constant 0 : i32
    %dma_start3A_1005 = arith.constant 0 : i32
    %dma_start3A_1006 = tpu.memref_slice %arg2[%dma_start3A_1004, %dma_start3A_1005] : memref<8192x1024xf32, #tpu.memory_space<hbm>> -> memref<8192x1024xf32, #tpu.memory_space<hbm>>
    tpu.enqueue_indirect_dma source(%dma_start3A_1006 : memref<8192x1024xf32, #tpu.memory_space<hbm>>) target(%arg8 : memref<16x1024xf32, #tpu.memory_space<vmem>>) offsets(%dma_start3A_1003 : memref<16xi32, #tpu.memory_space<vmem>>) semaphore(%arg14 : memref<!tpu.dma_semaphore, #tpu.memory_space<semaphore_mem>>)
    %dma_wait3A_1007 = arith.constant 784 : i32
    %dma_wait3A_1008 = tpu.memref_slice %arg5[%dma_wait3A_1007] : memref<1024xi32, #tpu.memory_space<vmem>> -> memref<16xi32, #tpu.memory_space<vmem>>
    %dma_wait3A_1009 = arith.constant 0 : i32
    %dma_wait3A_1010 = arith.constant 0 : i32
    %dma_wait3A_1011 = tpu.memref_slice %arg2[%dma_wait3A_1009, %dma_wait3A_1010] : memref<8192x1024xf32, #tpu.memory_space<hbm>> -> memref<8192x1024xf32, #tpu.memory_space<hbm>>
    tpu.wait_indirect_dma semaphore(%arg13 : memref<!tpu.dma_semaphore, #tpu.memory_space<semaphore_mem>>) src(%dma_wait3A_1011 : memref<8192x1024xf32, #tpu.memory_space<hbm>>) dst(%arg7 : memref<16x1024xf32, #tpu.memory_space<vmem>>)
    %add3A_1012 = arith.constant 784 : i32
    %add3A_1013 = arith.addi %mul3A_2, %add3A_1012 : i32
    %dma_start3A_1014 = arith.constant 0 : i32
    %dma_start3A_1015 = tpu.memref_slice %arg4[%add3A_1013, %dma_start3A_1014] : memref<32768x1024xf32, #tpu.memory_space<hbm>> -> memref<16x1024xf32, #tpu.memory_space<hbm>>
    %dma_start3A_1016 = arith.constant 0 : i32
    %dma_start3A_1017 = tpu.memref_slice %arg4[%add3A_1013, %dma_start3A_1016] : memref<32768x1024xf32, #tpu.memory_space<hbm>> -> memref<16x1024xf32, #tpu.memory_space<hbm>>
    tpu.enqueue_dma source(%arg7 : memref<16x1024xf32, #tpu.memory_space<vmem>>) target(%dma_start3A_1017 : memref<16x1024xf32, #tpu.memory_space<hbm>>) target_semaphore(%arg19 : memref<!tpu.dma_semaphore, #tpu.memory_space<semaphore_mem>>)
    %dma_wait3A_1018 = arith.constant 0 : i32
    %dma_wait3A_1019 = tpu.memref_slice %arg4[%add3A_933, %dma_wait3A_1018] : memref<32768x1024xf32, #tpu.memory_space<hbm>> -> memref<16x1024xf32, #tpu.memory_space<hbm>>
    %dma_wait3A_1020 = arith.constant 0 : i32
    %dma_wait3A_1021 = tpu.memref_slice %arg4[%add3A_933, %dma_wait3A_1020] : memref<32768x1024xf32, #tpu.memory_space<hbm>> -> memref<16x1024xf32, #tpu.memory_space<hbm>>
    tpu.wait_dma2 semaphore(%arg21 : memref<!tpu.dma_semaphore, #tpu.memory_space<semaphore_mem>>) src(%arg9 : memref<16x1024xf32, #tpu.memory_space<vmem>>) dst(%dma_wait3A_1021 : memref<16x1024xf32, #tpu.memory_space<hbm>>)
    %dma_start3A_1022 = arith.constant 816 : i32
    %dma_start3A_1023 = tpu.memref_slice %arg5[%dma_start3A_1022] : memref<1024xi32, #tpu.memory_space<vmem>> -> memref<16xi32, #tpu.memory_space<vmem>>
    %dma_start3A_1024 = arith.constant 0 : i32
    %dma_start3A_1025 = arith.constant 0 : i32
    %dma_start3A_1026 = tpu.memref_slice %arg2[%dma_start3A_1024, %dma_start3A_1025] : memref<8192x1024xf32, #tpu.memory_space<hbm>> -> memref<8192x1024xf32, #tpu.memory_space<hbm>>
    tpu.enqueue_indirect_dma source(%dma_start3A_1026 : memref<8192x1024xf32, #tpu.memory_space<hbm>>) target(%arg9 : memref<16x1024xf32, #tpu.memory_space<vmem>>) offsets(%dma_start3A_1023 : memref<16xi32, #tpu.memory_space<vmem>>) semaphore(%arg15 : memref<!tpu.dma_semaphore, #tpu.memory_space<semaphore_mem>>)
    %dma_wait3A_1027 = arith.constant 800 : i32
    %dma_wait3A_1028 = tpu.memref_slice %arg5[%dma_wait3A_1027] : memref<1024xi32, #tpu.memory_space<vmem>> -> memref<16xi32, #tpu.memory_space<vmem>>
    %dma_wait3A_1029 = arith.constant 0 : i32
    %dma_wait3A_1030 = arith.constant 0 : i32
    %dma_wait3A_1031 = tpu.memref_slice %arg2[%dma_wait3A_1029, %dma_wait3A_1030] : memref<8192x1024xf32, #tpu.memory_space<hbm>> -> memref<8192x1024xf32, #tpu.memory_space<hbm>>
    tpu.wait_indirect_dma semaphore(%arg14 : memref<!tpu.dma_semaphore, #tpu.memory_space<semaphore_mem>>) src(%dma_wait3A_1031 : memref<8192x1024xf32, #tpu.memory_space<hbm>>) dst(%arg8 : memref<16x1024xf32, #tpu.memory_space<vmem>>)
    %add3A_1032 = arith.constant 800 : i32
    %add3A_1033 = arith.addi %mul3A_2, %add3A_1032 : i32
    %dma_start3A_1034 = arith.constant 0 : i32
    %dma_start3A_1035 = tpu.memref_slice %arg4[%add3A_1033, %dma_start3A_1034] : memref<32768x1024xf32, #tpu.memory_space<hbm>> -> memref<16x1024xf32, #tpu.memory_space<hbm>>
    %dma_start3A_1036 = arith.constant 0 : i32
    %dma_start3A_1037 = tpu.memref_slice %arg4[%add3A_1033, %dma_start3A_1036] : memref<32768x1024xf32, #tpu.memory_space<hbm>> -> memref<16x1024xf32, #tpu.memory_space<hbm>>
    tpu.enqueue_dma source(%arg8 : memref<16x1024xf32, #tpu.memory_space<vmem>>) target(%dma_start3A_1037 : memref<16x1024xf32, #tpu.memory_space<hbm>>) target_semaphore(%arg20 : memref<!tpu.dma_semaphore, #tpu.memory_space<semaphore_mem>>)
    %dma_wait3A_1038 = arith.constant 0 : i32
    %dma_wait3A_1039 = tpu.memref_slice %arg4[%add3A_953, %dma_wait3A_1038] : memref<32768x1024xf32, #tpu.memory_space<hbm>> -> memref<16x1024xf32, #tpu.memory_space<hbm>>
    %dma_wait3A_1040 = arith.constant 0 : i32
    %dma_wait3A_1041 = tpu.memref_slice %arg4[%add3A_953, %dma_wait3A_1040] : memref<32768x1024xf32, #tpu.memory_space<hbm>> -> memref<16x1024xf32, #tpu.memory_space<hbm>>
    tpu.wait_dma2 semaphore(%arg22 : memref<!tpu.dma_semaphore, #tpu.memory_space<semaphore_mem>>) src(%arg10 : memref<16x1024xf32, #tpu.memory_space<vmem>>) dst(%dma_wait3A_1041 : memref<16x1024xf32, #tpu.memory_space<hbm>>)
    %dma_start3A_1042 = arith.constant 832 : i32
    %dma_start3A_1043 = tpu.memref_slice %arg5[%dma_start3A_1042] : memref<1024xi32, #tpu.memory_space<vmem>> -> memref<16xi32, #tpu.memory_space<vmem>>
    %dma_start3A_1044 = arith.constant 0 : i32
    %dma_start3A_1045 = arith.constant 0 : i32
    %dma_start3A_1046 = tpu.memref_slice %arg2[%dma_start3A_1044, %dma_start3A_1045] : memref<8192x1024xf32, #tpu.memory_space<hbm>> -> memref<8192x1024xf32, #tpu.memory_space<hbm>>
    tpu.enqueue_indirect_dma source(%dma_start3A_1046 : memref<8192x1024xf32, #tpu.memory_space<hbm>>) target(%arg10 : memref<16x1024xf32, #tpu.memory_space<vmem>>) offsets(%dma_start3A_1043 : memref<16xi32, #tpu.memory_space<vmem>>) semaphore(%arg16 : memref<!tpu.dma_semaphore, #tpu.memory_space<semaphore_mem>>)
    %dma_wait3A_1047 = arith.constant 816 : i32
    %dma_wait3A_1048 = tpu.memref_slice %arg5[%dma_wait3A_1047] : memref<1024xi32, #tpu.memory_space<vmem>> -> memref<16xi32, #tpu.memory_space<vmem>>
    %dma_wait3A_1049 = arith.constant 0 : i32
    %dma_wait3A_1050 = arith.constant 0 : i32
    %dma_wait3A_1051 = tpu.memref_slice %arg2[%dma_wait3A_1049, %dma_wait3A_1050] : memref<8192x1024xf32, #tpu.memory_space<hbm>> -> memref<8192x1024xf32, #tpu.memory_space<hbm>>
    tpu.wait_indirect_dma semaphore(%arg15 : memref<!tpu.dma_semaphore, #tpu.memory_space<semaphore_mem>>) src(%dma_wait3A_1051 : memref<8192x1024xf32, #tpu.memory_space<hbm>>) dst(%arg9 : memref<16x1024xf32, #tpu.memory_space<vmem>>)
    %add3A_1052 = arith.constant 816 : i32
    %add3A_1053 = arith.addi %mul3A_2, %add3A_1052 : i32
    %dma_start3A_1054 = arith.constant 0 : i32
    %dma_start3A_1055 = tpu.memref_slice %arg4[%add3A_1053, %dma_start3A_1054] : memref<32768x1024xf32, #tpu.memory_space<hbm>> -> memref<16x1024xf32, #tpu.memory_space<hbm>>
    %dma_start3A_1056 = arith.constant 0 : i32
    %dma_start3A_1057 = tpu.memref_slice %arg4[%add3A_1053, %dma_start3A_1056] : memref<32768x1024xf32, #tpu.memory_space<hbm>> -> memref<16x1024xf32, #tpu.memory_space<hbm>>
    tpu.enqueue_dma source(%arg9 : memref<16x1024xf32, #tpu.memory_space<vmem>>) target(%dma_start3A_1057 : memref<16x1024xf32, #tpu.memory_space<hbm>>) target_semaphore(%arg21 : memref<!tpu.dma_semaphore, #tpu.memory_space<semaphore_mem>>)
    %dma_wait3A_1058 = arith.constant 0 : i32
    %dma_wait3A_1059 = tpu.memref_slice %arg4[%add3A_973, %dma_wait3A_1058] : memref<32768x1024xf32, #tpu.memory_space<hbm>> -> memref<16x1024xf32, #tpu.memory_space<hbm>>
    %dma_wait3A_1060 = arith.constant 0 : i32
    %dma_wait3A_1061 = tpu.memref_slice %arg4[%add3A_973, %dma_wait3A_1060] : memref<32768x1024xf32, #tpu.memory_space<hbm>> -> memref<16x1024xf32, #tpu.memory_space<hbm>>
    tpu.wait_dma2 semaphore(%arg23 : memref<!tpu.dma_semaphore, #tpu.memory_space<semaphore_mem>>) src(%arg11 : memref<16x1024xf32, #tpu.memory_space<vmem>>) dst(%dma_wait3A_1061 : memref<16x1024xf32, #tpu.memory_space<hbm>>)
    %dma_start3A_1062 = arith.constant 848 : i32
    %dma_start3A_1063 = tpu.memref_slice %arg5[%dma_start3A_1062] : memref<1024xi32, #tpu.memory_space<vmem>> -> memref<16xi32, #tpu.memory_space<vmem>>
    %dma_start3A_1064 = arith.constant 0 : i32
    %dma_start3A_1065 = arith.constant 0 : i32
    %dma_start3A_1066 = tpu.memref_slice %arg2[%dma_start3A_1064, %dma_start3A_1065] : memref<8192x1024xf32, #tpu.memory_space<hbm>> -> memref<8192x1024xf32, #tpu.memory_space<hbm>>
    tpu.enqueue_indirect_dma source(%dma_start3A_1066 : memref<8192x1024xf32, #tpu.memory_space<hbm>>) target(%arg11 : memref<16x1024xf32, #tpu.memory_space<vmem>>) offsets(%dma_start3A_1063 : memref<16xi32, #tpu.memory_space<vmem>>) semaphore(%arg17 : memref<!tpu.dma_semaphore, #tpu.memory_space<semaphore_mem>>)
    %dma_wait3A_1067 = arith.constant 832 : i32
    %dma_wait3A_1068 = tpu.memref_slice %arg5[%dma_wait3A_1067] : memref<1024xi32, #tpu.memory_space<vmem>> -> memref<16xi32, #tpu.memory_space<vmem>>
    %dma_wait3A_1069 = arith.constant 0 : i32
    %dma_wait3A_1070 = arith.constant 0 : i32
    %dma_wait3A_1071 = tpu.memref_slice %arg2[%dma_wait3A_1069, %dma_wait3A_1070] : memref<8192x1024xf32, #tpu.memory_space<hbm>> -> memref<8192x1024xf32, #tpu.memory_space<hbm>>
    tpu.wait_indirect_dma semaphore(%arg16 : memref<!tpu.dma_semaphore, #tpu.memory_space<semaphore_mem>>) src(%dma_wait3A_1071 : memref<8192x1024xf32, #tpu.memory_space<hbm>>) dst(%arg10 : memref<16x1024xf32, #tpu.memory_space<vmem>>)
    %add3A_1072 = arith.constant 832 : i32
    %add3A_1073 = arith.addi %mul3A_2, %add3A_1072 : i32
    %dma_start3A_1074 = arith.constant 0 : i32
    %dma_start3A_1075 = tpu.memref_slice %arg4[%add3A_1073, %dma_start3A_1074] : memref<32768x1024xf32, #tpu.memory_space<hbm>> -> memref<16x1024xf32, #tpu.memory_space<hbm>>
    %dma_start3A_1076 = arith.constant 0 : i32
    %dma_start3A_1077 = tpu.memref_slice %arg4[%add3A_1073, %dma_start3A_1076] : memref<32768x1024xf32, #tpu.memory_space<hbm>> -> memref<16x1024xf32, #tpu.memory_space<hbm>>
    tpu.enqueue_dma source(%arg10 : memref<16x1024xf32, #tpu.memory_space<vmem>>) target(%dma_start3A_1077 : memref<16x1024xf32, #tpu.memory_space<hbm>>) target_semaphore(%arg22 : memref<!tpu.dma_semaphore, #tpu.memory_space<semaphore_mem>>)
    %dma_wait3A_1078 = arith.constant 0 : i32
    %dma_wait3A_1079 = tpu.memref_slice %arg4[%add3A_993, %dma_wait3A_1078] : memref<32768x1024xf32, #tpu.memory_space<hbm>> -> memref<16x1024xf32, #tpu.memory_space<hbm>>
    %dma_wait3A_1080 = arith.constant 0 : i32
    %dma_wait3A_1081 = tpu.memref_slice %arg4[%add3A_993, %dma_wait3A_1080] : memref<32768x1024xf32, #tpu.memory_space<hbm>> -> memref<16x1024xf32, #tpu.memory_space<hbm>>
    tpu.wait_dma2 semaphore(%arg18 : memref<!tpu.dma_semaphore, #tpu.memory_space<semaphore_mem>>) src(%arg6 : memref<16x1024xf32, #tpu.memory_space<vmem>>) dst(%dma_wait3A_1081 : memref<16x1024xf32, #tpu.memory_space<hbm>>)
    %dma_start3A_1082 = arith.constant 864 : i32
    %dma_start3A_1083 = tpu.memref_slice %arg5[%dma_start3A_1082] : memref<1024xi32, #tpu.memory_space<vmem>> -> memref<16xi32, #tpu.memory_space<vmem>>
    %dma_start3A_1084 = arith.constant 0 : i32
    %dma_start3A_1085 = arith.constant 0 : i32
    %dma_start3A_1086 = tpu.memref_slice %arg2[%dma_start3A_1084, %dma_start3A_1085] : memref<8192x1024xf32, #tpu.memory_space<hbm>> -> memref<8192x1024xf32, #tpu.memory_space<hbm>>
    tpu.enqueue_indirect_dma source(%dma_start3A_1086 : memref<8192x1024xf32, #tpu.memory_space<hbm>>) target(%arg6 : memref<16x1024xf32, #tpu.memory_space<vmem>>) offsets(%dma_start3A_1083 : memref<16xi32, #tpu.memory_space<vmem>>) semaphore(%arg12 : memref<!tpu.dma_semaphore, #tpu.memory_space<semaphore_mem>>)
    %dma_wait3A_1087 = arith.constant 848 : i32
    %dma_wait3A_1088 = tpu.memref_slice %arg5[%dma_wait3A_1087] : memref<1024xi32, #tpu.memory_space<vmem>> -> memref<16xi32, #tpu.memory_space<vmem>>
    %dma_wait3A_1089 = arith.constant 0 : i32
    %dma_wait3A_1090 = arith.constant 0 : i32
    %dma_wait3A_1091 = tpu.memref_slice %arg2[%dma_wait3A_1089, %dma_wait3A_1090] : memref<8192x1024xf32, #tpu.memory_space<hbm>> -> memref<8192x1024xf32, #tpu.memory_space<hbm>>
    tpu.wait_indirect_dma semaphore(%arg17 : memref<!tpu.dma_semaphore, #tpu.memory_space<semaphore_mem>>) src(%dma_wait3A_1091 : memref<8192x1024xf32, #tpu.memory_space<hbm>>) dst(%arg11 : memref<16x1024xf32, #tpu.memory_space<vmem>>)
    %add3A_1092 = arith.constant 848 : i32
    %add3A_1093 = arith.addi %mul3A_2, %add3A_1092 : i32
    %dma_start3A_1094 = arith.constant 0 : i32
    %dma_start3A_1095 = tpu.memref_slice %arg4[%add3A_1093, %dma_start3A_1094] : memref<32768x1024xf32, #tpu.memory_space<hbm>> -> memref<16x1024xf32, #tpu.memory_space<hbm>>
    %dma_start3A_1096 = arith.constant 0 : i32
    %dma_start3A_1097 = tpu.memref_slice %arg4[%add3A_1093, %dma_start3A_1096] : memref<32768x1024xf32, #tpu.memory_space<hbm>> -> memref<16x1024xf32, #tpu.memory_space<hbm>>
    tpu.enqueue_dma source(%arg11 : memref<16x1024xf32, #tpu.memory_space<vmem>>) target(%dma_start3A_1097 : memref<16x1024xf32, #tpu.memory_space<hbm>>) target_semaphore(%arg23 : memref<!tpu.dma_semaphore, #tpu.memory_space<semaphore_mem>>)
    %dma_wait3A_1098 = arith.constant 0 : i32
    %dma_wait3A_1099 = tpu.memref_slice %arg4[%add3A_1013, %dma_wait3A_1098] : memref<32768x1024xf32, #tpu.memory_space<hbm>> -> memref<16x1024xf32, #tpu.memory_space<hbm>>
    %dma_wait3A_1100 = arith.constant 0 : i32
    %dma_wait3A_1101 = tpu.memref_slice %arg4[%add3A_1013, %dma_wait3A_1100] : memref<32768x1024xf32, #tpu.memory_space<hbm>> -> memref<16x1024xf32, #tpu.memory_space<hbm>>
    tpu.wait_dma2 semaphore(%arg19 : memref<!tpu.dma_semaphore, #tpu.memory_space<semaphore_mem>>) src(%arg7 : memref<16x1024xf32, #tpu.memory_space<vmem>>) dst(%dma_wait3A_1101 : memref<16x1024xf32, #tpu.memory_space<hbm>>)
    %dma_start3A_1102 = arith.constant 880 : i32
    %dma_start3A_1103 = tpu.memref_slice %arg5[%dma_start3A_1102] : memref<1024xi32, #tpu.memory_space<vmem>> -> memref<16xi32, #tpu.memory_space<vmem>>
    %dma_start3A_1104 = arith.constant 0 : i32
    %dma_start3A_1105 = arith.constant 0 : i32
    %dma_start3A_1106 = tpu.memref_slice %arg2[%dma_start3A_1104, %dma_start3A_1105] : memref<8192x1024xf32, #tpu.memory_space<hbm>> -> memref<8192x1024xf32, #tpu.memory_space<hbm>>
    tpu.enqueue_indirect_dma source(%dma_start3A_1106 : memref<8192x1024xf32, #tpu.memory_space<hbm>>) target(%arg7 : memref<16x1024xf32, #tpu.memory_space<vmem>>) offsets(%dma_start3A_1103 : memref<16xi32, #tpu.memory_space<vmem>>) semaphore(%arg13 : memref<!tpu.dma_semaphore, #tpu.memory_space<semaphore_mem>>)
    %dma_wait3A_1107 = arith.constant 864 : i32
    %dma_wait3A_1108 = tpu.memref_slice %arg5[%dma_wait3A_1107] : memref<1024xi32, #tpu.memory_space<vmem>> -> memref<16xi32, #tpu.memory_space<vmem>>
    %dma_wait3A_1109 = arith.constant 0 : i32
    %dma_wait3A_1110 = arith.constant 0 : i32
    %dma_wait3A_1111 = tpu.memref_slice %arg2[%dma_wait3A_1109, %dma_wait3A_1110] : memref<8192x1024xf32, #tpu.memory_space<hbm>> -> memref<8192x1024xf32, #tpu.memory_space<hbm>>
    tpu.wait_indirect_dma semaphore(%arg12 : memref<!tpu.dma_semaphore, #tpu.memory_space<semaphore_mem>>) src(%dma_wait3A_1111 : memref<8192x1024xf32, #tpu.memory_space<hbm>>) dst(%arg6 : memref<16x1024xf32, #tpu.memory_space<vmem>>)
    %add3A_1112 = arith.constant 864 : i32
    %add3A_1113 = arith.addi %mul3A_2, %add3A_1112 : i32
    %dma_start3A_1114 = arith.constant 0 : i32
    %dma_start3A_1115 = tpu.memref_slice %arg4[%add3A_1113, %dma_start3A_1114] : memref<32768x1024xf32, #tpu.memory_space<hbm>> -> memref<16x1024xf32, #tpu.memory_space<hbm>>
    %dma_start3A_1116 = arith.constant 0 : i32
    %dma_start3A_1117 = tpu.memref_slice %arg4[%add3A_1113, %dma_start3A_1116] : memref<32768x1024xf32, #tpu.memory_space<hbm>> -> memref<16x1024xf32, #tpu.memory_space<hbm>>
    tpu.enqueue_dma source(%arg6 : memref<16x1024xf32, #tpu.memory_space<vmem>>) target(%dma_start3A_1117 : memref<16x1024xf32, #tpu.memory_space<hbm>>) target_semaphore(%arg18 : memref<!tpu.dma_semaphore, #tpu.memory_space<semaphore_mem>>)
    %dma_wait3A_1118 = arith.constant 0 : i32
    %dma_wait3A_1119 = tpu.memref_slice %arg4[%add3A_1033, %dma_wait3A_1118] : memref<32768x1024xf32, #tpu.memory_space<hbm>> -> memref<16x1024xf32, #tpu.memory_space<hbm>>
    %dma_wait3A_1120 = arith.constant 0 : i32
    %dma_wait3A_1121 = tpu.memref_slice %arg4[%add3A_1033, %dma_wait3A_1120] : memref<32768x1024xf32, #tpu.memory_space<hbm>> -> memref<16x1024xf32, #tpu.memory_space<hbm>>
    tpu.wait_dma2 semaphore(%arg20 : memref<!tpu.dma_semaphore, #tpu.memory_space<semaphore_mem>>) src(%arg8 : memref<16x1024xf32, #tpu.memory_space<vmem>>) dst(%dma_wait3A_1121 : memref<16x1024xf32, #tpu.memory_space<hbm>>)
    %dma_start3A_1122 = arith.constant 896 : i32
    %dma_start3A_1123 = tpu.memref_slice %arg5[%dma_start3A_1122] : memref<1024xi32, #tpu.memory_space<vmem>> -> memref<16xi32, #tpu.memory_space<vmem>>
    %dma_start3A_1124 = arith.constant 0 : i32
    %dma_start3A_1125 = arith.constant 0 : i32
    %dma_start3A_1126 = tpu.memref_slice %arg2[%dma_start3A_1124, %dma_start3A_1125] : memref<8192x1024xf32, #tpu.memory_space<hbm>> -> memref<8192x1024xf32, #tpu.memory_space<hbm>>
    tpu.enqueue_indirect_dma source(%dma_start3A_1126 : memref<8192x1024xf32, #tpu.memory_space<hbm>>) target(%arg8 : memref<16x1024xf32, #tpu.memory_space<vmem>>) offsets(%dma_start3A_1123 : memref<16xi32, #tpu.memory_space<vmem>>) semaphore(%arg14 : memref<!tpu.dma_semaphore, #tpu.memory_space<semaphore_mem>>)
    %dma_wait3A_1127 = arith.constant 880 : i32
    %dma_wait3A_1128 = tpu.memref_slice %arg5[%dma_wait3A_1127] : memref<1024xi32, #tpu.memory_space<vmem>> -> memref<16xi32, #tpu.memory_space<vmem>>
    %dma_wait3A_1129 = arith.constant 0 : i32
    %dma_wait3A_1130 = arith.constant 0 : i32
    %dma_wait3A_1131 = tpu.memref_slice %arg2[%dma_wait3A_1129, %dma_wait3A_1130] : memref<8192x1024xf32, #tpu.memory_space<hbm>> -> memref<8192x1024xf32, #tpu.memory_space<hbm>>
    tpu.wait_indirect_dma semaphore(%arg13 : memref<!tpu.dma_semaphore, #tpu.memory_space<semaphore_mem>>) src(%dma_wait3A_1131 : memref<8192x1024xf32, #tpu.memory_space<hbm>>) dst(%arg7 : memref<16x1024xf32, #tpu.memory_space<vmem>>)
    %add3A_1132 = arith.constant 880 : i32
    %add3A_1133 = arith.addi %mul3A_2, %add3A_1132 : i32
    %dma_start3A_1134 = arith.constant 0 : i32
    %dma_start3A_1135 = tpu.memref_slice %arg4[%add3A_1133, %dma_start3A_1134] : memref<32768x1024xf32, #tpu.memory_space<hbm>> -> memref<16x1024xf32, #tpu.memory_space<hbm>>
    %dma_start3A_1136 = arith.constant 0 : i32
    %dma_start3A_1137 = tpu.memref_slice %arg4[%add3A_1133, %dma_start3A_1136] : memref<32768x1024xf32, #tpu.memory_space<hbm>> -> memref<16x1024xf32, #tpu.memory_space<hbm>>
    tpu.enqueue_dma source(%arg7 : memref<16x1024xf32, #tpu.memory_space<vmem>>) target(%dma_start3A_1137 : memref<16x1024xf32, #tpu.memory_space<hbm>>) target_semaphore(%arg19 : memref<!tpu.dma_semaphore, #tpu.memory_space<semaphore_mem>>)
    %dma_wait3A_1138 = arith.constant 0 : i32
    %dma_wait3A_1139 = tpu.memref_slice %arg4[%add3A_1053, %dma_wait3A_1138] : memref<32768x1024xf32, #tpu.memory_space<hbm>> -> memref<16x1024xf32, #tpu.memory_space<hbm>>
    %dma_wait3A_1140 = arith.constant 0 : i32
    %dma_wait3A_1141 = tpu.memref_slice %arg4[%add3A_1053, %dma_wait3A_1140] : memref<32768x1024xf32, #tpu.memory_space<hbm>> -> memref<16x1024xf32, #tpu.memory_space<hbm>>
    tpu.wait_dma2 semaphore(%arg21 : memref<!tpu.dma_semaphore, #tpu.memory_space<semaphore_mem>>) src(%arg9 : memref<16x1024xf32, #tpu.memory_space<vmem>>) dst(%dma_wait3A_1141 : memref<16x1024xf32, #tpu.memory_space<hbm>>)
    %dma_start3A_1142 = arith.constant 912 : i32
    %dma_start3A_1143 = tpu.memref_slice %arg5[%dma_start3A_1142] : memref<1024xi32, #tpu.memory_space<vmem>> -> memref<16xi32, #tpu.memory_space<vmem>>
    %dma_start3A_1144 = arith.constant 0 : i32
    %dma_start3A_1145 = arith.constant 0 : i32
    %dma_start3A_1146 = tpu.memref_slice %arg2[%dma_start3A_1144, %dma_start3A_1145] : memref<8192x1024xf32, #tpu.memory_space<hbm>> -> memref<8192x1024xf32, #tpu.memory_space<hbm>>
    tpu.enqueue_indirect_dma source(%dma_start3A_1146 : memref<8192x1024xf32, #tpu.memory_space<hbm>>) target(%arg9 : memref<16x1024xf32, #tpu.memory_space<vmem>>) offsets(%dma_start3A_1143 : memref<16xi32, #tpu.memory_space<vmem>>) semaphore(%arg15 : memref<!tpu.dma_semaphore, #tpu.memory_space<semaphore_mem>>)
    %dma_wait3A_1147 = arith.constant 896 : i32
    %dma_wait3A_1148 = tpu.memref_slice %arg5[%dma_wait3A_1147] : memref<1024xi32, #tpu.memory_space<vmem>> -> memref<16xi32, #tpu.memory_space<vmem>>
    %dma_wait3A_1149 = arith.constant 0 : i32
    %dma_wait3A_1150 = arith.constant 0 : i32
    %dma_wait3A_1151 = tpu.memref_slice %arg2[%dma_wait3A_1149, %dma_wait3A_1150] : memref<8192x1024xf32, #tpu.memory_space<hbm>> -> memref<8192x1024xf32, #tpu.memory_space<hbm>>
    tpu.wait_indirect_dma semaphore(%arg14 : memref<!tpu.dma_semaphore, #tpu.memory_space<semaphore_mem>>) src(%dma_wait3A_1151 : memref<8192x1024xf32, #tpu.memory_space<hbm>>) dst(%arg8 : memref<16x1024xf32, #tpu.memory_space<vmem>>)
    %add3A_1152 = arith.constant 896 : i32
    %add3A_1153 = arith.addi %mul3A_2, %add3A_1152 : i32
    %dma_start3A_1154 = arith.constant 0 : i32
    %dma_start3A_1155 = tpu.memref_slice %arg4[%add3A_1153, %dma_start3A_1154] : memref<32768x1024xf32, #tpu.memory_space<hbm>> -> memref<16x1024xf32, #tpu.memory_space<hbm>>
    %dma_start3A_1156 = arith.constant 0 : i32
    %dma_start3A_1157 = tpu.memref_slice %arg4[%add3A_1153, %dma_start3A_1156] : memref<32768x1024xf32, #tpu.memory_space<hbm>> -> memref<16x1024xf32, #tpu.memory_space<hbm>>
    tpu.enqueue_dma source(%arg8 : memref<16x1024xf32, #tpu.memory_space<vmem>>) target(%dma_start3A_1157 : memref<16x1024xf32, #tpu.memory_space<hbm>>) target_semaphore(%arg20 : memref<!tpu.dma_semaphore, #tpu.memory_space<semaphore_mem>>)
    %dma_wait3A_1158 = arith.constant 0 : i32
    %dma_wait3A_1159 = tpu.memref_slice %arg4[%add3A_1073, %dma_wait3A_1158] : memref<32768x1024xf32, #tpu.memory_space<hbm>> -> memref<16x1024xf32, #tpu.memory_space<hbm>>
    %dma_wait3A_1160 = arith.constant 0 : i32
    %dma_wait3A_1161 = tpu.memref_slice %arg4[%add3A_1073, %dma_wait3A_1160] : memref<32768x1024xf32, #tpu.memory_space<hbm>> -> memref<16x1024xf32, #tpu.memory_space<hbm>>
    tpu.wait_dma2 semaphore(%arg22 : memref<!tpu.dma_semaphore, #tpu.memory_space<semaphore_mem>>) src(%arg10 : memref<16x1024xf32, #tpu.memory_space<vmem>>) dst(%dma_wait3A_1161 : memref<16x1024xf32, #tpu.memory_space<hbm>>)
    %dma_start3A_1162 = arith.constant 928 : i32
    %dma_start3A_1163 = tpu.memref_slice %arg5[%dma_start3A_1162] : memref<1024xi32, #tpu.memory_space<vmem>> -> memref<16xi32, #tpu.memory_space<vmem>>
    %dma_start3A_1164 = arith.constant 0 : i32
    %dma_start3A_1165 = arith.constant 0 : i32
    %dma_start3A_1166 = tpu.memref_slice %arg2[%dma_start3A_1164, %dma_start3A_1165] : memref<8192x1024xf32, #tpu.memory_space<hbm>> -> memref<8192x1024xf32, #tpu.memory_space<hbm>>
    tpu.enqueue_indirect_dma source(%dma_start3A_1166 : memref<8192x1024xf32, #tpu.memory_space<hbm>>) target(%arg10 : memref<16x1024xf32, #tpu.memory_space<vmem>>) offsets(%dma_start3A_1163 : memref<16xi32, #tpu.memory_space<vmem>>) semaphore(%arg16 : memref<!tpu.dma_semaphore, #tpu.memory_space<semaphore_mem>>)
    %dma_wait3A_1167 = arith.constant 912 : i32
    %dma_wait3A_1168 = tpu.memref_slice %arg5[%dma_wait3A_1167] : memref<1024xi32, #tpu.memory_space<vmem>> -> memref<16xi32, #tpu.memory_space<vmem>>
    %dma_wait3A_1169 = arith.constant 0 : i32
    %dma_wait3A_1170 = arith.constant 0 : i32
    %dma_wait3A_1171 = tpu.memref_slice %arg2[%dma_wait3A_1169, %dma_wait3A_1170] : memref<8192x1024xf32, #tpu.memory_space<hbm>> -> memref<8192x1024xf32, #tpu.memory_space<hbm>>
    tpu.wait_indirect_dma semaphore(%arg15 : memref<!tpu.dma_semaphore, #tpu.memory_space<semaphore_mem>>) src(%dma_wait3A_1171 : memref<8192x1024xf32, #tpu.memory_space<hbm>>) dst(%arg9 : memref<16x1024xf32, #tpu.memory_space<vmem>>)
    %add3A_1172 = arith.constant 912 : i32
    %add3A_1173 = arith.addi %mul3A_2, %add3A_1172 : i32
    %dma_start3A_1174 = arith.constant 0 : i32
    %dma_start3A_1175 = tpu.memref_slice %arg4[%add3A_1173, %dma_start3A_1174] : memref<32768x1024xf32, #tpu.memory_space<hbm>> -> memref<16x1024xf32, #tpu.memory_space<hbm>>
    %dma_start3A_1176 = arith.constant 0 : i32
    %dma_start3A_1177 = tpu.memref_slice %arg4[%add3A_1173, %dma_start3A_1176] : memref<32768x1024xf32, #tpu.memory_space<hbm>> -> memref<16x1024xf32, #tpu.memory_space<hbm>>
    tpu.enqueue_dma source(%arg9 : memref<16x1024xf32, #tpu.memory_space<vmem>>) target(%dma_start3A_1177 : memref<16x1024xf32, #tpu.memory_space<hbm>>) target_semaphore(%arg21 : memref<!tpu.dma_semaphore, #tpu.memory_space<semaphore_mem>>)
    %dma_wait3A_1178 = arith.constant 0 : i32
    %dma_wait3A_1179 = tpu.memref_slice %arg4[%add3A_1093, %dma_wait3A_1178] : memref<32768x1024xf32, #tpu.memory_space<hbm>> -> memref<16x1024xf32, #tpu.memory_space<hbm>>
    %dma_wait3A_1180 = arith.constant 0 : i32
    %dma_wait3A_1181 = tpu.memref_slice %arg4[%add3A_1093, %dma_wait3A_1180] : memref<32768x1024xf32, #tpu.memory_space<hbm>> -> memref<16x1024xf32, #tpu.memory_space<hbm>>
    tpu.wait_dma2 semaphore(%arg23 : memref<!tpu.dma_semaphore, #tpu.memory_space<semaphore_mem>>) src(%arg11 : memref<16x1024xf32, #tpu.memory_space<vmem>>) dst(%dma_wait3A_1181 : memref<16x1024xf32, #tpu.memory_space<hbm>>)
    %dma_start3A_1182 = arith.constant 944 : i32
    %dma_start3A_1183 = tpu.memref_slice %arg5[%dma_start3A_1182] : memref<1024xi32, #tpu.memory_space<vmem>> -> memref<16xi32, #tpu.memory_space<vmem>>
    %dma_start3A_1184 = arith.constant 0 : i32
    %dma_start3A_1185 = arith.constant 0 : i32
    %dma_start3A_1186 = tpu.memref_slice %arg2[%dma_start3A_1184, %dma_start3A_1185] : memref<8192x1024xf32, #tpu.memory_space<hbm>> -> memref<8192x1024xf32, #tpu.memory_space<hbm>>
    tpu.enqueue_indirect_dma source(%dma_start3A_1186 : memref<8192x1024xf32, #tpu.memory_space<hbm>>) target(%arg11 : memref<16x1024xf32, #tpu.memory_space<vmem>>) offsets(%dma_start3A_1183 : memref<16xi32, #tpu.memory_space<vmem>>) semaphore(%arg17 : memref<!tpu.dma_semaphore, #tpu.memory_space<semaphore_mem>>)
    %dma_wait3A_1187 = arith.constant 928 : i32
    %dma_wait3A_1188 = tpu.memref_slice %arg5[%dma_wait3A_1187] : memref<1024xi32, #tpu.memory_space<vmem>> -> memref<16xi32, #tpu.memory_space<vmem>>
    %dma_wait3A_1189 = arith.constant 0 : i32
    %dma_wait3A_1190 = arith.constant 0 : i32
    %dma_wait3A_1191 = tpu.memref_slice %arg2[%dma_wait3A_1189, %dma_wait3A_1190] : memref<8192x1024xf32, #tpu.memory_space<hbm>> -> memref<8192x1024xf32, #tpu.memory_space<hbm>>
    tpu.wait_indirect_dma semaphore(%arg16 : memref<!tpu.dma_semaphore, #tpu.memory_space<semaphore_mem>>) src(%dma_wait3A_1191 : memref<8192x1024xf32, #tpu.memory_space<hbm>>) dst(%arg10 : memref<16x1024xf32, #tpu.memory_space<vmem>>)
    %add3A_1192 = arith.constant 928 : i32
    %add3A_1193 = arith.addi %mul3A_2, %add3A_1192 : i32
    %dma_start3A_1194 = arith.constant 0 : i32
    %dma_start3A_1195 = tpu.memref_slice %arg4[%add3A_1193, %dma_start3A_1194] : memref<32768x1024xf32, #tpu.memory_space<hbm>> -> memref<16x1024xf32, #tpu.memory_space<hbm>>
    %dma_start3A_1196 = arith.constant 0 : i32
    %dma_start3A_1197 = tpu.memref_slice %arg4[%add3A_1193, %dma_start3A_1196] : memref<32768x1024xf32, #tpu.memory_space<hbm>> -> memref<16x1024xf32, #tpu.memory_space<hbm>>
    tpu.enqueue_dma source(%arg10 : memref<16x1024xf32, #tpu.memory_space<vmem>>) target(%dma_start3A_1197 : memref<16x1024xf32, #tpu.memory_space<hbm>>) target_semaphore(%arg22 : memref<!tpu.dma_semaphore, #tpu.memory_space<semaphore_mem>>)
    %dma_wait3A_1198 = arith.constant 0 : i32
    %dma_wait3A_1199 = tpu.memref_slice %arg4[%add3A_1113, %dma_wait3A_1198] : memref<32768x1024xf32, #tpu.memory_space<hbm>> -> memref<16x1024xf32, #tpu.memory_space<hbm>>
    %dma_wait3A_1200 = arith.constant 0 : i32
    %dma_wait3A_1201 = tpu.memref_slice %arg4[%add3A_1113, %dma_wait3A_1200] : memref<32768x1024xf32, #tpu.memory_space<hbm>> -> memref<16x1024xf32, #tpu.memory_space<hbm>>
    tpu.wait_dma2 semaphore(%arg18 : memref<!tpu.dma_semaphore, #tpu.memory_space<semaphore_mem>>) src(%arg6 : memref<16x1024xf32, #tpu.memory_space<vmem>>) dst(%dma_wait3A_1201 : memref<16x1024xf32, #tpu.memory_space<hbm>>)
    %dma_start3A_1202 = arith.constant 960 : i32
    %dma_start3A_1203 = tpu.memref_slice %arg5[%dma_start3A_1202] : memref<1024xi32, #tpu.memory_space<vmem>> -> memref<16xi32, #tpu.memory_space<vmem>>
    %dma_start3A_1204 = arith.constant 0 : i32
    %dma_start3A_1205 = arith.constant 0 : i32
    %dma_start3A_1206 = tpu.memref_slice %arg2[%dma_start3A_1204, %dma_start3A_1205] : memref<8192x1024xf32, #tpu.memory_space<hbm>> -> memref<8192x1024xf32, #tpu.memory_space<hbm>>
    tpu.enqueue_indirect_dma source(%dma_start3A_1206 : memref<8192x1024xf32, #tpu.memory_space<hbm>>) target(%arg6 : memref<16x1024xf32, #tpu.memory_space<vmem>>) offsets(%dma_start3A_1203 : memref<16xi32, #tpu.memory_space<vmem>>) semaphore(%arg12 : memref<!tpu.dma_semaphore, #tpu.memory_space<semaphore_mem>>)
    %dma_wait3A_1207 = arith.constant 944 : i32
    %dma_wait3A_1208 = tpu.memref_slice %arg5[%dma_wait3A_1207] : memref<1024xi32, #tpu.memory_space<vmem>> -> memref<16xi32, #tpu.memory_space<vmem>>
    %dma_wait3A_1209 = arith.constant 0 : i32
    %dma_wait3A_1210 = arith.constant 0 : i32
    %dma_wait3A_1211 = tpu.memref_slice %arg2[%dma_wait3A_1209, %dma_wait3A_1210] : memref<8192x1024xf32, #tpu.memory_space<hbm>> -> memref<8192x1024xf32, #tpu.memory_space<hbm>>
    tpu.wait_indirect_dma semaphore(%arg17 : memref<!tpu.dma_semaphore, #tpu.memory_space<semaphore_mem>>) src(%dma_wait3A_1211 : memref<8192x1024xf32, #tpu.memory_space<hbm>>) dst(%arg11 : memref<16x1024xf32, #tpu.memory_space<vmem>>)
    %add3A_1212 = arith.constant 944 : i32
    %add3A_1213 = arith.addi %mul3A_2, %add3A_1212 : i32
    %dma_start3A_1214 = arith.constant 0 : i32
    %dma_start3A_1215 = tpu.memref_slice %arg4[%add3A_1213, %dma_start3A_1214] : memref<32768x1024xf32, #tpu.memory_space<hbm>> -> memref<16x1024xf32, #tpu.memory_space<hbm>>
    %dma_start3A_1216 = arith.constant 0 : i32
    %dma_start3A_1217 = tpu.memref_slice %arg4[%add3A_1213, %dma_start3A_1216] : memref<32768x1024xf32, #tpu.memory_space<hbm>> -> memref<16x1024xf32, #tpu.memory_space<hbm>>
    tpu.enqueue_dma source(%arg11 : memref<16x1024xf32, #tpu.memory_space<vmem>>) target(%dma_start3A_1217 : memref<16x1024xf32, #tpu.memory_space<hbm>>) target_semaphore(%arg23 : memref<!tpu.dma_semaphore, #tpu.memory_space<semaphore_mem>>)
    %dma_wait3A_1218 = arith.constant 0 : i32
    %dma_wait3A_1219 = tpu.memref_slice %arg4[%add3A_1133, %dma_wait3A_1218] : memref<32768x1024xf32, #tpu.memory_space<hbm>> -> memref<16x1024xf32, #tpu.memory_space<hbm>>
    %dma_wait3A_1220 = arith.constant 0 : i32
    %dma_wait3A_1221 = tpu.memref_slice %arg4[%add3A_1133, %dma_wait3A_1220] : memref<32768x1024xf32, #tpu.memory_space<hbm>> -> memref<16x1024xf32, #tpu.memory_space<hbm>>
    tpu.wait_dma2 semaphore(%arg19 : memref<!tpu.dma_semaphore, #tpu.memory_space<semaphore_mem>>) src(%arg7 : memref<16x1024xf32, #tpu.memory_space<vmem>>) dst(%dma_wait3A_1221 : memref<16x1024xf32, #tpu.memory_space<hbm>>)
    %dma_start3A_1222 = arith.constant 976 : i32
    %dma_start3A_1223 = tpu.memref_slice %arg5[%dma_start3A_1222] : memref<1024xi32, #tpu.memory_space<vmem>> -> memref<16xi32, #tpu.memory_space<vmem>>
    %dma_start3A_1224 = arith.constant 0 : i32
    %dma_start3A_1225 = arith.constant 0 : i32
    %dma_start3A_1226 = tpu.memref_slice %arg2[%dma_start3A_1224, %dma_start3A_1225] : memref<8192x1024xf32, #tpu.memory_space<hbm>> -> memref<8192x1024xf32, #tpu.memory_space<hbm>>
    tpu.enqueue_indirect_dma source(%dma_start3A_1226 : memref<8192x1024xf32, #tpu.memory_space<hbm>>) target(%arg7 : memref<16x1024xf32, #tpu.memory_space<vmem>>) offsets(%dma_start3A_1223 : memref<16xi32, #tpu.memory_space<vmem>>) semaphore(%arg13 : memref<!tpu.dma_semaphore, #tpu.memory_space<semaphore_mem>>)
    %dma_wait3A_1227 = arith.constant 960 : i32
    %dma_wait3A_1228 = tpu.memref_slice %arg5[%dma_wait3A_1227] : memref<1024xi32, #tpu.memory_space<vmem>> -> memref<16xi32, #tpu.memory_space<vmem>>
    %dma_wait3A_1229 = arith.constant 0 : i32
    %dma_wait3A_1230 = arith.constant 0 : i32
    %dma_wait3A_1231 = tpu.memref_slice %arg2[%dma_wait3A_1229, %dma_wait3A_1230] : memref<8192x1024xf32, #tpu.memory_space<hbm>> -> memref<8192x1024xf32, #tpu.memory_space<hbm>>
    tpu.wait_indirect_dma semaphore(%arg12 : memref<!tpu.dma_semaphore, #tpu.memory_space<semaphore_mem>>) src(%dma_wait3A_1231 : memref<8192x1024xf32, #tpu.memory_space<hbm>>) dst(%arg6 : memref<16x1024xf32, #tpu.memory_space<vmem>>)
    %add3A_1232 = arith.constant 960 : i32
    %add3A_1233 = arith.addi %mul3A_2, %add3A_1232 : i32
    %dma_start3A_1234 = arith.constant 0 : i32
    %dma_start3A_1235 = tpu.memref_slice %arg4[%add3A_1233, %dma_start3A_1234] : memref<32768x1024xf32, #tpu.memory_space<hbm>> -> memref<16x1024xf32, #tpu.memory_space<hbm>>
    %dma_start3A_1236 = arith.constant 0 : i32
    %dma_start3A_1237 = tpu.memref_slice %arg4[%add3A_1233, %dma_start3A_1236] : memref<32768x1024xf32, #tpu.memory_space<hbm>> -> memref<16x1024xf32, #tpu.memory_space<hbm>>
    tpu.enqueue_dma source(%arg6 : memref<16x1024xf32, #tpu.memory_space<vmem>>) target(%dma_start3A_1237 : memref<16x1024xf32, #tpu.memory_space<hbm>>) target_semaphore(%arg18 : memref<!tpu.dma_semaphore, #tpu.memory_space<semaphore_mem>>)
    %dma_wait3A_1238 = arith.constant 0 : i32
    %dma_wait3A_1239 = tpu.memref_slice %arg4[%add3A_1153, %dma_wait3A_1238] : memref<32768x1024xf32, #tpu.memory_space<hbm>> -> memref<16x1024xf32, #tpu.memory_space<hbm>>
    %dma_wait3A_1240 = arith.constant 0 : i32
    %dma_wait3A_1241 = tpu.memref_slice %arg4[%add3A_1153, %dma_wait3A_1240] : memref<32768x1024xf32, #tpu.memory_space<hbm>> -> memref<16x1024xf32, #tpu.memory_space<hbm>>
    tpu.wait_dma2 semaphore(%arg20 : memref<!tpu.dma_semaphore, #tpu.memory_space<semaphore_mem>>) src(%arg8 : memref<16x1024xf32, #tpu.memory_space<vmem>>) dst(%dma_wait3A_1241 : memref<16x1024xf32, #tpu.memory_space<hbm>>)
    %dma_start3A_1242 = arith.constant 992 : i32
    %dma_start3A_1243 = tpu.memref_slice %arg5[%dma_start3A_1242] : memref<1024xi32, #tpu.memory_space<vmem>> -> memref<16xi32, #tpu.memory_space<vmem>>
    %dma_start3A_1244 = arith.constant 0 : i32
    %dma_start3A_1245 = arith.constant 0 : i32
    %dma_start3A_1246 = tpu.memref_slice %arg2[%dma_start3A_1244, %dma_start3A_1245] : memref<8192x1024xf32, #tpu.memory_space<hbm>> -> memref<8192x1024xf32, #tpu.memory_space<hbm>>
    tpu.enqueue_indirect_dma source(%dma_start3A_1246 : memref<8192x1024xf32, #tpu.memory_space<hbm>>) target(%arg8 : memref<16x1024xf32, #tpu.memory_space<vmem>>) offsets(%dma_start3A_1243 : memref<16xi32, #tpu.memory_space<vmem>>) semaphore(%arg14 : memref<!tpu.dma_semaphore, #tpu.memory_space<semaphore_mem>>)
    %dma_wait3A_1247 = arith.constant 976 : i32
    %dma_wait3A_1248 = tpu.memref_slice %arg5[%dma_wait3A_1247] : memref<1024xi32, #tpu.memory_space<vmem>> -> memref<16xi32, #tpu.memory_space<vmem>>
    %dma_wait3A_1249 = arith.constant 0 : i32
    %dma_wait3A_1250 = arith.constant 0 : i32
    %dma_wait3A_1251 = tpu.memref_slice %arg2[%dma_wait3A_1249, %dma_wait3A_1250] : memref<8192x1024xf32, #tpu.memory_space<hbm>> -> memref<8192x1024xf32, #tpu.memory_space<hbm>>
    tpu.wait_indirect_dma semaphore(%arg13 : memref<!tpu.dma_semaphore, #tpu.memory_space<semaphore_mem>>) src(%dma_wait3A_1251 : memref<8192x1024xf32, #tpu.memory_space<hbm>>) dst(%arg7 : memref<16x1024xf32, #tpu.memory_space<vmem>>)
    %add3A_1252 = arith.constant 976 : i32
    %add3A_1253 = arith.addi %mul3A_2, %add3A_1252 : i32
    %dma_start3A_1254 = arith.constant 0 : i32
    %dma_start3A_1255 = tpu.memref_slice %arg4[%add3A_1253, %dma_start3A_1254] : memref<32768x1024xf32, #tpu.memory_space<hbm>> -> memref<16x1024xf32, #tpu.memory_space<hbm>>
    %dma_start3A_1256 = arith.constant 0 : i32
    %dma_start3A_1257 = tpu.memref_slice %arg4[%add3A_1253, %dma_start3A_1256] : memref<32768x1024xf32, #tpu.memory_space<hbm>> -> memref<16x1024xf32, #tpu.memory_space<hbm>>
    tpu.enqueue_dma source(%arg7 : memref<16x1024xf32, #tpu.memory_space<vmem>>) target(%dma_start3A_1257 : memref<16x1024xf32, #tpu.memory_space<hbm>>) target_semaphore(%arg19 : memref<!tpu.dma_semaphore, #tpu.memory_space<semaphore_mem>>)
    %dma_wait3A_1258 = arith.constant 0 : i32
    %dma_wait3A_1259 = tpu.memref_slice %arg4[%add3A_1173, %dma_wait3A_1258] : memref<32768x1024xf32, #tpu.memory_space<hbm>> -> memref<16x1024xf32, #tpu.memory_space<hbm>>
    %dma_wait3A_1260 = arith.constant 0 : i32
    %dma_wait3A_1261 = tpu.memref_slice %arg4[%add3A_1173, %dma_wait3A_1260] : memref<32768x1024xf32, #tpu.memory_space<hbm>> -> memref<16x1024xf32, #tpu.memory_space<hbm>>
    tpu.wait_dma2 semaphore(%arg21 : memref<!tpu.dma_semaphore, #tpu.memory_space<semaphore_mem>>) src(%arg9 : memref<16x1024xf32, #tpu.memory_space<vmem>>) dst(%dma_wait3A_1261 : memref<16x1024xf32, #tpu.memory_space<hbm>>)
    %dma_start3A_1262 = arith.constant 1008 : i32
    %dma_start3A_1263 = tpu.memref_slice %arg5[%dma_start3A_1262] : memref<1024xi32, #tpu.memory_space<vmem>> -> memref<16xi32, #tpu.memory_space<vmem>>
    %dma_start3A_1264 = arith.constant 0 : i32
    %dma_start3A_1265 = arith.constant 0 : i32
    %dma_start3A_1266 = tpu.memref_slice %arg2[%dma_start3A_1264, %dma_start3A_1265] : memref<8192x1024xf32, #tpu.memory_space<hbm>> -> memref<8192x1024xf32, #tpu.memory_space<hbm>>
    tpu.enqueue_indirect_dma source(%dma_start3A_1266 : memref<8192x1024xf32, #tpu.memory_space<hbm>>) target(%arg9 : memref<16x1024xf32, #tpu.memory_space<vmem>>) offsets(%dma_start3A_1263 : memref<16xi32, #tpu.memory_space<vmem>>) semaphore(%arg15 : memref<!tpu.dma_semaphore, #tpu.memory_space<semaphore_mem>>)
    %dma_wait3A_1267 = arith.constant 992 : i32
    %dma_wait3A_1268 = tpu.memref_slice %arg5[%dma_wait3A_1267] : memref<1024xi32, #tpu.memory_space<vmem>> -> memref<16xi32, #tpu.memory_space<vmem>>
    %dma_wait3A_1269 = arith.constant 0 : i32
    %dma_wait3A_1270 = arith.constant 0 : i32
    %dma_wait3A_1271 = tpu.memref_slice %arg2[%dma_wait3A_1269, %dma_wait3A_1270] : memref<8192x1024xf32, #tpu.memory_space<hbm>> -> memref<8192x1024xf32, #tpu.memory_space<hbm>>
    tpu.wait_indirect_dma semaphore(%arg14 : memref<!tpu.dma_semaphore, #tpu.memory_space<semaphore_mem>>) src(%dma_wait3A_1271 : memref<8192x1024xf32, #tpu.memory_space<hbm>>) dst(%arg8 : memref<16x1024xf32, #tpu.memory_space<vmem>>)
    %add3A_1272 = arith.constant 992 : i32
    %add3A_1273 = arith.addi %mul3A_2, %add3A_1272 : i32
    %dma_start3A_1274 = arith.constant 0 : i32
    %dma_start3A_1275 = tpu.memref_slice %arg4[%add3A_1273, %dma_start3A_1274] : memref<32768x1024xf32, #tpu.memory_space<hbm>> -> memref<16x1024xf32, #tpu.memory_space<hbm>>
    %dma_start3A_1276 = arith.constant 0 : i32
    %dma_start3A_1277 = tpu.memref_slice %arg4[%add3A_1273, %dma_start3A_1276] : memref<32768x1024xf32, #tpu.memory_space<hbm>> -> memref<16x1024xf32, #tpu.memory_space<hbm>>
    tpu.enqueue_dma source(%arg8 : memref<16x1024xf32, #tpu.memory_space<vmem>>) target(%dma_start3A_1277 : memref<16x1024xf32, #tpu.memory_space<hbm>>) target_semaphore(%arg20 : memref<!tpu.dma_semaphore, #tpu.memory_space<semaphore_mem>>)
    %dma_wait3A_1278 = arith.constant 1008 : i32
    %dma_wait3A_1279 = tpu.memref_slice %arg5[%dma_wait3A_1278] : memref<1024xi32, #tpu.memory_space<vmem>> -> memref<16xi32, #tpu.memory_space<vmem>>
    %dma_wait3A_1280 = arith.constant 0 : i32
    %dma_wait3A_1281 = arith.constant 0 : i32
    %dma_wait3A_1282 = tpu.memref_slice %arg2[%dma_wait3A_1280, %dma_wait3A_1281] : memref<8192x1024xf32, #tpu.memory_space<hbm>> -> memref<8192x1024xf32, #tpu.memory_space<hbm>>
    tpu.wait_indirect_dma semaphore(%arg15 : memref<!tpu.dma_semaphore, #tpu.memory_space<semaphore_mem>>) src(%dma_wait3A_1282 : memref<8192x1024xf32, #tpu.memory_space<hbm>>) dst(%arg9 : memref<16x1024xf32, #tpu.memory_space<vmem>>)
    %add3A_1283 = arith.constant 1008 : i32
    %add3A_1284 = arith.addi %mul3A_2, %add3A_1283 : i32
    %dma_start3A_1285 = arith.constant 0 : i32
    %dma_start3A_1286 = tpu.memref_slice %arg4[%add3A_1284, %dma_start3A_1285] : memref<32768x1024xf32, #tpu.memory_space<hbm>> -> memref<16x1024xf32, #tpu.memory_space<hbm>>
    %dma_start3A_1287 = arith.constant 0 : i32
    %dma_start3A_1288 = tpu.memref_slice %arg4[%add3A_1284, %dma_start3A_1287] : memref<32768x1024xf32, #tpu.memory_space<hbm>> -> memref<16x1024xf32, #tpu.memory_space<hbm>>
    tpu.enqueue_dma source(%arg9 : memref<16x1024xf32, #tpu.memory_space<vmem>>) target(%dma_start3A_1288 : memref<16x1024xf32, #tpu.memory_space<hbm>>) target_semaphore(%arg21 : memref<!tpu.dma_semaphore, #tpu.memory_space<semaphore_mem>>)
    %dma_wait3A_1289 = arith.constant 0 : i32
    %dma_wait3A_1290 = tpu.memref_slice %arg4[%add3A_1193, %dma_wait3A_1289] : memref<32768x1024xf32, #tpu.memory_space<hbm>> -> memref<16x1024xf32, #tpu.memory_space<hbm>>
    %dma_wait3A_1291 = arith.constant 0 : i32
    %dma_wait3A_1292 = tpu.memref_slice %arg4[%add3A_1193, %dma_wait3A_1291] : memref<32768x1024xf32, #tpu.memory_space<hbm>> -> memref<16x1024xf32, #tpu.memory_space<hbm>>
    tpu.wait_dma2 semaphore(%arg22 : memref<!tpu.dma_semaphore, #tpu.memory_space<semaphore_mem>>) src(%arg10 : memref<16x1024xf32, #tpu.memory_space<vmem>>) dst(%dma_wait3A_1292 : memref<16x1024xf32, #tpu.memory_space<hbm>>)
    %dma_wait3A_1293 = arith.constant 0 : i32
    %dma_wait3A_1294 = tpu.memref_slice %arg4[%add3A_1213, %dma_wait3A_1293] : memref<32768x1024xf32, #tpu.memory_space<hbm>> -> memref<16x1024xf32, #tpu.memory_space<hbm>>
    %dma_wait3A_1295 = arith.constant 0 : i32
    %dma_wait3A_1296 = tpu.memref_slice %arg4[%add3A_1213, %dma_wait3A_1295] : memref<32768x1024xf32, #tpu.memory_space<hbm>> -> memref<16x1024xf32, #tpu.memory_space<hbm>>
    tpu.wait_dma2 semaphore(%arg23 : memref<!tpu.dma_semaphore, #tpu.memory_space<semaphore_mem>>) src(%arg11 : memref<16x1024xf32, #tpu.memory_space<vmem>>) dst(%dma_wait3A_1296 : memref<16x1024xf32, #tpu.memory_space<hbm>>)
    %dma_wait3A_1297 = arith.constant 0 : i32
    %dma_wait3A_1298 = tpu.memref_slice %arg4[%add3A_1233, %dma_wait3A_1297] : memref<32768x1024xf32, #tpu.memory_space<hbm>> -> memref<16x1024xf32, #tpu.memory_space<hbm>>
    %dma_wait3A_1299 = arith.constant 0 : i32
    %dma_wait3A_1300 = tpu.memref_slice %arg4[%add3A_1233, %dma_wait3A_1299] : memref<32768x1024xf32, #tpu.memory_space<hbm>> -> memref<16x1024xf32, #tpu.memory_space<hbm>>
    tpu.wait_dma2 semaphore(%arg18 : memref<!tpu.dma_semaphore, #tpu.memory_space<semaphore_mem>>) src(%arg6 : memref<16x1024xf32, #tpu.memory_space<vmem>>) dst(%dma_wait3A_1300 : memref<16x1024xf32, #tpu.memory_space<hbm>>)
    %dma_wait3A_1301 = arith.constant 0 : i32
    %dma_wait3A_1302 = tpu.memref_slice %arg4[%add3A_1253, %dma_wait3A_1301] : memref<32768x1024xf32, #tpu.memory_space<hbm>> -> memref<16x1024xf32, #tpu.memory_space<hbm>>
    %dma_wait3A_1303 = arith.constant 0 : i32
    %dma_wait3A_1304 = tpu.memref_slice %arg4[%add3A_1253, %dma_wait3A_1303] : memref<32768x1024xf32, #tpu.memory_space<hbm>> -> memref<16x1024xf32, #tpu.memory_space<hbm>>
    tpu.wait_dma2 semaphore(%arg19 : memref<!tpu.dma_semaphore, #tpu.memory_space<semaphore_mem>>) src(%arg7 : memref<16x1024xf32, #tpu.memory_space<vmem>>) dst(%dma_wait3A_1304 : memref<16x1024xf32, #tpu.memory_space<hbm>>)
    %dma_wait3A_1305 = arith.constant 0 : i32
    %dma_wait3A_1306 = tpu.memref_slice %arg4[%add3A_1273, %dma_wait3A_1305] : memref<32768x1024xf32, #tpu.memory_space<hbm>> -> memref<16x1024xf32, #tpu.memory_space<hbm>>
    %dma_wait3A_1307 = arith.constant 0 : i32
    %dma_wait3A_1308 = tpu.memref_slice %arg4[%add3A_1273, %dma_wait3A_1307] : memref<32768x1024xf32, #tpu.memory_space<hbm>> -> memref<16x1024xf32, #tpu.memory_space<hbm>>
    tpu.wait_dma2 semaphore(%arg20 : memref<!tpu.dma_semaphore, #tpu.memory_space<semaphore_mem>>) src(%arg8 : memref<16x1024xf32, #tpu.memory_space<vmem>>) dst(%dma_wait3A_1308 : memref<16x1024xf32, #tpu.memory_space<hbm>>)
    %dma_wait3A_1309 = arith.constant 0 : i32
    %dma_wait3A_1310 = tpu.memref_slice %arg4[%add3A_1284, %dma_wait3A_1309] : memref<32768x1024xf32, #tpu.memory_space<hbm>> -> memref<16x1024xf32, #tpu.memory_space<hbm>>
    %dma_wait3A_1311 = arith.constant 0 : i32
    %dma_wait3A_1312 = tpu.memref_slice %arg4[%add3A_1284, %dma_wait3A_1311] : memref<32768x1024xf32, #tpu.memory_space<hbm>> -> memref<16x1024xf32, #tpu.memory_space<hbm>>
    tpu.wait_dma2 semaphore(%arg21 : memref<!tpu.dma_semaphore, #tpu.memory_space<semaphore_mem>>) src(%arg9 : memref<16x1024xf32, #tpu.memory_space<vmem>>) dst(%dma_wait3A_1312 : memref<16x1024xf32, #tpu.memory_space<hbm>>)
    return
  }
}

</mosaic_0001>

<sc_bundles>
// kernel: kernel.3.cloned.1.call-start
scs
__scs_entry_jumppad:
0x0: {  	(pc) =	sbr.rel $0x88, $3  }
0x1: {  	(tag) =	ssettag $0x0;
	lr =	simm.s32 $0x1  }
0x2: {  	[smem:$0x3F9F] =	sst lr;
	_ =	strace $0xD0000000  }
0x3: {  	_ = 	snop  }
0x4: {  	_ = 	snop  }
0x5: {  	_ = 	snop  }
0x6: {  	_ = 	snop  }
0x7: {  	_ = 	snop  }
__scs_overlays_trampoline_lowered:
0x8: {  	[smem:$0x3FAE] =	sst s0  }
0x9: {  	[smem:$0x3FAF] =	sst s1  }
0xa: {  	[smem:$0x3FB0] =	sst s2  }
0xb: {  	[smem:$0x3FB1] =	sst s3  }
0xc: {  	[smem:$0x3FB2] =	sst s4  }
0xd: {  	[smem:$0x3FB3] =	sst s5  }
0xe: {  	[smem:$0x3FB4] =	sst s6  }
0xf: {  	[smem:$0x3FB5] =	sst s7  }
0x10: {  	[smem:$0x3FB6] =	sst s8  }
0x11: {  	[smem:$0x3FB7] =	sst s9;
	s0 =	simm.s32 @!p0 $0x0  }
0x12: {  	s1 =	sld [smem:$0x3F9D];
	s0 =	simm.s32 @p0 $0x1  }
0x13: {  	[smem:$0x3FB8] =	sst s0;
	s0 =	simm.s32 @!p1 $0x0  }
0x14: {  	s2 =	sld [smem:$0x3F9C];
	s0 =	simm.s32 @p1 $0x1  }
0x15: {  	[smem:$0x3FB9] =	sst s0;
	s0 =	simm.s32 @!p2 $0x0  }
0x16: {  	s3 =	sld [smem:$0x3FDB];
	s0 =	simm.s32 @p2 $0x1  }
0x17: {  	s4 =	simm.s32 $0x1BF5;
	[smem:$0x3FBB] =	sst s0  }
0x18: {  	s0 =	sld [smem:$0x3F9E];
	_ =	swait.ge [sflag:s4], $0x0  }
0x19: {  	s7 =	sld [smem:$0x3F9F]  }
0x1a: {  	s8 =	sadd.s32 $0xFFFFE003, lr  }
0x1b: {  	s9 =	sadd.s32 $0xFFFFFEF7, lr;
	s5 =	simm.s32 $0xFFFFFFFF;
	p2 =	slt.u32 s8, $0xFFFFF086  }
0x1c: {  	p1 =	slt.u32 s9, $0xF7A;
	s5 =	simm.s32 @!p2 $0x0  }
0x1d: {  	s5 =	simm.s32 @p1 $0x1;
	p0 =	seq.s32 s7, s2  }
0x1e: {  	s7 =	smul.u32 @!p0 $0xF7A, s2;
	p2 =	seq.s32 @!p0 s5, $0x0  }
0x1f: {  	s9 =	smul.u32 $0xF7A, s1;
	s8 =	simm.s32 @!p0 $0x1BF5;
	p2 =	por !p2, p0  }
0x20: {  	[sflag:s8] =	ssyncset.s32 @!p0 $0xFFFFF086;
	s6 =	sadd.s32 @!p0 s3, s7;
	s7 =	simm.s32 @!p0 $0x108  }
0x21: {  	s3 =	sadd.s32 s3, s9;
	s6 =	sadd.s32 @!p0 $0x88, s6;
	s7 =	simm.s32 @p2 $0x1082  }
0x22: {  	[simem:s7], [sflag:s8] =	dma.local @!p0 [hbm:s6], $0xF7A  }
0x23: {  	s9 =	sor.u32 $0xD0000000, s2;
	s6 =	simm.s32 $0x108;
	_ =	swait.ge @!p0 [sflag:s8], $0x0  }
0x24: {  	s3 =	sadd.s32 $0x88, s3;
	s6 =	simm.s32 @!p1 $0x1082;
	[sflag:s4] =	ssyncset.s32 $0xFFFFF086  }
0x25: {  	[simem:s6], [sflag:s4] =	dma.local [hbm:s3], $0xF7A  }
0x26: {  	[smem:$0x3F9F] =	sst s1;
	(tag) =	ssettag s2;
	_ =	strace s9  }
0x27: {  	s1 =	sld [smem:$0x3FAF]  }
0x28: {  	s2 =	sld [smem:$0x3FB0]  }
0x29: {  	s4 =	sld [smem:$0x3FB2]  }
0x2a: {  	p0 =	seq.s32 s5, $0x0;
	s5 =	sld [smem:$0x3FB3]  }
0x2b: {  	s6 =	sld [smem:$0x3FB4]  }
0x2c: {  	s7 =	sld [smem:$0x3FB5]  }
0x2d: {  	s3 =	simm.s32 $0x108;
	s8 =	sld [smem:$0x3FB6]  }
0x2e: {  	s3 =	simm.s32 @!p0 $0x1082;
	s9 =	sld [smem:$0x3FB7]  }
0x2f: {  	lr =	sadd.s32 s0, s3;
	s0 =	sld [smem:$0x3FAE]  }
0x30: {  	s3 =	sld [smem:$0x3FB1]  }
0x31: {  	[smem:$0x3FBA] =	sst s10  }
0x32: {  	s10 =	sld [smem:$0x3FB8];
	_ =	sdelay $0x3  }
0x33: {  	p0 =	seq.s32 s10, $0x1;
	s10 =	sld [smem:$0x3FBA];
	_ =	sdelay $0x3  }
0x34: {  	[smem:$0x3FBA] =	sst s10  }
0x35: {  	s10 =	sld [smem:$0x3FB9];
	_ =	sdelay $0x3  }
0x36: {  	p1 =	seq.s32 s10, $0x1;
	s10 =	sld [smem:$0x3FBA];
	_ =	sdelay $0x3  }
0x37: {  	[smem:$0x3FBA] =	sst s10  }
0x38: {  	s10 =	sld [smem:$0x3FBB]  }
0x39: {  	_ = 	snop;
	(pc) =	sbr.ind lr, $3  }
0x3a: {  	_ = 	snop  }
0x3b: {  	_ = 	snop  }
0x3c: {  	p2 =	seq.s32 s10, $0x1;
	s10 =	sld [smem:$0x3FBA]  }
0x3d: {  	_ =	shalt  }
0x3e: {  	_ =	shalt  }
0x3f: {  	_ =	shalt  }
0x40: {  	_ =	shalt  }
0x41: {  	_ =	shalt  }
0x42: {  	_ =	shalt  }
0x43: {  	_ =	shalt  }
0x44: {  	_ =	shalt  }
0x45: {  	_ =	shalt  }
0x46: {  	_ =	shalt  }
0x47: {  	_ =	shalt  }
0x48: {  	_ =	shalt  }
0x49: {  	_ =	shalt  }
0x4a: {  	_ =	shalt  }
0x4b: {  	_ =	shalt  }
0x4c: {  	_ =	shalt  }
0x4d: {  	_ =	shalt  }
0x4e: {  	_ =	shalt  }
0x4f: {  	_ =	shalt  }
0x50: {  	_ =	shalt  }
0x51: {  	_ =	shalt  }
0x52: {  	_ =	shalt  }
0x53: {  	_ =	shalt  }
0x54: {  	_ =	shalt  }
0x55: {  	_ =	shalt  }
0x56: {  	_ =	shalt  }
0x57: {  	_ =	shalt  }
0x58: {  	_ =	shalt  }
0x59: {  	_ =	shalt  }
0x5a: {  	_ =	shalt  }
0x5b: {  	_ =	shalt  }
0x5c: {  	_ =	shalt  }
0x5d: {  	_ =	shalt  }
0x5e: {  	_ =	shalt  }
0x5f: {  	_ =	shalt  }
0x60: {  	_ =	shalt  }
0x61: {  	_ =	shalt  }
0x62: {  	_ =	shalt  }
0x63: {  	_ =	shalt  }
0x64: {  	_ =	shalt  }
0x65: {  	_ =	shalt  }
0x66: {  	_ =	shalt  }
0x67: {  	_ =	shalt  }
0x68: {  	_ =	shalt  }
0x69: {  	_ =	shalt  }
0x6a: {  	_ =	shalt  }
0x6b: {  	_ =	shalt  }
0x6c: {  	_ =	shalt  }
0x6d: {  	_ =	shalt  }
0x6e: {  	_ =	shalt  }
0x6f: {  	_ =	shalt  }
0x70: {  	_ =	shalt  }
0x71: {  	_ =	shalt  }
0x72: {  	_ =	shalt  }
0x73: {  	_ =	shalt  }
0x74: {  	_ =	shalt  }
0x75: {  	_ =	shalt  }
0x76: {  	_ =	shalt  }
0x77: {  	_ =	shalt  }
0x78: {  	_ =	shalt  }
0x79: {  	_ =	shalt  }
0x7a: {  	_ =	shalt  }
0x7b: {  	_ =	shalt  }
0x7c: {  	_ =	shalt  }
0x7d: {  	_ =	shalt  }
0x7e: {  	_ =	shalt  }
0x7f: {  	_ =	shalt  }
0x80: {  	_ =	shalt  }
0x81: {  	_ =	shalt  }
0x82: {  	_ =	shalt  }
0x83: {  	_ =	shalt  }
0x84: {  	_ =	shalt  }
0x85: {  	_ =	shalt  }
0x86: {  	_ =	shalt  }
0x87: {  	_ =	shalt  }
.Lfunc_end0:
.L_simem_size_0:
called_computation_lowered:
.L_overlay_start_0:
0x88: {  	s2 =	sld [smem:$0x3FD9]  }
0x89: {  	s3 =	sld [smem:$0x3FFE];
	_ =	sdelay $0x1  }
0x8a: {  	s1 =	srdreg.scid  }
0x8b: {  	s0 =	sand.u32 $0x1, s1  }
0x8c: {  	s18 =	sshll.u32 s0, $0xA;
	s2 =	sadd.s32 s3, s2  }
0x8d: {  	s2 =	sadd.s32 s2, s18  }
0x8e: {  	[smem:$0x3FC6] =	sst s2  }
0x8f: {  	_ = 	snop  }
0x90: {  	s2 =	sld [smem:$0x3FC9]  }
0x91: {  	s19 =	sld [smem:$0x3FC8]  }
0x92: {  	s4 =	sld [smem:$0x3FD0];
	(tm) =	ssettm $0x1  }
0x93: {  	s5 =	sld [smem:$0x3FFB];
	_ =	sdelay $0x3  }
0x94: {  	_ =	strace s5  }
0x95: {  	s5 =	sld [smem:$0x3FFC];
	_ =	sdelay $0x3  }
0x96: {  	_ =	strace s5  }
0x97: {  	s5 =	sld [smem:$0x3FFD];
	_ =	sdelay $0x3  }
0x98: {  	_ =	strace s5  }
0x99: {  	_ =	strace $0x8FFFFFFF  }
0x9a: {  	s20 =	sld [smem:$0x3FDB];
	_ =	sdelay $0x1  }
0x9b: {  	s6 =	simm.s32 $_scs_section_size  }
0x9c: {  	s7 =	simm.s32 $_size__tile_overlayer_lowered;
	s8 =	simm.s32 $_tile_overlayer_lowered  }
0x9d: {  	s23 =	simm.s32 $0x1BFF;
	s22 =	sshll.u32 s8, $0x1;
	s5 =	sadd.s32 s6, s20  }
0x9e: {  	s9 =	simm.s32 $0x0;
	s21 =	sshll.u32 s7, $0x1;
	s7 =	sadd.s32 s22, s5  }
0x9f: {  	[timem:s9], [sflag:s23] =	dma.local [hbm:s7], s21  }
0xa0: {  	_ =	swait.ge [sflag:s23], s21  }
0xa1: {  	s6 =	ssub.s32 $0x0, s21;
	[sflag:s23] =	ssyncset.done $0x0  }
0xa2: {  	[sflag:s23] =	ssyncadd.s32 s6;
	_ =	sdelay $0x1  }
0xa3: {  	s24 =	simm.s32 $0x1B8B  }
0xa4: {  	_ =	swait.ge [sflag:s24], $0x1  }
0xa5: {  	[sflag:s24] =	ssyncset.done $0x0  }
0xa6: {  	s25 =	simm.s32 $0x1B8E;
	[sflag:s24] =	ssyncadd.s32 $0xFFFFFFFF  }
0xa7: {  	s26 =	simm.s32 $execute0_lowered;
	[smem:$0x3FD2] =	sst s25  }
0xa8: {  	s6 =	sshll.u32 s26, $0x1;
	_ =	strace $0x80000046;
	[dreg:$0x1] =	wrdreg $0xFFFFFFFF  }
0xa9: {  	s28 =	simm.s32 $_size_execute0_lowered;
	s5 =	sadd.s32 s5, s6;
	[dreg:$0x0] =	wrdreg $0x0  }
0xaa: {  	s6 =	sshll.u32 s28, $0x1;
	[dreg:$0x2] =	wrdreg s5  }
0xab: {  	[dreg:$0x3] =	wrdreg s6  }
0xac: {  	[dreg:$0x4] =	wrdreg $0xC0  }
0xad: {  	_ =	task [dreg:s9], $0x5FFFF  }
0xae: {  	[dreg:$0x1] =	wrdreg $0xFFFFFFFF  }
0xaf: {  	[dreg:$0x0] =	wrdreg $0x60  }
0xb0: {  	[dreg:$0x2] =	wrdreg s19  }
0xb1: {  	[dreg:$0x3] =	wrdreg s2  }
0xb2: {  	[dreg:$0x4] =	wrdreg s4  }
0xb3: {  	[dreg:$0x5] =	wrdreg $0x9  }
0xb4: {  	_ =	task.clear_ibuf [dreg:s9], $0x6FFFF;
	_ =	strace $0x90000046  }
0xb5: {  	s29 =	simm.s32 $0x9;
	_ =	strace $0x80000048  }
0xb6: {  	_ =	swait.ge [sflag:s29], $0x1  }
0xb7: {  	[sflag:s29] =	ssyncadd.s32 $0xFFFFFFFF  }
0xb8: {  	_ =	strace $0x90000048  }
0xb9: {  	_ =	sfence  }
0xba: {  	s30 =	sld [smem:$0x0];
	_ =	sdelay $0x2  }
0xbb: {  	s31 =	sshll.u32 s1, $0xD;
	s1 =	sshrl.u32 s1, $0x2  }
0xbc: {  	s3 =	sand.u32 $0x4000, s31;
	s1 =	sadd.s32 s1, s30  }
0xbd: {  	s0 =	sor.u32 s3, s0;
	s1 =	sshll.u32 s1, $0x11  }
0xbe: {  	s0 =	sor.u32 s1, s0  }
0xbf: {  	s0 =	sadd.s32 $0x8F2B, s0  }
0xc0: {  	[sflag:s0] =	ssyncadd.remote.s32 $0x1  }
0xc1: {  	_ =	sfence.sel $0xFFFF  }
0xc2: {  	[dreg:$0x0] =	wrdreg $0xFFFFFFFF;
	(pc) =	sbr.abs _section_cstart, $3  }
0xc3: {  	[dreg:$0x1] =	wrdreg $0xFFFFFFFF  }
0xc4: {  	_ =	task.clear_ibuf [dreg:s9], $0x2FFFF;
	_ =	strace $0x9FFFFFFF  }
0xc5: {  	(tm) =	ssettm $0x7FFFFFFF  }
tec
execute0_lowered:
.L_overlay_start_1:
0x0: {  	(tag) =	ssettag $0x1  }
0x1: {  	s2 =	rddreg [dreg:$0x0]  }
0x2: {  	s1 =	rddreg [dreg:$0x1]  }
0x3: {  	s4 =	rddreg [dreg:$0x2]  }
0x4: {  	s0 =	srdreg.scid;
	s6 =	stileid.u32  }
0x5: {  	s3 =	simm.s32 $0x0;
	s0 =	sand.u32 $0x1, s0;
	s5 =	sshll.u32 s6, $0x1  }
0x6: {  	s6 =	sshll.u32 s6, $0x2;
	[smem:$0x7FF] =	sst s3;
	s5 =	sor.u32 s0, s5  }
0x7: {  	s6 =	sand.u32 $0x30, s6;
	s7 =	sshll.u32 s5, $0x9;
	s5 =	sshll.u32 s5, $0x11  }
0x8: {  	s1 =	sadd.s32 s1, s6;
	s7 =	sand.u32 $0xE00, s7;
	s6 =	sadd.s32 s4, s5  }
0x9: {  	_ =	strace $0x80000047;
	s1 =	sadd.s32 s7, s1;
	[smem:$0x7FA] =	sst s6  }
0xa: {  	s8 =	sadd.s32 $0x800, s6;
	[dreg:$0x4] =	wrdreg s1  }
0xb: {  	s9 =	sadd.s32 $0x1000, s6;
	[dreg:$0x5] =	wrdreg s8  }
0xc: {  	s10 =	sadd.s32 $0x1800, s6;
	[dreg:$0x6] =	wrdreg s9  }
0xd: {  	s11 =	sadd.s32 $0x2000, s6;
	[dreg:$0x7] =	wrdreg s10  }
0xe: {  	s12 =	sadd.s32 $0x2800, s6;
	[dreg:$0x8] =	wrdreg s11  }
0xf: {  	s13 =	sadd.s32 $0x3000, s6;
	[dreg:$0x9] =	wrdreg s12  }
0x10: {  	s14 =	sadd.s32 $0x3800, s6;
	[dreg:$0xa] =	wrdreg s13  }
0x11: {  	s15 =	sadd.s32 $0x4000, s6;
	[dreg:$0xb] =	wrdreg s14  }
0x12: {  	s16 =	sadd.s32 $0x4800, s6;
	[dreg:$0xc] =	wrdreg s15  }
0x13: {  	s17 =	sadd.s32 $0x5000, s6;
	[dreg:$0xd] =	wrdreg s16  }
0x14: {  	s18 =	sadd.s32 $0x5800, s6;
	[dreg:$0xe] =	wrdreg s17  }
0x15: {  	s19 =	sadd.s32 $0x6000, s6;
	[dreg:$0xf] =	wrdreg s18  }
0x16: {  	s20 =	sadd.s32 $0x6800, s6;
	[dreg:$0x10] =	wrdreg s19  }
0x17: {  	s21 =	sadd.s32 $0x7000, s6;
	[dreg:$0x11] =	wrdreg s20  }
0x18: {  	s22 =	sadd.s32 $0x7800, s6;
	[dreg:$0x12] =	wrdreg s21  }
0x19: {  	s23 =	sadd.s32 $0x8000, s6;
	[dreg:$0x13] =	wrdreg s22  }
0x1a: {  	s24 =	sadd.s32 $0x8800, s6;
	[dreg:$0x14] =	wrdreg s23  }
0x1b: {  	s25 =	sadd.s32 $0x9000, s6;
	[dreg:$0x15] =	wrdreg s24  }
0x1c: {  	s26 =	sadd.s32 $0x9800, s6;
	[dreg:$0x16] =	wrdreg s25  }
0x1d: {  	s28 =	sadd.s32 $0xA000, s6;
	[dreg:$0x17] =	wrdreg s26  }
0x1e: {  	s4 =	sadd.s32 $0xA800, s6;
	[dreg:$0x18] =	wrdreg s28  }
0x1f: {  	s5 =	sadd.s32 $0xB000, s6;
	[dreg:$0x19] =	wrdreg s4  }
0x20: {  	s7 =	sadd.s32 $0xB800, s6;
	[dreg:$0x1a] =	wrdreg s5  }
0x21: {  	[dreg:$0x1b] =	wrdreg s7;
	s8 =	sadd.s32 $0xC000, s6  }
0x22: {  	s9 =	sadd.s32 $0xC800, s6;
	[dreg:$0x1c] =	wrdreg s8  }
0x23: {  	s10 =	sadd.s32 $0xD000, s6;
	[dreg:$0x1d] =	wrdreg s9  }
0x24: {  	s11 =	sadd.s32 $0xD800, s6;
	[dreg:$0x1e] =	wrdreg s10  }
0x25: {  	s12 =	sadd.s32 $0xE000, s6;
	[dreg:$0x1f] =	wrdreg s11  }
0x26: {  	s13 =	sadd.s32 $0xE800, s6;
	[smem:$0x7D7] =	sst s12  }
0x27: {  	s14 =	sadd.s32 $0xF000, s6;
	[smem:$0x7D8] =	sst s13  }
0x28: {  	s15 =	sadd.s32 $0xF800, s6;
	[smem:$0x7D9] =	sst s14  }
0x29: {  	s16 =	sadd.s32 $0x10000, s6;
	[smem:$0x7DA] =	sst s15  }
0x2a: {  	s17 =	sadd.s32 $0x10800, s6;
	[smem:$0x7DB] =	sst s16  }
0x2b: {  	s18 =	sadd.s32 $0x11000, s6;
	[smem:$0x7DC] =	sst s17  }
0x2c: {  	s19 =	sadd.s32 $0x11800, s6;
	[smem:$0x7DD] =	sst s18  }
0x2d: {  	s20 =	sadd.s32 $0x12000, s6;
	[smem:$0x7DE] =	sst s19  }
0x2e: {  	s21 =	sadd.s32 $0x12800, s6;
	[smem:$0x7DF] =	sst s20  }
0x2f: {  	s22 =	sadd.s32 $0x13000, s6;
	[smem:$0x7E0] =	sst s21  }
0x30: {  	s23 =	sadd.s32 $0x13800, s6;
	[smem:$0x7E1] =	sst s22  }
0x31: {  	s24 =	sadd.s32 $0x14000, s6;
	[smem:$0x7E2] =	sst s23  }
0x32: {  	s25 =	sadd.s32 $0x14800, s6;
	[smem:$0x7E3] =	sst s24  }
0x33: {  	s26 =	sadd.s32 $0x15000, s6;
	[smem:$0x7E4] =	sst s25  }
0x34: {  	s28 =	sadd.s32 $0x15800, s6;
	[smem:$0x7E5] =	sst s26  }
0x35: {  	s4 =	sadd.s32 $0x16000, s6;
	[smem:$0x7E6] =	sst s28  }
0x36: {  	s5 =	sadd.s32 $0x16800, s6;
	[smem:$0x7E7] =	sst s4  }
0x37: {  	s7 =	sadd.s32 $0x17000, s6;
	[smem:$0x7E8] =	sst s5  }
0x38: {  	[smem:$0x7E9] =	sst s7;
	s8 =	sadd.s32 $0x17800, s6  }
0x39: {  	s9 =	sadd.s32 $0x18000, s6;
	[smem:$0x7EA] =	sst s8  }
0x3a: {  	s10 =	sadd.s32 $0x18800, s6;
	[smem:$0x7EB] =	sst s9  }
0x3b: {  	s11 =	sadd.s32 $0x19000, s6;
	[smem:$0x7EC] =	sst s10  }
0x3c: {  	s12 =	sadd.s32 $0x19800, s6;
	[smem:$0x7ED] =	sst s11  }
0x3d: {  	s13 =	sadd.s32 $0x1A000, s6;
	[smem:$0x7EE] =	sst s12  }
0x3e: {  	s14 =	sadd.s32 $0x1A800, s6;
	[smem:$0x7EF] =	sst s13  }
0x3f: {  	s15 =	sadd.s32 $0x1B000, s6;
	[smem:$0x7F0] =	sst s14  }
0x40: {  	s16 =	sadd.s32 $0x1B800, s6;
	[smem:$0x7F1] =	sst s15  }
0x41: {  	s17 =	sadd.s32 $0x1C000, s6;
	[smem:$0x7F2] =	sst s16  }
0x42: {  	s29 =	simm.s32 $0x4;
	s18 =	sadd.s32 $0x1C800, s6;
	[smem:$0x7F3] =	sst s17  }
0x43: {  	s30 =	simm.s32 $0x5;
	s19 =	sadd.s32 $0x1D000, s6;
	[smem:$0x7F4] =	sst s18  }
0x44: {  	s31 =	simm.s32 $0x7;
	s20 =	sadd.s32 $0x1D800, s6;
	[smem:$0x7F5] =	sst s19  }
0x45: {  	s0 =	ssub.s32 $0x2, s0;
	s21 =	sadd.s32 $0x1E000, s6;
	[smem:$0x7F6] =	sst s20  }
0x46: {  	s22 =	sshrl.u32 s0, $0x1;
	s23 =	sadd.s32 $0x1E800, s6;
	[smem:$0x7F7] =	sst s21  }
0x47: {  	s24 =	sadd.s32 $0x1F000, s6;
	s5 =	sadd.s32 $0x100, s2;
	[smem:$0x7F8] =	sst s23  }
0x48: {  	s25 =	sadd.s32 $0x1F800, s6;
	s6 =	sadd.s32 $0x200, s2;
	[smem:$0x7F9] =	sst s24  }
0x49: {  	s26 =	simm.s32 $0x80;
	s7 =	sadd.s32 $0x300, s2;
	[smem:$0x7FB] =	sst s25  }
0x4a: {  	v2 =	vlaneseq.u32;
	s28 =	simm.s32 $0x200;
	s0 =	ssub.s32 s0, s22;
	[smem:$0x7FC] =	sst s26  }
0x4b: {  	vm0 =	vmmov $0xffff;
	v1 =	vshrl.u32 v2, $0x3;
	[smem:$0x7FD] =	sst s28;
	s21 =	simm.s32 $0x1;
	s23 =	simm.s32 $0x3  }
0x4c: {  	v0 =	vand.u32 $0x7, v2;
	v2 =	vor.u32 $0x8, v2;
	v1 =	vmul.u32 $0x8, v1;
	s11 =	simm.s32 $0x8;
	s9 =	simm.s32 $0x9;
	s8 =	smax.u32 s0, $0x1  }
.LBB2_1:
0x4d: {  	s14 =	sld [smem:$0x7FC]  }
0x4e: {  	s15 =	sld [smem:$0x7FD]  }
0x4f: {  	[smem:$0x7D6] =	sst s8  }
0x50: {  	s13 =	rddreg [dreg:$0x4];
	s1 =	simm.s32 $0xD  }
0x51: {  	[tilespmem:s3], [sflag:$0xD] =	stream.strided.gather [hbm4b:s13+s14], $0x400, s15, s14, $0x38;
	[tilespmem:$0x18400] =	vst v63  }
0x52: {  	_ =	swait.ge [sflag:s1], $0x400  }
0x53: {  	[sflag:s1] =	ssyncset.done $0x0  }
0x54: {  	[sflag:s1] =	ssyncadd.s32 $0xFFFFFC00  }
0x55: {  	v3 =	vld [tilespmem:$0x0];
	_ =	sdelay $0x4  }
0x56: {  	v4 =	vshll.u32 v3, $0x3  }
0x57: {  	v3 =	vand.u32 $0x7, v3;
	v4 =	vand.u32 $0xFFFFFFC0, v4  }
0x58: {  	v3 =	vor.u32 v3, v4  }
0x59: {  	v4 =	vperm.xlane v3, v0;
	_ =	sdelay $0x1  }
0x5a: {  	v4 =	vadd.s32 v1, v4;
	_ =	sdelay $0x3  }
0x5b: {  	s4 =	simm.s32 $0x400  }
0x5c: {  	[tilespmem:s4], [sflag:$0x1] =	stream.indirect_vreg.gather [hbm4b:s2+s3], $0x80, v4, vm0, $0xb8;
	[tilespmem:$0x18400] =	vst v63  }
0x5d: {  	s10 =	simm.s32 $0xC00;
	v3 =	vperm.xlane v3, v2  }
0x5e: {  	[tilespmem:s10], [sflag:$0x1] =	stream.indirect_vreg.gather [hbm4b:s5+s3], $0x80, v4, vm0, $0xb8;
	[tilespmem:$0x18400] =	vst v63  }
0x5f: {  	s13 =	simm.s32 $0x1400;
	v3 =	vadd.s32 v1, v3  }
0x60: {  	[tilespmem:s13], [sflag:$0x1] =	stream.indirect_vreg.gather [hbm4b:s6+s3], $0x80, v4, vm0, $0xb8;
	[tilespmem:$0x18400] =	vst v63  }
0x61: {  	s14 =	simm.s32 $0x1C00  }
0x62: {  	[tilespmem:s14], [sflag:$0x1] =	stream.indirect_vreg.gather [hbm4b:s7+s3], $0x80, v4, vm0, $0xb8;
	[tilespmem:$0x18400] =	vst v63  }
0x63: {  	s15 =	simm.s32 $0x2400  }
0x64: {  	[tilespmem:s15], [sflag:$0x1] =	stream.indirect_vreg.gather [hbm4b:s2+s3], $0x80, v3, vm0, $0xb8;
	[tilespmem:$0x18400] =	vst v63  }
0x65: {  	s16 =	simm.s32 $0x2C00  }
0x66: {  	[tilespmem:s16], [sflag:$0x1] =	stream.indirect_vreg.gather [hbm4b:s5+s3], $0x80, v3, vm0, $0xb8;
	[tilespmem:$0x18400] =	vst v63  }
0x67: {  	s17 =	simm.s32 $0x3400  }
0x68: {  	[tilespmem:s17], [sflag:$0x1] =	stream.indirect_vreg.gather [hbm4b:s6+s3], $0x80, v3, vm0, $0xb8;
	[tilespmem:$0x18400] =	vst v63  }
0x69: {  	s18 =	simm.s32 $0x3C00  }
0x6a: {  	[tilespmem:s18], [sflag:$0x1] =	stream.indirect_vreg.gather [hbm4b:s7+s3], $0x80, v3, vm0, $0xb8;
	[tilespmem:$0x18400] =	vst v63  }
0x6b: {  	v3 =	vld [tilespmem:$0x10];
	_ =	sdelay $0x4  }
0x6c: {  	v57 =	vshll.u32 v3, $0x3  }
0x6d: {  	v3 =	vand.u32 $0x7, v3;
	v4 =	vand.u32 $0xFFFFFFC0, v57  }
0x6e: {  	v3 =	vor.u32 v3, v4  }
0x6f: {  	v4 =	vperm.xlane v3, v0;
	_ =	sdelay $0x1  }
0x70: {  	v4 =	vadd.s32 v1, v4;
	_ =	sdelay $0x3  }
0x71: {  	s19 =	simm.s32 $0x4400  }
0x72: {  	[tilespmem:s19], [sflag:$0x2] =	stream.indirect_vreg.gather [hbm4b:s2+s3], $0x80, v4, vm0, $0xb8;
	[tilespmem:$0x18400] =	vst v63  }
0x73: {  	s20 =	simm.s32 $0x4C00;
	v3 =	vperm.xlane v3, v2  }
0x74: {  	[tilespmem:s20], [sflag:$0x2] =	stream.indirect_vreg.gather [hbm4b:s5+s3], $0x80, v4, vm0, $0xb8;
	[tilespmem:$0x18400] =	vst v63  }
0x75: {  	s24 =	simm.s32 $0x5400;
	v3 =	vadd.s32 v1, v3  }
0x76: {  	[tilespmem:s24], [sflag:$0x2] =	stream.indirect_vreg.gather [hbm4b:s6+s3], $0x80, v4, vm0, $0xb8;
	[tilespmem:$0x18400] =	vst v63  }
0x77: {  	s26 =	simm.s32 $0x5C00  }
0x78: {  	[tilespmem:s26], [sflag:$0x2] =	stream.indirect_vreg.gather [hbm4b:s7+s3], $0x80, v4, vm0, $0xb8;
	[tilespmem:$0x18400] =	vst v63  }
0x79: {  	s28 =	simm.s32 $0x6400  }
0x7a: {  	[tilespmem:s28], [sflag:$0x2] =	stream.indirect_vreg.gather [hbm4b:s2+s3], $0x80, v3, vm0, $0xb8;
	[tilespmem:$0x18400] =	vst v63  }
0x7b: {  	s1 =	simm.s32 $0x6C00  }
0x7c: {  	[tilespmem:s1], [sflag:$0x2] =	stream.indirect_vreg.gather [hbm4b:s5+s3], $0x80, v3, vm0, $0xb8;
	[tilespmem:$0x18400] =	vst v63  }
0x7d: {  	s4 =	simm.s32 $0x7400  }
0x7e: {  	[tilespmem:s4], [sflag:$0x2] =	stream.indirect_vreg.gather [hbm4b:s6+s3], $0x80, v3, vm0, $0xb8;
	[tilespmem:$0x18400] =	vst v63  }
0x7f: {  	s13 =	simm.s32 $0x7C00  }
0x80: {  	[tilespmem:s13], [sflag:$0x2] =	stream.indirect_vreg.gather [hbm4b:s7+s3], $0x80, v3, vm0, $0xb8;
	[tilespmem:$0x18400] =	vst v63  }
0x81: {  	_ =	swait.ge [sflag:s21], $0x4000  }
0x82: {  	s15 =	sld [smem:$0x7FA]  }
0x83: {  	[sflag:s21] =	ssyncset.done $0x0  }
0x84: {  	s12 =	simm.s32 $0x400;
	[sflag:s21] =	ssyncadd.s32 $0xFFFFC000  }
0x85: {  	[hbm4b:s15+s3] =	stream.linear.scatter [tilespmem:s12], [sflag:$0x7], $0x4000, $0x38;
	[tilespmem:$0x18400] =	vst v63  }
0x86: {  	v3 =	vld [tilespmem:$0x20];
	_ =	sdelay $0x4  }
0x87: {  	v58 =	vshll.u32 v3, $0x3  }
0x88: {  	v3 =	vand.u32 $0x7, v3;
	v4 =	vand.u32 $0xFFFFFFC0, v58  }
0x89: {  	v3 =	vor.u32 v3, v4  }
0x8a: {  	v4 =	vperm.xlane v3, v0;
	_ =	sdelay $0x1  }
0x8b: {  	v4 =	vadd.s32 v1, v4;
	_ =	sdelay $0x3  }
0x8c: {  	s18 =	simm.s32 $0x8400  }
0x8d: {  	[tilespmem:s18], [sflag:$0x3] =	stream.indirect_vreg.gather [hbm4b:s2+s3], $0x80, v4, vm0, $0xb8;
	[tilespmem:$0x18400] =	vst v63  }
0x8e: {  	s20 =	simm.s32 $0x8C00;
	v3 =	vperm.xlane v3, v2  }
0x8f: {  	[tilespmem:s20], [sflag:$0x3] =	stream.indirect_vreg.gather [hbm4b:s5+s3], $0x80, v4, vm0, $0xb8;
	[tilespmem:$0x18400] =	vst v63  }
0x90: {  	s24 =	simm.s32 $0x9400;
	v3 =	vadd.s32 v1, v3  }
0x91: {  	[tilespmem:s24], [sflag:$0x3] =	stream.indirect_vreg.gather [hbm4b:s6+s3], $0x80, v4, vm0, $0xb8;
	[tilespmem:$0x18400] =	vst v63  }
0x92: {  	s26 =	simm.s32 $0x9C00  }
0x93: {  	[tilespmem:s26], [sflag:$0x3] =	stream.indirect_vreg.gather [hbm4b:s7+s3], $0x80, v4, vm0, $0xb8;
	[tilespmem:$0x18400] =	vst v63  }
0x94: {  	s28 =	simm.s32 $0xA400  }
0x95: {  	[tilespmem:s28], [sflag:$0x3] =	stream.indirect_vreg.gather [hbm4b:s2+s3], $0x80, v3, vm0, $0xb8;
	[tilespmem:$0x18400] =	vst v63  }
0x96: {  	s1 =	simm.s32 $0xAC00  }
0x97: {  	[tilespmem:s1], [sflag:$0x3] =	stream.indirect_vreg.gather [hbm4b:s5+s3], $0x80, v3, vm0, $0xb8;
	[tilespmem:$0x18400] =	vst v63  }
0x98: {  	s13 =	simm.s32 $0xB400  }
0x99: {  	[tilespmem:s13], [sflag:$0x3] =	stream.indirect_vreg.gather [hbm4b:s6+s3], $0x80, v3, vm0, $0xb8;
	[tilespmem:$0x18400] =	vst v63  }
0x9a: {  	s15 =	simm.s32 $0xBC00;
	s1 =	simm.s32 $0x2  }
0x9b: {  	[tilespmem:s15], [sflag:$0x3] =	stream.indirect_vreg.gather [hbm4b:s7+s3], $0x80, v3, vm0, $0xb8;
	[tilespmem:$0x18400] =	vst v63  }
0x9c: {  	_ =	swait.ge [sflag:s1], $0x4000  }
0x9d: {  	[sflag:s1] =	ssyncset.done $0x0  }
0x9e: {  	s14 =	simm.s32 $0x4400;
	s18 =	rddreg [dreg:$0x5];
	[sflag:s1] =	ssyncadd.s32 $0xFFFFC000  }
0x9f: {  	[hbm4b:s18+s3] =	stream.linear.scatter [tilespmem:s14], [sflag:$0x8], $0x4000, $0x38;
	[tilespmem:$0x18400] =	vst v63  }
0xa0: {  	v3 =	vld [tilespmem:$0x30];
	_ =	sdelay $0x4  }
0xa1: {  	v59 =	vshll.u32 v3, $0x3  }
0xa2: {  	v3 =	vand.u32 $0x7, v3;
	v4 =	vand.u32 $0xFFFFFFC0, v59  }
0xa3: {  	v3 =	vor.u32 v3, v4  }
0xa4: {  	v4 =	vperm.xlane v3, v0;
	_ =	sdelay $0x1  }
0xa5: {  	v4 =	vadd.s32 v1, v4;
	_ =	sdelay $0x3  }
0xa6: {  	s20 =	simm.s32 $0xC400  }
0xa7: {  	[tilespmem:s20], [sflag:$0x4] =	stream.indirect_vreg.gather [hbm4b:s2+s3], $0x80, v4, vm0, $0xb8;
	[tilespmem:$0x18400] =	vst v63  }
0xa8: {  	s24 =	simm.s32 $0xCC00;
	v3 =	vperm.xlane v3, v2  }
0xa9: {  	[tilespmem:s24], [sflag:$0x4] =	stream.indirect_vreg.gather [hbm4b:s5+s3], $0x80, v4, vm0, $0xb8;
	[tilespmem:$0x18400] =	vst v63  }
0xaa: {  	s26 =	simm.s32 $0xD400;
	v3 =	vadd.s32 v1, v3  }
0xab: {  	[tilespmem:s26], [sflag:$0x4] =	stream.indirect_vreg.gather [hbm4b:s6+s3], $0x80, v4, vm0, $0xb8;
	[tilespmem:$0x18400] =	vst v63  }
0xac: {  	s1 =	simm.s32 $0xDC00  }
0xad: {  	[tilespmem:s1], [sflag:$0x4] =	stream.indirect_vreg.gather [hbm4b:s7+s3], $0x80, v4, vm0, $0xb8;
	[tilespmem:$0x18400] =	vst v63  }
0xae: {  	s8 =	simm.s32 $0xE400  }
0xaf: {  	[tilespmem:s8], [sflag:$0x4] =	stream.indirect_vreg.gather [hbm4b:s2+s3], $0x80, v3, vm0, $0xb8;
	[tilespmem:$0x18400] =	vst v63  }
0xb0: {  	s14 =	simm.s32 $0xEC00  }
0xb1: {  	[tilespmem:s14], [sflag:$0x4] =	stream.indirect_vreg.gather [hbm4b:s5+s3], $0x80, v3, vm0, $0xb8;
	[tilespmem:$0x18400] =	vst v63  }
0xb2: {  	s15 =	simm.s32 $0xF400  }
0xb3: {  	[tilespmem:s15], [sflag:$0x4] =	stream.indirect_vreg.gather [hbm4b:s6+s3], $0x80, v3, vm0, $0xb8;
	[tilespmem:$0x18400] =	vst v63  }
0xb4: {  	s20 =	simm.s32 $0xFC00  }
0xb5: {  	[tilespmem:s20], [sflag:$0x4] =	stream.indirect_vreg.gather [hbm4b:s7+s3], $0x80, v3, vm0, $0xb8;
	[tilespmem:$0x18400] =	vst v63  }
0xb6: {  	_ =	swait.ge [sflag:s23], $0x4000  }
0xb7: {  	[sflag:s23] =	ssyncset.done $0x0  }
0xb8: {  	s12 =	simm.s32 $0x8400;
	s24 =	rddreg [dreg:$0x6];
	[sflag:s23] =	ssyncadd.s32 $0xFFFFC000  }
0xb9: {  	[hbm4b:s24+s3] =	stream.linear.scatter [tilespmem:s12], [sflag:$0x9], $0x4000, $0x38;
	[tilespmem:$0x18400] =	vst v63  }
0xba: {  	v3 =	vld [tilespmem:$0x40];
	_ =	sdelay $0x4  }
0xbb: {  	v60 =	vshll.u32 v3, $0x3  }
0xbc: {  	v3 =	vand.u32 $0x7, v3;
	v4 =	vand.u32 $0xFFFFFFC0, v60  }
0xbd: {  	v3 =	vor.u32 v3, v4  }
0xbe: {  	v4 =	vperm.xlane v3, v0;
	_ =	sdelay $0x1  }
0xbf: {  	v4 =	vadd.s32 v1, v4;
	_ =	sdelay $0x3  }
0xc0: {  	s26 =	simm.s32 $0x10400  }
0xc1: {  	[tilespmem:s26], [sflag:$0x5] =	stream.indirect_vreg.gather [hbm4b:s2+s3], $0x80, v4, vm0, $0xb8;
	[tilespmem:$0x18400] =	vst v63  }
0xc2: {  	s1 =	simm.s32 $0x10C00;
	v3 =	vperm.xlane v3, v2  }
0xc3: {  	[tilespmem:s1], [sflag:$0x5] =	stream.indirect_vreg.gather [hbm4b:s5+s3], $0x80, v4, vm0, $0xb8;
	[tilespmem:$0x18400] =	vst v63  }
0xc4: {  	s12 =	simm.s32 $0x11400;
	v3 =	vadd.s32 v1, v3  }
0xc5: {  	[tilespmem:s12], [sflag:$0x5] =	stream.indirect_vreg.gather [hbm4b:s6+s3], $0x80, v4, vm0, $0xb8;
	[tilespmem:$0x18400] =	vst v63  }
0xc6: {  	s13 =	simm.s32 $0x11C00  }
0xc7: {  	[tilespmem:s13], [sflag:$0x5] =	stream.indirect_vreg.gather [hbm4b:s7+s3], $0x80, v4, vm0, $0xb8;
	[tilespmem:$0x18400] =	vst v63  }
0xc8: {  	s15 =	simm.s32 $0x12400  }
0xc9: {  	[tilespmem:s15], [sflag:$0x5] =	stream.indirect_vreg.gather [hbm4b:s2+s3], $0x80, v3, vm0, $0xb8;
	[tilespmem:$0x18400] =	vst v63  }
0xca: {  	s20 =	simm.s32 $0x12C00  }
0xcb: {  	[tilespmem:s20], [sflag:$0x5] =	stream.indirect_vreg.gather [hbm4b:s5+s3], $0x80, v3, vm0, $0xb8;
	[tilespmem:$0x18400] =	vst v63  }
0xcc: {  	s24 =	simm.s32 $0x13400  }
0xcd: {  	[tilespmem:s24], [sflag:$0x5] =	stream.indirect_vreg.gather [hbm4b:s6+s3], $0x80, v3, vm0, $0xb8;
	[tilespmem:$0x18400] =	vst v63  }
0xce: {  	s1 =	simm.s32 $0x13C00  }
0xcf: {  	[tilespmem:s1], [sflag:$0x5] =	stream.indirect_vreg.gather [hbm4b:s7+s3], $0x80, v3, vm0, $0xb8;
	[tilespmem:$0x18400] =	vst v63  }
0xd0: {  	_ =	swait.ge [sflag:s29], $0x4000  }
0xd1: {  	[sflag:s29] =	ssyncset.done $0x0  }
0xd2: {  	s18 =	simm.s32 $0xC400;
	s8 =	rddreg [dreg:$0x7];
	[sflag:s29] =	ssyncadd.s32 $0xFFFFC000  }
0xd3: {  	[hbm4b:s8+s3] =	stream.linear.scatter [tilespmem:s18], [sflag:$0xA], $0x4000, $0x38;
	[tilespmem:$0x18400] =	vst v63  }
0xd4: {  	v3 =	vld [tilespmem:$0x50];
	_ =	sdelay $0x4  }
0xd5: {  	v61 =	vshll.u32 v3, $0x3  }
0xd6: {  	v3 =	vand.u32 $0x7, v3;
	v4 =	vand.u32 $0xFFFFFFC0, v61  }
0xd7: {  	v3 =	vor.u32 v3, v4  }
0xd8: {  	v4 =	vperm.xlane v3, v0;
	_ =	sdelay $0x1  }
0xd9: {  	v4 =	vadd.s32 v1, v4;
	_ =	sdelay $0x3  }
0xda: {  	s12 =	simm.s32 $0x14400  }
0xdb: {  	[tilespmem:s12], [sflag:$0x6] =	stream.indirect_vreg.gather [hbm4b:s2+s3], $0x80, v4, vm0, $0xb8;
	[tilespmem:$0x18400] =	vst v63  }
0xdc: {  	s13 =	simm.s32 $0x14C00;
	v3 =	vperm.xlane v3, v2  }
0xdd: {  	[tilespmem:s13], [sflag:$0x6] =	stream.indirect_vreg.gather [hbm4b:s5+s3], $0x80, v4, vm0, $0xb8;
	[tilespmem:$0x18400] =	vst v63  }
0xde: {  	s15 =	simm.s32 $0x15400;
	v3 =	vadd.s32 v1, v3  }
0xdf: {  	[tilespmem:s15], [sflag:$0x6] =	stream.indirect_vreg.gather [hbm4b:s6+s3], $0x80, v4, vm0, $0xb8;
	[tilespmem:$0x18400] =	vst v63  }
0xe0: {  	s18 =	simm.s32 $0x15C00  }
0xe1: {  	[tilespmem:s18], [sflag:$0x6] =	stream.indirect_vreg.gather [hbm4b:s7+s3], $0x80, v4, vm0, $0xb8;
	[tilespmem:$0x18400] =	vst v63  }
0xe2: {  	s20 =	simm.s32 $0x16400  }
0xe3: {  	[tilespmem:s20], [sflag:$0x6] =	stream.indirect_vreg.gather [hbm4b:s2+s3], $0x80, v3, vm0, $0xb8;
	[tilespmem:$0x18400] =	vst v63  }
0xe4: {  	s24 =	simm.s32 $0x16C00  }
0xe5: {  	[tilespmem:s24], [sflag:$0x6] =	stream.indirect_vreg.gather [hbm4b:s5+s3], $0x80, v3, vm0, $0xb8;
	[tilespmem:$0x18400] =	vst v63  }
0xe6: {  	s1 =	simm.s32 $0x17400  }
0xe7: {  	[tilespmem:s1], [sflag:$0x6] =	stream.indirect_vreg.gather [hbm4b:s6+s3], $0x80, v3, vm0, $0xb8;
	[tilespmem:$0x18400] =	vst v63  }
0xe8: {  	s13 =	simm.s32 $0x17C00  }
0xe9: {  	[tilespmem:s13], [sflag:$0x6] =	stream.indirect_vreg.gather [hbm4b:s7+s3], $0x80, v3, vm0, $0xb8;
	[tilespmem:$0x18400] =	vst v63  }
0xea: {  	_ =	swait.ge [sflag:s30], $0x4000  }
0xeb: {  	[sflag:s30] =	ssyncset.done $0x0  }
0xec: {  	s14 =	simm.s32 $0x10400;
	s15 =	rddreg [dreg:$0x8];
	[sflag:s30] =	ssyncadd.s32 $0xFFFFC000  }
0xed: {  	[hbm4b:s15+s3] =	stream.linear.scatter [tilespmem:s14], [sflag:$0xB], $0x4000, $0x38;
	[tilespmem:$0x18400] =	vst v63  }
0xee: {  	_ =	swait.ge [sflag:s31], $0x4000  }
0xef: {  	[sflag:s31] =	ssyncset.done $0x0  }
0xf0: {  	[sflag:s31] =	ssyncadd.s32 $0xFFFFC000  }
0xf1: {  	v3 =	vld [tilespmem:$0x60];
	_ =	sdelay $0x4  }
0xf2: {  	v62 =	vshll.u32 v3, $0x3  }
0xf3: {  	v3 =	vand.u32 $0x7, v3;
	v4 =	vand.u32 $0xFFFFFFC0, v62  }
0xf4: {  	v3 =	vor.u32 v3, v4  }
0xf5: {  	v4 =	vperm.xlane v3, v0;
	_ =	sdelay $0x1  }
0xf6: {  	v4 =	vadd.s32 v1, v4;
	_ =	sdelay $0x3  }
0xf7: {  	s14 =	simm.s32 $0x400  }
0xf8: {  	[tilespmem:s14], [sflag:$0x1] =	stream.indirect_vreg.gather [hbm4b:s2+s3], $0x80, v4, vm0, $0xb8;
	[tilespmem:$0x18400] =	vst v63  }
0xf9: {  	s0 =	simm.s32 $0xC00;
	v3 =	vperm.xlane v3, v2  }
0xfa: {  	[tilespmem:s0], [sflag:$0x1] =	stream.indirect_vreg.gather [hbm4b:s5+s3], $0x80, v4, vm0, $0xb8;
	[tilespmem:$0x18400] =	vst v63  }
0xfb: {  	s22 =	simm.s32 $0x1400;
	v3 =	vadd.s32 v1, v3  }
0xfc: {  	[tilespmem:s22], [sflag:$0x1] =	stream.indirect_vreg.gather [hbm4b:s6+s3], $0x80, v4, vm0, $0xb8;
	[tilespmem:$0x18400] =	vst v63  }
0xfd: {  	s8 =	simm.s32 $0x1C00  }
0xfe: {  	[tilespmem:s8], [sflag:$0x1] =	stream.indirect_vreg.gather [hbm4b:s7+s3], $0x80, v4, vm0, $0xb8;
	[tilespmem:$0x18400] =	vst v63  }
0xff: {  	s24 =	simm.s32 $0x2400  }
0x100: {  	[tilespmem:s24], [sflag:$0x1] =	stream.indirect_vreg.gather [hbm4b:s2+s3], $0x80, v3, vm0, $0xb8;
	[tilespmem:$0x18400] =	vst v63  }
0x101: {  	s0 =	simm.s32 $0x2C00  }
0x102: {  	[tilespmem:s0], [sflag:$0x1] =	stream.indirect_vreg.gather [hbm4b:s5+s3], $0x80, v3, vm0, $0xb8;
	[tilespmem:$0x18400] =	vst v63  }
0x103: {  	s20 =	simm.s32 $0x3400  }
0x104: {  	[tilespmem:s20], [sflag:$0x1] =	stream.indirect_vreg.gather [hbm4b:s6+s3], $0x80, v3, vm0, $0xb8;
	[tilespmem:$0x18400] =	vst v63  }
0x105: {  	s25 =	simm.s32 $0x3C00;
	s15 =	simm.s32 $0x6  }
0x106: {  	[tilespmem:s25], [sflag:$0x1] =	stream.indirect_vreg.gather [hbm4b:s7+s3], $0x80, v3, vm0, $0xb8;
	[tilespmem:$0x18400] =	vst v63  }
0x107: {  	_ =	swait.ge [sflag:s15], $0x4000  }
0x108: {  	[sflag:s15] =	ssyncset.done $0x0  }
0x109: {  	s12 =	simm.s32 $0x14400;
	s18 =	rddreg [dreg:$0x9];
	[sflag:s15] =	ssyncadd.s32 $0xFFFFC000  }
0x10a: {  	[hbm4b:s18+s3] =	stream.linear.scatter [tilespmem:s12], [sflag:$0xC], $0x4000, $0x38;
	[tilespmem:$0x18400] =	vst v63  }
0x10b: {  	_ =	swait.ge [sflag:s11], $0x4000  }
0x10c: {  	[sflag:s11] =	ssyncset.done $0x0  }
0x10d: {  	[sflag:s11] =	ssyncadd.s32 $0xFFFFC000  }
0x10e: {  	v3 =	vld [tilespmem:$0x70];
	_ =	sdelay $0x4  }
0x10f: {  	v63 =	vshll.u32 v3, $0x3  }
0x110: {  	v3 =	vand.u32 $0x7, v3;
	v4 =	vand.u32 $0xFFFFFFC0, v63  }
0x111: {  	v3 =	vor.u32 v3, v4  }
0x112: {  	v4 =	vperm.xlane v3, v0;
	_ =	sdelay $0x1  }
0x113: {  	v4 =	vadd.s32 v1, v4;
	_ =	sdelay $0x3  }
0x114: {  	s25 =	simm.s32 $0x4400  }
0x115: {  	[tilespmem:s25], [sflag:$0x2] =	stream.indirect_vreg.gather [hbm4b:s2+s3], $0x80, v4, vm0, $0xb8;
	[tilespmem:$0x18400] =	vst v63  }
0x116: {  	s10 =	simm.s32 $0x4C00;
	v3 =	vperm.xlane v3, v2  }
0x117: {  	[tilespmem:s10], [sflag:$0x2] =	stream.indirect_vreg.gather [hbm4b:s5+s3], $0x80, v4, vm0, $0xb8;
	[tilespmem:$0x18400] =	vst v63  }
0x118: {  	s16 =	simm.s32 $0x5400;
	v3 =	vadd.s32 v1, v3  }
0x119: {  	[tilespmem:s16], [sflag:$0x2] =	stream.indirect_vreg.gather [hbm4b:s6+s3], $0x80, v4, vm0, $0xb8;
	[tilespmem:$0x18400] =	vst v63  }
0x11a: {  	s17 =	simm.s32 $0x5C00  }
0x11b: {  	[tilespmem:s17], [sflag:$0x2] =	stream.indirect_vreg.gather [hbm4b:s7+s3], $0x80, v4, vm0, $0xb8;
	[tilespmem:$0x18400] =	vst v63  }
0x11c: {  	s19 =	simm.s32 $0x6400  }
0x11d: {  	[tilespmem:s19], [sflag:$0x2] =	stream.indirect_vreg.gather [hbm4b:s2+s3], $0x80, v3, vm0, $0xb8;
	[tilespmem:$0x18400] =	vst v63  }
0x11e: {  	s22 =	simm.s32 $0x6C00  }
0x11f: {  	[tilespmem:s22], [sflag:$0x2] =	stream.indirect_vreg.gather [hbm4b:s5+s3], $0x80, v3, vm0, $0xb8;
	[tilespmem:$0x18400] =	vst v63  }
0x120: {  	s19 =	simm.s32 $0x7400  }
0x121: {  	[tilespmem:s19], [sflag:$0x2] =	stream.indirect_vreg.gather [hbm4b:s6+s3], $0x80, v3, vm0, $0xb8;
	[tilespmem:$0x18400] =	vst v63  }
0x122: {  	s12 =	simm.s32 $0x7C00  }
0x123: {  	[tilespmem:s12], [sflag:$0x2] =	stream.indirect_vreg.gather [hbm4b:s7+s3], $0x80, v3, vm0, $0xb8;
	[tilespmem:$0x18400] =	vst v63  }
0x124: {  	_ =	swait.ge [sflag:s21], $0x4000  }
0x125: {  	[sflag:s21] =	ssyncset.done $0x0  }
0x126: {  	s1 =	rddreg [dreg:$0xa];
	[sflag:s21] =	ssyncadd.s32 $0xFFFFC000  }
0x127: {  	[hbm4b:s1+s3] =	stream.linear.scatter [tilespmem:s14], [sflag:$0x7], $0x4000, $0x38;
	[tilespmem:$0x18400] =	vst v63  }
0x128: {  	_ =	swait.ge [sflag:s9], $0x4000  }
0x129: {  	[sflag:s9] =	ssyncset.done $0x0  }
0x12a: {  	[sflag:s9] =	ssyncadd.s32 $0xFFFFC000  }
0x12b: {  	v3 =	vld [tilespmem:$0x80];
	_ =	sdelay $0x4  }
0x12c: {  	v8 =	vshll.u32 v3, $0x3  }
0x12d: {  	v3 =	vand.u32 $0x7, v3;
	v4 =	vand.u32 $0xFFFFFFC0, v8  }
0x12e: {  	v3 =	vor.u32 v3, v4  }
0x12f: {  	v4 =	vperm.xlane v3, v0;
	_ =	sdelay $0x1  }
0x130: {  	v4 =	vadd.s32 v1, v4;
	_ =	sdelay $0x3  }
0x131: {  	s10 =	simm.s32 $0x8400  }
0x132: {  	[tilespmem:s10], [sflag:$0x3] =	stream.indirect_vreg.gather [hbm4b:s2+s3], $0x80, v4, vm0, $0xb8;
	[tilespmem:$0x18400] =	vst v63  }
0x133: {  	s4 =	simm.s32 $0x8C00;
	v3 =	vperm.xlane v3, v2  }
0x134: {  	[tilespmem:s4], [sflag:$0x3] =	stream.indirect_vreg.gather [hbm4b:s5+s3], $0x80, v4, vm0, $0xb8;
	[tilespmem:$0x18400] =	vst v63  }
0x135: {  	s14 =	simm.s32 $0x9400;
	v3 =	vadd.s32 v1, v3  }
0x136: {  	[tilespmem:s14], [sflag:$0x3] =	stream.indirect_vreg.gather [hbm4b:s6+s3], $0x80, v4, vm0, $0xb8;
	[tilespmem:$0x18400] =	vst v63  }
0x137: {  	s19 =	simm.s32 $0x9C00  }
0x138: {  	[tilespmem:s19], [sflag:$0x3] =	stream.indirect_vreg.gather [hbm4b:s7+s3], $0x80, v4, vm0, $0xb8;
	[tilespmem:$0x18400] =	vst v63  }
0x139: {  	s4 =	simm.s32 $0xA400  }
0x13a: {  	[tilespmem:s4], [sflag:$0x3] =	stream.indirect_vreg.gather [hbm4b:s2+s3], $0x80, v3, vm0, $0xb8;
	[tilespmem:$0x18400] =	vst v63  }
0x13b: {  	s16 =	simm.s32 $0xAC00  }
0x13c: {  	[tilespmem:s16], [sflag:$0x3] =	stream.indirect_vreg.gather [hbm4b:s5+s3], $0x80, v3, vm0, $0xb8;
	[tilespmem:$0x18400] =	vst v63  }
0x13d: {  	s17 =	simm.s32 $0xB400  }
0x13e: {  	[tilespmem:s17], [sflag:$0x3] =	stream.indirect_vreg.gather [hbm4b:s6+s3], $0x80, v3, vm0, $0xb8;
	[tilespmem:$0x18400] =	vst v63  }
0x13f: {  	s28 =	simm.s32 $0xBC00;
	s13 =	simm.s32 $0x2  }
0x140: {  	[tilespmem:s28], [sflag:$0x3] =	stream.indirect_vreg.gather [hbm4b:s7+s3], $0x80, v3, vm0, $0xb8;
	[tilespmem:$0x18400] =	vst v63  }
0x141: {  	_ =	swait.ge [sflag:s13], $0x4000  }
0x142: {  	[sflag:s13] =	ssyncset.done $0x0  }
0x143: {  	s4 =	simm.s32 $0xA;
	s18 =	rddreg [dreg:$0xb];
	[sflag:s13] =	ssyncadd.s32 $0xFFFFC000  }
0x144: {  	[hbm4b:s18+s3] =	stream.linear.scatter [tilespmem:s25], [sflag:$0x8], $0x4000, $0x38;
	[tilespmem:$0x18400] =	vst v63  }
0x145: {  	_ =	swait.ge [sflag:s4], $0x4000  }
0x146: {  	[sflag:s4] =	ssyncset.done $0x0  }
0x147: {  	[sflag:s4] =	ssyncadd.s32 $0xFFFFC000  }
0x148: {  	v3 =	vld [tilespmem:$0x90];
	_ =	sdelay $0x4  }
0x149: {  	v9 =	vshll.u32 v3, $0x3  }
0x14a: {  	v3 =	vand.u32 $0x7, v3;
	v4 =	vand.u32 $0xFFFFFFC0, v9  }
0x14b: {  	v3 =	vor.u32 v3, v4  }
0x14c: {  	v4 =	vperm.xlane v3, v0;
	_ =	sdelay $0x1  }
0x14d: {  	v4 =	vadd.s32 v1, v4;
	_ =	sdelay $0x3  }
0x14e: {  	s28 =	simm.s32 $0xC400  }
0x14f: {  	[tilespmem:s28], [sflag:$0x4] =	stream.indirect_vreg.gather [hbm4b:s2+s3], $0x80, v4, vm0, $0xb8;
	[tilespmem:$0x18400] =	vst v63  }
0x150: {  	s25 =	simm.s32 $0xCC00;
	v3 =	vperm.xlane v3, v2  }
0x151: {  	[tilespmem:s25], [sflag:$0x4] =	stream.indirect_vreg.gather [hbm4b:s5+s3], $0x80, v4, vm0, $0xb8;
	[tilespmem:$0x18400] =	vst v63  }
0x152: {  	s13 =	simm.s32 $0xD400;
	v3 =	vadd.s32 v1, v3  }
0x153: {  	[tilespmem:s13], [sflag:$0x4] =	stream.indirect_vreg.gather [hbm4b:s6+s3], $0x80, v4, vm0, $0xb8;
	[tilespmem:$0x18400] =	vst v63  }
0x154: {  	s18 =	simm.s32 $0xDC00  }
0x155: {  	[tilespmem:s18], [sflag:$0x4] =	stream.indirect_vreg.gather [hbm4b:s7+s3], $0x80, v4, vm0, $0xb8;
	[tilespmem:$0x18400] =	vst v63  }
0x156: {  	s25 =	simm.s32 $0xE400  }
0x157: {  	[tilespmem:s25], [sflag:$0x4] =	stream.indirect_vreg.gather [hbm4b:s2+s3], $0x80, v3, vm0, $0xb8;
	[tilespmem:$0x18400] =	vst v63  }
0x158: {  	s13 =	simm.s32 $0xEC00  }
0x159: {  	[tilespmem:s13], [sflag:$0x4] =	stream.indirect_vreg.gather [hbm4b:s5+s3], $0x80, v3, vm0, $0xb8;
	[tilespmem:$0x18400] =	vst v63  }
0x15a: {  	s18 =	simm.s32 $0xF400  }
0x15b: {  	[tilespmem:s18], [sflag:$0x4] =	stream.indirect_vreg.gather [hbm4b:s6+s3], $0x80, v3, vm0, $0xb8;
	[tilespmem:$0x18400] =	vst v63  }
0x15c: {  	s25 =	simm.s32 $0xFC00  }
0x15d: {  	[tilespmem:s25], [sflag:$0x4] =	stream.indirect_vreg.gather [hbm4b:s7+s3], $0x80, v3, vm0, $0xb8;
	[tilespmem:$0x18400] =	vst v63  }
0x15e: {  	_ =	swait.ge [sflag:s23], $0x4000  }
0x15f: {  	[sflag:s23] =	ssyncset.done $0x0  }
0x160: {  	s18 =	simm.s32 $0xB;
	s1 =	rddreg [dreg:$0xc];
	[sflag:s23] =	ssyncadd.s32 $0xFFFFC000  }
0x161: {  	[hbm4b:s1+s3] =	stream.linear.scatter [tilespmem:s10], [sflag:$0x9], $0x4000, $0x38;
	[tilespmem:$0x18400] =	vst v63  }
0x162: {  	_ =	swait.ge [sflag:s18], $0x4000  }
0x163: {  	[sflag:s18] =	ssyncset.done $0x0  }
0x164: {  	[sflag:s18] =	ssyncadd.s32 $0xFFFFC000  }
0x165: {  	v3 =	vld [tilespmem:$0xA0];
	_ =	sdelay $0x4  }
0x166: {  	v10 =	vshll.u32 v3, $0x3  }
0x167: {  	v3 =	vand.u32 $0x7, v3;
	v4 =	vand.u32 $0xFFFFFFC0, v10  }
0x168: {  	v3 =	vor.u32 v3, v4  }
0x169: {  	v4 =	vperm.xlane v3, v0;
	_ =	sdelay $0x1  }
0x16a: {  	v4 =	vadd.s32 v1, v4;
	_ =	sdelay $0x3  }
0x16b: {  	s25 =	simm.s32 $0x10400  }
0x16c: {  	[tilespmem:s25], [sflag:$0x5] =	stream.indirect_vreg.gather [hbm4b:s2+s3], $0x80, v4, vm0, $0xb8;
	[tilespmem:$0x18400] =	vst v63  }
0x16d: {  	s13 =	simm.s32 $0x10C00;
	v3 =	vperm.xlane v3, v2  }
0x16e: {  	[tilespmem:s13], [sflag:$0x5] =	stream.indirect_vreg.gather [hbm4b:s5+s3], $0x80, v4, vm0, $0xb8;
	[tilespmem:$0x18400] =	vst v63  }
0x16f: {  	s26 =	simm.s32 $0x11400;
	v3 =	vadd.s32 v1, v3  }
0x170: {  	[tilespmem:s26], [sflag:$0x5] =	stream.indirect_vreg.gather [hbm4b:s6+s3], $0x80, v4, vm0, $0xb8;
	[tilespmem:$0x18400] =	vst v63  }
0x171: {  	s10 =	simm.s32 $0x11C00  }
0x172: {  	[tilespmem:s10], [sflag:$0x5] =	stream.indirect_vreg.gather [hbm4b:s7+s3], $0x80, v4, vm0, $0xb8;
	[tilespmem:$0x18400] =	vst v63  }
0x173: {  	s13 =	simm.s32 $0x12400  }
0x174: {  	[tilespmem:s13], [sflag:$0x5] =	stream.indirect_vreg.gather [hbm4b:s2+s3], $0x80, v3, vm0, $0xb8;
	[tilespmem:$0x18400] =	vst v63  }
0x175: {  	s26 =	simm.s32 $0x12C00  }
0x176: {  	[tilespmem:s26], [sflag:$0x5] =	stream.indirect_vreg.gather [hbm4b:s5+s3], $0x80, v3, vm0, $0xb8;
	[tilespmem:$0x18400] =	vst v63  }
0x177: {  	s10 =	simm.s32 $0x13400  }
0x178: {  	[tilespmem:s10], [sflag:$0x5] =	stream.indirect_vreg.gather [hbm4b:s6+s3], $0x80, v3, vm0, $0xb8;
	[tilespmem:$0x18400] =	vst v63  }
0x179: {  	s13 =	simm.s32 $0x13C00  }
0x17a: {  	[tilespmem:s13], [sflag:$0x5] =	stream.indirect_vreg.gather [hbm4b:s7+s3], $0x80, v3, vm0, $0xb8;
	[tilespmem:$0x18400] =	vst v63  }
0x17b: {  	_ =	swait.ge [sflag:s29], $0x4000  }
0x17c: {  	[sflag:s29] =	ssyncset.done $0x0  }
0x17d: {  	s26 =	rddreg [dreg:$0xd];
	[sflag:s29] =	ssyncadd.s32 $0xFFFFC000  }
0x17e: {  	[hbm4b:s26+s3] =	stream.linear.scatter [tilespmem:s28], [sflag:$0xA], $0x4000, $0x38;
	[tilespmem:$0x18400] =	vst v63  }
0x17f: {  	s26 =	simm.s32 $0xC  }
0x180: {  	_ =	swait.ge [sflag:s26], $0x4000  }
0x181: {  	[sflag:s26] =	ssyncset.done $0x0  }
0x182: {  	[sflag:s26] =	ssyncadd.s32 $0xFFFFC000  }
0x183: {  	v3 =	vld [tilespmem:$0xB0];
	_ =	sdelay $0x4  }
0x184: {  	v11 =	vshll.u32 v3, $0x3  }
0x185: {  	v3 =	vand.u32 $0x7, v3;
	v4 =	vand.u32 $0xFFFFFFC0, v11  }
0x186: {  	v3 =	vor.u32 v3, v4  }
0x187: {  	v4 =	vperm.xlane v3, v0;
	_ =	sdelay $0x1  }
0x188: {  	v4 =	vadd.s32 v1, v4;
	_ =	sdelay $0x3  }
0x189: {  	s10 =	simm.s32 $0x14400  }
0x18a: {  	[tilespmem:s10], [sflag:$0x6] =	stream.indirect_vreg.gather [hbm4b:s2+s3], $0x80, v4, vm0, $0xb8;
	[tilespmem:$0x18400] =	vst v63  }
0x18b: {  	s28 =	simm.s32 $0x14C00;
	v3 =	vperm.xlane v3, v2  }
0x18c: {  	[tilespmem:s28], [sflag:$0x6] =	stream.indirect_vreg.gather [hbm4b:s5+s3], $0x80, v4, vm0, $0xb8;
	[tilespmem:$0x18400] =	vst v63  }
0x18d: {  	v3 =	vadd.s32 v1, v3;
	s28 =	simm.s32 $0x15400  }
0x18e: {  	[tilespmem:s28], [sflag:$0x6] =	stream.indirect_vreg.gather [hbm4b:s6+s3], $0x80, v4, vm0, $0xb8;
	[tilespmem:$0x18400] =	vst v63  }
0x18f: {  	s13 =	simm.s32 $0x15C00  }
0x190: {  	[tilespmem:s13], [sflag:$0x6] =	stream.indirect_vreg.gather [hbm4b:s7+s3], $0x80, v4, vm0, $0xb8;
	[tilespmem:$0x18400] =	vst v63  }
0x191: {  	s13 =	simm.s32 $0x16400  }
0x192: {  	[tilespmem:s13], [sflag:$0x6] =	stream.indirect_vreg.gather [hbm4b:s2+s3], $0x80, v3, vm0, $0xb8;
	[tilespmem:$0x18400] =	vst v63  }
0x193: {  	s13 =	simm.s32 $0x16C00  }
0x194: {  	[tilespmem:s13], [sflag:$0x6] =	stream.indirect_vreg.gather [hbm4b:s5+s3], $0x80, v3, vm0, $0xb8;
	[tilespmem:$0x18400] =	vst v63  }
0x195: {  	s13 =	simm.s32 $0x17400  }
0x196: {  	[tilespmem:s13], [sflag:$0x6] =	stream.indirect_vreg.gather [hbm4b:s6+s3], $0x80, v3, vm0, $0xb8;
	[tilespmem:$0x18400] =	vst v63  }
0x197: {  	s13 =	simm.s32 $0x17C00  }
0x198: {  	[tilespmem:s13], [sflag:$0x6] =	stream.indirect_vreg.gather [hbm4b:s7+s3], $0x80, v3, vm0, $0xb8;
	[tilespmem:$0x18400] =	vst v63  }
0x199: {  	_ =	swait.ge [sflag:s30], $0x4000  }
0x19a: {  	[sflag:s30] =	ssyncset.done $0x0  }
0x19b: {  	s1 =	rddreg [dreg:$0xe];
	[sflag:s30] =	ssyncadd.s32 $0xFFFFC000  }
0x19c: {  	[hbm4b:s1+s3] =	stream.linear.scatter [tilespmem:s25], [sflag:$0xB], $0x4000, $0x38;
	[tilespmem:$0x18400] =	vst v63  }
0x19d: {  	_ =	swait.ge [sflag:s31], $0x4000  }
0x19e: {  	[sflag:s31] =	ssyncset.done $0x0  }
0x19f: {  	[sflag:s31] =	ssyncadd.s32 $0xFFFFC000  }
0x1a0: {  	v3 =	vld [tilespmem:$0xC0];
	_ =	sdelay $0x4  }
0x1a1: {  	v12 =	vshll.u32 v3, $0x3  }
0x1a2: {  	v3 =	vand.u32 $0x7, v3;
	v4 =	vand.u32 $0xFFFFFFC0, v12  }
0x1a3: {  	v3 =	vor.u32 v3, v4  }
0x1a4: {  	v4 =	vperm.xlane v3, v0;
	_ =	sdelay $0x1  }
0x1a5: {  	v4 =	vadd.s32 v1, v4;
	_ =	sdelay $0x3  }
0x1a6: {  	s25 =	simm.s32 $0x400  }
0x1a7: {  	[tilespmem:s25], [sflag:$0x1] =	stream.indirect_vreg.gather [hbm4b:s2+s3], $0x80, v4, vm0, $0xb8;
	[tilespmem:$0x18400] =	vst v63  }
0x1a8: {  	s13 =	simm.s32 $0xC00;
	v3 =	vperm.xlane v3, v2  }
0x1a9: {  	[tilespmem:s13], [sflag:$0x1] =	stream.indirect_vreg.gather [hbm4b:s5+s3], $0x80, v4, vm0, $0xb8;
	[tilespmem:$0x18400] =	vst v63  }
0x1aa: {  	v3 =	vadd.s32 v1, v3;
	s13 =	simm.s32 $0x1400  }
0x1ab: {  	[tilespmem:s13], [sflag:$0x1] =	stream.indirect_vreg.gather [hbm4b:s6+s3], $0x80, v4, vm0, $0xb8;
	[tilespmem:$0x18400] =	vst v63  }
0x1ac: {  	_ = 	snop  }
0x1ad: {  	[tilespmem:s8], [sflag:$0x1] =	stream.indirect_vreg.gather [hbm4b:s7+s3], $0x80, v4, vm0, $0xb8;
	[tilespmem:$0x18400] =	vst v63  }
0x1ae: {  	_ = 	snop  }
0x1af: {  	[tilespmem:s24], [sflag:$0x1] =	stream.indirect_vreg.gather [hbm4b:s2+s3], $0x80, v3, vm0, $0xb8;
	[tilespmem:$0x18400] =	vst v63  }
0x1b0: {  	_ = 	snop  }
0x1b1: {  	[tilespmem:s0], [sflag:$0x1] =	stream.indirect_vreg.gather [hbm4b:s5+s3], $0x80, v3, vm0, $0xb8;
	[tilespmem:$0x18400] =	vst v63  }
0x1b2: {  	_ = 	snop  }
0x1b3: {  	[tilespmem:s20], [sflag:$0x1] =	stream.indirect_vreg.gather [hbm4b:s6+s3], $0x80, v3, vm0, $0xb8;
	[tilespmem:$0x18400] =	vst v63  }
0x1b4: {  	s20 =	simm.s32 $0x3C00  }
0x1b5: {  	[tilespmem:s20], [sflag:$0x1] =	stream.indirect_vreg.gather [hbm4b:s7+s3], $0x80, v3, vm0, $0xb8;
	[tilespmem:$0x18400] =	vst v63  }
0x1b6: {  	_ =	swait.ge [sflag:s15], $0x4000  }
0x1b7: {  	[sflag:s15] =	ssyncset.done $0x0  }
0x1b8: {  	s1 =	rddreg [dreg:$0xf];
	[sflag:s15] =	ssyncadd.s32 $0xFFFFC000  }
0x1b9: {  	[hbm4b:s1+s3] =	stream.linear.scatter [tilespmem:s10], [sflag:$0xC], $0x4000, $0x38;
	[tilespmem:$0x18400] =	vst v63  }
0x1ba: {  	_ =	swait.ge [sflag:s11], $0x4000  }
0x1bb: {  	[sflag:s11] =	ssyncset.done $0x0  }
0x1bc: {  	[sflag:s11] =	ssyncadd.s32 $0xFFFFC000  }
0x1bd: {  	v3 =	vld [tilespmem:$0xD0];
	_ =	sdelay $0x4  }
0x1be: {  	v13 =	vshll.u32 v3, $0x3  }
0x1bf: {  	v3 =	vand.u32 $0x7, v3;
	v4 =	vand.u32 $0xFFFFFFC0, v13  }
0x1c0: {  	v3 =	vor.u32 v3, v4  }
0x1c1: {  	v4 =	vperm.xlane v3, v0;
	_ =	sdelay $0x1  }
0x1c2: {  	v4 =	vadd.s32 v1, v4;
	_ =	sdelay $0x3  }
0x1c3: {  	s10 =	simm.s32 $0x4400  }
0x1c4: {  	[tilespmem:s10], [sflag:$0x2] =	stream.indirect_vreg.gather [hbm4b:s2+s3], $0x80, v4, vm0, $0xb8;
	[tilespmem:$0x18400] =	vst v63  }
0x1c5: {  	s8 =	simm.s32 $0x4C00;
	v3 =	vperm.xlane v3, v2  }
0x1c6: {  	[tilespmem:s8], [sflag:$0x2] =	stream.indirect_vreg.gather [hbm4b:s5+s3], $0x80, v4, vm0, $0xb8;
	[tilespmem:$0x18400] =	vst v63  }
0x1c7: {  	s24 =	simm.s32 $0x5400;
	v3 =	vadd.s32 v1, v3  }
0x1c8: {  	[tilespmem:s24], [sflag:$0x2] =	stream.indirect_vreg.gather [hbm4b:s6+s3], $0x80, v4, vm0, $0xb8;
	[tilespmem:$0x18400] =	vst v63  }
0x1c9: {  	s13 =	simm.s32 $0x5C00  }
0x1ca: {  	[tilespmem:s13], [sflag:$0x2] =	stream.indirect_vreg.gather [hbm4b:s7+s3], $0x80, v4, vm0, $0xb8;
	[tilespmem:$0x18400] =	vst v63  }
0x1cb: {  	s1 =	simm.s32 $0x6400  }
0x1cc: {  	[tilespmem:s1], [sflag:$0x2] =	stream.indirect_vreg.gather [hbm4b:s2+s3], $0x80, v3, vm0, $0xb8;
	[tilespmem:$0x18400] =	vst v63  }
0x1cd: {  	_ = 	snop  }
0x1ce: {  	[tilespmem:s22], [sflag:$0x2] =	stream.indirect_vreg.gather [hbm4b:s5+s3], $0x80, v3, vm0, $0xb8;
	[tilespmem:$0x18400] =	vst v63  }
0x1cf: {  	s8 =	simm.s32 $0x7400  }
0x1d0: {  	[tilespmem:s8], [sflag:$0x2] =	stream.indirect_vreg.gather [hbm4b:s6+s3], $0x80, v3, vm0, $0xb8;
	[tilespmem:$0x18400] =	vst v63  }
0x1d1: {  	_ = 	snop  }
0x1d2: {  	[tilespmem:s12], [sflag:$0x2] =	stream.indirect_vreg.gather [hbm4b:s7+s3], $0x80, v3, vm0, $0xb8;
	[tilespmem:$0x18400] =	vst v63  }
0x1d3: {  	_ =	swait.ge [sflag:s21], $0x4000  }
0x1d4: {  	[sflag:s21] =	ssyncset.done $0x0  }
0x1d5: {  	s12 =	rddreg [dreg:$0x10];
	[sflag:s21] =	ssyncadd.s32 $0xFFFFC000  }
0x1d6: {  	[hbm4b:s12+s3] =	stream.linear.scatter [tilespmem:s25], [sflag:$0x7], $0x4000, $0x38;
	[tilespmem:$0x18400] =	vst v63  }
0x1d7: {  	_ =	swait.ge [sflag:s9], $0x4000  }
0x1d8: {  	[sflag:s9] =	ssyncset.done $0x0  }
0x1d9: {  	[sflag:s9] =	ssyncadd.s32 $0xFFFFC000  }
0x1da: {  	v3 =	vld [tilespmem:$0xE0];
	_ =	sdelay $0x4  }
0x1db: {  	v14 =	vshll.u32 v3, $0x3  }
0x1dc: {  	v3 =	vand.u32 $0x7, v3;
	v4 =	vand.u32 $0xFFFFFFC0, v14  }
0x1dd: {  	v3 =	vor.u32 v3, v4  }
0x1de: {  	v4 =	vperm.xlane v3, v0;
	_ =	sdelay $0x1  }
0x1df: {  	v4 =	vadd.s32 v1, v4;
	_ =	sdelay $0x3  }
0x1e0: {  	s12 =	simm.s32 $0x8400  }
0x1e1: {  	[tilespmem:s12], [sflag:$0x3] =	stream.indirect_vreg.gather [hbm4b:s2+s3], $0x80, v4, vm0, $0xb8;
	[tilespmem:$0x18400] =	vst v63  }
0x1e2: {  	s1 =	simm.s32 $0x8C00;
	v3 =	vperm.xlane v3, v2  }
0x1e3: {  	[tilespmem:s1], [sflag:$0x3] =	stream.indirect_vreg.gather [hbm4b:s5+s3], $0x80, v4, vm0, $0xb8;
	[tilespmem:$0x18400] =	vst v63  }
0x1e4: {  	v3 =	vadd.s32 v1, v3  }
0x1e5: {  	[tilespmem:s14], [sflag:$0x3] =	stream.indirect_vreg.gather [hbm4b:s6+s3], $0x80, v4, vm0, $0xb8;
	[tilespmem:$0x18400] =	vst v63  }
0x1e6: {  	_ = 	snop  }
0x1e7: {  	[tilespmem:s19], [sflag:$0x3] =	stream.indirect_vreg.gather [hbm4b:s7+s3], $0x80, v4, vm0, $0xb8;
	[tilespmem:$0x18400] =	vst v63  }
0x1e8: {  	s14 =	simm.s32 $0xA400  }
0x1e9: {  	[tilespmem:s14], [sflag:$0x3] =	stream.indirect_vreg.gather [hbm4b:s2+s3], $0x80, v3, vm0, $0xb8;
	[tilespmem:$0x18400] =	vst v63  }
0x1ea: {  	_ = 	snop  }
0x1eb: {  	[tilespmem:s16], [sflag:$0x3] =	stream.indirect_vreg.gather [hbm4b:s5+s3], $0x80, v3, vm0, $0xb8;
	[tilespmem:$0x18400] =	vst v63  }
0x1ec: {  	_ = 	snop  }
0x1ed: {  	[tilespmem:s17], [sflag:$0x3] =	stream.indirect_vreg.gather [hbm4b:s6+s3], $0x80, v3, vm0, $0xb8;
	[tilespmem:$0x18400] =	vst v63  }
0x1ee: {  	s8 =	simm.s32 $0xBC00;
	s19 =	simm.s32 $0x2  }
0x1ef: {  	[tilespmem:s8], [sflag:$0x3] =	stream.indirect_vreg.gather [hbm4b:s7+s3], $0x80, v3, vm0, $0xb8;
	[tilespmem:$0x18400] =	vst v63  }
0x1f0: {  	_ =	swait.ge [sflag:s19], $0x4000  }
0x1f1: {  	[sflag:s19] =	ssyncset.done $0x0  }
0x1f2: {  	s22 =	rddreg [dreg:$0x11];
	[sflag:s19] =	ssyncadd.s32 $0xFFFFC000  }
0x1f3: {  	[hbm4b:s22+s3] =	stream.linear.scatter [tilespmem:s10], [sflag:$0x8], $0x4000, $0x38;
	[tilespmem:$0x18400] =	vst v63  }
0x1f4: {  	_ =	swait.ge [sflag:s4], $0x4000  }
0x1f5: {  	[sflag:s4] =	ssyncset.done $0x0  }
0x1f6: {  	[sflag:s4] =	ssyncadd.s32 $0xFFFFC000  }
0x1f7: {  	v3 =	vld [tilespmem:$0xF0];
	_ =	sdelay $0x4  }
0x1f8: {  	v15 =	vshll.u32 v3, $0x3  }
0x1f9: {  	v3 =	vand.u32 $0x7, v3;
	v4 =	vand.u32 $0xFFFFFFC0, v15  }
0x1fa: {  	v3 =	vor.u32 v3, v4  }
0x1fb: {  	v4 =	vperm.xlane v3, v0;
	_ =	sdelay $0x1  }
0x1fc: {  	v4 =	vadd.s32 v1, v4;
	_ =	sdelay $0x3  }
0x1fd: {  	s16 =	simm.s32 $0xC400  }
0x1fe: {  	[tilespmem:s16], [sflag:$0x4] =	stream.indirect_vreg.gather [hbm4b:s2+s3], $0x80, v4, vm0, $0xb8;
	[tilespmem:$0x18400] =	vst v63  }
0x1ff: {  	s19 =	simm.s32 $0xCC00;
	v3 =	vperm.xlane v3, v2  }
0x200: {  	[tilespmem:s19], [sflag:$0x4] =	stream.indirect_vreg.gather [hbm4b:s5+s3], $0x80, v4, vm0, $0xb8;
	[tilespmem:$0x18400] =	vst v63  }
0x201: {  	s14 =	simm.s32 $0xD400;
	v3 =	vadd.s32 v1, v3  }
0x202: {  	[tilespmem:s14], [sflag:$0x4] =	stream.indirect_vreg.gather [hbm4b:s6+s3], $0x80, v4, vm0, $0xb8;
	[tilespmem:$0x18400] =	vst v63  }
0x203: {  	s17 =	simm.s32 $0xDC00  }
0x204: {  	[tilespmem:s17], [sflag:$0x4] =	stream.indirect_vreg.gather [hbm4b:s7+s3], $0x80, v4, vm0, $0xb8;
	[tilespmem:$0x18400] =	vst v63  }
0x205: {  	s22 =	simm.s32 $0xE400  }
0x206: {  	[tilespmem:s22], [sflag:$0x4] =	stream.indirect_vreg.gather [hbm4b:s2+s3], $0x80, v3, vm0, $0xb8;
	[tilespmem:$0x18400] =	vst v63  }
0x207: {  	s0 =	simm.s32 $0xEC00  }
0x208: {  	[tilespmem:s0], [sflag:$0x4] =	stream.indirect_vreg.gather [hbm4b:s5+s3], $0x80, v3, vm0, $0xb8;
	[tilespmem:$0x18400] =	vst v63  }
0x209: {  	s22 =	simm.s32 $0xF400  }
0x20a: {  	[tilespmem:s22], [sflag:$0x4] =	stream.indirect_vreg.gather [hbm4b:s6+s3], $0x80, v3, vm0, $0xb8;
	[tilespmem:$0x18400] =	vst v63  }
0x20b: {  	s14 =	simm.s32 $0xFC00  }
0x20c: {  	[tilespmem:s14], [sflag:$0x4] =	stream.indirect_vreg.gather [hbm4b:s7+s3], $0x80, v3, vm0, $0xb8;
	[tilespmem:$0x18400] =	vst v63  }
0x20d: {  	_ =	swait.ge [sflag:s23], $0x4000  }
0x20e: {  	[sflag:s23] =	ssyncset.done $0x0  }
0x20f: {  	s10 =	rddreg [dreg:$0x12];
	[sflag:s23] =	ssyncadd.s32 $0xFFFFC000  }
0x210: {  	[hbm4b:s10+s3] =	stream.linear.scatter [tilespmem:s12], [sflag:$0x9], $0x4000, $0x38;
	[tilespmem:$0x18400] =	vst v63  }
0x211: {  	_ =	swait.ge [sflag:s18], $0x4000  }
0x212: {  	[sflag:s18] =	ssyncset.done $0x0  }
0x213: {  	[sflag:s18] =	ssyncadd.s32 $0xFFFFC000  }
0x214: {  	v3 =	vld [tilespmem:$0x100];
	_ =	sdelay $0x4  }
0x215: {  	v16 =	vshll.u32 v3, $0x3  }
0x216: {  	v3 =	vand.u32 $0x7, v3;
	v4 =	vand.u32 $0xFFFFFFC0, v16  }
0x217: {  	v3 =	vor.u32 v3, v4  }
0x218: {  	v4 =	vperm.xlane v3, v0;
	_ =	sdelay $0x1  }
0x219: {  	v4 =	vadd.s32 v1, v4;
	_ =	sdelay $0x3  }
0x21a: {  	s12 =	simm.s32 $0x10400  }
0x21b: {  	[tilespmem:s12], [sflag:$0x5] =	stream.indirect_vreg.gather [hbm4b:s2+s3], $0x80, v4, vm0, $0xb8;
	[tilespmem:$0x18400] =	vst v63  }
0x21c: {  	s17 =	simm.s32 $0x10C00;
	v3 =	vperm.xlane v3, v2  }
0x21d: {  	[tilespmem:s17], [sflag:$0x5] =	stream.indirect_vreg.gather [hbm4b:s5+s3], $0x80, v4, vm0, $0xb8;
	[tilespmem:$0x18400] =	vst v63  }
0x21e: {  	s13 =	simm.s32 $0x11400;
	v3 =	vadd.s32 v1, v3  }
0x21f: {  	[tilespmem:s13], [sflag:$0x5] =	stream.indirect_vreg.gather [hbm4b:s6+s3], $0x80, v4, vm0, $0xb8;
	[tilespmem:$0x18400] =	vst v63  }
0x220: {  	s17 =	simm.s32 $0x11C00  }
0x221: {  	[tilespmem:s17], [sflag:$0x5] =	stream.indirect_vreg.gather [hbm4b:s7+s3], $0x80, v4, vm0, $0xb8;
	[tilespmem:$0x18400] =	vst v63  }
0x222: {  	s13 =	simm.s32 $0x12400  }
0x223: {  	[tilespmem:s13], [sflag:$0x5] =	stream.indirect_vreg.gather [hbm4b:s2+s3], $0x80, v3, vm0, $0xb8;
	[tilespmem:$0x18400] =	vst v63  }
0x224: {  	s17 =	simm.s32 $0x12C00  }
0x225: {  	[tilespmem:s17], [sflag:$0x5] =	stream.indirect_vreg.gather [hbm4b:s5+s3], $0x80, v3, vm0, $0xb8;
	[tilespmem:$0x18400] =	vst v63  }
0x226: {  	s13 =	simm.s32 $0x13400  }
0x227: {  	[tilespmem:s13], [sflag:$0x5] =	stream.indirect_vreg.gather [hbm4b:s6+s3], $0x80, v3, vm0, $0xb8;
	[tilespmem:$0x18400] =	vst v63  }
0x228: {  	s17 =	simm.s32 $0x13C00  }
0x229: {  	[tilespmem:s17], [sflag:$0x5] =	stream.indirect_vreg.gather [hbm4b:s7+s3], $0x80, v3, vm0, $0xb8;
	[tilespmem:$0x18400] =	vst v63  }
0x22a: {  	_ =	swait.ge [sflag:s29], $0x4000  }
0x22b: {  	[sflag:s29] =	ssyncset.done $0x0  }
0x22c: {  	s10 =	rddreg [dreg:$0x13];
	[sflag:s29] =	ssyncadd.s32 $0xFFFFC000  }
0x22d: {  	[hbm4b:s10+s3] =	stream.linear.scatter [tilespmem:s16], [sflag:$0xA], $0x4000, $0x38;
	[tilespmem:$0x18400] =	vst v63  }
0x22e: {  	_ =	swait.ge [sflag:s26], $0x4000  }
0x22f: {  	[sflag:s26] =	ssyncset.done $0x0  }
0x230: {  	[sflag:s26] =	ssyncadd.s32 $0xFFFFC000  }
0x231: {  	v3 =	vld [tilespmem:$0x110];
	_ =	sdelay $0x4  }
0x232: {  	v17 =	vshll.u32 v3, $0x3  }
0x233: {  	v3 =	vand.u32 $0x7, v3;
	v4 =	vand.u32 $0xFFFFFFC0, v17  }
0x234: {  	v3 =	vor.u32 v3, v4  }
0x235: {  	v4 =	vperm.xlane v3, v0;
	_ =	sdelay $0x1  }
0x236: {  	v4 =	vadd.s32 v1, v4;
	_ =	sdelay $0x3  }
0x237: {  	s10 =	simm.s32 $0x14400  }
0x238: {  	[tilespmem:s10], [sflag:$0x6] =	stream.indirect_vreg.gather [hbm4b:s2+s3], $0x80, v4, vm0, $0xb8;
	[tilespmem:$0x18400] =	vst v63  }
0x239: {  	s17 =	simm.s32 $0x14C00;
	v3 =	vperm.xlane v3, v2  }
0x23a: {  	[tilespmem:s17], [sflag:$0x6] =	stream.indirect_vreg.gather [hbm4b:s5+s3], $0x80, v4, vm0, $0xb8;
	[tilespmem:$0x18400] =	vst v63  }
0x23b: {  	v3 =	vadd.s32 v1, v3  }
0x23c: {  	[tilespmem:s28], [sflag:$0x6] =	stream.indirect_vreg.gather [hbm4b:s6+s3], $0x80, v4, vm0, $0xb8;
	[tilespmem:$0x18400] =	vst v63  }
0x23d: {  	s28 =	simm.s32 $0x15C00  }
0x23e: {  	[tilespmem:s28], [sflag:$0x6] =	stream.indirect_vreg.gather [hbm4b:s7+s3], $0x80, v4, vm0, $0xb8;
	[tilespmem:$0x18400] =	vst v63  }
0x23f: {  	s16 =	simm.s32 $0x16400  }
0x240: {  	[tilespmem:s16], [sflag:$0x6] =	stream.indirect_vreg.gather [hbm4b:s2+s3], $0x80, v3, vm0, $0xb8;
	[tilespmem:$0x18400] =	vst v63  }
0x241: {  	s17 =	simm.s32 $0x16C00  }
0x242: {  	[tilespmem:s17], [sflag:$0x6] =	stream.indirect_vreg.gather [hbm4b:s5+s3], $0x80, v3, vm0, $0xb8;
	[tilespmem:$0x18400] =	vst v63  }
0x243: {  	s28 =	simm.s32 $0x17400  }
0x244: {  	[tilespmem:s28], [sflag:$0x6] =	stream.indirect_vreg.gather [hbm4b:s6+s3], $0x80, v3, vm0, $0xb8;
	[tilespmem:$0x18400] =	vst v63  }
0x245: {  	s16 =	simm.s32 $0x17C00  }
0x246: {  	[tilespmem:s16], [sflag:$0x6] =	stream.indirect_vreg.gather [hbm4b:s7+s3], $0x80, v3, vm0, $0xb8;
	[tilespmem:$0x18400] =	vst v63  }
0x247: {  	_ =	swait.ge [sflag:s30], $0x4000  }
0x248: {  	[sflag:s30] =	ssyncset.done $0x0  }
0x249: {  	s17 =	rddreg [dreg:$0x14];
	[sflag:s30] =	ssyncadd.s32 $0xFFFFC000  }
0x24a: {  	[hbm4b:s17+s3] =	stream.linear.scatter [tilespmem:s12], [sflag:$0xB], $0x4000, $0x38;
	[tilespmem:$0x18400] =	vst v63  }
0x24b: {  	_ =	swait.ge [sflag:s31], $0x4000  }
0x24c: {  	[sflag:s31] =	ssyncset.done $0x0  }
0x24d: {  	[sflag:s31] =	ssyncadd.s32 $0xFFFFC000  }
0x24e: {  	v3 =	vld [tilespmem:$0x120];
	_ =	sdelay $0x4  }
0x24f: {  	v18 =	vshll.u32 v3, $0x3  }
0x250: {  	v3 =	vand.u32 $0x7, v3;
	v4 =	vand.u32 $0xFFFFFFC0, v18  }
0x251: {  	v3 =	vor.u32 v3, v4  }
0x252: {  	v4 =	vperm.xlane v3, v0;
	_ =	sdelay $0x1  }
0x253: {  	v4 =	vadd.s32 v1, v4;
	_ =	sdelay $0x3  }
0x254: {  	s16 =	simm.s32 $0x400  }
0x255: {  	[tilespmem:s16], [sflag:$0x1] =	stream.indirect_vreg.gather [hbm4b:s2+s3], $0x80, v4, vm0, $0xb8;
	[tilespmem:$0x18400] =	vst v63  }
0x256: {  	s28 =	simm.s32 $0xC00;
	v3 =	vperm.xlane v3, v2  }
0x257: {  	[tilespmem:s28], [sflag:$0x1] =	stream.indirect_vreg.gather [hbm4b:s5+s3], $0x80, v4, vm0, $0xb8;
	[tilespmem:$0x18400] =	vst v63  }
0x258: {  	s13 =	simm.s32 $0x1400;
	v3 =	vadd.s32 v1, v3  }
0x259: {  	[tilespmem:s13], [sflag:$0x1] =	stream.indirect_vreg.gather [hbm4b:s6+s3], $0x80, v4, vm0, $0xb8;
	[tilespmem:$0x18400] =	vst v63  }
0x25a: {  	s12 =	simm.s32 $0x1C00  }
0x25b: {  	[tilespmem:s12], [sflag:$0x1] =	stream.indirect_vreg.gather [hbm4b:s7+s3], $0x80, v4, vm0, $0xb8;
	[tilespmem:$0x18400] =	vst v63  }
0x25c: {  	s17 =	simm.s32 $0x2400  }
0x25d: {  	[tilespmem:s17], [sflag:$0x1] =	stream.indirect_vreg.gather [hbm4b:s2+s3], $0x80, v3, vm0, $0xb8;
	[tilespmem:$0x18400] =	vst v63  }
0x25e: {  	s28 =	simm.s32 $0x2C00  }
0x25f: {  	[tilespmem:s28], [sflag:$0x1] =	stream.indirect_vreg.gather [hbm4b:s5+s3], $0x80, v3, vm0, $0xb8;
	[tilespmem:$0x18400] =	vst v63  }
0x260: {  	s17 =	simm.s32 $0x3400  }
0x261: {  	[tilespmem:s17], [sflag:$0x1] =	stream.indirect_vreg.gather [hbm4b:s6+s3], $0x80, v3, vm0, $0xb8;
	[tilespmem:$0x18400] =	vst v63  }
0x262: {  	_ = 	snop  }
0x263: {  	[tilespmem:s20], [sflag:$0x1] =	stream.indirect_vreg.gather [hbm4b:s7+s3], $0x80, v3, vm0, $0xb8;
	[tilespmem:$0x18400] =	vst v63  }
0x264: {  	_ =	swait.ge [sflag:s15], $0x4000  }
0x265: {  	[sflag:s15] =	ssyncset.done $0x0  }
0x266: {  	s28 =	rddreg [dreg:$0x15];
	[sflag:s15] =	ssyncadd.s32 $0xFFFFC000  }
0x267: {  	[hbm4b:s28+s3] =	stream.linear.scatter [tilespmem:s10], [sflag:$0xC], $0x4000, $0x38;
	[tilespmem:$0x18400] =	vst v63  }
0x268: {  	_ =	swait.ge [sflag:s11], $0x4000  }
0x269: {  	[sflag:s11] =	ssyncset.done $0x0  }
0x26a: {  	[sflag:s11] =	ssyncadd.s32 $0xFFFFC000  }
0x26b: {  	v3 =	vld [tilespmem:$0x130];
	_ =	sdelay $0x4  }
0x26c: {  	v19 =	vshll.u32 v3, $0x3  }
0x26d: {  	v3 =	vand.u32 $0x7, v3;
	v4 =	vand.u32 $0xFFFFFFC0, v19  }
0x26e: {  	v3 =	vor.u32 v3, v4  }
0x26f: {  	v4 =	vperm.xlane v3, v0;
	_ =	sdelay $0x1  }
0x270: {  	v4 =	vadd.s32 v1, v4;
	_ =	sdelay $0x3  }
0x271: {  	s17 =	simm.s32 $0x4400  }
0x272: {  	[tilespmem:s17], [sflag:$0x2] =	stream.indirect_vreg.gather [hbm4b:s2+s3], $0x80, v4, vm0, $0xb8;
	[tilespmem:$0x18400] =	vst v63  }
0x273: {  	s13 =	simm.s32 $0x4C00;
	v3 =	vperm.xlane v3, v2  }
0x274: {  	[tilespmem:s13], [sflag:$0x2] =	stream.indirect_vreg.gather [hbm4b:s5+s3], $0x80, v4, vm0, $0xb8;
	[tilespmem:$0x18400] =	vst v63  }
0x275: {  	v3 =	vadd.s32 v1, v3  }
0x276: {  	[tilespmem:s24], [sflag:$0x2] =	stream.indirect_vreg.gather [hbm4b:s6+s3], $0x80, v4, vm0, $0xb8;
	[tilespmem:$0x18400] =	vst v63  }
0x277: {  	s20 =	simm.s32 $0x5C00  }
0x278: {  	[tilespmem:s20], [sflag:$0x2] =	stream.indirect_vreg.gather [hbm4b:s7+s3], $0x80, v4, vm0, $0xb8;
	[tilespmem:$0x18400] =	vst v63  }
0x279: {  	s24 =	simm.s32 $0x6400  }
0x27a: {  	[tilespmem:s24], [sflag:$0x2] =	stream.indirect_vreg.gather [hbm4b:s2+s3], $0x80, v3, vm0, $0xb8;
	[tilespmem:$0x18400] =	vst v63  }
0x27b: {  	s10 =	simm.s32 $0x6C00  }
0x27c: {  	[tilespmem:s10], [sflag:$0x2] =	stream.indirect_vreg.gather [hbm4b:s5+s3], $0x80, v3, vm0, $0xb8;
	[tilespmem:$0x18400] =	vst v63  }
0x27d: {  	s28 =	simm.s32 $0x7400  }
0x27e: {  	[tilespmem:s28], [sflag:$0x2] =	stream.indirect_vreg.gather [hbm4b:s6+s3], $0x80, v3, vm0, $0xb8;
	[tilespmem:$0x18400] =	vst v63  }
0x27f: {  	s20 =	simm.s32 $0x7C00  }
0x280: {  	[tilespmem:s20], [sflag:$0x2] =	stream.indirect_vreg.gather [hbm4b:s7+s3], $0x80, v3, vm0, $0xb8;
	[tilespmem:$0x18400] =	vst v63  }
0x281: {  	_ =	swait.ge [sflag:s21], $0x4000  }
0x282: {  	[sflag:s21] =	ssyncset.done $0x0  }
0x283: {  	s24 =	rddreg [dreg:$0x16];
	[sflag:s21] =	ssyncadd.s32 $0xFFFFC000  }
0x284: {  	[hbm4b:s24+s3] =	stream.linear.scatter [tilespmem:s16], [sflag:$0x7], $0x4000, $0x38;
	[tilespmem:$0x18400] =	vst v63  }
0x285: {  	_ =	swait.ge [sflag:s9], $0x4000  }
0x286: {  	[sflag:s9] =	ssyncset.done $0x0  }
0x287: {  	[sflag:s9] =	ssyncadd.s32 $0xFFFFC000  }
0x288: {  	v3 =	vld [tilespmem:$0x140];
	_ =	sdelay $0x4  }
0x289: {  	v20 =	vshll.u32 v3, $0x3  }
0x28a: {  	v3 =	vand.u32 $0x7, v3;
	v4 =	vand.u32 $0xFFFFFFC0, v20  }
0x28b: {  	v3 =	vor.u32 v3, v4  }
0x28c: {  	v4 =	vperm.xlane v3, v0;
	_ =	sdelay $0x1  }
0x28d: {  	v4 =	vadd.s32 v1, v4;
	_ =	sdelay $0x3  }
0x28e: {  	s20 =	simm.s32 $0x8400  }
0x28f: {  	[tilespmem:s20], [sflag:$0x3] =	stream.indirect_vreg.gather [hbm4b:s2+s3], $0x80, v4, vm0, $0xb8;
	[tilespmem:$0x18400] =	vst v63  }
0x290: {  	v3 =	vperm.xlane v3, v2  }
0x291: {  	[tilespmem:s1], [sflag:$0x3] =	stream.indirect_vreg.gather [hbm4b:s5+s3], $0x80, v4, vm0, $0xb8;
	[tilespmem:$0x18400] =	vst v63  }
0x292: {  	s24 =	simm.s32 $0x9400;
	v3 =	vadd.s32 v1, v3  }
0x293: {  	[tilespmem:s24], [sflag:$0x3] =	stream.indirect_vreg.gather [hbm4b:s6+s3], $0x80, v4, vm0, $0xb8;
	[tilespmem:$0x18400] =	vst v63  }
0x294: {  	s16 =	simm.s32 $0x9C00  }
0x295: {  	[tilespmem:s16], [sflag:$0x3] =	stream.indirect_vreg.gather [hbm4b:s7+s3], $0x80, v4, vm0, $0xb8;
	[tilespmem:$0x18400] =	vst v63  }
0x296: {  	s28 =	simm.s32 $0xA400  }
0x297: {  	[tilespmem:s28], [sflag:$0x3] =	stream.indirect_vreg.gather [hbm4b:s2+s3], $0x80, v3, vm0, $0xb8;
	[tilespmem:$0x18400] =	vst v63  }
0x298: {  	s1 =	simm.s32 $0xAC00  }
0x299: {  	[tilespmem:s1], [sflag:$0x3] =	stream.indirect_vreg.gather [hbm4b:s5+s3], $0x80, v3, vm0, $0xb8;
	[tilespmem:$0x18400] =	vst v63  }
0x29a: {  	s28 =	simm.s32 $0xB400  }
0x29b: {  	[tilespmem:s28], [sflag:$0x3] =	stream.indirect_vreg.gather [hbm4b:s6+s3], $0x80, v3, vm0, $0xb8;
	[tilespmem:$0x18400] =	vst v63  }
0x29c: {  	s25 =	simm.s32 $0x2  }
0x29d: {  	[tilespmem:s8], [sflag:$0x3] =	stream.indirect_vreg.gather [hbm4b:s7+s3], $0x80, v3, vm0, $0xb8;
	[tilespmem:$0x18400] =	vst v63  }
0x29e: {  	_ =	swait.ge [sflag:s25], $0x4000  }
0x29f: {  	[sflag:s25] =	ssyncset.done $0x0  }
0x2a0: {  	s8 =	rddreg [dreg:$0x17];
	[sflag:s25] =	ssyncadd.s32 $0xFFFFC000  }
0x2a1: {  	[hbm4b:s8+s3] =	stream.linear.scatter [tilespmem:s17], [sflag:$0x8], $0x4000, $0x38;
	[tilespmem:$0x18400] =	vst v63  }
0x2a2: {  	_ =	swait.ge [sflag:s4], $0x4000  }
0x2a3: {  	[sflag:s4] =	ssyncset.done $0x0  }
0x2a4: {  	[sflag:s4] =	ssyncadd.s32 $0xFFFFC000  }
0x2a5: {  	v3 =	vld [tilespmem:$0x150];
	_ =	sdelay $0x4  }
0x2a6: {  	v21 =	vshll.u32 v3, $0x3  }
0x2a7: {  	v3 =	vand.u32 $0x7, v3;
	v4 =	vand.u32 $0xFFFFFFC0, v21  }
0x2a8: {  	v3 =	vor.u32 v3, v4  }
0x2a9: {  	v4 =	vperm.xlane v3, v0;
	_ =	sdelay $0x1  }
0x2aa: {  	v4 =	vadd.s32 v1, v4;
	_ =	sdelay $0x3  }
0x2ab: {  	s17 =	simm.s32 $0xC400  }
0x2ac: {  	[tilespmem:s17], [sflag:$0x4] =	stream.indirect_vreg.gather [hbm4b:s2+s3], $0x80, v4, vm0, $0xb8;
	[tilespmem:$0x18400] =	vst v63  }
0x2ad: {  	v3 =	vperm.xlane v3, v2  }
0x2ae: {  	[tilespmem:s19], [sflag:$0x4] =	stream.indirect_vreg.gather [hbm4b:s5+s3], $0x80, v4, vm0, $0xb8;
	[tilespmem:$0x18400] =	vst v63  }
0x2af: {  	s13 =	simm.s32 $0xD400;
	v3 =	vadd.s32 v1, v3  }
0x2b0: {  	[tilespmem:s13], [sflag:$0x4] =	stream.indirect_vreg.gather [hbm4b:s6+s3], $0x80, v4, vm0, $0xb8;
	[tilespmem:$0x18400] =	vst v63  }
0x2b1: {  	s19 =	simm.s32 $0xDC00  }
0x2b2: {  	[tilespmem:s19], [sflag:$0x4] =	stream.indirect_vreg.gather [hbm4b:s7+s3], $0x80, v4, vm0, $0xb8;
	[tilespmem:$0x18400] =	vst v63  }
0x2b3: {  	s13 =	simm.s32 $0xE400  }
0x2b4: {  	[tilespmem:s13], [sflag:$0x4] =	stream.indirect_vreg.gather [hbm4b:s2+s3], $0x80, v3, vm0, $0xb8;
	[tilespmem:$0x18400] =	vst v63  }
0x2b5: {  	_ = 	snop  }
0x2b6: {  	[tilespmem:s0], [sflag:$0x4] =	stream.indirect_vreg.gather [hbm4b:s5+s3], $0x80, v3, vm0, $0xb8;
	[tilespmem:$0x18400] =	vst v63  }
0x2b7: {  	_ = 	snop  }
0x2b8: {  	[tilespmem:s22], [sflag:$0x4] =	stream.indirect_vreg.gather [hbm4b:s6+s3], $0x80, v3, vm0, $0xb8;
	[tilespmem:$0x18400] =	vst v63  }
0x2b9: {  	_ = 	snop  }
0x2ba: {  	[tilespmem:s14], [sflag:$0x4] =	stream.indirect_vreg.gather [hbm4b:s7+s3], $0x80, v3, vm0, $0xb8;
	[tilespmem:$0x18400] =	vst v63  }
0x2bb: {  	_ =	swait.ge [sflag:s23], $0x4000  }
0x2bc: {  	[sflag:s23] =	ssyncset.done $0x0  }
0x2bd: {  	s19 =	rddreg [dreg:$0x18];
	[sflag:s23] =	ssyncadd.s32 $0xFFFFC000  }
0x2be: {  	[hbm4b:s19+s3] =	stream.linear.scatter [tilespmem:s20], [sflag:$0x9], $0x4000, $0x38;
	[tilespmem:$0x18400] =	vst v63  }
0x2bf: {  	_ =	swait.ge [sflag:s18], $0x4000  }
0x2c0: {  	[sflag:s18] =	ssyncset.done $0x0  }
0x2c1: {  	[sflag:s18] =	ssyncadd.s32 $0xFFFFC000  }
0x2c2: {  	v3 =	vld [tilespmem:$0x160];
	_ =	sdelay $0x4  }
0x2c3: {  	v22 =	vshll.u32 v3, $0x3  }
0x2c4: {  	v3 =	vand.u32 $0x7, v3;
	v4 =	vand.u32 $0xFFFFFFC0, v22  }
0x2c5: {  	v3 =	vor.u32 v3, v4  }
0x2c6: {  	v4 =	vperm.xlane v3, v0;
	_ =	sdelay $0x1  }
0x2c7: {  	v4 =	vadd.s32 v1, v4;
	_ =	sdelay $0x3  }
0x2c8: {  	s8 =	simm.s32 $0x10400  }
0x2c9: {  	[tilespmem:s8], [sflag:$0x5] =	stream.indirect_vreg.gather [hbm4b:s2+s3], $0x80, v4, vm0, $0xb8;
	[tilespmem:$0x18400] =	vst v63  }
0x2ca: {  	s22 =	simm.s32 $0x10C00;
	v3 =	vperm.xlane v3, v2  }
0x2cb: {  	[tilespmem:s22], [sflag:$0x5] =	stream.indirect_vreg.gather [hbm4b:s5+s3], $0x80, v4, vm0, $0xb8;
	[tilespmem:$0x18400] =	vst v63  }
0x2cc: {  	s13 =	simm.s32 $0x11400;
	v3 =	vadd.s32 v1, v3  }
0x2cd: {  	[tilespmem:s13], [sflag:$0x5] =	stream.indirect_vreg.gather [hbm4b:s6+s3], $0x80, v4, vm0, $0xb8;
	[tilespmem:$0x18400] =	vst v63  }
0x2ce: {  	s14 =	simm.s32 $0x11C00  }
0x2cf: {  	[tilespmem:s14], [sflag:$0x5] =	stream.indirect_vreg.gather [hbm4b:s7+s3], $0x80, v4, vm0, $0xb8;
	[tilespmem:$0x18400] =	vst v63  }
0x2d0: {  	s19 =	simm.s32 $0x12400  }
0x2d1: {  	[tilespmem:s19], [sflag:$0x5] =	stream.indirect_vreg.gather [hbm4b:s2+s3], $0x80, v3, vm0, $0xb8;
	[tilespmem:$0x18400] =	vst v63  }
0x2d2: {  	s20 =	simm.s32 $0x12C00  }
0x2d3: {  	[tilespmem:s20], [sflag:$0x5] =	stream.indirect_vreg.gather [hbm4b:s5+s3], $0x80, v3, vm0, $0xb8;
	[tilespmem:$0x18400] =	vst v63  }
0x2d4: {  	s22 =	simm.s32 $0x13400  }
0x2d5: {  	[tilespmem:s22], [sflag:$0x5] =	stream.indirect_vreg.gather [hbm4b:s6+s3], $0x80, v3, vm0, $0xb8;
	[tilespmem:$0x18400] =	vst v63  }
0x2d6: {  	s13 =	simm.s32 $0x13C00  }
0x2d7: {  	[tilespmem:s13], [sflag:$0x5] =	stream.indirect_vreg.gather [hbm4b:s7+s3], $0x80, v3, vm0, $0xb8;
	[tilespmem:$0x18400] =	vst v63  }
0x2d8: {  	_ =	swait.ge [sflag:s29], $0x4000  }
0x2d9: {  	[sflag:s29] =	ssyncset.done $0x0  }
0x2da: {  	s14 =	rddreg [dreg:$0x19];
	[sflag:s29] =	ssyncadd.s32 $0xFFFFC000  }
0x2db: {  	[hbm4b:s14+s3] =	stream.linear.scatter [tilespmem:s17], [sflag:$0xA], $0x4000, $0x38;
	[tilespmem:$0x18400] =	vst v63  }
0x2dc: {  	_ =	swait.ge [sflag:s26], $0x4000  }
0x2dd: {  	[sflag:s26] =	ssyncset.done $0x0  }
0x2de: {  	[sflag:s26] =	ssyncadd.s32 $0xFFFFC000  }
0x2df: {  	v3 =	vld [tilespmem:$0x170];
	_ =	sdelay $0x4  }
0x2e0: {  	v23 =	vshll.u32 v3, $0x3  }
0x2e1: {  	v3 =	vand.u32 $0x7, v3;
	v4 =	vand.u32 $0xFFFFFFC0, v23  }
0x2e2: {  	v3 =	vor.u32 v3, v4  }
0x2e3: {  	v4 =	vperm.xlane v3, v0;
	_ =	sdelay $0x1  }
0x2e4: {  	v4 =	vadd.s32 v1, v4;
	_ =	sdelay $0x3  }
0x2e5: {  	s19 =	simm.s32 $0x14400  }
0x2e6: {  	[tilespmem:s19], [sflag:$0x6] =	stream.indirect_vreg.gather [hbm4b:s2+s3], $0x80, v4, vm0, $0xb8;
	[tilespmem:$0x18400] =	vst v63  }
0x2e7: {  	s17 =	simm.s32 $0x14C00;
	v3 =	vperm.xlane v3, v2  }
0x2e8: {  	[tilespmem:s17], [sflag:$0x6] =	stream.indirect_vreg.gather [hbm4b:s5+s3], $0x80, v4, vm0, $0xb8;
	[tilespmem:$0x18400] =	vst v63  }
0x2e9: {  	v3 =	vadd.s32 v1, v3;
	s17 =	simm.s32 $0x15400  }
0x2ea: {  	[tilespmem:s17], [sflag:$0x6] =	stream.indirect_vreg.gather [hbm4b:s6+s3], $0x80, v4, vm0, $0xb8;
	[tilespmem:$0x18400] =	vst v63  }
0x2eb: {  	s20 =	simm.s32 $0x15C00  }
0x2ec: {  	[tilespmem:s20], [sflag:$0x6] =	stream.indirect_vreg.gather [hbm4b:s7+s3], $0x80, v4, vm0, $0xb8;
	[tilespmem:$0x18400] =	vst v63  }
0x2ed: {  	s14 =	simm.s32 $0x16400  }
0x2ee: {  	[tilespmem:s14], [sflag:$0x6] =	stream.indirect_vreg.gather [hbm4b:s2+s3], $0x80, v3, vm0, $0xb8;
	[tilespmem:$0x18400] =	vst v63  }
0x2ef: {  	s0 =	simm.s32 $0x16C00  }
0x2f0: {  	[tilespmem:s0], [sflag:$0x6] =	stream.indirect_vreg.gather [hbm4b:s5+s3], $0x80, v3, vm0, $0xb8;
	[tilespmem:$0x18400] =	vst v63  }
0x2f1: {  	s22 =	simm.s32 $0x17400  }
0x2f2: {  	[tilespmem:s22], [sflag:$0x6] =	stream.indirect_vreg.gather [hbm4b:s6+s3], $0x80, v3, vm0, $0xb8;
	[tilespmem:$0x18400] =	vst v63  }
0x2f3: {  	s20 =	simm.s32 $0x17C00  }
0x2f4: {  	[tilespmem:s20], [sflag:$0x6] =	stream.indirect_vreg.gather [hbm4b:s7+s3], $0x80, v3, vm0, $0xb8;
	[tilespmem:$0x18400] =	vst v63  }
0x2f5: {  	_ =	swait.ge [sflag:s30], $0x4000  }
0x2f6: {  	[sflag:s30] =	ssyncset.done $0x0  }
0x2f7: {  	s22 =	rddreg [dreg:$0x1a];
	[sflag:s30] =	ssyncadd.s32 $0xFFFFC000  }
0x2f8: {  	[hbm4b:s22+s3] =	stream.linear.scatter [tilespmem:s8], [sflag:$0xB], $0x4000, $0x38;
	[tilespmem:$0x18400] =	vst v63  }
0x2f9: {  	_ =	swait.ge [sflag:s31], $0x4000  }
0x2fa: {  	[sflag:s31] =	ssyncset.done $0x0  }
0x2fb: {  	[sflag:s31] =	ssyncadd.s32 $0xFFFFC000  }
0x2fc: {  	v3 =	vld [tilespmem:$0x180];
	_ =	sdelay $0x4  }
0x2fd: {  	v24 =	vshll.u32 v3, $0x3  }
0x2fe: {  	v3 =	vand.u32 $0x7, v3;
	v4 =	vand.u32 $0xFFFFFFC0, v24  }
0x2ff: {  	v3 =	vor.u32 v3, v4  }
0x300: {  	v4 =	vperm.xlane v3, v0;
	_ =	sdelay $0x1  }
0x301: {  	v4 =	vadd.s32 v1, v4;
	_ =	sdelay $0x3  }
0x302: {  	s8 =	simm.s32 $0x400  }
0x303: {  	[tilespmem:s8], [sflag:$0x1] =	stream.indirect_vreg.gather [hbm4b:s2+s3], $0x80, v4, vm0, $0xb8;
	[tilespmem:$0x18400] =	vst v63  }
0x304: {  	s20 =	simm.s32 $0xC00;
	v3 =	vperm.xlane v3, v2  }
0x305: {  	[tilespmem:s20], [sflag:$0x1] =	stream.indirect_vreg.gather [hbm4b:s5+s3], $0x80, v4, vm0, $0xb8;
	[tilespmem:$0x18400] =	vst v63  }
0x306: {  	s22 =	simm.s32 $0x1400;
	v3 =	vadd.s32 v1, v3  }
0x307: {  	[tilespmem:s22], [sflag:$0x1] =	stream.indirect_vreg.gather [hbm4b:s6+s3], $0x80, v4, vm0, $0xb8;
	[tilespmem:$0x18400] =	vst v63  }
0x308: {  	_ = 	snop  }
0x309: {  	[tilespmem:s12], [sflag:$0x1] =	stream.indirect_vreg.gather [hbm4b:s7+s3], $0x80, v4, vm0, $0xb8;
	[tilespmem:$0x18400] =	vst v63  }
0x30a: {  	s20 =	simm.s32 $0x2400  }
0x30b: {  	[tilespmem:s20], [sflag:$0x1] =	stream.indirect_vreg.gather [hbm4b:s2+s3], $0x80, v3, vm0, $0xb8;
	[tilespmem:$0x18400] =	vst v63  }
0x30c: {  	s22 =	simm.s32 $0x2C00  }
0x30d: {  	[tilespmem:s22], [sflag:$0x1] =	stream.indirect_vreg.gather [hbm4b:s5+s3], $0x80, v3, vm0, $0xb8;
	[tilespmem:$0x18400] =	vst v63  }
0x30e: {  	s13 =	simm.s32 $0x3400  }
0x30f: {  	[tilespmem:s13], [sflag:$0x1] =	stream.indirect_vreg.gather [hbm4b:s6+s3], $0x80, v3, vm0, $0xb8;
	[tilespmem:$0x18400] =	vst v63  }
0x310: {  	s12 =	simm.s32 $0x3C00  }
0x311: {  	[tilespmem:s12], [sflag:$0x1] =	stream.indirect_vreg.gather [hbm4b:s7+s3], $0x80, v3, vm0, $0xb8;
	[tilespmem:$0x18400] =	vst v63  }
0x312: {  	_ =	swait.ge [sflag:s15], $0x4000  }
0x313: {  	[sflag:s15] =	ssyncset.done $0x0  }
0x314: {  	s20 =	rddreg [dreg:$0x1b];
	[sflag:s15] =	ssyncadd.s32 $0xFFFFC000  }
0x315: {  	[hbm4b:s20+s3] =	stream.linear.scatter [tilespmem:s19], [sflag:$0xC], $0x4000, $0x38;
	[tilespmem:$0x18400] =	vst v63  }
0x316: {  	_ =	swait.ge [sflag:s11], $0x4000  }
0x317: {  	[sflag:s11] =	ssyncset.done $0x0  }
0x318: {  	[sflag:s11] =	ssyncadd.s32 $0xFFFFC000  }
0x319: {  	v3 =	vld [tilespmem:$0x190];
	_ =	sdelay $0x4  }
0x31a: {  	v25 =	vshll.u32 v3, $0x3  }
0x31b: {  	v3 =	vand.u32 $0x7, v3;
	v4 =	vand.u32 $0xFFFFFFC0, v25  }
0x31c: {  	v3 =	vor.u32 v3, v4  }
0x31d: {  	v4 =	vperm.xlane v3, v0;
	_ =	sdelay $0x1  }
0x31e: {  	v4 =	vadd.s32 v1, v4;
	_ =	sdelay $0x3  }
0x31f: {  	s19 =	simm.s32 $0x4400  }
0x320: {  	[tilespmem:s19], [sflag:$0x2] =	stream.indirect_vreg.gather [hbm4b:s2+s3], $0x80, v4, vm0, $0xb8;
	[tilespmem:$0x18400] =	vst v63  }
0x321: {  	s22 =	simm.s32 $0x4C00;
	v3 =	vperm.xlane v3, v2  }
0x322: {  	[tilespmem:s22], [sflag:$0x2] =	stream.indirect_vreg.gather [hbm4b:s5+s3], $0x80, v4, vm0, $0xb8;
	[tilespmem:$0x18400] =	vst v63  }
0x323: {  	s20 =	simm.s32 $0x5400;
	v3 =	vadd.s32 v1, v3  }
0x324: {  	[tilespmem:s20], [sflag:$0x2] =	stream.indirect_vreg.gather [hbm4b:s6+s3], $0x80, v4, vm0, $0xb8;
	[tilespmem:$0x18400] =	vst v63  }
0x325: {  	s22 =	simm.s32 $0x5C00  }
0x326: {  	[tilespmem:s22], [sflag:$0x2] =	stream.indirect_vreg.gather [hbm4b:s7+s3], $0x80, v4, vm0, $0xb8;
	[tilespmem:$0x18400] =	vst v63  }
0x327: {  	s20 =	simm.s32 $0x6400  }
0x328: {  	[tilespmem:s20], [sflag:$0x2] =	stream.indirect_vreg.gather [hbm4b:s2+s3], $0x80, v3, vm0, $0xb8;
	[tilespmem:$0x18400] =	vst v63  }
0x329: {  	_ = 	snop  }
0x32a: {  	[tilespmem:s10], [sflag:$0x2] =	stream.indirect_vreg.gather [hbm4b:s5+s3], $0x80, v3, vm0, $0xb8;
	[tilespmem:$0x18400] =	vst v63  }
0x32b: {  	s22 =	simm.s32 $0x7400  }
0x32c: {  	[tilespmem:s22], [sflag:$0x2] =	stream.indirect_vreg.gather [hbm4b:s6+s3], $0x80, v3, vm0, $0xb8;
	[tilespmem:$0x18400] =	vst v63  }
0x32d: {  	s13 =	simm.s32 $0x7C00  }
0x32e: {  	[tilespmem:s13], [sflag:$0x2] =	stream.indirect_vreg.gather [hbm4b:s7+s3], $0x80, v3, vm0, $0xb8;
	[tilespmem:$0x18400] =	vst v63  }
0x32f: {  	_ =	swait.ge [sflag:s21], $0x4000  }
0x330: {  	[sflag:s21] =	ssyncset.done $0x0  }
0x331: {  	s20 =	rddreg [dreg:$0x1c];
	[sflag:s21] =	ssyncadd.s32 $0xFFFFC000  }
0x332: {  	[hbm4b:s20+s3] =	stream.linear.scatter [tilespmem:s8], [sflag:$0x7], $0x4000, $0x38;
	[tilespmem:$0x18400] =	vst v63  }
0x333: {  	_ =	swait.ge [sflag:s9], $0x4000  }
0x334: {  	[sflag:s9] =	ssyncset.done $0x0  }
0x335: {  	[sflag:s9] =	ssyncadd.s32 $0xFFFFC000  }
0x336: {  	v3 =	vld [tilespmem:$0x1A0];
	_ =	sdelay $0x4  }
0x337: {  	v26 =	vshll.u32 v3, $0x3  }
0x338: {  	v3 =	vand.u32 $0x7, v3;
	v4 =	vand.u32 $0xFFFFFFC0, v26  }
0x339: {  	v3 =	vor.u32 v3, v4  }
0x33a: {  	v4 =	vperm.xlane v3, v0;
	_ =	sdelay $0x1  }
0x33b: {  	v4 =	vadd.s32 v1, v4;
	_ =	sdelay $0x3  }
0x33c: {  	s10 =	simm.s32 $0x8400  }
0x33d: {  	[tilespmem:s10], [sflag:$0x3] =	stream.indirect_vreg.gather [hbm4b:s2+s3], $0x80, v4, vm0, $0xb8;
	[tilespmem:$0x18400] =	vst v63  }
0x33e: {  	s22 =	simm.s32 $0x8C00;
	v3 =	vperm.xlane v3, v2  }
0x33f: {  	[tilespmem:s22], [sflag:$0x3] =	stream.indirect_vreg.gather [hbm4b:s5+s3], $0x80, v4, vm0, $0xb8;
	[tilespmem:$0x18400] =	vst v63  }
0x340: {  	v3 =	vadd.s32 v1, v3  }
0x341: {  	[tilespmem:s24], [sflag:$0x3] =	stream.indirect_vreg.gather [hbm4b:s6+s3], $0x80, v4, vm0, $0xb8;
	[tilespmem:$0x18400] =	vst v63  }
0x342: {  	_ = 	snop  }
0x343: {  	[tilespmem:s16], [sflag:$0x3] =	stream.indirect_vreg.gather [hbm4b:s7+s3], $0x80, v4, vm0, $0xb8;
	[tilespmem:$0x18400] =	vst v63  }
0x344: {  	s24 =	simm.s32 $0xA400  }
0x345: {  	[tilespmem:s24], [sflag:$0x3] =	stream.indirect_vreg.gather [hbm4b:s2+s3], $0x80, v3, vm0, $0xb8;
	[tilespmem:$0x18400] =	vst v63  }
0x346: {  	_ = 	snop  }
0x347: {  	[tilespmem:s1], [sflag:$0x3] =	stream.indirect_vreg.gather [hbm4b:s5+s3], $0x80, v3, vm0, $0xb8;
	[tilespmem:$0x18400] =	vst v63  }
0x348: {  	_ = 	snop  }
0x349: {  	[tilespmem:s28], [sflag:$0x3] =	stream.indirect_vreg.gather [hbm4b:s6+s3], $0x80, v3, vm0, $0xb8;
	[tilespmem:$0x18400] =	vst v63  }
0x34a: {  	s8 =	simm.s32 $0xBC00  }
0x34b: {  	[tilespmem:s8], [sflag:$0x3] =	stream.indirect_vreg.gather [hbm4b:s7+s3], $0x80, v3, vm0, $0xb8;
	[tilespmem:$0x18400] =	vst v63  }
0x34c: {  	_ =	swait.ge [sflag:s25], $0x4000  }
0x34d: {  	[sflag:s25] =	ssyncset.done $0x0  }
0x34e: {  	s1 =	rddreg [dreg:$0x1d];
	[sflag:s25] =	ssyncadd.s32 $0xFFFFC000  }
0x34f: {  	[hbm4b:s1+s3] =	stream.linear.scatter [tilespmem:s19], [sflag:$0x8], $0x4000, $0x38;
	[tilespmem:$0x18400] =	vst v63  }
0x350: {  	_ =	swait.ge [sflag:s4], $0x4000  }
0x351: {  	[sflag:s4] =	ssyncset.done $0x0  }
0x352: {  	[sflag:s4] =	ssyncadd.s32 $0xFFFFC000  }
0x353: {  	v3 =	vld [tilespmem:$0x1B0];
	_ =	sdelay $0x4  }
0x354: {  	v27 =	vshll.u32 v3, $0x3  }
0x355: {  	v3 =	vand.u32 $0x7, v3;
	v4 =	vand.u32 $0xFFFFFFC0, v27  }
0x356: {  	v3 =	vor.u32 v3, v4  }
0x357: {  	v4 =	vperm.xlane v3, v0;
	_ =	sdelay $0x1  }
0x358: {  	v4 =	vadd.s32 v1, v4;
	_ =	sdelay $0x3  }
0x359: {  	s28 =	simm.s32 $0xC400  }
0x35a: {  	[tilespmem:s28], [sflag:$0x4] =	stream.indirect_vreg.gather [hbm4b:s2+s3], $0x80, v4, vm0, $0xb8;
	[tilespmem:$0x18400] =	vst v63  }
0x35b: {  	s16 =	simm.s32 $0xCC00;
	v3 =	vperm.xlane v3, v2  }
0x35c: {  	[tilespmem:s16], [sflag:$0x4] =	stream.indirect_vreg.gather [hbm4b:s5+s3], $0x80, v4, vm0, $0xb8;
	[tilespmem:$0x18400] =	vst v63  }
0x35d: {  	s19 =	simm.s32 $0xD400;
	v3 =	vadd.s32 v1, v3  }
0x35e: {  	[tilespmem:s19], [sflag:$0x4] =	stream.indirect_vreg.gather [hbm4b:s6+s3], $0x80, v4, vm0, $0xb8;
	[tilespmem:$0x18400] =	vst v63  }
0x35f: {  	s20 =	simm.s32 $0xDC00  }
0x360: {  	[tilespmem:s20], [sflag:$0x4] =	stream.indirect_vreg.gather [hbm4b:s7+s3], $0x80, v4, vm0, $0xb8;
	[tilespmem:$0x18400] =	vst v63  }
0x361: {  	s16 =	simm.s32 $0xE400  }
0x362: {  	[tilespmem:s16], [sflag:$0x4] =	stream.indirect_vreg.gather [hbm4b:s2+s3], $0x80, v3, vm0, $0xb8;
	[tilespmem:$0x18400] =	vst v63  }
0x363: {  	s19 =	simm.s32 $0xEC00  }
0x364: {  	[tilespmem:s19], [sflag:$0x4] =	stream.indirect_vreg.gather [hbm4b:s5+s3], $0x80, v3, vm0, $0xb8;
	[tilespmem:$0x18400] =	vst v63  }
0x365: {  	s20 =	simm.s32 $0xF400  }
0x366: {  	[tilespmem:s20], [sflag:$0x4] =	stream.indirect_vreg.gather [hbm4b:s6+s3], $0x80, v3, vm0, $0xb8;
	[tilespmem:$0x18400] =	vst v63  }
0x367: {  	s1 =	simm.s32 $0xFC00  }
0x368: {  	[tilespmem:s1], [sflag:$0x4] =	stream.indirect_vreg.gather [hbm4b:s7+s3], $0x80, v3, vm0, $0xb8;
	[tilespmem:$0x18400] =	vst v63  }
0x369: {  	_ =	swait.ge [sflag:s23], $0x4000  }
0x36a: {  	[sflag:s23] =	ssyncset.done $0x0  }
0x36b: {  	s22 =	rddreg [dreg:$0x1e];
	[sflag:s23] =	ssyncadd.s32 $0xFFFFC000  }
0x36c: {  	[hbm4b:s22+s3] =	stream.linear.scatter [tilespmem:s10], [sflag:$0x9], $0x4000, $0x38;
	[tilespmem:$0x18400] =	vst v63  }
0x36d: {  	_ =	swait.ge [sflag:s18], $0x4000  }
0x36e: {  	[sflag:s18] =	ssyncset.done $0x0  }
0x36f: {  	[sflag:s18] =	ssyncadd.s32 $0xFFFFC000  }
0x370: {  	v3 =	vld [tilespmem:$0x1C0];
	_ =	sdelay $0x4  }
0x371: {  	v28 =	vshll.u32 v3, $0x3  }
0x372: {  	v3 =	vand.u32 $0x7, v3;
	v4 =	vand.u32 $0xFFFFFFC0, v28  }
0x373: {  	v3 =	vor.u32 v3, v4  }
0x374: {  	v4 =	vperm.xlane v3, v0;
	_ =	sdelay $0x1  }
0x375: {  	v4 =	vadd.s32 v1, v4;
	_ =	sdelay $0x3  }
0x376: {  	s22 =	simm.s32 $0x10400  }
0x377: {  	[tilespmem:s22], [sflag:$0x5] =	stream.indirect_vreg.gather [hbm4b:s2+s3], $0x80, v4, vm0, $0xb8;
	[tilespmem:$0x18400] =	vst v63  }
0x378: {  	s24 =	simm.s32 $0x10C00;
	v3 =	vperm.xlane v3, v2  }
0x379: {  	[tilespmem:s24], [sflag:$0x5] =	stream.indirect_vreg.gather [hbm4b:s5+s3], $0x80, v4, vm0, $0xb8;
	[tilespmem:$0x18400] =	vst v63  }
0x37a: {  	s13 =	simm.s32 $0x11400;
	v3 =	vadd.s32 v1, v3  }
0x37b: {  	[tilespmem:s13], [sflag:$0x5] =	stream.indirect_vreg.gather [hbm4b:s6+s3], $0x80, v4, vm0, $0xb8;
	[tilespmem:$0x18400] =	vst v63  }
0x37c: {  	s24 =	simm.s32 $0x11C00  }
0x37d: {  	[tilespmem:s24], [sflag:$0x5] =	stream.indirect_vreg.gather [hbm4b:s7+s3], $0x80, v4, vm0, $0xb8;
	[tilespmem:$0x18400] =	vst v63  }
0x37e: {  	s13 =	simm.s32 $0x12400  }
0x37f: {  	[tilespmem:s13], [sflag:$0x5] =	stream.indirect_vreg.gather [hbm4b:s2+s3], $0x80, v3, vm0, $0xb8;
	[tilespmem:$0x18400] =	vst v63  }
0x380: {  	s24 =	simm.s32 $0x12C00  }
0x381: {  	[tilespmem:s24], [sflag:$0x5] =	stream.indirect_vreg.gather [hbm4b:s5+s3], $0x80, v3, vm0, $0xb8;
	[tilespmem:$0x18400] =	vst v63  }
0x382: {  	s13 =	simm.s32 $0x13400  }
0x383: {  	[tilespmem:s13], [sflag:$0x5] =	stream.indirect_vreg.gather [hbm4b:s6+s3], $0x80, v3, vm0, $0xb8;
	[tilespmem:$0x18400] =	vst v63  }
0x384: {  	s24 =	simm.s32 $0x13C00  }
0x385: {  	[tilespmem:s24], [sflag:$0x5] =	stream.indirect_vreg.gather [hbm4b:s7+s3], $0x80, v3, vm0, $0xb8;
	[tilespmem:$0x18400] =	vst v63  }
0x386: {  	_ =	swait.ge [sflag:s29], $0x4000  }
0x387: {  	[sflag:s29] =	ssyncset.done $0x0  }
0x388: {  	s10 =	rddreg [dreg:$0x1f];
	[sflag:s29] =	ssyncadd.s32 $0xFFFFC000  }
0x389: {  	[hbm4b:s10+s3] =	stream.linear.scatter [tilespmem:s28], [sflag:$0xA], $0x4000, $0x38;
	[tilespmem:$0x18400] =	vst v63  }
0x38a: {  	_ =	swait.ge [sflag:s26], $0x4000  }
0x38b: {  	[sflag:s26] =	ssyncset.done $0x0  }
0x38c: {  	[sflag:s26] =	ssyncadd.s32 $0xFFFFC000  }
0x38d: {  	v3 =	vld [tilespmem:$0x1D0];
	_ =	sdelay $0x4  }
0x38e: {  	v29 =	vshll.u32 v3, $0x3  }
0x38f: {  	v3 =	vand.u32 $0x7, v3;
	v4 =	vand.u32 $0xFFFFFFC0, v29  }
0x390: {  	v3 =	vor.u32 v3, v4  }
0x391: {  	v4 =	vperm.xlane v3, v0;
	_ =	sdelay $0x1  }
0x392: {  	v4 =	vadd.s32 v1, v4;
	_ =	sdelay $0x3  }
0x393: {  	s10 =	simm.s32 $0x14400  }
0x394: {  	[tilespmem:s10], [sflag:$0x6] =	stream.indirect_vreg.gather [hbm4b:s2+s3], $0x80, v4, vm0, $0xb8;
	[tilespmem:$0x18400] =	vst v63  }
0x395: {  	s24 =	simm.s32 $0x14C00;
	v3 =	vperm.xlane v3, v2  }
0x396: {  	[tilespmem:s24], [sflag:$0x6] =	stream.indirect_vreg.gather [hbm4b:s5+s3], $0x80, v4, vm0, $0xb8;
	[tilespmem:$0x18400] =	vst v63  }
0x397: {  	v3 =	vadd.s32 v1, v3  }
0x398: {  	[tilespmem:s17], [sflag:$0x6] =	stream.indirect_vreg.gather [hbm4b:s6+s3], $0x80, v4, vm0, $0xb8;
	[tilespmem:$0x18400] =	vst v63  }
0x399: {  	s28 =	simm.s32 $0x15C00  }
0x39a: {  	[tilespmem:s28], [sflag:$0x6] =	stream.indirect_vreg.gather [hbm4b:s7+s3], $0x80, v4, vm0, $0xb8;
	[tilespmem:$0x18400] =	vst v63  }
0x39b: {  	_ = 	snop  }
0x39c: {  	[tilespmem:s14], [sflag:$0x6] =	stream.indirect_vreg.gather [hbm4b:s2+s3], $0x80, v3, vm0, $0xb8;
	[tilespmem:$0x18400] =	vst v63  }
0x39d: {  	_ = 	snop  }
0x39e: {  	[tilespmem:s0], [sflag:$0x6] =	stream.indirect_vreg.gather [hbm4b:s5+s3], $0x80, v3, vm0, $0xb8;
	[tilespmem:$0x18400] =	vst v63  }
0x39f: {  	s13 =	simm.s32 $0x17400  }
0x3a0: {  	[tilespmem:s13], [sflag:$0x6] =	stream.indirect_vreg.gather [hbm4b:s6+s3], $0x80, v3, vm0, $0xb8;
	[tilespmem:$0x18400] =	vst v63  }
0x3a1: {  	s14 =	simm.s32 $0x17C00  }
0x3a2: {  	[tilespmem:s14], [sflag:$0x6] =	stream.indirect_vreg.gather [hbm4b:s7+s3], $0x80, v3, vm0, $0xb8;
	[tilespmem:$0x18400] =	vst v63  }
0x3a3: {  	_ =	swait.ge [sflag:s30], $0x4000  }
0x3a4: {  	s17 =	sld [smem:$0x7D7]  }
0x3a5: {  	[sflag:s30] =	ssyncset.done $0x0  }
0x3a6: {  	[sflag:s30] =	ssyncadd.s32 $0xFFFFC000  }
0x3a7: {  	[hbm4b:s17+s3] =	stream.linear.scatter [tilespmem:s22], [sflag:$0xB], $0x4000, $0x38;
	[tilespmem:$0x18400] =	vst v63  }
0x3a8: {  	_ =	swait.ge [sflag:s31], $0x4000  }
0x3a9: {  	[sflag:s31] =	ssyncset.done $0x0  }
0x3aa: {  	[sflag:s31] =	ssyncadd.s32 $0xFFFFC000  }
0x3ab: {  	v3 =	vld [tilespmem:$0x1E0];
	_ =	sdelay $0x4  }
0x3ac: {  	v30 =	vshll.u32 v3, $0x3  }
0x3ad: {  	v3 =	vand.u32 $0x7, v3;
	v4 =	vand.u32 $0xFFFFFFC0, v30  }
0x3ae: {  	v3 =	vor.u32 v3, v4  }
0x3af: {  	v4 =	vperm.xlane v3, v0;
	_ =	sdelay $0x1  }
0x3b0: {  	v4 =	vadd.s32 v1, v4;
	_ =	sdelay $0x3  }
0x3b1: {  	s17 =	simm.s32 $0x400  }
0x3b2: {  	[tilespmem:s17], [sflag:$0x1] =	stream.indirect_vreg.gather [hbm4b:s2+s3], $0x80, v4, vm0, $0xb8;
	[tilespmem:$0x18400] =	vst v63  }
0x3b3: {  	s22 =	simm.s32 $0xC00;
	v3 =	vperm.xlane v3, v2  }
0x3b4: {  	[tilespmem:s22], [sflag:$0x1] =	stream.indirect_vreg.gather [hbm4b:s5+s3], $0x80, v4, vm0, $0xb8;
	[tilespmem:$0x18400] =	vst v63  }
0x3b5: {  	s24 =	simm.s32 $0x1400;
	v3 =	vadd.s32 v1, v3  }
0x3b6: {  	[tilespmem:s24], [sflag:$0x1] =	stream.indirect_vreg.gather [hbm4b:s6+s3], $0x80, v4, vm0, $0xb8;
	[tilespmem:$0x18400] =	vst v63  }
0x3b7: {  	s14 =	simm.s32 $0x1C00  }
0x3b8: {  	[tilespmem:s14], [sflag:$0x1] =	stream.indirect_vreg.gather [hbm4b:s7+s3], $0x80, v4, vm0, $0xb8;
	[tilespmem:$0x18400] =	vst v63  }
0x3b9: {  	s28 =	simm.s32 $0x2400  }
0x3ba: {  	[tilespmem:s28], [sflag:$0x1] =	stream.indirect_vreg.gather [hbm4b:s2+s3], $0x80, v3, vm0, $0xb8;
	[tilespmem:$0x18400] =	vst v63  }
0x3bb: {  	s13 =	simm.s32 $0x2C00  }
0x3bc: {  	[tilespmem:s13], [sflag:$0x1] =	stream.indirect_vreg.gather [hbm4b:s5+s3], $0x80, v3, vm0, $0xb8;
	[tilespmem:$0x18400] =	vst v63  }
0x3bd: {  	s22 =	simm.s32 $0x3400  }
0x3be: {  	[tilespmem:s22], [sflag:$0x1] =	stream.indirect_vreg.gather [hbm4b:s6+s3], $0x80, v3, vm0, $0xb8;
	[tilespmem:$0x18400] =	vst v63  }
0x3bf: {  	_ = 	snop  }
0x3c0: {  	[tilespmem:s12], [sflag:$0x1] =	stream.indirect_vreg.gather [hbm4b:s7+s3], $0x80, v3, vm0, $0xb8;
	[tilespmem:$0x18400] =	vst v63  }
0x3c1: {  	_ =	swait.ge [sflag:s15], $0x4000  }
0x3c2: {  	s24 =	sld [smem:$0x7D8]  }
0x3c3: {  	[sflag:s15] =	ssyncset.done $0x0  }
0x3c4: {  	[sflag:s15] =	ssyncadd.s32 $0xFFFFC000  }
0x3c5: {  	[hbm4b:s24+s3] =	stream.linear.scatter [tilespmem:s10], [sflag:$0xC], $0x4000, $0x38;
	[tilespmem:$0x18400] =	vst v63  }
0x3c6: {  	_ =	swait.ge [sflag:s11], $0x4000  }
0x3c7: {  	[sflag:s11] =	ssyncset.done $0x0  }
0x3c8: {  	[sflag:s11] =	ssyncadd.s32 $0xFFFFC000  }
0x3c9: {  	v3 =	vld [tilespmem:$0x1F0];
	_ =	sdelay $0x4  }
0x3ca: {  	v31 =	vshll.u32 v3, $0x3  }
0x3cb: {  	v3 =	vand.u32 $0x7, v3;
	v4 =	vand.u32 $0xFFFFFFC0, v31  }
0x3cc: {  	v3 =	vor.u32 v3, v4  }
0x3cd: {  	v4 =	vperm.xlane v3, v0;
	_ =	sdelay $0x1  }
0x3ce: {  	v4 =	vadd.s32 v1, v4;
	_ =	sdelay $0x3  }
0x3cf: {  	s0 =	simm.s32 $0x4400  }
0x3d0: {  	[tilespmem:s0], [sflag:$0x2] =	stream.indirect_vreg.gather [hbm4b:s2+s3], $0x80, v4, vm0, $0xb8;
	[tilespmem:$0x18400] =	vst v63  }
0x3d1: {  	s28 =	simm.s32 $0x4C00;
	v3 =	vperm.xlane v3, v2  }
0x3d2: {  	[tilespmem:s28], [sflag:$0x2] =	stream.indirect_vreg.gather [hbm4b:s5+s3], $0x80, v4, vm0, $0xb8;
	[tilespmem:$0x18400] =	vst v63  }
0x3d3: {  	s12 =	simm.s32 $0x5400;
	v3 =	vadd.s32 v1, v3  }
0x3d4: {  	[tilespmem:s12], [sflag:$0x2] =	stream.indirect_vreg.gather [hbm4b:s6+s3], $0x80, v4, vm0, $0xb8;
	[tilespmem:$0x18400] =	vst v63  }
0x3d5: {  	s13 =	simm.s32 $0x5C00  }
0x3d6: {  	[tilespmem:s13], [sflag:$0x2] =	stream.indirect_vreg.gather [hbm4b:s7+s3], $0x80, v4, vm0, $0xb8;
	[tilespmem:$0x18400] =	vst v63  }
0x3d7: {  	s22 =	simm.s32 $0x6400  }
0x3d8: {  	[tilespmem:s22], [sflag:$0x2] =	stream.indirect_vreg.gather [hbm4b:s2+s3], $0x80, v3, vm0, $0xb8;
	[tilespmem:$0x18400] =	vst v63  }
0x3d9: {  	s10 =	simm.s32 $0x6C00  }
0x3da: {  	[tilespmem:s10], [sflag:$0x2] =	stream.indirect_vreg.gather [hbm4b:s5+s3], $0x80, v3, vm0, $0xb8;
	[tilespmem:$0x18400] =	vst v63  }
0x3db: {  	s24 =	simm.s32 $0x7400  }
0x3dc: {  	[tilespmem:s24], [sflag:$0x2] =	stream.indirect_vreg.gather [hbm4b:s6+s3], $0x80, v3, vm0, $0xb8;
	[tilespmem:$0x18400] =	vst v63  }
0x3dd: {  	s28 =	simm.s32 $0x7C00  }
0x3de: {  	[tilespmem:s28], [sflag:$0x2] =	stream.indirect_vreg.gather [hbm4b:s7+s3], $0x80, v3, vm0, $0xb8;
	[tilespmem:$0x18400] =	vst v63  }
0x3df: {  	_ =	swait.ge [sflag:s21], $0x4000  }
0x3e0: {  	[sflag:s21] =	ssyncset.done $0x0  }
0x3e1: {  	s12 =	sld [smem:$0x7D9];
	_ =	sdelay $0x1  }
0x3e2: {  	[sflag:s21] =	ssyncadd.s32 $0xFFFFC000  }
0x3e3: {  	[hbm4b:s12+s3] =	stream.linear.scatter [tilespmem:s17], [sflag:$0x7], $0x4000, $0x38;
	[tilespmem:$0x18400] =	vst v63  }
0x3e4: {  	_ =	swait.ge [sflag:s9], $0x4000  }
0x3e5: {  	[sflag:s9] =	ssyncset.done $0x0  }
0x3e6: {  	[sflag:s9] =	ssyncadd.s32 $0xFFFFC000  }
0x3e7: {  	v3 =	vld [tilespmem:$0x200];
	_ =	sdelay $0x4  }
0x3e8: {  	v32 =	vshll.u32 v3, $0x3  }
0x3e9: {  	v3 =	vand.u32 $0x7, v3;
	v4 =	vand.u32 $0xFFFFFFC0, v32  }
0x3ea: {  	v3 =	vor.u32 v3, v4  }
0x3eb: {  	v4 =	vperm.xlane v3, v0;
	_ =	sdelay $0x1  }
0x3ec: {  	v4 =	vadd.s32 v1, v4;
	_ =	sdelay $0x3  }
0x3ed: {  	s12 =	simm.s32 $0x8400  }
0x3ee: {  	[tilespmem:s12], [sflag:$0x3] =	stream.indirect_vreg.gather [hbm4b:s2+s3], $0x80, v4, vm0, $0xb8;
	[tilespmem:$0x18400] =	vst v63  }
0x3ef: {  	s17 =	simm.s32 $0x8C00;
	v3 =	vperm.xlane v3, v2  }
0x3f0: {  	[tilespmem:s17], [sflag:$0x3] =	stream.indirect_vreg.gather [hbm4b:s5+s3], $0x80, v4, vm0, $0xb8;
	[tilespmem:$0x18400] =	vst v63  }
0x3f1: {  	s22 =	simm.s32 $0x9400;
	v3 =	vadd.s32 v1, v3  }
0x3f2: {  	[tilespmem:s22], [sflag:$0x3] =	stream.indirect_vreg.gather [hbm4b:s6+s3], $0x80, v4, vm0, $0xb8;
	[tilespmem:$0x18400] =	vst v63  }
0x3f3: {  	s22 =	simm.s32 $0x9C00  }
0x3f4: {  	[tilespmem:s22], [sflag:$0x3] =	stream.indirect_vreg.gather [hbm4b:s7+s3], $0x80, v4, vm0, $0xb8;
	[tilespmem:$0x18400] =	vst v63  }
0x3f5: {  	s28 =	simm.s32 $0xA400  }
0x3f6: {  	[tilespmem:s28], [sflag:$0x3] =	stream.indirect_vreg.gather [hbm4b:s2+s3], $0x80, v3, vm0, $0xb8;
	[tilespmem:$0x18400] =	vst v63  }
0x3f7: {  	s24 =	simm.s32 $0xAC00  }
0x3f8: {  	[tilespmem:s24], [sflag:$0x3] =	stream.indirect_vreg.gather [hbm4b:s5+s3], $0x80, v3, vm0, $0xb8;
	[tilespmem:$0x18400] =	vst v63  }
0x3f9: {  	s17 =	simm.s32 $0xB400  }
0x3fa: {  	[tilespmem:s17], [sflag:$0x3] =	stream.indirect_vreg.gather [hbm4b:s6+s3], $0x80, v3, vm0, $0xb8;
	[tilespmem:$0x18400] =	vst v63  }
0x3fb: {  	_ = 	snop  }
0x3fc: {  	[tilespmem:s8], [sflag:$0x3] =	stream.indirect_vreg.gather [hbm4b:s7+s3], $0x80, v3, vm0, $0xb8;
	[tilespmem:$0x18400] =	vst v63  }
0x3fd: {  	_ =	swait.ge [sflag:s25], $0x4000  }
0x3fe: {  	s24 =	sld [smem:$0x7DA]  }
0x3ff: {  	[sflag:s25] =	ssyncset.done $0x0  }
0x400: {  	[sflag:s25] =	ssyncadd.s32 $0xFFFFC000  }
0x401: {  	[hbm4b:s24+s3] =	stream.linear.scatter [tilespmem:s0], [sflag:$0x8], $0x4000, $0x38;
	[tilespmem:$0x18400] =	vst v63  }
0x402: {  	_ =	swait.ge [sflag:s4], $0x4000  }
0x403: {  	[sflag:s4] =	ssyncset.done $0x0  }
0x404: {  	[sflag:s4] =	ssyncadd.s32 $0xFFFFC000  }
0x405: {  	v3 =	vld [tilespmem:$0x210];
	_ =	sdelay $0x4  }
0x406: {  	v33 =	vshll.u32 v3, $0x3  }
0x407: {  	v3 =	vand.u32 $0x7, v3;
	v4 =	vand.u32 $0xFFFFFFC0, v33  }
0x408: {  	v3 =	vor.u32 v3, v4  }
0x409: {  	v4 =	vperm.xlane v3, v0;
	_ =	sdelay $0x1  }
0x40a: {  	v4 =	vadd.s32 v1, v4;
	_ =	sdelay $0x3  }
0x40b: {  	s24 =	simm.s32 $0xC400  }
0x40c: {  	[tilespmem:s24], [sflag:$0x4] =	stream.indirect_vreg.gather [hbm4b:s2+s3], $0x80, v4, vm0, $0xb8;
	[tilespmem:$0x18400] =	vst v63  }
0x40d: {  	s8 =	simm.s32 $0xCC00;
	v3 =	vperm.xlane v3, v2  }
0x40e: {  	[tilespmem:s8], [sflag:$0x4] =	stream.indirect_vreg.gather [hbm4b:s5+s3], $0x80, v4, vm0, $0xb8;
	[tilespmem:$0x18400] =	vst v63  }
0x40f: {  	s13 =	simm.s32 $0xD400;
	v3 =	vadd.s32 v1, v3  }
0x410: {  	[tilespmem:s13], [sflag:$0x4] =	stream.indirect_vreg.gather [hbm4b:s6+s3], $0x80, v4, vm0, $0xb8;
	[tilespmem:$0x18400] =	vst v63  }
0x411: {  	s17 =	simm.s32 $0xDC00  }
0x412: {  	[tilespmem:s17], [sflag:$0x4] =	stream.indirect_vreg.gather [hbm4b:s7+s3], $0x80, v4, vm0, $0xb8;
	[tilespmem:$0x18400] =	vst v63  }
0x413: {  	_ = 	snop  }
0x414: {  	[tilespmem:s16], [sflag:$0x4] =	stream.indirect_vreg.gather [hbm4b:s2+s3], $0x80, v3, vm0, $0xb8;
	[tilespmem:$0x18400] =	vst v63  }
0x415: {  	_ = 	snop  }
0x416: {  	[tilespmem:s19], [sflag:$0x4] =	stream.indirect_vreg.gather [hbm4b:s5+s3], $0x80, v3, vm0, $0xb8;
	[tilespmem:$0x18400] =	vst v63  }
0x417: {  	_ = 	snop  }
0x418: {  	[tilespmem:s20], [sflag:$0x4] =	stream.indirect_vreg.gather [hbm4b:s6+s3], $0x80, v3, vm0, $0xb8;
	[tilespmem:$0x18400] =	vst v63  }
0x419: {  	_ = 	snop  }
0x41a: {  	[tilespmem:s1], [sflag:$0x4] =	stream.indirect_vreg.gather [hbm4b:s7+s3], $0x80, v3, vm0, $0xb8;
	[tilespmem:$0x18400] =	vst v63  }
0x41b: {  	_ =	swait.ge [sflag:s23], $0x4000  }
0x41c: {  	s8 =	sld [smem:$0x7DB]  }
0x41d: {  	[sflag:s23] =	ssyncset.done $0x0  }
0x41e: {  	[sflag:s23] =	ssyncadd.s32 $0xFFFFC000  }
0x41f: {  	[hbm4b:s8+s3] =	stream.linear.scatter [tilespmem:s12], [sflag:$0x9], $0x4000, $0x38;
	[tilespmem:$0x18400] =	vst v63  }
0x420: {  	_ =	swait.ge [sflag:s18], $0x4000  }
0x421: {  	[sflag:s18] =	ssyncset.done $0x0  }
0x422: {  	[sflag:s18] =	ssyncadd.s32 $0xFFFFC000  }
0x423: {  	v3 =	vld [tilespmem:$0x220];
	_ =	sdelay $0x4  }
0x424: {  	v34 =	vshll.u32 v3, $0x3  }
0x425: {  	v3 =	vand.u32 $0x7, v3;
	v4 =	vand.u32 $0xFFFFFFC0, v34  }
0x426: {  	v3 =	vor.u32 v3, v4  }
0x427: {  	v4 =	vperm.xlane v3, v0;
	_ =	sdelay $0x1  }
0x428: {  	v4 =	vadd.s32 v1, v4;
	_ =	sdelay $0x3  }
0x429: {  	s0 =	simm.s32 $0x10400  }
0x42a: {  	[tilespmem:s0], [sflag:$0x5] =	stream.indirect_vreg.gather [hbm4b:s2+s3], $0x80, v4, vm0, $0xb8;
	[tilespmem:$0x18400] =	vst v63  }
0x42b: {  	s13 =	simm.s32 $0x10C00;
	v3 =	vperm.xlane v3, v2  }
0x42c: {  	[tilespmem:s13], [sflag:$0x5] =	stream.indirect_vreg.gather [hbm4b:s5+s3], $0x80, v4, vm0, $0xb8;
	[tilespmem:$0x18400] =	vst v63  }
0x42d: {  	s16 =	simm.s32 $0x11400;
	v3 =	vadd.s32 v1, v3  }
0x42e: {  	[tilespmem:s16], [sflag:$0x5] =	stream.indirect_vreg.gather [hbm4b:s6+s3], $0x80, v4, vm0, $0xb8;
	[tilespmem:$0x18400] =	vst v63  }
0x42f: {  	s12 =	simm.s32 $0x11C00  }
0x430: {  	[tilespmem:s12], [sflag:$0x5] =	stream.indirect_vreg.gather [hbm4b:s7+s3], $0x80, v4, vm0, $0xb8;
	[tilespmem:$0x18400] =	vst v63  }
0x431: {  	s19 =	simm.s32 $0x12400  }
0x432: {  	[tilespmem:s19], [sflag:$0x5] =	stream.indirect_vreg.gather [hbm4b:s2+s3], $0x80, v3, vm0, $0xb8;
	[tilespmem:$0x18400] =	vst v63  }
0x433: {  	s20 =	simm.s32 $0x12C00  }
0x434: {  	[tilespmem:s20], [sflag:$0x5] =	stream.indirect_vreg.gather [hbm4b:s5+s3], $0x80, v3, vm0, $0xb8;
	[tilespmem:$0x18400] =	vst v63  }
0x435: {  	s17 =	simm.s32 $0x13400  }
0x436: {  	[tilespmem:s17], [sflag:$0x5] =	stream.indirect_vreg.gather [hbm4b:s6+s3], $0x80, v3, vm0, $0xb8;
	[tilespmem:$0x18400] =	vst v63  }
0x437: {  	s17 =	simm.s32 $0x13C00  }
0x438: {  	[tilespmem:s17], [sflag:$0x5] =	stream.indirect_vreg.gather [hbm4b:s7+s3], $0x80, v3, vm0, $0xb8;
	[tilespmem:$0x18400] =	vst v63  }
0x439: {  	_ =	swait.ge [sflag:s29], $0x4000  }
0x43a: {  	s8 =	sld [smem:$0x7DC]  }
0x43b: {  	[sflag:s29] =	ssyncset.done $0x0  }
0x43c: {  	[sflag:s29] =	ssyncadd.s32 $0xFFFFC000  }
0x43d: {  	[hbm4b:s8+s3] =	stream.linear.scatter [tilespmem:s24], [sflag:$0xA], $0x4000, $0x38;
	[tilespmem:$0x18400] =	vst v63  }
0x43e: {  	_ =	swait.ge [sflag:s26], $0x4000  }
0x43f: {  	[sflag:s26] =	ssyncset.done $0x0  }
0x440: {  	[sflag:s26] =	ssyncadd.s32 $0xFFFFC000  }
0x441: {  	v3 =	vld [tilespmem:$0x230];
	_ =	sdelay $0x4  }
0x442: {  	v35 =	vshll.u32 v3, $0x3  }
0x443: {  	v3 =	vand.u32 $0x7, v3;
	v4 =	vand.u32 $0xFFFFFFC0, v35  }
0x444: {  	v3 =	vor.u32 v3, v4  }
0x445: {  	v4 =	vperm.xlane v3, v0;
	_ =	sdelay $0x1  }
0x446: {  	v4 =	vadd.s32 v1, v4;
	_ =	sdelay $0x3  }
0x447: {  	s1 =	simm.s32 $0x14400  }
0x448: {  	[tilespmem:s1], [sflag:$0x6] =	stream.indirect_vreg.gather [hbm4b:s2+s3], $0x80, v4, vm0, $0xb8;
	[tilespmem:$0x18400] =	vst v63  }
0x449: {  	s13 =	simm.s32 $0x14C00;
	v3 =	vperm.xlane v3, v2  }
0x44a: {  	[tilespmem:s13], [sflag:$0x6] =	stream.indirect_vreg.gather [hbm4b:s5+s3], $0x80, v4, vm0, $0xb8;
	[tilespmem:$0x18400] =	vst v63  }
0x44b: {  	s24 =	simm.s32 $0x15400;
	v3 =	vadd.s32 v1, v3  }
0x44c: {  	[tilespmem:s24], [sflag:$0x6] =	stream.indirect_vreg.gather [hbm4b:s6+s3], $0x80, v4, vm0, $0xb8;
	[tilespmem:$0x18400] =	vst v63  }
0x44d: {  	s16 =	simm.s32 $0x15C00  }
0x44e: {  	[tilespmem:s16], [sflag:$0x6] =	stream.indirect_vreg.gather [hbm4b:s7+s3], $0x80, v4, vm0, $0xb8;
	[tilespmem:$0x18400] =	vst v63  }
0x44f: {  	s13 =	simm.s32 $0x16400  }
0x450: {  	[tilespmem:s13], [sflag:$0x6] =	stream.indirect_vreg.gather [hbm4b:s2+s3], $0x80, v3, vm0, $0xb8;
	[tilespmem:$0x18400] =	vst v63  }
0x451: {  	s16 =	simm.s32 $0x16C00  }
0x452: {  	[tilespmem:s16], [sflag:$0x6] =	stream.indirect_vreg.gather [hbm4b:s5+s3], $0x80, v3, vm0, $0xb8;
	[tilespmem:$0x18400] =	vst v63  }
0x453: {  	s13 =	simm.s32 $0x17400  }
0x454: {  	[tilespmem:s13], [sflag:$0x6] =	stream.indirect_vreg.gather [hbm4b:s6+s3], $0x80, v3, vm0, $0xb8;
	[tilespmem:$0x18400] =	vst v63  }
0x455: {  	s16 =	simm.s32 $0x17C00  }
0x456: {  	[tilespmem:s16], [sflag:$0x6] =	stream.indirect_vreg.gather [hbm4b:s7+s3], $0x80, v3, vm0, $0xb8;
	[tilespmem:$0x18400] =	vst v63  }
0x457: {  	_ =	swait.ge [sflag:s30], $0x4000  }
0x458: {  	s8 =	sld [smem:$0x7DD]  }
0x459: {  	[sflag:s30] =	ssyncset.done $0x0  }
0x45a: {  	[sflag:s30] =	ssyncadd.s32 $0xFFFFC000  }
0x45b: {  	[hbm4b:s8+s3] =	stream.linear.scatter [tilespmem:s0], [sflag:$0xB], $0x4000, $0x38;
	[tilespmem:$0x18400] =	vst v63  }
0x45c: {  	_ =	swait.ge [sflag:s31], $0x4000  }
0x45d: {  	[sflag:s31] =	ssyncset.done $0x0  }
0x45e: {  	[sflag:s31] =	ssyncadd.s32 $0xFFFFC000  }
0x45f: {  	v3 =	vld [tilespmem:$0x240];
	_ =	sdelay $0x4  }
0x460: {  	v36 =	vshll.u32 v3, $0x3  }
0x461: {  	v3 =	vand.u32 $0x7, v3;
	v4 =	vand.u32 $0xFFFFFFC0, v36  }
0x462: {  	v3 =	vor.u32 v3, v4  }
0x463: {  	v4 =	vperm.xlane v3, v0;
	_ =	sdelay $0x1  }
0x464: {  	v4 =	vadd.s32 v1, v4;
	_ =	sdelay $0x3  }
0x465: {  	s0 =	simm.s32 $0x400  }
0x466: {  	[tilespmem:s0], [sflag:$0x1] =	stream.indirect_vreg.gather [hbm4b:s2+s3], $0x80, v4, vm0, $0xb8;
	[tilespmem:$0x18400] =	vst v63  }
0x467: {  	s16 =	simm.s32 $0xC00;
	v3 =	vperm.xlane v3, v2  }
0x468: {  	[tilespmem:s16], [sflag:$0x1] =	stream.indirect_vreg.gather [hbm4b:s5+s3], $0x80, v4, vm0, $0xb8;
	[tilespmem:$0x18400] =	vst v63  }
0x469: {  	s13 =	simm.s32 $0x1400;
	v3 =	vadd.s32 v1, v3  }
0x46a: {  	[tilespmem:s13], [sflag:$0x1] =	stream.indirect_vreg.gather [hbm4b:s6+s3], $0x80, v4, vm0, $0xb8;
	[tilespmem:$0x18400] =	vst v63  }
0x46b: {  	_ = 	snop  }
0x46c: {  	[tilespmem:s14], [sflag:$0x1] =	stream.indirect_vreg.gather [hbm4b:s7+s3], $0x80, v4, vm0, $0xb8;
	[tilespmem:$0x18400] =	vst v63  }
0x46d: {  	s16 =	simm.s32 $0x2400  }
0x46e: {  	[tilespmem:s16], [sflag:$0x1] =	stream.indirect_vreg.gather [hbm4b:s2+s3], $0x80, v3, vm0, $0xb8;
	[tilespmem:$0x18400] =	vst v63  }
0x46f: {  	s13 =	simm.s32 $0x2C00  }
0x470: {  	[tilespmem:s13], [sflag:$0x1] =	stream.indirect_vreg.gather [hbm4b:s5+s3], $0x80, v3, vm0, $0xb8;
	[tilespmem:$0x18400] =	vst v63  }
0x471: {  	s14 =	simm.s32 $0x3400  }
0x472: {  	[tilespmem:s14], [sflag:$0x1] =	stream.indirect_vreg.gather [hbm4b:s6+s3], $0x80, v3, vm0, $0xb8;
	[tilespmem:$0x18400] =	vst v63  }
0x473: {  	s8 =	simm.s32 $0x3C00  }
0x474: {  	[tilespmem:s8], [sflag:$0x1] =	stream.indirect_vreg.gather [hbm4b:s7+s3], $0x80, v3, vm0, $0xb8;
	[tilespmem:$0x18400] =	vst v63  }
0x475: {  	_ =	swait.ge [sflag:s15], $0x4000  }
0x476: {  	s16 =	sld [smem:$0x7DE]  }
0x477: {  	[sflag:s15] =	ssyncset.done $0x0  }
0x478: {  	[sflag:s15] =	ssyncadd.s32 $0xFFFFC000  }
0x479: {  	[hbm4b:s16+s3] =	stream.linear.scatter [tilespmem:s1], [sflag:$0xC], $0x4000, $0x38;
	[tilespmem:$0x18400] =	vst v63  }
0x47a: {  	_ =	swait.ge [sflag:s11], $0x4000  }
0x47b: {  	[sflag:s11] =	ssyncset.done $0x0  }
0x47c: {  	[sflag:s11] =	ssyncadd.s32 $0xFFFFC000  }
0x47d: {  	v3 =	vld [tilespmem:$0x250];
	_ =	sdelay $0x4  }
0x47e: {  	v37 =	vshll.u32 v3, $0x3  }
0x47f: {  	v3 =	vand.u32 $0x7, v3;
	v4 =	vand.u32 $0xFFFFFFC0, v37  }
0x480: {  	v3 =	vor.u32 v3, v4  }
0x481: {  	v4 =	vperm.xlane v3, v0;
	_ =	sdelay $0x1  }
0x482: {  	v4 =	vadd.s32 v1, v4;
	_ =	sdelay $0x3  }
0x483: {  	s1 =	simm.s32 $0x4400  }
0x484: {  	[tilespmem:s1], [sflag:$0x2] =	stream.indirect_vreg.gather [hbm4b:s2+s3], $0x80, v4, vm0, $0xb8;
	[tilespmem:$0x18400] =	vst v63  }
0x485: {  	s14 =	simm.s32 $0x4C00;
	v3 =	vperm.xlane v3, v2  }
0x486: {  	[tilespmem:s14], [sflag:$0x2] =	stream.indirect_vreg.gather [hbm4b:s5+s3], $0x80, v4, vm0, $0xb8;
	[tilespmem:$0x18400] =	vst v63  }
0x487: {  	s16 =	simm.s32 $0x5400;
	v3 =	vadd.s32 v1, v3  }
0x488: {  	[tilespmem:s16], [sflag:$0x2] =	stream.indirect_vreg.gather [hbm4b:s6+s3], $0x80, v4, vm0, $0xb8;
	[tilespmem:$0x18400] =	vst v63  }
0x489: {  	s14 =	simm.s32 $0x5C00  }
0x48a: {  	[tilespmem:s14], [sflag:$0x2] =	stream.indirect_vreg.gather [hbm4b:s7+s3], $0x80, v4, vm0, $0xb8;
	[tilespmem:$0x18400] =	vst v63  }
0x48b: {  	s16 =	simm.s32 $0x6400  }
0x48c: {  	[tilespmem:s16], [sflag:$0x2] =	stream.indirect_vreg.gather [hbm4b:s2+s3], $0x80, v3, vm0, $0xb8;
	[tilespmem:$0x18400] =	vst v63  }
0x48d: {  	_ = 	snop  }
0x48e: {  	[tilespmem:s10], [sflag:$0x2] =	stream.indirect_vreg.gather [hbm4b:s5+s3], $0x80, v3, vm0, $0xb8;
	[tilespmem:$0x18400] =	vst v63  }
0x48f: {  	s14 =	simm.s32 $0x7400  }
0x490: {  	[tilespmem:s14], [sflag:$0x2] =	stream.indirect_vreg.gather [hbm4b:s6+s3], $0x80, v3, vm0, $0xb8;
	[tilespmem:$0x18400] =	vst v63  }
0x491: {  	s16 =	simm.s32 $0x7C00  }
0x492: {  	[tilespmem:s16], [sflag:$0x2] =	stream.indirect_vreg.gather [hbm4b:s7+s3], $0x80, v3, vm0, $0xb8;
	[tilespmem:$0x18400] =	vst v63  }
0x493: {  	_ =	swait.ge [sflag:s21], $0x4000  }
0x494: {  	s10 =	sld [smem:$0x7DF]  }
0x495: {  	[sflag:s21] =	ssyncset.done $0x0  }
0x496: {  	[sflag:s21] =	ssyncadd.s32 $0xFFFFC000  }
0x497: {  	[hbm4b:s10+s3] =	stream.linear.scatter [tilespmem:s0], [sflag:$0x7], $0x4000, $0x38;
	[tilespmem:$0x18400] =	vst v63  }
0x498: {  	_ =	swait.ge [sflag:s9], $0x4000  }
0x499: {  	[sflag:s9] =	ssyncset.done $0x0  }
0x49a: {  	[sflag:s9] =	ssyncadd.s32 $0xFFFFC000  }
0x49b: {  	v3 =	vld [tilespmem:$0x260];
	_ =	sdelay $0x4  }
0x49c: {  	v38 =	vshll.u32 v3, $0x3  }
0x49d: {  	v3 =	vand.u32 $0x7, v3;
	v4 =	vand.u32 $0xFFFFFFC0, v38  }
0x49e: {  	v3 =	vor.u32 v3, v4  }
0x49f: {  	v4 =	vperm.xlane v3, v0;
	_ =	sdelay $0x1  }
0x4a0: {  	v4 =	vadd.s32 v1, v4;
	_ =	sdelay $0x3  }
0x4a1: {  	s0 =	simm.s32 $0x8400  }
0x4a2: {  	[tilespmem:s0], [sflag:$0x3] =	stream.indirect_vreg.gather [hbm4b:s2+s3], $0x80, v4, vm0, $0xb8;
	[tilespmem:$0x18400] =	vst v63  }
0x4a3: {  	s14 =	simm.s32 $0x8C00;
	v3 =	vperm.xlane v3, v2  }
0x4a4: {  	[tilespmem:s14], [sflag:$0x3] =	stream.indirect_vreg.gather [hbm4b:s5+s3], $0x80, v4, vm0, $0xb8;
	[tilespmem:$0x18400] =	vst v63  }
0x4a5: {  	s16 =	simm.s32 $0x9400;
	v3 =	vadd.s32 v1, v3  }
0x4a6: {  	[tilespmem:s16], [sflag:$0x3] =	stream.indirect_vreg.gather [hbm4b:s6+s3], $0x80, v4, vm0, $0xb8;
	[tilespmem:$0x18400] =	vst v63  }
0x4a7: {  	_ = 	snop  }
0x4a8: {  	[tilespmem:s22], [sflag:$0x3] =	stream.indirect_vreg.gather [hbm4b:s7+s3], $0x80, v4, vm0, $0xb8;
	[tilespmem:$0x18400] =	vst v63  }
0x4a9: {  	_ = 	snop  }
0x4aa: {  	[tilespmem:s28], [sflag:$0x3] =	stream.indirect_vreg.gather [hbm4b:s2+s3], $0x80, v3, vm0, $0xb8;
	[tilespmem:$0x18400] =	vst v63  }
0x4ab: {  	s22 =	simm.s32 $0xAC00  }
0x4ac: {  	[tilespmem:s22], [sflag:$0x3] =	stream.indirect_vreg.gather [hbm4b:s5+s3], $0x80, v3, vm0, $0xb8;
	[tilespmem:$0x18400] =	vst v63  }
0x4ad: {  	s28 =	simm.s32 $0xB400  }
0x4ae: {  	[tilespmem:s28], [sflag:$0x3] =	stream.indirect_vreg.gather [hbm4b:s6+s3], $0x80, v3, vm0, $0xb8;
	[tilespmem:$0x18400] =	vst v63  }
0x4af: {  	s16 =	simm.s32 $0xBC00  }
0x4b0: {  	[tilespmem:s16], [sflag:$0x3] =	stream.indirect_vreg.gather [hbm4b:s7+s3], $0x80, v3, vm0, $0xb8;
	[tilespmem:$0x18400] =	vst v63  }
0x4b1: {  	_ =	swait.ge [sflag:s25], $0x4000  }
0x4b2: {  	s10 =	sld [smem:$0x7E0]  }
0x4b3: {  	[sflag:s25] =	ssyncset.done $0x0  }
0x4b4: {  	[sflag:s25] =	ssyncadd.s32 $0xFFFFC000  }
0x4b5: {  	[hbm4b:s10+s3] =	stream.linear.scatter [tilespmem:s1], [sflag:$0x8], $0x4000, $0x38;
	[tilespmem:$0x18400] =	vst v63  }
0x4b6: {  	_ =	swait.ge [sflag:s4], $0x4000  }
0x4b7: {  	[sflag:s4] =	ssyncset.done $0x0  }
0x4b8: {  	[sflag:s4] =	ssyncadd.s32 $0xFFFFC000  }
0x4b9: {  	v3 =	vld [tilespmem:$0x270];
	_ =	sdelay $0x4  }
0x4ba: {  	v39 =	vshll.u32 v3, $0x3  }
0x4bb: {  	v3 =	vand.u32 $0x7, v3;
	v4 =	vand.u32 $0xFFFFFFC0, v39  }
0x4bc: {  	v3 =	vor.u32 v3, v4  }
0x4bd: {  	v4 =	vperm.xlane v3, v0;
	_ =	sdelay $0x1  }
0x4be: {  	v4 =	vadd.s32 v1, v4;
	_ =	sdelay $0x3  }
0x4bf: {  	s1 =	simm.s32 $0xC400  }
0x4c0: {  	[tilespmem:s1], [sflag:$0x4] =	stream.indirect_vreg.gather [hbm4b:s2+s3], $0x80, v4, vm0, $0xb8;
	[tilespmem:$0x18400] =	vst v63  }
0x4c1: {  	s14 =	simm.s32 $0xCC00;
	v3 =	vperm.xlane v3, v2  }
0x4c2: {  	[tilespmem:s14], [sflag:$0x4] =	stream.indirect_vreg.gather [hbm4b:s5+s3], $0x80, v4, vm0, $0xb8;
	[tilespmem:$0x18400] =	vst v63  }
0x4c3: {  	v3 =	vadd.s32 v1, v3;
	s14 =	simm.s32 $0xD400  }
0x4c4: {  	[tilespmem:s14], [sflag:$0x4] =	stream.indirect_vreg.gather [hbm4b:s6+s3], $0x80, v4, vm0, $0xb8;
	[tilespmem:$0x18400] =	vst v63  }
0x4c5: {  	s22 =	simm.s32 $0xDC00  }
0x4c6: {  	[tilespmem:s22], [sflag:$0x4] =	stream.indirect_vreg.gather [hbm4b:s7+s3], $0x80, v4, vm0, $0xb8;
	[tilespmem:$0x18400] =	vst v63  }
0x4c7: {  	s28 =	simm.s32 $0xE400  }
0x4c8: {  	[tilespmem:s28], [sflag:$0x4] =	stream.indirect_vreg.gather [hbm4b:s2+s3], $0x80, v3, vm0, $0xb8;
	[tilespmem:$0x18400] =	vst v63  }
0x4c9: {  	s22 =	simm.s32 $0xEC00  }
0x4ca: {  	[tilespmem:s22], [sflag:$0x4] =	stream.indirect_vreg.gather [hbm4b:s5+s3], $0x80, v3, vm0, $0xb8;
	[tilespmem:$0x18400] =	vst v63  }
0x4cb: {  	s28 =	simm.s32 $0xF400  }
0x4cc: {  	[tilespmem:s28], [sflag:$0x4] =	stream.indirect_vreg.gather [hbm4b:s6+s3], $0x80, v3, vm0, $0xb8;
	[tilespmem:$0x18400] =	vst v63  }
0x4cd: {  	s13 =	simm.s32 $0xFC00  }
0x4ce: {  	[tilespmem:s13], [sflag:$0x4] =	stream.indirect_vreg.gather [hbm4b:s7+s3], $0x80, v3, vm0, $0xb8;
	[tilespmem:$0x18400] =	vst v63  }
0x4cf: {  	_ =	swait.ge [sflag:s23], $0x4000  }
0x4d0: {  	s10 =	sld [smem:$0x7E1]  }
0x4d1: {  	[sflag:s23] =	ssyncset.done $0x0  }
0x4d2: {  	[sflag:s23] =	ssyncadd.s32 $0xFFFFC000  }
0x4d3: {  	[hbm4b:s10+s3] =	stream.linear.scatter [tilespmem:s0], [sflag:$0x9], $0x4000, $0x38;
	[tilespmem:$0x18400] =	vst v63  }
0x4d4: {  	_ =	swait.ge [sflag:s18], $0x4000  }
0x4d5: {  	[sflag:s18] =	ssyncset.done $0x0  }
0x4d6: {  	[sflag:s18] =	ssyncadd.s32 $0xFFFFC000  }
0x4d7: {  	v3 =	vld [tilespmem:$0x280];
	_ =	sdelay $0x4  }
0x4d8: {  	v40 =	vshll.u32 v3, $0x3  }
0x4d9: {  	v3 =	vand.u32 $0x7, v3;
	v4 =	vand.u32 $0xFFFFFFC0, v40  }
0x4da: {  	v3 =	vor.u32 v3, v4  }
0x4db: {  	v4 =	vperm.xlane v3, v0;
	_ =	sdelay $0x1  }
0x4dc: {  	v4 =	vadd.s32 v1, v4;
	_ =	sdelay $0x3  }
0x4dd: {  	s0 =	simm.s32 $0x10400  }
0x4de: {  	[tilespmem:s0], [sflag:$0x5] =	stream.indirect_vreg.gather [hbm4b:s2+s3], $0x80, v4, vm0, $0xb8;
	[tilespmem:$0x18400] =	vst v63  }
0x4df: {  	s13 =	simm.s32 $0x10C00;
	v3 =	vperm.xlane v3, v2  }
0x4e0: {  	[tilespmem:s13], [sflag:$0x5] =	stream.indirect_vreg.gather [hbm4b:s5+s3], $0x80, v4, vm0, $0xb8;
	[tilespmem:$0x18400] =	vst v63  }
0x4e1: {  	v3 =	vadd.s32 v1, v3;
	s13 =	simm.s32 $0x11400  }
0x4e2: {  	[tilespmem:s13], [sflag:$0x5] =	stream.indirect_vreg.gather [hbm4b:s6+s3], $0x80, v4, vm0, $0xb8;
	[tilespmem:$0x18400] =	vst v63  }
0x4e3: {  	_ = 	snop  }
0x4e4: {  	[tilespmem:s12], [sflag:$0x5] =	stream.indirect_vreg.gather [hbm4b:s7+s3], $0x80, v4, vm0, $0xb8;
	[tilespmem:$0x18400] =	vst v63  }
0x4e5: {  	_ = 	snop  }
0x4e6: {  	[tilespmem:s19], [sflag:$0x5] =	stream.indirect_vreg.gather [hbm4b:s2+s3], $0x80, v3, vm0, $0xb8;
	[tilespmem:$0x18400] =	vst v63  }
0x4e7: {  	_ = 	snop  }
0x4e8: {  	[tilespmem:s20], [sflag:$0x5] =	stream.indirect_vreg.gather [hbm4b:s5+s3], $0x80, v3, vm0, $0xb8;
	[tilespmem:$0x18400] =	vst v63  }
0x4e9: {  	s19 =	simm.s32 $0x13400  }
0x4ea: {  	[tilespmem:s19], [sflag:$0x5] =	stream.indirect_vreg.gather [hbm4b:s6+s3], $0x80, v3, vm0, $0xb8;
	[tilespmem:$0x18400] =	vst v63  }
0x4eb: {  	_ = 	snop  }
0x4ec: {  	[tilespmem:s17], [sflag:$0x5] =	stream.indirect_vreg.gather [hbm4b:s7+s3], $0x80, v3, vm0, $0xb8;
	[tilespmem:$0x18400] =	vst v63  }
0x4ed: {  	_ =	swait.ge [sflag:s29], $0x4000  }
0x4ee: {  	s20 =	sld [smem:$0x7E2]  }
0x4ef: {  	[sflag:s29] =	ssyncset.done $0x0  }
0x4f0: {  	[sflag:s29] =	ssyncadd.s32 $0xFFFFC000  }
0x4f1: {  	[hbm4b:s20+s3] =	stream.linear.scatter [tilespmem:s1], [sflag:$0xA], $0x4000, $0x38;
	[tilespmem:$0x18400] =	vst v63  }
0x4f2: {  	_ =	swait.ge [sflag:s26], $0x4000  }
0x4f3: {  	[sflag:s26] =	ssyncset.done $0x0  }
0x4f4: {  	[sflag:s26] =	ssyncadd.s32 $0xFFFFC000  }
0x4f5: {  	v3 =	vld [tilespmem:$0x290];
	_ =	sdelay $0x4  }
0x4f6: {  	v41 =	vshll.u32 v3, $0x3  }
0x4f7: {  	v3 =	vand.u32 $0x7, v3;
	v4 =	vand.u32 $0xFFFFFFC0, v41  }
0x4f8: {  	v3 =	vor.u32 v3, v4  }
0x4f9: {  	v4 =	vperm.xlane v3, v0;
	_ =	sdelay $0x1  }
0x4fa: {  	v4 =	vadd.s32 v1, v4;
	_ =	sdelay $0x3  }
0x4fb: {  	s12 =	simm.s32 $0x14400  }
0x4fc: {  	[tilespmem:s12], [sflag:$0x6] =	stream.indirect_vreg.gather [hbm4b:s2+s3], $0x80, v4, vm0, $0xb8;
	[tilespmem:$0x18400] =	vst v63  }
0x4fd: {  	s10 =	simm.s32 $0x14C00;
	v3 =	vperm.xlane v3, v2  }
0x4fe: {  	[tilespmem:s10], [sflag:$0x6] =	stream.indirect_vreg.gather [hbm4b:s5+s3], $0x80, v4, vm0, $0xb8;
	[tilespmem:$0x18400] =	vst v63  }
0x4ff: {  	v3 =	vadd.s32 v1, v3  }
0x500: {  	[tilespmem:s24], [sflag:$0x6] =	stream.indirect_vreg.gather [hbm4b:s6+s3], $0x80, v4, vm0, $0xb8;
	[tilespmem:$0x18400] =	vst v63  }
0x501: {  	s13 =	simm.s32 $0x15C00  }
0x502: {  	[tilespmem:s13], [sflag:$0x6] =	stream.indirect_vreg.gather [hbm4b:s7+s3], $0x80, v4, vm0, $0xb8;
	[tilespmem:$0x18400] =	vst v63  }
0x503: {  	s17 =	simm.s32 $0x16400  }
0x504: {  	[tilespmem:s17], [sflag:$0x6] =	stream.indirect_vreg.gather [hbm4b:s2+s3], $0x80, v3, vm0, $0xb8;
	[tilespmem:$0x18400] =	vst v63  }
0x505: {  	s19 =	simm.s32 $0x16C00  }
0x506: {  	[tilespmem:s19], [sflag:$0x6] =	stream.indirect_vreg.gather [hbm4b:s5+s3], $0x80, v3, vm0, $0xb8;
	[tilespmem:$0x18400] =	vst v63  }
0x507: {  	s20 =	simm.s32 $0x17400  }
0x508: {  	[tilespmem:s20], [sflag:$0x6] =	stream.indirect_vreg.gather [hbm4b:s6+s3], $0x80, v3, vm0, $0xb8;
	[tilespmem:$0x18400] =	vst v63  }
0x509: {  	s24 =	simm.s32 $0x17C00  }
0x50a: {  	[tilespmem:s24], [sflag:$0x6] =	stream.indirect_vreg.gather [hbm4b:s7+s3], $0x80, v3, vm0, $0xb8;
	[tilespmem:$0x18400] =	vst v63  }
0x50b: {  	_ =	swait.ge [sflag:s30], $0x4000  }
0x50c: {  	s10 =	sld [smem:$0x7E3]  }
0x50d: {  	[sflag:s30] =	ssyncset.done $0x0  }
0x50e: {  	[sflag:s30] =	ssyncadd.s32 $0xFFFFC000  }
0x50f: {  	[hbm4b:s10+s3] =	stream.linear.scatter [tilespmem:s0], [sflag:$0xB], $0x4000, $0x38;
	[tilespmem:$0x18400] =	vst v63  }
0x510: {  	_ =	swait.ge [sflag:s31], $0x4000  }
0x511: {  	[sflag:s31] =	ssyncset.done $0x0  }
0x512: {  	[sflag:s31] =	ssyncadd.s32 $0xFFFFC000  }
0x513: {  	v3 =	vld [tilespmem:$0x2A0];
	_ =	sdelay $0x4  }
0x514: {  	v42 =	vshll.u32 v3, $0x3  }
0x515: {  	v3 =	vand.u32 $0x7, v3;
	v4 =	vand.u32 $0xFFFFFFC0, v42  }
0x516: {  	v3 =	vor.u32 v3, v4  }
0x517: {  	v4 =	vperm.xlane v3, v0;
	_ =	sdelay $0x1  }
0x518: {  	v4 =	vadd.s32 v1, v4;
	_ =	sdelay $0x3  }
0x519: {  	s1 =	simm.s32 $0x400  }
0x51a: {  	[tilespmem:s1], [sflag:$0x1] =	stream.indirect_vreg.gather [hbm4b:s2+s3], $0x80, v4, vm0, $0xb8;
	[tilespmem:$0x18400] =	vst v63  }
0x51b: {  	s13 =	simm.s32 $0xC00;
	v3 =	vperm.xlane v3, v2  }
0x51c: {  	[tilespmem:s13], [sflag:$0x1] =	stream.indirect_vreg.gather [hbm4b:s5+s3], $0x80, v4, vm0, $0xb8;
	[tilespmem:$0x18400] =	vst v63  }
0x51d: {  	s17 =	simm.s32 $0x1400;
	v3 =	vadd.s32 v1, v3  }
0x51e: {  	[tilespmem:s17], [sflag:$0x1] =	stream.indirect_vreg.gather [hbm4b:s6+s3], $0x80, v4, vm0, $0xb8;
	[tilespmem:$0x18400] =	vst v63  }
0x51f: {  	s17 =	simm.s32 $0x1C00  }
0x520: {  	[tilespmem:s17], [sflag:$0x1] =	stream.indirect_vreg.gather [hbm4b:s7+s3], $0x80, v4, vm0, $0xb8;
	[tilespmem:$0x18400] =	vst v63  }
0x521: {  	s19 =	simm.s32 $0x2400  }
0x522: {  	[tilespmem:s19], [sflag:$0x1] =	stream.indirect_vreg.gather [hbm4b:s2+s3], $0x80, v3, vm0, $0xb8;
	[tilespmem:$0x18400] =	vst v63  }
0x523: {  	s20 =	simm.s32 $0x2C00  }
0x524: {  	[tilespmem:s20], [sflag:$0x1] =	stream.indirect_vreg.gather [hbm4b:s5+s3], $0x80, v3, vm0, $0xb8;
	[tilespmem:$0x18400] =	vst v63  }
0x525: {  	s24 =	simm.s32 $0x3400  }
0x526: {  	[tilespmem:s24], [sflag:$0x1] =	stream.indirect_vreg.gather [hbm4b:s6+s3], $0x80, v3, vm0, $0xb8;
	[tilespmem:$0x18400] =	vst v63  }
0x527: {  	_ = 	snop  }
0x528: {  	[tilespmem:s8], [sflag:$0x1] =	stream.indirect_vreg.gather [hbm4b:s7+s3], $0x80, v3, vm0, $0xb8;
	[tilespmem:$0x18400] =	vst v63  }
0x529: {  	_ =	swait.ge [sflag:s15], $0x4000  }
0x52a: {  	s10 =	sld [smem:$0x7E4]  }
0x52b: {  	[sflag:s15] =	ssyncset.done $0x0  }
0x52c: {  	[sflag:s15] =	ssyncadd.s32 $0xFFFFC000  }
0x52d: {  	[hbm4b:s10+s3] =	stream.linear.scatter [tilespmem:s12], [sflag:$0xC], $0x4000, $0x38;
	[tilespmem:$0x18400] =	vst v63  }
0x52e: {  	_ =	swait.ge [sflag:s11], $0x4000  }
0x52f: {  	[sflag:s11] =	ssyncset.done $0x0  }
0x530: {  	[sflag:s11] =	ssyncadd.s32 $0xFFFFC000  }
0x531: {  	v3 =	vld [tilespmem:$0x2B0];
	_ =	sdelay $0x4  }
0x532: {  	v43 =	vshll.u32 v3, $0x3  }
0x533: {  	v3 =	vand.u32 $0x7, v3;
	v4 =	vand.u32 $0xFFFFFFC0, v43  }
0x534: {  	v3 =	vor.u32 v3, v4  }
0x535: {  	v4 =	vperm.xlane v3, v0;
	_ =	sdelay $0x1  }
0x536: {  	v4 =	vadd.s32 v1, v4;
	_ =	sdelay $0x3  }
0x537: {  	s0 =	simm.s32 $0x4400  }
0x538: {  	[tilespmem:s0], [sflag:$0x2] =	stream.indirect_vreg.gather [hbm4b:s2+s3], $0x80, v4, vm0, $0xb8;
	[tilespmem:$0x18400] =	vst v63  }
0x539: {  	s13 =	simm.s32 $0x4C00;
	v3 =	vperm.xlane v3, v2  }
0x53a: {  	[tilespmem:s13], [sflag:$0x2] =	stream.indirect_vreg.gather [hbm4b:s5+s3], $0x80, v4, vm0, $0xb8;
	[tilespmem:$0x18400] =	vst v63  }
0x53b: {  	s19 =	simm.s32 $0x5400;
	v3 =	vadd.s32 v1, v3  }
0x53c: {  	[tilespmem:s19], [sflag:$0x2] =	stream.indirect_vreg.gather [hbm4b:s6+s3], $0x80, v4, vm0, $0xb8;
	[tilespmem:$0x18400] =	vst v63  }
0x53d: {  	s20 =	simm.s32 $0x5C00  }
0x53e: {  	[tilespmem:s20], [sflag:$0x2] =	stream.indirect_vreg.gather [hbm4b:s7+s3], $0x80, v4, vm0, $0xb8;
	[tilespmem:$0x18400] =	vst v63  }
0x53f: {  	s24 =	simm.s32 $0x6400  }
0x540: {  	[tilespmem:s24], [sflag:$0x2] =	stream.indirect_vreg.gather [hbm4b:s2+s3], $0x80, v3, vm0, $0xb8;
	[tilespmem:$0x18400] =	vst v63  }
0x541: {  	s20 =	simm.s32 $0x6C00  }
0x542: {  	[tilespmem:s20], [sflag:$0x2] =	stream.indirect_vreg.gather [hbm4b:s5+s3], $0x80, v3, vm0, $0xb8;
	[tilespmem:$0x18400] =	vst v63  }
0x543: {  	s19 =	simm.s32 $0x7400  }
0x544: {  	[tilespmem:s19], [sflag:$0x2] =	stream.indirect_vreg.gather [hbm4b:s6+s3], $0x80, v3, vm0, $0xb8;
	[tilespmem:$0x18400] =	vst v63  }
0x545: {  	s24 =	simm.s32 $0x7C00  }
0x546: {  	[tilespmem:s24], [sflag:$0x2] =	stream.indirect_vreg.gather [hbm4b:s7+s3], $0x80, v3, vm0, $0xb8;
	[tilespmem:$0x18400] =	vst v63  }
0x547: {  	_ =	swait.ge [sflag:s21], $0x4000  }
0x548: {  	s12 =	sld [smem:$0x7E5]  }
0x549: {  	[sflag:s21] =	ssyncset.done $0x0  }
0x54a: {  	[sflag:s21] =	ssyncadd.s32 $0xFFFFC000  }
0x54b: {  	[hbm4b:s12+s3] =	stream.linear.scatter [tilespmem:s1], [sflag:$0x7], $0x4000, $0x38;
	[tilespmem:$0x18400] =	vst v63  }
0x54c: {  	_ =	swait.ge [sflag:s9], $0x4000  }
0x54d: {  	[sflag:s9] =	ssyncset.done $0x0  }
0x54e: {  	[sflag:s9] =	ssyncadd.s32 $0xFFFFC000  }
0x54f: {  	v3 =	vld [tilespmem:$0x2C0];
	_ =	sdelay $0x4  }
0x550: {  	v44 =	vshll.u32 v3, $0x3  }
0x551: {  	v3 =	vand.u32 $0x7, v3;
	v4 =	vand.u32 $0xFFFFFFC0, v44  }
0x552: {  	v3 =	vor.u32 v3, v4  }
0x553: {  	v4 =	vperm.xlane v3, v0;
	_ =	sdelay $0x1  }
0x554: {  	v4 =	vadd.s32 v1, v4;
	_ =	sdelay $0x3  }
0x555: {  	s1 =	simm.s32 $0x8400  }
0x556: {  	[tilespmem:s1], [sflag:$0x3] =	stream.indirect_vreg.gather [hbm4b:s2+s3], $0x80, v4, vm0, $0xb8;
	[tilespmem:$0x18400] =	vst v63  }
0x557: {  	s13 =	simm.s32 $0x8C00;
	v3 =	vperm.xlane v3, v2  }
0x558: {  	[tilespmem:s13], [sflag:$0x3] =	stream.indirect_vreg.gather [hbm4b:s5+s3], $0x80, v4, vm0, $0xb8;
	[tilespmem:$0x18400] =	vst v63  }
0x559: {  	v3 =	vadd.s32 v1, v3;
	s13 =	simm.s32 $0x9400  }
0x55a: {  	[tilespmem:s13], [sflag:$0x3] =	stream.indirect_vreg.gather [hbm4b:s6+s3], $0x80, v4, vm0, $0xb8;
	[tilespmem:$0x18400] =	vst v63  }
0x55b: {  	s13 =	simm.s32 $0x9C00  }
0x55c: {  	[tilespmem:s13], [sflag:$0x3] =	stream.indirect_vreg.gather [hbm4b:s7+s3], $0x80, v4, vm0, $0xb8;
	[tilespmem:$0x18400] =	vst v63  }
0x55d: {  	s13 =	simm.s32 $0xA400  }
0x55e: {  	[tilespmem:s13], [sflag:$0x3] =	stream.indirect_vreg.gather [hbm4b:s2+s3], $0x80, v3, vm0, $0xb8;
	[tilespmem:$0x18400] =	vst v63  }
0x55f: {  	s13 =	simm.s32 $0xAC00  }
0x560: {  	[tilespmem:s13], [sflag:$0x3] =	stream.indirect_vreg.gather [hbm4b:s5+s3], $0x80, v3, vm0, $0xb8;
	[tilespmem:$0x18400] =	vst v63  }
0x561: {  	s13 =	simm.s32 $0xB400  }
0x562: {  	[tilespmem:s13], [sflag:$0x3] =	stream.indirect_vreg.gather [hbm4b:s6+s3], $0x80, v3, vm0, $0xb8;
	[tilespmem:$0x18400] =	vst v63  }
0x563: {  	_ = 	snop  }
0x564: {  	[tilespmem:s16], [sflag:$0x3] =	stream.indirect_vreg.gather [hbm4b:s7+s3], $0x80, v3, vm0, $0xb8;
	[tilespmem:$0x18400] =	vst v63  }
0x565: {  	_ =	swait.ge [sflag:s25], $0x4000  }
0x566: {  	s12 =	sld [smem:$0x7E6]  }
0x567: {  	[sflag:s25] =	ssyncset.done $0x0  }
0x568: {  	[sflag:s25] =	ssyncadd.s32 $0xFFFFC000  }
0x569: {  	[hbm4b:s12+s3] =	stream.linear.scatter [tilespmem:s0], [sflag:$0x8], $0x4000, $0x38;
	[tilespmem:$0x18400] =	vst v63  }
0x56a: {  	_ =	swait.ge [sflag:s4], $0x4000  }
0x56b: {  	[sflag:s4] =	ssyncset.done $0x0  }
0x56c: {  	[sflag:s4] =	ssyncadd.s32 $0xFFFFC000  }
0x56d: {  	v3 =	vld [tilespmem:$0x2D0];
	_ =	sdelay $0x4  }
0x56e: {  	v45 =	vshll.u32 v3, $0x3  }
0x56f: {  	v3 =	vand.u32 $0x7, v3;
	v4 =	vand.u32 $0xFFFFFFC0, v45  }
0x570: {  	v3 =	vor.u32 v3, v4  }
0x571: {  	v4 =	vperm.xlane v3, v0;
	_ =	sdelay $0x1  }
0x572: {  	v4 =	vadd.s32 v1, v4;
	_ =	sdelay $0x3  }
0x573: {  	s0 =	simm.s32 $0xC400  }
0x574: {  	[tilespmem:s0], [sflag:$0x4] =	stream.indirect_vreg.gather [hbm4b:s2+s3], $0x80, v4, vm0, $0xb8;
	[tilespmem:$0x18400] =	vst v63  }
0x575: {  	s13 =	simm.s32 $0xCC00;
	v3 =	vperm.xlane v3, v2  }
0x576: {  	[tilespmem:s13], [sflag:$0x4] =	stream.indirect_vreg.gather [hbm4b:s5+s3], $0x80, v4, vm0, $0xb8;
	[tilespmem:$0x18400] =	vst v63  }
0x577: {  	v3 =	vadd.s32 v1, v3  }
0x578: {  	[tilespmem:s14], [sflag:$0x4] =	stream.indirect_vreg.gather [hbm4b:s6+s3], $0x80, v4, vm0, $0xb8;
	[tilespmem:$0x18400] =	vst v63  }
0x579: {  	s14 =	simm.s32 $0xDC00  }
0x57a: {  	[tilespmem:s14], [sflag:$0x4] =	stream.indirect_vreg.gather [hbm4b:s7+s3], $0x80, v4, vm0, $0xb8;
	[tilespmem:$0x18400] =	vst v63  }
0x57b: {  	s16 =	simm.s32 $0xE400  }
0x57c: {  	[tilespmem:s16], [sflag:$0x4] =	stream.indirect_vreg.gather [hbm4b:s2+s3], $0x80, v3, vm0, $0xb8;
	[tilespmem:$0x18400] =	vst v63  }
0x57d: {  	_ = 	snop  }
0x57e: {  	[tilespmem:s22], [sflag:$0x4] =	stream.indirect_vreg.gather [hbm4b:s5+s3], $0x80, v3, vm0, $0xb8;
	[tilespmem:$0x18400] =	vst v63  }
0x57f: {  	_ = 	snop  }
0x580: {  	[tilespmem:s28], [sflag:$0x4] =	stream.indirect_vreg.gather [hbm4b:s6+s3], $0x80, v3, vm0, $0xb8;
	[tilespmem:$0x18400] =	vst v63  }
0x581: {  	s28 =	simm.s32 $0xFC00  }
0x582: {  	[tilespmem:s28], [sflag:$0x4] =	stream.indirect_vreg.gather [hbm4b:s7+s3], $0x80, v3, vm0, $0xb8;
	[tilespmem:$0x18400] =	vst v63  }
0x583: {  	_ =	swait.ge [sflag:s23], $0x4000  }
0x584: {  	s12 =	sld [smem:$0x7E7]  }
0x585: {  	[sflag:s23] =	ssyncset.done $0x0  }
0x586: {  	[sflag:s23] =	ssyncadd.s32 $0xFFFFC000  }
0x587: {  	[hbm4b:s12+s3] =	stream.linear.scatter [tilespmem:s1], [sflag:$0x9], $0x4000, $0x38;
	[tilespmem:$0x18400] =	vst v63  }
0x588: {  	_ =	swait.ge [sflag:s18], $0x4000  }
0x589: {  	[sflag:s18] =	ssyncset.done $0x0  }
0x58a: {  	[sflag:s18] =	ssyncadd.s32 $0xFFFFC000  }
0x58b: {  	v3 =	vld [tilespmem:$0x2E0];
	_ =	sdelay $0x4  }
0x58c: {  	v46 =	vshll.u32 v3, $0x3  }
0x58d: {  	v3 =	vand.u32 $0x7, v3;
	v4 =	vand.u32 $0xFFFFFFC0, v46  }
0x58e: {  	v3 =	vor.u32 v3, v4  }
0x58f: {  	v4 =	vperm.xlane v3, v0;
	_ =	sdelay $0x1  }
0x590: {  	v4 =	vadd.s32 v1, v4;
	_ =	sdelay $0x3  }
0x591: {  	s1 =	simm.s32 $0x10400  }
0x592: {  	[tilespmem:s1], [sflag:$0x5] =	stream.indirect_vreg.gather [hbm4b:s2+s3], $0x80, v4, vm0, $0xb8;
	[tilespmem:$0x18400] =	vst v63  }
0x593: {  	s14 =	simm.s32 $0x10C00;
	v3 =	vperm.xlane v3, v2  }
0x594: {  	[tilespmem:s14], [sflag:$0x5] =	stream.indirect_vreg.gather [hbm4b:s5+s3], $0x80, v4, vm0, $0xb8;
	[tilespmem:$0x18400] =	vst v63  }
0x595: {  	s22 =	simm.s32 $0x11400;
	v3 =	vadd.s32 v1, v3  }
0x596: {  	[tilespmem:s22], [sflag:$0x5] =	stream.indirect_vreg.gather [hbm4b:s6+s3], $0x80, v4, vm0, $0xb8;
	[tilespmem:$0x18400] =	vst v63  }
0x597: {  	s28 =	simm.s32 $0x11C00  }
0x598: {  	[tilespmem:s28], [sflag:$0x5] =	stream.indirect_vreg.gather [hbm4b:s7+s3], $0x80, v4, vm0, $0xb8;
	[tilespmem:$0x18400] =	vst v63  }
0x599: {  	s16 =	simm.s32 $0x12400  }
0x59a: {  	[tilespmem:s16], [sflag:$0x5] =	stream.indirect_vreg.gather [hbm4b:s2+s3], $0x80, v3, vm0, $0xb8;
	[tilespmem:$0x18400] =	vst v63  }
0x59b: {  	s14 =	simm.s32 $0x12C00  }
0x59c: {  	[tilespmem:s14], [sflag:$0x5] =	stream.indirect_vreg.gather [hbm4b:s5+s3], $0x80, v3, vm0, $0xb8;
	[tilespmem:$0x18400] =	vst v63  }
0x59d: {  	s16 =	simm.s32 $0x13400  }
0x59e: {  	[tilespmem:s16], [sflag:$0x5] =	stream.indirect_vreg.gather [hbm4b:s6+s3], $0x80, v3, vm0, $0xb8;
	[tilespmem:$0x18400] =	vst v63  }
0x59f: {  	s14 =	simm.s32 $0x13C00  }
0x5a0: {  	[tilespmem:s14], [sflag:$0x5] =	stream.indirect_vreg.gather [hbm4b:s7+s3], $0x80, v3, vm0, $0xb8;
	[tilespmem:$0x18400] =	vst v63  }
0x5a1: {  	_ =	swait.ge [sflag:s29], $0x4000  }
0x5a2: {  	s16 =	sld [smem:$0x7E8]  }
0x5a3: {  	[sflag:s29] =	ssyncset.done $0x0  }
0x5a4: {  	[sflag:s29] =	ssyncadd.s32 $0xFFFFC000  }
0x5a5: {  	[hbm4b:s16+s3] =	stream.linear.scatter [tilespmem:s0], [sflag:$0xA], $0x4000, $0x38;
	[tilespmem:$0x18400] =	vst v63  }
0x5a6: {  	_ =	swait.ge [sflag:s26], $0x4000  }
0x5a7: {  	[sflag:s26] =	ssyncset.done $0x0  }
0x5a8: {  	[sflag:s26] =	ssyncadd.s32 $0xFFFFC000  }
0x5a9: {  	v3 =	vld [tilespmem:$0x2F0];
	_ =	sdelay $0x4  }
0x5aa: {  	v47 =	vshll.u32 v3, $0x3  }
0x5ab: {  	v3 =	vand.u32 $0x7, v3;
	v4 =	vand.u32 $0xFFFFFFC0, v47  }
0x5ac: {  	v3 =	vor.u32 v3, v4  }
0x5ad: {  	v4 =	vperm.xlane v3, v0;
	_ =	sdelay $0x1  }
0x5ae: {  	v4 =	vadd.s32 v1, v4;
	_ =	sdelay $0x3  }
0x5af: {  	s8 =	simm.s32 $0x14400  }
0x5b0: {  	[tilespmem:s8], [sflag:$0x6] =	stream.indirect_vreg.gather [hbm4b:s2+s3], $0x80, v4, vm0, $0xb8;
	[tilespmem:$0x18400] =	vst v63  }
0x5b1: {  	s14 =	simm.s32 $0x14C00;
	v3 =	vperm.xlane v3, v2  }
0x5b2: {  	[tilespmem:s14], [sflag:$0x6] =	stream.indirect_vreg.gather [hbm4b:s5+s3], $0x80, v4, vm0, $0xb8;
	[tilespmem:$0x18400] =	vst v63  }
0x5b3: {  	s13 =	simm.s32 $0x15400;
	v3 =	vadd.s32 v1, v3  }
0x5b4: {  	[tilespmem:s13], [sflag:$0x6] =	stream.indirect_vreg.gather [hbm4b:s6+s3], $0x80, v4, vm0, $0xb8;
	[tilespmem:$0x18400] =	vst v63  }
0x5b5: {  	s14 =	simm.s32 $0x15C00  }
0x5b6: {  	[tilespmem:s14], [sflag:$0x6] =	stream.indirect_vreg.gather [hbm4b:s7+s3], $0x80, v4, vm0, $0xb8;
	[tilespmem:$0x18400] =	vst v63  }
0x5b7: {  	s13 =	simm.s32 $0x16400  }
0x5b8: {  	[tilespmem:s13], [sflag:$0x6] =	stream.indirect_vreg.gather [hbm4b:s2+s3], $0x80, v3, vm0, $0xb8;
	[tilespmem:$0x18400] =	vst v63  }
0x5b9: {  	s14 =	simm.s32 $0x16C00  }
0x5ba: {  	[tilespmem:s14], [sflag:$0x6] =	stream.indirect_vreg.gather [hbm4b:s5+s3], $0x80, v3, vm0, $0xb8;
	[tilespmem:$0x18400] =	vst v63  }
0x5bb: {  	s13 =	simm.s32 $0x17400  }
0x5bc: {  	[tilespmem:s13], [sflag:$0x6] =	stream.indirect_vreg.gather [hbm4b:s6+s3], $0x80, v3, vm0, $0xb8;
	[tilespmem:$0x18400] =	vst v63  }
0x5bd: {  	s14 =	simm.s32 $0x17C00  }
0x5be: {  	[tilespmem:s14], [sflag:$0x6] =	stream.indirect_vreg.gather [hbm4b:s7+s3], $0x80, v3, vm0, $0xb8;
	[tilespmem:$0x18400] =	vst v63  }
0x5bf: {  	_ =	swait.ge [sflag:s30], $0x4000  }
0x5c0: {  	s0 =	sld [smem:$0x7E9]  }
0x5c1: {  	[sflag:s30] =	ssyncset.done $0x0  }
0x5c2: {  	[sflag:s30] =	ssyncadd.s32 $0xFFFFC000  }
0x5c3: {  	[hbm4b:s0+s3] =	stream.linear.scatter [tilespmem:s1], [sflag:$0xB], $0x4000, $0x38;
	[tilespmem:$0x18400] =	vst v63  }
0x5c4: {  	_ =	swait.ge [sflag:s31], $0x4000  }
0x5c5: {  	[sflag:s31] =	ssyncset.done $0x0  }
0x5c6: {  	[sflag:s31] =	ssyncadd.s32 $0xFFFFC000  }
0x5c7: {  	v3 =	vld [tilespmem:$0x300];
	_ =	sdelay $0x4  }
0x5c8: {  	v48 =	vshll.u32 v3, $0x3  }
0x5c9: {  	v3 =	vand.u32 $0x7, v3;
	v4 =	vand.u32 $0xFFFFFFC0, v48  }
0x5ca: {  	v3 =	vor.u32 v3, v4  }
0x5cb: {  	v4 =	vperm.xlane v3, v0;
	_ =	sdelay $0x1  }
0x5cc: {  	v4 =	vadd.s32 v1, v4;
	_ =	sdelay $0x3  }
0x5cd: {  	s10 =	simm.s32 $0x400  }
0x5ce: {  	[tilespmem:s10], [sflag:$0x1] =	stream.indirect_vreg.gather [hbm4b:s2+s3], $0x80, v4, vm0, $0xb8;
	[tilespmem:$0x18400] =	vst v63  }
0x5cf: {  	s1 =	simm.s32 $0xC00;
	v3 =	vperm.xlane v3, v2  }
0x5d0: {  	[tilespmem:s1], [sflag:$0x1] =	stream.indirect_vreg.gather [hbm4b:s5+s3], $0x80, v4, vm0, $0xb8;
	[tilespmem:$0x18400] =	vst v63  }
0x5d1: {  	s13 =	simm.s32 $0x1400;
	v3 =	vadd.s32 v1, v3  }
0x5d2: {  	[tilespmem:s13], [sflag:$0x1] =	stream.indirect_vreg.gather [hbm4b:s6+s3], $0x80, v4, vm0, $0xb8;
	[tilespmem:$0x18400] =	vst v63  }
0x5d3: {  	_ = 	snop  }
0x5d4: {  	[tilespmem:s17], [sflag:$0x1] =	stream.indirect_vreg.gather [hbm4b:s7+s3], $0x80, v4, vm0, $0xb8;
	[tilespmem:$0x18400] =	vst v63  }
0x5d5: {  	s17 =	simm.s32 $0x2400  }
0x5d6: {  	[tilespmem:s17], [sflag:$0x1] =	stream.indirect_vreg.gather [hbm4b:s2+s3], $0x80, v3, vm0, $0xb8;
	[tilespmem:$0x18400] =	vst v63  }
0x5d7: {  	s1 =	simm.s32 $0x2C00  }
0x5d8: {  	[tilespmem:s1], [sflag:$0x1] =	stream.indirect_vreg.gather [hbm4b:s5+s3], $0x80, v3, vm0, $0xb8;
	[tilespmem:$0x18400] =	vst v63  }
0x5d9: {  	s13 =	simm.s32 $0x3400  }
0x5da: {  	[tilespmem:s13], [sflag:$0x1] =	stream.indirect_vreg.gather [hbm4b:s6+s3], $0x80, v3, vm0, $0xb8;
	[tilespmem:$0x18400] =	vst v63  }
0x5db: {  	s17 =	simm.s32 $0x3C00  }
0x5dc: {  	[tilespmem:s17], [sflag:$0x1] =	stream.indirect_vreg.gather [hbm4b:s7+s3], $0x80, v3, vm0, $0xb8;
	[tilespmem:$0x18400] =	vst v63  }
0x5dd: {  	_ =	swait.ge [sflag:s15], $0x4000  }
0x5de: {  	s1 =	sld [smem:$0x7EA]  }
0x5df: {  	[sflag:s15] =	ssyncset.done $0x0  }
0x5e0: {  	[sflag:s15] =	ssyncadd.s32 $0xFFFFC000  }
0x5e1: {  	[hbm4b:s1+s3] =	stream.linear.scatter [tilespmem:s8], [sflag:$0xC], $0x4000, $0x38;
	[tilespmem:$0x18400] =	vst v63  }
0x5e2: {  	_ =	swait.ge [sflag:s11], $0x4000  }
0x5e3: {  	[sflag:s11] =	ssyncset.done $0x0  }
0x5e4: {  	[sflag:s11] =	ssyncadd.s32 $0xFFFFC000  }
0x5e5: {  	v3 =	vld [tilespmem:$0x310];
	_ =	sdelay $0x4  }
0x5e6: {  	v49 =	vshll.u32 v3, $0x3  }
0x5e7: {  	v3 =	vand.u32 $0x7, v3;
	v4 =	vand.u32 $0xFFFFFFC0, v49  }
0x5e8: {  	v3 =	vor.u32 v3, v4  }
0x5e9: {  	v4 =	vperm.xlane v3, v0;
	_ =	sdelay $0x1  }
0x5ea: {  	v4 =	vadd.s32 v1, v4;
	_ =	sdelay $0x3  }
0x5eb: {  	s0 =	simm.s32 $0x4400  }
0x5ec: {  	[tilespmem:s0], [sflag:$0x2] =	stream.indirect_vreg.gather [hbm4b:s2+s3], $0x80, v4, vm0, $0xb8;
	[tilespmem:$0x18400] =	vst v63  }
0x5ed: {  	s17 =	simm.s32 $0x4C00;
	v3 =	vperm.xlane v3, v2  }
0x5ee: {  	[tilespmem:s17], [sflag:$0x2] =	stream.indirect_vreg.gather [hbm4b:s5+s3], $0x80, v4, vm0, $0xb8;
	[tilespmem:$0x18400] =	vst v63  }
0x5ef: {  	s8 =	simm.s32 $0x5400;
	v3 =	vadd.s32 v1, v3  }
0x5f0: {  	[tilespmem:s8], [sflag:$0x2] =	stream.indirect_vreg.gather [hbm4b:s6+s3], $0x80, v4, vm0, $0xb8;
	[tilespmem:$0x18400] =	vst v63  }
0x5f1: {  	s13 =	simm.s32 $0x5C00  }
0x5f2: {  	[tilespmem:s13], [sflag:$0x2] =	stream.indirect_vreg.gather [hbm4b:s7+s3], $0x80, v4, vm0, $0xb8;
	[tilespmem:$0x18400] =	vst v63  }
0x5f3: {  	s17 =	simm.s32 $0x6400  }
0x5f4: {  	[tilespmem:s17], [sflag:$0x2] =	stream.indirect_vreg.gather [hbm4b:s2+s3], $0x80, v3, vm0, $0xb8;
	[tilespmem:$0x18400] =	vst v63  }
0x5f5: {  	_ = 	snop  }
0x5f6: {  	[tilespmem:s20], [sflag:$0x2] =	stream.indirect_vreg.gather [hbm4b:s5+s3], $0x80, v3, vm0, $0xb8;
	[tilespmem:$0x18400] =	vst v63  }
0x5f7: {  	_ = 	snop  }
0x5f8: {  	[tilespmem:s19], [sflag:$0x2] =	stream.indirect_vreg.gather [hbm4b:s6+s3], $0x80, v3, vm0, $0xb8;
	[tilespmem:$0x18400] =	vst v63  }
0x5f9: {  	_ = 	snop  }
0x5fa: {  	[tilespmem:s24], [sflag:$0x2] =	stream.indirect_vreg.gather [hbm4b:s7+s3], $0x80, v3, vm0, $0xb8;
	[tilespmem:$0x18400] =	vst v63  }
0x5fb: {  	_ =	swait.ge [sflag:s21], $0x4000  }
0x5fc: {  	s19 =	sld [smem:$0x7EB]  }
0x5fd: {  	[sflag:s21] =	ssyncset.done $0x0  }
0x5fe: {  	[sflag:s21] =	ssyncadd.s32 $0xFFFFC000  }
0x5ff: {  	[hbm4b:s19+s3] =	stream.linear.scatter [tilespmem:s10], [sflag:$0x7], $0x4000, $0x38;
	[tilespmem:$0x18400] =	vst v63  }
0x600: {  	_ =	swait.ge [sflag:s9], $0x4000  }
0x601: {  	[sflag:s9] =	ssyncset.done $0x0  }
0x602: {  	[sflag:s9] =	ssyncadd.s32 $0xFFFFC000  }
0x603: {  	v3 =	vld [tilespmem:$0x320];
	_ =	sdelay $0x4  }
0x604: {  	v50 =	vshll.u32 v3, $0x3  }
0x605: {  	v3 =	vand.u32 $0x7, v3;
	v4 =	vand.u32 $0xFFFFFFC0, v50  }
0x606: {  	v3 =	vor.u32 v3, v4  }
0x607: {  	v4 =	vperm.xlane v3, v0;
	_ =	sdelay $0x1  }
0x608: {  	v4 =	vadd.s32 v1, v4;
	_ =	sdelay $0x3  }
0x609: {  	s12 =	simm.s32 $0x8400  }
0x60a: {  	[tilespmem:s12], [sflag:$0x3] =	stream.indirect_vreg.gather [hbm4b:s2+s3], $0x80, v4, vm0, $0xb8;
	[tilespmem:$0x18400] =	vst v63  }
0x60b: {  	s20 =	simm.s32 $0x8C00;
	v3 =	vperm.xlane v3, v2  }
0x60c: {  	[tilespmem:s20], [sflag:$0x3] =	stream.indirect_vreg.gather [hbm4b:s5+s3], $0x80, v4, vm0, $0xb8;
	[tilespmem:$0x18400] =	vst v63  }
0x60d: {  	s24 =	simm.s32 $0x9400;
	v3 =	vadd.s32 v1, v3  }
0x60e: {  	[tilespmem:s24], [sflag:$0x3] =	stream.indirect_vreg.gather [hbm4b:s6+s3], $0x80, v4, vm0, $0xb8;
	[tilespmem:$0x18400] =	vst v63  }
0x60f: {  	s8 =	simm.s32 $0x9C00  }
0x610: {  	[tilespmem:s8], [sflag:$0x3] =	stream.indirect_vreg.gather [hbm4b:s7+s3], $0x80, v4, vm0, $0xb8;
	[tilespmem:$0x18400] =	vst v63  }
0x611: {  	s10 =	simm.s32 $0xA400  }
0x612: {  	[tilespmem:s10], [sflag:$0x3] =	stream.indirect_vreg.gather [hbm4b:s2+s3], $0x80, v3, vm0, $0xb8;
	[tilespmem:$0x18400] =	vst v63  }
0x613: {  	s13 =	simm.s32 $0xAC00  }
0x614: {  	[tilespmem:s13], [sflag:$0x3] =	stream.indirect_vreg.gather [hbm4b:s5+s3], $0x80, v3, vm0, $0xb8;
	[tilespmem:$0x18400] =	vst v63  }
0x615: {  	s17 =	simm.s32 $0xB400  }
0x616: {  	[tilespmem:s17], [sflag:$0x3] =	stream.indirect_vreg.gather [hbm4b:s6+s3], $0x80, v3, vm0, $0xb8;
	[tilespmem:$0x18400] =	vst v63  }
0x617: {  	s19 =	simm.s32 $0xBC00  }
0x618: {  	[tilespmem:s19], [sflag:$0x3] =	stream.indirect_vreg.gather [hbm4b:s7+s3], $0x80, v3, vm0, $0xb8;
	[tilespmem:$0x18400] =	vst v63  }
0x619: {  	_ =	swait.ge [sflag:s25], $0x4000  }
0x61a: {  	s1 =	sld [smem:$0x7EC]  }
0x61b: {  	[sflag:s25] =	ssyncset.done $0x0  }
0x61c: {  	[sflag:s25] =	ssyncadd.s32 $0xFFFFC000  }
0x61d: {  	[hbm4b:s1+s3] =	stream.linear.scatter [tilespmem:s0], [sflag:$0x8], $0x4000, $0x38;
	[tilespmem:$0x18400] =	vst v63  }
0x61e: {  	_ =	swait.ge [sflag:s4], $0x4000  }
0x61f: {  	[sflag:s4] =	ssyncset.done $0x0  }
0x620: {  	[sflag:s4] =	ssyncadd.s32 $0xFFFFC000  }
0x621: {  	v3 =	vld [tilespmem:$0x330];
	_ =	sdelay $0x4  }
0x622: {  	v51 =	vshll.u32 v3, $0x3  }
0x623: {  	v3 =	vand.u32 $0x7, v3;
	v4 =	vand.u32 $0xFFFFFFC0, v51  }
0x624: {  	v3 =	vor.u32 v3, v4  }
0x625: {  	v4 =	vperm.xlane v3, v0;
	_ =	sdelay $0x1  }
0x626: {  	v4 =	vadd.s32 v1, v4;
	_ =	sdelay $0x3  }
0x627: {  	s16 =	simm.s32 $0xC400  }
0x628: {  	[tilespmem:s16], [sflag:$0x4] =	stream.indirect_vreg.gather [hbm4b:s2+s3], $0x80, v4, vm0, $0xb8;
	[tilespmem:$0x18400] =	vst v63  }
0x629: {  	s8 =	simm.s32 $0xCC00;
	v3 =	vperm.xlane v3, v2  }
0x62a: {  	[tilespmem:s8], [sflag:$0x4] =	stream.indirect_vreg.gather [hbm4b:s5+s3], $0x80, v4, vm0, $0xb8;
	[tilespmem:$0x18400] =	vst v63  }
0x62b: {  	s13 =	simm.s32 $0xD400;
	v3 =	vadd.s32 v1, v3  }
0x62c: {  	[tilespmem:s13], [sflag:$0x4] =	stream.indirect_vreg.gather [hbm4b:s6+s3], $0x80, v4, vm0, $0xb8;
	[tilespmem:$0x18400] =	vst v63  }
0x62d: {  	s17 =	simm.s32 $0xDC00  }
0x62e: {  	[tilespmem:s17], [sflag:$0x4] =	stream.indirect_vreg.gather [hbm4b:s7+s3], $0x80, v4, vm0, $0xb8;
	[tilespmem:$0x18400] =	vst v63  }
0x62f: {  	s19 =	simm.s32 $0xE400  }
0x630: {  	[tilespmem:s19], [sflag:$0x4] =	stream.indirect_vreg.gather [hbm4b:s2+s3], $0x80, v3, vm0, $0xb8;
	[tilespmem:$0x18400] =	vst v63  }
0x631: {  	s1 =	simm.s32 $0xEC00  }
0x632: {  	[tilespmem:s1], [sflag:$0x4] =	stream.indirect_vreg.gather [hbm4b:s5+s3], $0x80, v3, vm0, $0xb8;
	[tilespmem:$0x18400] =	vst v63  }
0x633: {  	s8 =	simm.s32 $0xF400  }
0x634: {  	[tilespmem:s8], [sflag:$0x4] =	stream.indirect_vreg.gather [hbm4b:s6+s3], $0x80, v3, vm0, $0xb8;
	[tilespmem:$0x18400] =	vst v63  }
0x635: {  	s13 =	simm.s32 $0xFC00  }
0x636: {  	[tilespmem:s13], [sflag:$0x4] =	stream.indirect_vreg.gather [hbm4b:s7+s3], $0x80, v3, vm0, $0xb8;
	[tilespmem:$0x18400] =	vst v63  }
0x637: {  	_ =	swait.ge [sflag:s23], $0x4000  }
0x638: {  	s17 =	sld [smem:$0x7ED]  }
0x639: {  	[sflag:s23] =	ssyncset.done $0x0  }
0x63a: {  	[sflag:s23] =	ssyncadd.s32 $0xFFFFC000  }
0x63b: {  	[hbm4b:s17+s3] =	stream.linear.scatter [tilespmem:s12], [sflag:$0x9], $0x4000, $0x38;
	[tilespmem:$0x18400] =	vst v63  }
0x63c: {  	_ =	swait.ge [sflag:s18], $0x4000  }
0x63d: {  	[sflag:s18] =	ssyncset.done $0x0  }
0x63e: {  	[sflag:s18] =	ssyncadd.s32 $0xFFFFC000  }
0x63f: {  	v3 =	vld [tilespmem:$0x340];
	_ =	sdelay $0x4  }
0x640: {  	v52 =	vshll.u32 v3, $0x3  }
0x641: {  	v3 =	vand.u32 $0x7, v3;
	v4 =	vand.u32 $0xFFFFFFC0, v52  }
0x642: {  	v3 =	vor.u32 v3, v4  }
0x643: {  	v4 =	vperm.xlane v3, v0;
	_ =	sdelay $0x1  }
0x644: {  	v4 =	vadd.s32 v1, v4;
	_ =	sdelay $0x3  }
0x645: {  	s14 =	simm.s32 $0x10400  }
0x646: {  	[tilespmem:s14], [sflag:$0x5] =	stream.indirect_vreg.gather [hbm4b:s2+s3], $0x80, v4, vm0, $0xb8;
	[tilespmem:$0x18400] =	vst v63  }
0x647: {  	s19 =	simm.s32 $0x10C00;
	v3 =	vperm.xlane v3, v2  }
0x648: {  	[tilespmem:s19], [sflag:$0x5] =	stream.indirect_vreg.gather [hbm4b:s5+s3], $0x80, v4, vm0, $0xb8;
	[tilespmem:$0x18400] =	vst v63  }
0x649: {  	v3 =	vadd.s32 v1, v3  }
0x64a: {  	[tilespmem:s22], [sflag:$0x5] =	stream.indirect_vreg.gather [hbm4b:s6+s3], $0x80, v4, vm0, $0xb8;
	[tilespmem:$0x18400] =	vst v63  }
0x64b: {  	_ = 	snop  }
0x64c: {  	[tilespmem:s28], [sflag:$0x5] =	stream.indirect_vreg.gather [hbm4b:s7+s3], $0x80, v4, vm0, $0xb8;
	[tilespmem:$0x18400] =	vst v63  }
0x64d: {  	s1 =	simm.s32 $0x12400  }
0x64e: {  	[tilespmem:s1], [sflag:$0x5] =	stream.indirect_vreg.gather [hbm4b:s2+s3], $0x80, v3, vm0, $0xb8;
	[tilespmem:$0x18400] =	vst v63  }
0x64f: {  	s8 =	simm.s32 $0x12C00  }
0x650: {  	[tilespmem:s8], [sflag:$0x5] =	stream.indirect_vreg.gather [hbm4b:s5+s3], $0x80, v3, vm0, $0xb8;
	[tilespmem:$0x18400] =	vst v63  }
0x651: {  	s17 =	simm.s32 $0x13400  }
0x652: {  	[tilespmem:s17], [sflag:$0x5] =	stream.indirect_vreg.gather [hbm4b:s6+s3], $0x80, v3, vm0, $0xb8;
	[tilespmem:$0x18400] =	vst v63  }
0x653: {  	s19 =	simm.s32 $0x13C00  }
0x654: {  	[tilespmem:s19], [sflag:$0x5] =	stream.indirect_vreg.gather [hbm4b:s7+s3], $0x80, v3, vm0, $0xb8;
	[tilespmem:$0x18400] =	vst v63  }
0x655: {  	_ =	swait.ge [sflag:s29], $0x4000  }
0x656: {  	s12 =	sld [smem:$0x7EE]  }
0x657: {  	[sflag:s29] =	ssyncset.done $0x0  }
0x658: {  	[sflag:s29] =	ssyncadd.s32 $0xFFFFC000  }
0x659: {  	[hbm4b:s12+s3] =	stream.linear.scatter [tilespmem:s16], [sflag:$0xA], $0x4000, $0x38;
	[tilespmem:$0x18400] =	vst v63  }
0x65a: {  	_ =	swait.ge [sflag:s26], $0x4000  }
0x65b: {  	[sflag:s26] =	ssyncset.done $0x0  }
0x65c: {  	[sflag:s26] =	ssyncadd.s32 $0xFFFFC000  }
0x65d: {  	v3 =	vld [tilespmem:$0x350];
	_ =	sdelay $0x4  }
0x65e: {  	v53 =	vshll.u32 v3, $0x3  }
0x65f: {  	v3 =	vand.u32 $0x7, v3;
	v4 =	vand.u32 $0xFFFFFFC0, v53  }
0x660: {  	v3 =	vor.u32 v3, v4  }
0x661: {  	v4 =	vperm.xlane v3, v0;
	_ =	sdelay $0x1  }
0x662: {  	v4 =	vadd.s32 v1, v4;
	_ =	sdelay $0x3  }
0x663: {  	s1 =	simm.s32 $0x14400  }
0x664: {  	[tilespmem:s1], [sflag:$0x6] =	stream.indirect_vreg.gather [hbm4b:s2+s3], $0x80, v4, vm0, $0xb8;
	[tilespmem:$0x18400] =	vst v63  }
0x665: {  	s13 =	simm.s32 $0x14C00;
	v3 =	vperm.xlane v3, v2  }
0x666: {  	[tilespmem:s13], [sflag:$0x6] =	stream.indirect_vreg.gather [hbm4b:s5+s3], $0x80, v4, vm0, $0xb8;
	[tilespmem:$0x18400] =	vst v63  }
0x667: {  	s16 =	simm.s32 $0x15400;
	v3 =	vadd.s32 v1, v3  }
0x668: {  	[tilespmem:s16], [sflag:$0x6] =	stream.indirect_vreg.gather [hbm4b:s6+s3], $0x80, v4, vm0, $0xb8;
	[tilespmem:$0x18400] =	vst v63  }
0x669: {  	s8 =	simm.s32 $0x15C00  }
0x66a: {  	[tilespmem:s8], [sflag:$0x6] =	stream.indirect_vreg.gather [hbm4b:s7+s3], $0x80, v4, vm0, $0xb8;
	[tilespmem:$0x18400] =	vst v63  }
0x66b: {  	s12 =	simm.s32 $0x16400  }
0x66c: {  	[tilespmem:s12], [sflag:$0x6] =	stream.indirect_vreg.gather [hbm4b:s2+s3], $0x80, v3, vm0, $0xb8;
	[tilespmem:$0x18400] =	vst v63  }
0x66d: {  	s13 =	simm.s32 $0x16C00  }
0x66e: {  	[tilespmem:s13], [sflag:$0x6] =	stream.indirect_vreg.gather [hbm4b:s5+s3], $0x80, v3, vm0, $0xb8;
	[tilespmem:$0x18400] =	vst v63  }
0x66f: {  	s16 =	simm.s32 $0x17400  }
0x670: {  	[tilespmem:s16], [sflag:$0x6] =	stream.indirect_vreg.gather [hbm4b:s6+s3], $0x80, v3, vm0, $0xb8;
	[tilespmem:$0x18400] =	vst v63  }
0x671: {  	s8 =	simm.s32 $0x17C00  }
0x672: {  	[tilespmem:s8], [sflag:$0x6] =	stream.indirect_vreg.gather [hbm4b:s7+s3], $0x80, v3, vm0, $0xb8;
	[tilespmem:$0x18400] =	vst v63  }
0x673: {  	_ =	swait.ge [sflag:s30], $0x4000  }
0x674: {  	s12 =	sld [smem:$0x7EF]  }
0x675: {  	[sflag:s30] =	ssyncset.done $0x0  }
0x676: {  	[sflag:s30] =	ssyncadd.s32 $0xFFFFC000  }
0x677: {  	[hbm4b:s12+s3] =	stream.linear.scatter [tilespmem:s14], [sflag:$0xB], $0x4000, $0x38;
	[tilespmem:$0x18400] =	vst v63  }
0x678: {  	_ =	swait.ge [sflag:s31], $0x4000  }
0x679: {  	[sflag:s31] =	ssyncset.done $0x0  }
0x67a: {  	[sflag:s31] =	ssyncadd.s32 $0xFFFFC000  }
0x67b: {  	v3 =	vld [tilespmem:$0x360];
	_ =	sdelay $0x4  }
0x67c: {  	v54 =	vshll.u32 v3, $0x3  }
0x67d: {  	v3 =	vand.u32 $0x7, v3;
	v4 =	vand.u32 $0xFFFFFFC0, v54  }
0x67e: {  	v3 =	vor.u32 v3, v4  }
0x67f: {  	v4 =	vperm.xlane v3, v0;
	_ =	sdelay $0x1  }
0x680: {  	v4 =	vadd.s32 v1, v4;
	_ =	sdelay $0x3  }
0x681: {  	s0 =	simm.s32 $0x400  }
0x682: {  	[tilespmem:s0], [sflag:$0x1] =	stream.indirect_vreg.gather [hbm4b:s2+s3], $0x80, v4, vm0, $0xb8;
	[tilespmem:$0x18400] =	vst v63  }
0x683: {  	s16 =	simm.s32 $0xC00;
	v3 =	vperm.xlane v3, v2  }
0x684: {  	[tilespmem:s16], [sflag:$0x1] =	stream.indirect_vreg.gather [hbm4b:s5+s3], $0x80, v4, vm0, $0xb8;
	[tilespmem:$0x18400] =	vst v63  }
0x685: {  	s8 =	simm.s32 $0x1400;
	v3 =	vadd.s32 v1, v3  }
0x686: {  	[tilespmem:s8], [sflag:$0x1] =	stream.indirect_vreg.gather [hbm4b:s6+s3], $0x80, v4, vm0, $0xb8;
	[tilespmem:$0x18400] =	vst v63  }
0x687: {  	s13 =	simm.s32 $0x1C00  }
0x688: {  	[tilespmem:s13], [sflag:$0x1] =	stream.indirect_vreg.gather [hbm4b:s7+s3], $0x80, v4, vm0, $0xb8;
	[tilespmem:$0x18400] =	vst v63  }
0x689: {  	s14 =	simm.s32 $0x2400  }
0x68a: {  	[tilespmem:s14], [sflag:$0x1] =	stream.indirect_vreg.gather [hbm4b:s2+s3], $0x80, v3, vm0, $0xb8;
	[tilespmem:$0x18400] =	vst v63  }
0x68b: {  	s16 =	simm.s32 $0x2C00  }
0x68c: {  	[tilespmem:s16], [sflag:$0x1] =	stream.indirect_vreg.gather [hbm4b:s5+s3], $0x80, v3, vm0, $0xb8;
	[tilespmem:$0x18400] =	vst v63  }
0x68d: {  	s8 =	simm.s32 $0x3400  }
0x68e: {  	[tilespmem:s8], [sflag:$0x1] =	stream.indirect_vreg.gather [hbm4b:s6+s3], $0x80, v3, vm0, $0xb8;
	[tilespmem:$0x18400] =	vst v63  }
0x68f: {  	s13 =	simm.s32 $0x3C00  }
0x690: {  	[tilespmem:s13], [sflag:$0x1] =	stream.indirect_vreg.gather [hbm4b:s7+s3], $0x80, v3, vm0, $0xb8;
	[tilespmem:$0x18400] =	vst v63  }
0x691: {  	_ =	swait.ge [sflag:s15], $0x4000  }
0x692: {  	s14 =	sld [smem:$0x7F0]  }
0x693: {  	[sflag:s15] =	ssyncset.done $0x0  }
0x694: {  	[sflag:s15] =	ssyncadd.s32 $0xFFFFC000  }
0x695: {  	[hbm4b:s14+s3] =	stream.linear.scatter [tilespmem:s1], [sflag:$0xC], $0x4000, $0x38;
	[tilespmem:$0x18400] =	vst v63  }
0x696: {  	_ =	swait.ge [sflag:s11], $0x4000  }
0x697: {  	[sflag:s11] =	ssyncset.done $0x0  }
0x698: {  	[sflag:s11] =	ssyncadd.s32 $0xFFFFC000  }
0x699: {  	v3 =	vld [tilespmem:$0x370];
	_ =	sdelay $0x4  }
0x69a: {  	v55 =	vshll.u32 v3, $0x3  }
0x69b: {  	v3 =	vand.u32 $0x7, v3;
	v4 =	vand.u32 $0xFFFFFFC0, v55  }
0x69c: {  	v3 =	vor.u32 v3, v4  }
0x69d: {  	v4 =	vperm.xlane v3, v0;
	_ =	sdelay $0x1  }
0x69e: {  	v4 =	vadd.s32 v1, v4;
	_ =	sdelay $0x3  }
0x69f: {  	s10 =	simm.s32 $0x4400  }
0x6a0: {  	[tilespmem:s10], [sflag:$0x2] =	stream.indirect_vreg.gather [hbm4b:s2+s3], $0x80, v4, vm0, $0xb8;
	[tilespmem:$0x18400] =	vst v63  }
0x6a1: {  	s16 =	simm.s32 $0x4C00;
	v3 =	vperm.xlane v3, v2  }
0x6a2: {  	[tilespmem:s16], [sflag:$0x2] =	stream.indirect_vreg.gather [hbm4b:s5+s3], $0x80, v4, vm0, $0xb8;
	[tilespmem:$0x18400] =	vst v63  }
0x6a3: {  	s8 =	simm.s32 $0x5400;
	v3 =	vadd.s32 v1, v3  }
0x6a4: {  	[tilespmem:s8], [sflag:$0x2] =	stream.indirect_vreg.gather [hbm4b:s6+s3], $0x80, v4, vm0, $0xb8;
	[tilespmem:$0x18400] =	vst v63  }
0x6a5: {  	s13 =	simm.s32 $0x5C00  }
0x6a6: {  	[tilespmem:s13], [sflag:$0x2] =	stream.indirect_vreg.gather [hbm4b:s7+s3], $0x80, v4, vm0, $0xb8;
	[tilespmem:$0x18400] =	vst v63  }
0x6a7: {  	s14 =	simm.s32 $0x6400  }
0x6a8: {  	[tilespmem:s14], [sflag:$0x2] =	stream.indirect_vreg.gather [hbm4b:s2+s3], $0x80, v3, vm0, $0xb8;
	[tilespmem:$0x18400] =	vst v63  }
0x6a9: {  	s16 =	simm.s32 $0x6C00  }
0x6aa: {  	[tilespmem:s16], [sflag:$0x2] =	stream.indirect_vreg.gather [hbm4b:s5+s3], $0x80, v3, vm0, $0xb8;
	[tilespmem:$0x18400] =	vst v63  }
0x6ab: {  	s8 =	simm.s32 $0x7400  }
0x6ac: {  	[tilespmem:s8], [sflag:$0x2] =	stream.indirect_vreg.gather [hbm4b:s6+s3], $0x80, v3, vm0, $0xb8;
	[tilespmem:$0x18400] =	vst v63  }
0x6ad: {  	s13 =	simm.s32 $0x7C00  }
0x6ae: {  	[tilespmem:s13], [sflag:$0x2] =	stream.indirect_vreg.gather [hbm4b:s7+s3], $0x80, v3, vm0, $0xb8;
	[tilespmem:$0x18400] =	vst v63  }
0x6af: {  	_ =	swait.ge [sflag:s21], $0x4000  }
0x6b0: {  	s14 =	sld [smem:$0x7F1]  }
0x6b1: {  	[sflag:s21] =	ssyncset.done $0x0  }
0x6b2: {  	[sflag:s21] =	ssyncadd.s32 $0xFFFFC000  }
0x6b3: {  	[hbm4b:s14+s3] =	stream.linear.scatter [tilespmem:s0], [sflag:$0x7], $0x4000, $0x38;
	[tilespmem:$0x18400] =	vst v63  }
0x6b4: {  	_ =	swait.ge [sflag:s9], $0x4000  }
0x6b5: {  	[sflag:s9] =	ssyncset.done $0x0  }
0x6b6: {  	[sflag:s9] =	ssyncadd.s32 $0xFFFFC000  }
0x6b7: {  	v3 =	vld [tilespmem:$0x380];
	_ =	sdelay $0x4  }
0x6b8: {  	v56 =	vshll.u32 v3, $0x3  }
0x6b9: {  	v3 =	vand.u32 $0x7, v3;
	v4 =	vand.u32 $0xFFFFFFC0, v56  }
0x6ba: {  	v3 =	vor.u32 v3, v4  }
0x6bb: {  	v4 =	vperm.xlane v3, v0;
	_ =	sdelay $0x1  }
0x6bc: {  	v4 =	vadd.s32 v1, v4;
	_ =	sdelay $0x3  }
0x6bd: {  	s12 =	simm.s32 $0x8400  }
0x6be: {  	[tilespmem:s12], [sflag:$0x3] =	stream.indirect_vreg.gather [hbm4b:s2+s3], $0x80, v4, vm0, $0xb8;
	[tilespmem:$0x18400] =	vst v63  }
0x6bf: {  	s16 =	simm.s32 $0x8C00;
	v3 =	vperm.xlane v3, v2  }
0x6c0: {  	[tilespmem:s16], [sflag:$0x3] =	stream.indirect_vreg.gather [hbm4b:s5+s3], $0x80, v4, vm0, $0xb8;
	[tilespmem:$0x18400] =	vst v63  }
0x6c1: {  	s20 =	simm.s32 $0x9400;
	v3 =	vadd.s32 v1, v3  }
0x6c2: {  	[tilespmem:s20], [sflag:$0x3] =	stream.indirect_vreg.gather [hbm4b:s6+s3], $0x80, v4, vm0, $0xb8;
	[tilespmem:$0x18400] =	vst v63  }
0x6c3: {  	s24 =	simm.s32 $0x9C00  }
0x6c4: {  	[tilespmem:s24], [sflag:$0x3] =	stream.indirect_vreg.gather [hbm4b:s7+s3], $0x80, v4, vm0, $0xb8;
	[tilespmem:$0x18400] =	vst v63  }
0x6c5: {  	s0 =	simm.s32 $0xA400  }
0x6c6: {  	[tilespmem:s0], [sflag:$0x3] =	stream.indirect_vreg.gather [hbm4b:s2+s3], $0x80, v3, vm0, $0xb8;
	[tilespmem:$0x18400] =	vst v63  }
0x6c7: {  	s14 =	simm.s32 $0xAC00  }
0x6c8: {  	[tilespmem:s14], [sflag:$0x3] =	stream.indirect_vreg.gather [hbm4b:s5+s3], $0x80, v3, vm0, $0xb8;
	[tilespmem:$0x18400] =	vst v63  }
0x6c9: {  	s16 =	simm.s32 $0xB400  }
0x6ca: {  	[tilespmem:s16], [sflag:$0x3] =	stream.indirect_vreg.gather [hbm4b:s6+s3], $0x80, v3, vm0, $0xb8;
	[tilespmem:$0x18400] =	vst v63  }
0x6cb: {  	s0 =	simm.s32 $0xBC00  }
0x6cc: {  	[tilespmem:s0], [sflag:$0x3] =	stream.indirect_vreg.gather [hbm4b:s7+s3], $0x80, v3, vm0, $0xb8;
	[tilespmem:$0x18400] =	vst v63  }
0x6cd: {  	_ =	swait.ge [sflag:s25], $0x4000  }
0x6ce: {  	s14 =	sld [smem:$0x7F2]  }
0x6cf: {  	[sflag:s25] =	ssyncset.done $0x0  }
0x6d0: {  	[sflag:s25] =	ssyncadd.s32 $0xFFFFC000  }
0x6d1: {  	[hbm4b:s14+s3] =	stream.linear.scatter [tilespmem:s10], [sflag:$0x8], $0x4000, $0x38;
	[tilespmem:$0x18400] =	vst v63  }
0x6d2: {  	_ =	swait.ge [sflag:s4], $0x4000  }
0x6d3: {  	[sflag:s4] =	ssyncset.done $0x0  }
0x6d4: {  	[sflag:s4] =	ssyncadd.s32 $0xFFFFC000  }
0x6d5: {  	v3 =	vld [tilespmem:$0x390];
	_ =	sdelay $0x4  }
0x6d6: {  	v57 =	vshll.u32 v3, $0x3  }
0x6d7: {  	v3 =	vand.u32 $0x7, v3;
	v4 =	vand.u32 $0xFFFFFFC0, v57  }
0x6d8: {  	v3 =	vor.u32 v3, v4  }
0x6d9: {  	v4 =	vperm.xlane v3, v0;
	_ =	sdelay $0x1  }
0x6da: {  	v4 =	vadd.s32 v1, v4;
	_ =	sdelay $0x3  }
0x6db: {  	s0 =	simm.s32 $0xC400  }
0x6dc: {  	[tilespmem:s0], [sflag:$0x4] =	stream.indirect_vreg.gather [hbm4b:s2+s3], $0x80, v4, vm0, $0xb8;
	[tilespmem:$0x18400] =	vst v63  }
0x6dd: {  	s16 =	simm.s32 $0xCC00;
	v3 =	vperm.xlane v3, v2  }
0x6de: {  	[tilespmem:s16], [sflag:$0x4] =	stream.indirect_vreg.gather [hbm4b:s5+s3], $0x80, v4, vm0, $0xb8;
	[tilespmem:$0x18400] =	vst v63  }
0x6df: {  	s10 =	simm.s32 $0xD400;
	v3 =	vadd.s32 v1, v3  }
0x6e0: {  	[tilespmem:s10], [sflag:$0x4] =	stream.indirect_vreg.gather [hbm4b:s6+s3], $0x80, v4, vm0, $0xb8;
	[tilespmem:$0x18400] =	vst v63  }
0x6e1: {  	s14 =	simm.s32 $0xDC00  }
0x6e2: {  	[tilespmem:s14], [sflag:$0x4] =	stream.indirect_vreg.gather [hbm4b:s7+s3], $0x80, v4, vm0, $0xb8;
	[tilespmem:$0x18400] =	vst v63  }
0x6e3: {  	s10 =	simm.s32 $0xE400  }
0x6e4: {  	[tilespmem:s10], [sflag:$0x4] =	stream.indirect_vreg.gather [hbm4b:s2+s3], $0x80, v3, vm0, $0xb8;
	[tilespmem:$0x18400] =	vst v63  }
0x6e5: {  	s14 =	simm.s32 $0xEC00  }
0x6e6: {  	[tilespmem:s14], [sflag:$0x4] =	stream.indirect_vreg.gather [hbm4b:s5+s3], $0x80, v3, vm0, $0xb8;
	[tilespmem:$0x18400] =	vst v63  }
0x6e7: {  	s10 =	simm.s32 $0xF400  }
0x6e8: {  	[tilespmem:s10], [sflag:$0x4] =	stream.indirect_vreg.gather [hbm4b:s6+s3], $0x80, v3, vm0, $0xb8;
	[tilespmem:$0x18400] =	vst v63  }
0x6e9: {  	s14 =	simm.s32 $0xFC00  }
0x6ea: {  	[tilespmem:s14], [sflag:$0x4] =	stream.indirect_vreg.gather [hbm4b:s7+s3], $0x80, v3, vm0, $0xb8;
	[tilespmem:$0x18400] =	vst v63  }
0x6eb: {  	_ =	swait.ge [sflag:s23], $0x4000  }
0x6ec: {  	s10 =	sld [smem:$0x7F3]  }
0x6ed: {  	[sflag:s23] =	ssyncset.done $0x0  }
0x6ee: {  	[sflag:s23] =	ssyncadd.s32 $0xFFFFC000  }
0x6ef: {  	[hbm4b:s10+s3] =	stream.linear.scatter [tilespmem:s12], [sflag:$0x9], $0x4000, $0x38;
	[tilespmem:$0x18400] =	vst v63  }
0x6f0: {  	_ =	swait.ge [sflag:s18], $0x4000  }
0x6f1: {  	[sflag:s18] =	ssyncset.done $0x0  }
0x6f2: {  	[sflag:s18] =	ssyncadd.s32 $0xFFFFC000  }
0x6f3: {  	v3 =	vld [tilespmem:$0x3A0];
	_ =	sdelay $0x4  }
0x6f4: {  	v58 =	vshll.u32 v3, $0x3  }
0x6f5: {  	v3 =	vand.u32 $0x7, v3;
	v4 =	vand.u32 $0xFFFFFFC0, v58  }
0x6f6: {  	v3 =	vor.u32 v3, v4  }
0x6f7: {  	v4 =	vperm.xlane v3, v0;
	_ =	sdelay $0x1  }
0x6f8: {  	v4 =	vadd.s32 v1, v4;
	_ =	sdelay $0x3  }
0x6f9: {  	s14 =	simm.s32 $0x10400  }
0x6fa: {  	[tilespmem:s14], [sflag:$0x5] =	stream.indirect_vreg.gather [hbm4b:s2+s3], $0x80, v4, vm0, $0xb8;
	[tilespmem:$0x18400] =	vst v63  }
0x6fb: {  	s13 =	simm.s32 $0x10C00;
	v3 =	vperm.xlane v3, v2  }
0x6fc: {  	[tilespmem:s13], [sflag:$0x5] =	stream.indirect_vreg.gather [hbm4b:s5+s3], $0x80, v4, vm0, $0xb8;
	[tilespmem:$0x18400] =	vst v63  }
0x6fd: {  	v3 =	vadd.s32 v1, v3;
	s13 =	simm.s32 $0x11400  }
0x6fe: {  	[tilespmem:s13], [sflag:$0x5] =	stream.indirect_vreg.gather [hbm4b:s6+s3], $0x80, v4, vm0, $0xb8;
	[tilespmem:$0x18400] =	vst v63  }
0x6ff: {  	s22 =	simm.s32 $0x11C00  }
0x700: {  	[tilespmem:s22], [sflag:$0x5] =	stream.indirect_vreg.gather [hbm4b:s7+s3], $0x80, v4, vm0, $0xb8;
	[tilespmem:$0x18400] =	vst v63  }
0x701: {  	s28 =	simm.s32 $0x12400  }
0x702: {  	[tilespmem:s28], [sflag:$0x5] =	stream.indirect_vreg.gather [hbm4b:s2+s3], $0x80, v3, vm0, $0xb8;
	[tilespmem:$0x18400] =	vst v63  }
0x703: {  	s28 =	simm.s32 $0x12C00  }
0x704: {  	[tilespmem:s28], [sflag:$0x5] =	stream.indirect_vreg.gather [hbm4b:s5+s3], $0x80, v3, vm0, $0xb8;
	[tilespmem:$0x18400] =	vst v63  }
0x705: {  	_ = 	snop  }
0x706: {  	[tilespmem:s17], [sflag:$0x5] =	stream.indirect_vreg.gather [hbm4b:s6+s3], $0x80, v3, vm0, $0xb8;
	[tilespmem:$0x18400] =	vst v63  }
0x707: {  	_ = 	snop  }
0x708: {  	[tilespmem:s19], [sflag:$0x5] =	stream.indirect_vreg.gather [hbm4b:s7+s3], $0x80, v3, vm0, $0xb8;
	[tilespmem:$0x18400] =	vst v63  }
0x709: {  	_ =	swait.ge [sflag:s29], $0x4000  }
0x70a: {  	s10 =	sld [smem:$0x7F4]  }
0x70b: {  	[sflag:s29] =	ssyncset.done $0x0  }
0x70c: {  	[sflag:s29] =	ssyncadd.s32 $0xFFFFC000  }
0x70d: {  	[hbm4b:s10+s3] =	stream.linear.scatter [tilespmem:s0], [sflag:$0xA], $0x4000, $0x38;
	[tilespmem:$0x18400] =	vst v63  }
0x70e: {  	_ =	swait.ge [sflag:s26], $0x4000  }
0x70f: {  	[sflag:s26] =	ssyncset.done $0x0  }
0x710: {  	[sflag:s26] =	ssyncadd.s32 $0xFFFFC000  }
0x711: {  	v3 =	vld [tilespmem:$0x3B0];
	_ =	sdelay $0x4  }
0x712: {  	v59 =	vshll.u32 v3, $0x3  }
0x713: {  	v3 =	vand.u32 $0x7, v3;
	v4 =	vand.u32 $0xFFFFFFC0, v59  }
0x714: {  	v3 =	vor.u32 v3, v4  }
0x715: {  	v4 =	vperm.xlane v3, v0;
	_ =	sdelay $0x1  }
0x716: {  	v4 =	vadd.s32 v1, v4;
	_ =	sdelay $0x3  }
0x717: {  	s1 =	simm.s32 $0x14400  }
0x718: {  	[tilespmem:s1], [sflag:$0x6] =	stream.indirect_vreg.gather [hbm4b:s2+s3], $0x80, v4, vm0, $0xb8;
	[tilespmem:$0x18400] =	vst v63  }
0x719: {  	s13 =	simm.s32 $0x14C00;
	v3 =	vperm.xlane v3, v2  }
0x71a: {  	[tilespmem:s13], [sflag:$0x6] =	stream.indirect_vreg.gather [hbm4b:s5+s3], $0x80, v4, vm0, $0xb8;
	[tilespmem:$0x18400] =	vst v63  }
0x71b: {  	s17 =	simm.s32 $0x15400;
	v3 =	vadd.s32 v1, v3  }
0x71c: {  	[tilespmem:s17], [sflag:$0x6] =	stream.indirect_vreg.gather [hbm4b:s6+s3], $0x80, v4, vm0, $0xb8;
	[tilespmem:$0x18400] =	vst v63  }
0x71d: {  	s19 =	simm.s32 $0x15C00  }
0x71e: {  	[tilespmem:s19], [sflag:$0x6] =	stream.indirect_vreg.gather [hbm4b:s7+s3], $0x80, v4, vm0, $0xb8;
	[tilespmem:$0x18400] =	vst v63  }
0x71f: {  	s22 =	simm.s32 $0x16400  }
0x720: {  	[tilespmem:s22], [sflag:$0x6] =	stream.indirect_vreg.gather [hbm4b:s2+s3], $0x80, v3, vm0, $0xb8;
	[tilespmem:$0x18400] =	vst v63  }
0x721: {  	s28 =	simm.s32 $0x16C00  }
0x722: {  	[tilespmem:s28], [sflag:$0x6] =	stream.indirect_vreg.gather [hbm4b:s5+s3], $0x80, v3, vm0, $0xb8;
	[tilespmem:$0x18400] =	vst v63  }
0x723: {  	s10 =	simm.s32 $0x17400  }
0x724: {  	[tilespmem:s10], [sflag:$0x6] =	stream.indirect_vreg.gather [hbm4b:s6+s3], $0x80, v3, vm0, $0xb8;
	[tilespmem:$0x18400] =	vst v63  }
0x725: {  	s13 =	simm.s32 $0x17C00  }
0x726: {  	[tilespmem:s13], [sflag:$0x6] =	stream.indirect_vreg.gather [hbm4b:s7+s3], $0x80, v3, vm0, $0xb8;
	[tilespmem:$0x18400] =	vst v63  }
0x727: {  	_ =	swait.ge [sflag:s30], $0x4000  }
0x728: {  	s17 =	sld [smem:$0x7F5]  }
0x729: {  	[sflag:s30] =	ssyncset.done $0x0  }
0x72a: {  	[sflag:s30] =	ssyncadd.s32 $0xFFFFC000  }
0x72b: {  	[hbm4b:s17+s3] =	stream.linear.scatter [tilespmem:s14], [sflag:$0xB], $0x4000, $0x38;
	[tilespmem:$0x18400] =	vst v63  }
0x72c: {  	_ =	swait.ge [sflag:s31], $0x4000  }
0x72d: {  	[sflag:s31] =	ssyncset.done $0x0  }
0x72e: {  	[sflag:s31] =	ssyncadd.s32 $0xFFFFC000  }
0x72f: {  	v3 =	vld [tilespmem:$0x3C0];
	_ =	sdelay $0x4  }
0x730: {  	v60 =	vshll.u32 v3, $0x3  }
0x731: {  	v3 =	vand.u32 $0x7, v3;
	v4 =	vand.u32 $0xFFFFFFC0, v60  }
0x732: {  	v3 =	vor.u32 v3, v4  }
0x733: {  	v4 =	vperm.xlane v3, v0;
	_ =	sdelay $0x1  }
0x734: {  	v4 =	vadd.s32 v1, v4;
	_ =	sdelay $0x3  }
0x735: {  	s8 =	simm.s32 $0x400  }
0x736: {  	[tilespmem:s8], [sflag:$0x1] =	stream.indirect_vreg.gather [hbm4b:s2+s3], $0x80, v4, vm0, $0xb8;
	[tilespmem:$0x18400] =	vst v63  }
0x737: {  	s19 =	simm.s32 $0xC00;
	v3 =	vperm.xlane v3, v2  }
0x738: {  	[tilespmem:s19], [sflag:$0x1] =	stream.indirect_vreg.gather [hbm4b:s5+s3], $0x80, v4, vm0, $0xb8;
	[tilespmem:$0x18400] =	vst v63  }
0x739: {  	s22 =	simm.s32 $0x1400;
	v3 =	vadd.s32 v1, v3  }
0x73a: {  	[tilespmem:s22], [sflag:$0x1] =	stream.indirect_vreg.gather [hbm4b:s6+s3], $0x80, v4, vm0, $0xb8;
	[tilespmem:$0x18400] =	vst v63  }
0x73b: {  	s28 =	simm.s32 $0x1C00  }
0x73c: {  	[tilespmem:s28], [sflag:$0x1] =	stream.indirect_vreg.gather [hbm4b:s7+s3], $0x80, v4, vm0, $0xb8;
	[tilespmem:$0x18400] =	vst v63  }
0x73d: {  	s10 =	simm.s32 $0x2400  }
0x73e: {  	[tilespmem:s10], [sflag:$0x1] =	stream.indirect_vreg.gather [hbm4b:s2+s3], $0x80, v3, vm0, $0xb8;
	[tilespmem:$0x18400] =	vst v63  }
0x73f: {  	s13 =	simm.s32 $0x2C00  }
0x740: {  	[tilespmem:s13], [sflag:$0x1] =	stream.indirect_vreg.gather [hbm4b:s5+s3], $0x80, v3, vm0, $0xb8;
	[tilespmem:$0x18400] =	vst v63  }
0x741: {  	s14 =	simm.s32 $0x3400  }
0x742: {  	[tilespmem:s14], [sflag:$0x1] =	stream.indirect_vreg.gather [hbm4b:s6+s3], $0x80, v3, vm0, $0xb8;
	[tilespmem:$0x18400] =	vst v63  }
0x743: {  	s17 =	simm.s32 $0x3C00  }
0x744: {  	[tilespmem:s17], [sflag:$0x1] =	stream.indirect_vreg.gather [hbm4b:s7+s3], $0x80, v3, vm0, $0xb8;
	[tilespmem:$0x18400] =	vst v63  }
0x745: {  	_ =	swait.ge [sflag:s15], $0x4000  }
0x746: {  	s19 =	sld [smem:$0x7F6]  }
0x747: {  	[sflag:s15] =	ssyncset.done $0x0  }
0x748: {  	[sflag:s15] =	ssyncadd.s32 $0xFFFFC000  }
0x749: {  	[hbm4b:s19+s3] =	stream.linear.scatter [tilespmem:s1], [sflag:$0xC], $0x4000, $0x38;
	[tilespmem:$0x18400] =	vst v63  }
0x74a: {  	_ =	swait.ge [sflag:s11], $0x4000  }
0x74b: {  	[sflag:s11] =	ssyncset.done $0x0  }
0x74c: {  	[sflag:s11] =	ssyncadd.s32 $0xFFFFC000  }
0x74d: {  	v3 =	vld [tilespmem:$0x3D0];
	_ =	sdelay $0x4  }
0x74e: {  	v61 =	vshll.u32 v3, $0x3  }
0x74f: {  	v3 =	vand.u32 $0x7, v3;
	v4 =	vand.u32 $0xFFFFFFC0, v61  }
0x750: {  	v3 =	vor.u32 v3, v4  }
0x751: {  	v4 =	vperm.xlane v3, v0;
	_ =	sdelay $0x1  }
0x752: {  	v4 =	vadd.s32 v1, v4;
	_ =	sdelay $0x3  }
0x753: {  	s14 =	simm.s32 $0x4400  }
0x754: {  	[tilespmem:s14], [sflag:$0x2] =	stream.indirect_vreg.gather [hbm4b:s2+s3], $0x80, v4, vm0, $0xb8;
	[tilespmem:$0x18400] =	vst v63  }
0x755: {  	s22 =	simm.s32 $0x4C00;
	v3 =	vperm.xlane v3, v2  }
0x756: {  	[tilespmem:s22], [sflag:$0x2] =	stream.indirect_vreg.gather [hbm4b:s5+s3], $0x80, v4, vm0, $0xb8;
	[tilespmem:$0x18400] =	vst v63  }
0x757: {  	s28 =	simm.s32 $0x5400;
	v3 =	vadd.s32 v1, v3  }
0x758: {  	[tilespmem:s28], [sflag:$0x2] =	stream.indirect_vreg.gather [hbm4b:s6+s3], $0x80, v4, vm0, $0xb8;
	[tilespmem:$0x18400] =	vst v63  }
0x759: {  	s1 =	simm.s32 $0x5C00  }
0x75a: {  	[tilespmem:s1], [sflag:$0x2] =	stream.indirect_vreg.gather [hbm4b:s7+s3], $0x80, v4, vm0, $0xb8;
	[tilespmem:$0x18400] =	vst v63  }
0x75b: {  	s10 =	simm.s32 $0x6400  }
0x75c: {  	[tilespmem:s10], [sflag:$0x2] =	stream.indirect_vreg.gather [hbm4b:s2+s3], $0x80, v3, vm0, $0xb8;
	[tilespmem:$0x18400] =	vst v63  }
0x75d: {  	s13 =	simm.s32 $0x6C00  }
0x75e: {  	[tilespmem:s13], [sflag:$0x2] =	stream.indirect_vreg.gather [hbm4b:s5+s3], $0x80, v3, vm0, $0xb8;
	[tilespmem:$0x18400] =	vst v63  }
0x75f: {  	s15 =	simm.s32 $0x7400  }
0x760: {  	[tilespmem:s15], [sflag:$0x2] =	stream.indirect_vreg.gather [hbm4b:s6+s3], $0x80, v3, vm0, $0xb8;
	[tilespmem:$0x18400] =	vst v63  }
0x761: {  	s17 =	simm.s32 $0x7C00  }
0x762: {  	[tilespmem:s17], [sflag:$0x2] =	stream.indirect_vreg.gather [hbm4b:s7+s3], $0x80, v3, vm0, $0xb8;
	[tilespmem:$0x18400] =	vst v63  }
0x763: {  	_ =	swait.ge [sflag:s21], $0x4000  }
0x764: {  	s19 =	sld [smem:$0x7F7]  }
0x765: {  	[sflag:s21] =	ssyncset.done $0x0  }
0x766: {  	[sflag:s21] =	ssyncadd.s32 $0xFFFFC000  }
0x767: {  	[hbm4b:s19+s3] =	stream.linear.scatter [tilespmem:s8], [sflag:$0x7], $0x4000, $0x38;
	[tilespmem:$0x18400] =	vst v63  }
0x768: {  	_ =	swait.ge [sflag:s9], $0x4000  }
0x769: {  	[sflag:s9] =	ssyncset.done $0x0  }
0x76a: {  	[sflag:s9] =	ssyncadd.s32 $0xFFFFC000  }
0x76b: {  	v3 =	vld [tilespmem:$0x3E0];
	_ =	sdelay $0x4  }
0x76c: {  	v62 =	vshll.u32 v3, $0x3  }
0x76d: {  	v3 =	vand.u32 $0x7, v3;
	v4 =	vand.u32 $0xFFFFFFC0, v62  }
0x76e: {  	v3 =	vor.u32 v3, v4  }
0x76f: {  	v4 =	vperm.xlane v3, v0;
	_ =	sdelay $0x1  }
0x770: {  	v4 =	vadd.s32 v1, v4;
	_ =	sdelay $0x3  }
0x771: {  	s12 =	simm.s32 $0x8400  }
0x772: {  	[tilespmem:s12], [sflag:$0x3] =	stream.indirect_vreg.gather [hbm4b:s2+s3], $0x80, v4, vm0, $0xb8;
	[tilespmem:$0x18400] =	vst v63  }
0x773: {  	s22 =	simm.s32 $0x8C00;
	v3 =	vperm.xlane v3, v2  }
0x774: {  	[tilespmem:s22], [sflag:$0x3] =	stream.indirect_vreg.gather [hbm4b:s5+s3], $0x80, v4, vm0, $0xb8;
	[tilespmem:$0x18400] =	vst v63  }
0x775: {  	s20 =	simm.s32 $0x9400;
	v3 =	vadd.s32 v1, v3  }
0x776: {  	[tilespmem:s20], [sflag:$0x3] =	stream.indirect_vreg.gather [hbm4b:s6+s3], $0x80, v4, vm0, $0xb8;
	[tilespmem:$0x18400] =	vst v63  }
0x777: {  	s24 =	simm.s32 $0x9C00  }
0x778: {  	[tilespmem:s24], [sflag:$0x3] =	stream.indirect_vreg.gather [hbm4b:s7+s3], $0x80, v4, vm0, $0xb8;
	[tilespmem:$0x18400] =	vst v63  }
0x779: {  	s24 =	simm.s32 $0xA400  }
0x77a: {  	[tilespmem:s24], [sflag:$0x3] =	stream.indirect_vreg.gather [hbm4b:s2+s3], $0x80, v3, vm0, $0xb8;
	[tilespmem:$0x18400] =	vst v63  }
0x77b: {  	s28 =	simm.s32 $0xAC00  }
0x77c: {  	[tilespmem:s28], [sflag:$0x3] =	stream.indirect_vreg.gather [hbm4b:s5+s3], $0x80, v3, vm0, $0xb8;
	[tilespmem:$0x18400] =	vst v63  }
0x77d: {  	s1 =	simm.s32 $0xB400  }
0x77e: {  	[tilespmem:s1], [sflag:$0x3] =	stream.indirect_vreg.gather [hbm4b:s6+s3], $0x80, v3, vm0, $0xb8;
	[tilespmem:$0x18400] =	vst v63  }
0x77f: {  	s8 =	simm.s32 $0xBC00  }
0x780: {  	[tilespmem:s8], [sflag:$0x3] =	stream.indirect_vreg.gather [hbm4b:s7+s3], $0x80, v3, vm0, $0xb8;
	[tilespmem:$0x18400] =	vst v63  }
0x781: {  	_ =	swait.ge [sflag:s25], $0x4000  }
0x782: {  	s10 =	sld [smem:$0x7F8]  }
0x783: {  	[sflag:s25] =	ssyncset.done $0x0  }
0x784: {  	[sflag:s25] =	ssyncadd.s32 $0xFFFFC000  }
0x785: {  	[hbm4b:s10+s3] =	stream.linear.scatter [tilespmem:s14], [sflag:$0x8], $0x4000, $0x38;
	[tilespmem:$0x18400] =	vst v63  }
0x786: {  	_ =	swait.ge [sflag:s4], $0x4000  }
0x787: {  	[sflag:s4] =	ssyncset.done $0x0  }
0x788: {  	[sflag:s4] =	ssyncadd.s32 $0xFFFFC000  }
0x789: {  	v3 =	vld [tilespmem:$0x3F0];
	_ =	sdelay $0x4  }
0x78a: {  	v63 =	vshll.u32 v3, $0x3  }
0x78b: {  	v3 =	vand.u32 $0x7, v3;
	v4 =	vand.u32 $0xFFFFFFC0, v63  }
0x78c: {  	v3 =	vor.u32 v3, v4  }
0x78d: {  	v4 =	vperm.xlane v3, v0;
	_ =	sdelay $0x1  }
0x78e: {  	v4 =	vadd.s32 v1, v4;
	_ =	sdelay $0x3  }
0x78f: {  	s14 =	simm.s32 $0xC400  }
0x790: {  	[tilespmem:s14], [sflag:$0x4] =	stream.indirect_vreg.gather [hbm4b:s2+s3], $0x80, v4, vm0, $0xb8;
	[tilespmem:$0x18400] =	vst v63  }
0x791: {  	s16 =	simm.s32 $0xCC00;
	v3 =	vperm.xlane v3, v2  }
0x792: {  	[tilespmem:s16], [sflag:$0x4] =	stream.indirect_vreg.gather [hbm4b:s5+s3], $0x80, v4, vm0, $0xb8;
	[tilespmem:$0x18400] =	vst v63  }
0x793: {  	s15 =	simm.s32 $0xD400;
	v3 =	vadd.s32 v1, v3  }
0x794: {  	[tilespmem:s15], [sflag:$0x4] =	stream.indirect_vreg.gather [hbm4b:s6+s3], $0x80, v4, vm0, $0xb8;
	[tilespmem:$0x18400] =	vst v63  }
0x795: {  	s16 =	simm.s32 $0xDC00  }
0x796: {  	[tilespmem:s16], [sflag:$0x4] =	stream.indirect_vreg.gather [hbm4b:s7+s3], $0x80, v4, vm0, $0xb8;
	[tilespmem:$0x18400] =	vst v63  }
0x797: {  	s19 =	simm.s32 $0xE400  }
0x798: {  	[tilespmem:s19], [sflag:$0x4] =	stream.indirect_vreg.gather [hbm4b:s2+s3], $0x80, v3, vm0, $0xb8;
	[tilespmem:$0x18400] =	vst v63  }
0x799: {  	s20 =	simm.s32 $0xEC00  }
0x79a: {  	[tilespmem:s20], [sflag:$0x4] =	stream.indirect_vreg.gather [hbm4b:s5+s3], $0x80, v3, vm0, $0xb8;
	[tilespmem:$0x18400] =	vst v63  }
0x79b: {  	s22 =	simm.s32 $0xF400  }
0x79c: {  	[tilespmem:s22], [sflag:$0x4] =	stream.indirect_vreg.gather [hbm4b:s6+s3], $0x80, v3, vm0, $0xb8;
	[tilespmem:$0x18400] =	vst v63  }
0x79d: {  	s24 =	simm.s32 $0xFC00  }
0x79e: {  	[tilespmem:s24], [sflag:$0x4] =	stream.indirect_vreg.gather [hbm4b:s7+s3], $0x80, v3, vm0, $0xb8;
	[tilespmem:$0x18400] =	vst v63  }
0x79f: {  	s17 =	sld [smem:$0x7D6];
	_ =	swait.ge [sflag:s23], $0x4000  }
0x7a0: {  	s25 =	sld [smem:$0x7F9]  }
0x7a1: {  	[sflag:s23] =	ssyncset.done $0x0  }
0x7a2: {  	[sflag:s23] =	ssyncadd.s32 $0xFFFFC000  }
0x7a3: {  	[hbm4b:s25+s3] =	stream.linear.scatter [tilespmem:s12], [sflag:$0x9], $0x4000, $0x38;
	[tilespmem:$0x18400] =	vst v63  }
0x7a4: {  	_ =	swait.ge [sflag:s29], $0x4000  }
0x7a5: {  	s28 =	sld [smem:$0x7FB]  }
0x7a6: {  	[sflag:s29] =	ssyncset.done $0x0  }
0x7a7: {  	[sflag:s29] =	ssyncadd.s32 $0xFFFFC000  }
0x7a8: {  	[hbm4b:s28+s3] =	stream.linear.scatter [tilespmem:s14], [sflag:$0xA], $0x4000, $0x38;
	[tilespmem:$0x18400] =	vst v63  }
0x7a9: {  	_ =	swait.ge [sflag:s18], $0x4000  }
0x7aa: {  	[sflag:s18] =	ssyncset.done $0x0  }
0x7ab: {  	[sflag:s18] =	ssyncadd.s32 $0xFFFFC000  }
0x7ac: {  	_ =	swait.ge [sflag:s26], $0x4000  }
0x7ad: {  	[sflag:s26] =	ssyncset.done $0x0  }
0x7ae: {  	[sflag:s26] =	ssyncadd.s32 $0xFFFFC000  }
0x7af: {  	_ =	swait.ge [sflag:s31], $0x4000  }
0x7b0: {  	[sflag:s31] =	ssyncset.done $0x0  }
0x7b1: {  	[sflag:s31] =	ssyncadd.s32 $0xFFFFC000  }
0x7b2: {  	_ =	swait.ge [sflag:s11], $0x4000  }
0x7b3: {  	[sflag:s11] =	ssyncset.done $0x0  }
0x7b4: {  	[sflag:s11] =	ssyncadd.s32 $0xFFFFC000  }
0x7b5: {  	p0 =	sne.s32 s17, $0x1;
	_ =	swait.ge [sflag:s9], $0x4000  }
.Ltmp0:
0x7b6: {  	[sflag:s9] =	ssyncset.done $0x0;
	(pc) =	sbr.rel @p0 .LBB2_1-.Ltmp0, $4  }
0x7b7: {  	[sflag:s9] =	ssyncadd.s32 $0xFFFFC000  }
0x7b8: {  	_ =	swait.ge [sflag:s4], $0x4000  }
0x7b9: {  	[sflag:s4] =	ssyncset.done $0x0  }
0x7ba: {  	s8 =	sadd.s32 $0xFFFFFFFF, s17;
	[sflag:s4] =	ssyncadd.s32 $0xFFFFC000  }
0x7bb: {  	_ =	sfence.sel $0x180000  }
0x7bc: {  	[bflag:$0x0] =	sbarrier.arrive $0xFFFF  }
0x7bd: {  	_ =	strace $0x90000047  }
0x7be: {  	s0 =	stileid.u32;
	[bflag:$0x2] =	sbarrier.arrive $0xFFFF  }
0x7bf: {  	p0 =	sne.s32 s0, $0x0;
	s0 =	rddreg [dreg:$0x3]  }
0x7c0: {  	s0 =	sadd.s32 @!p0 $0x100000, s0  }
0x7c1: {  	[sflag:s0] =	ssyncadd.tile.s32 @!p0 $0x1;
	_ =	shalt  }
.Lfunc_end2:
_tile_overlayer_lowered:
.L_overlay_start_2:
0x7c2: {  	(tag) =	ssettag $0x2  }
0x7c3: {  	s0 =	rddreg [dreg:$0x0];
	s2 =	stileid.u32  }
0x7c4: {  	s1 =	rddreg [dreg:$0x1];
	p0 =	sne.s32 s2, $0x0  }
0x7c5: {  	s3 =	rddreg [dreg:$0x2];
	[bflag:$0x3] =	sbarrier.arrive $0xFFFF;
	s2 =	simm.s32 @!p0 $0x1C0D  }
0x7c6: {  	[timem:s3], [sflag:s2] =	dma.local @!p0 [hbm:s0], s1  }
0x7c7: {  	s0 =	simm.s32 @!p0 $0xD  }
0x7c8: {  	_ =	swait.ge @!p0 [sflag:s0], s1  }
0x7c9: {  	s1 =	ssub.s32 @!p0 $0x0, s1;
	[sflag:s0] =	ssyncset.done @!p0 $0x0  }
0x7ca: {  	[sflag:s0] =	ssyncadd.s32 @!p0 s1  }
0x7cb: {  	[bflag:$0x3] =	sbarrier.arrive $0xFFFF  }
0x7cc: {  	_ =	shalt  }

</sc_bundles>
